<compile_context>
chip_gen: v7x
topology: tpu7x:2x2x1
jax: 0.10.2.dev20260603
libtpu: 0.0.44.dev20260713+nightly
codegen_flags: <defaults>
</compile_context>

<pallas_src>
import jax
import jax.numpy as jnp
from jax import lax
from jax.experimental import pallas as pl
from jax.experimental.pallas import tpu as pltpu
from jax.experimental.pallas import tpu_sc as plsc

NC = 2
NS = 16
NW = NC * NS
LANES = 16
CH = 128
NBUF = 3

_NP = 10240
_F = 128
_RPT = _NP // NS
_PPT = _RPT // CH


def _mesh():
    return plsc.VectorSubcoreMesh(
        core_axis_name="c", subcore_axis_name="s",
        num_cores=NC, num_subcores=NS)


def _sc_degree(dst_r, zz):
    nchunk = dst_r.shape[1]

    def body(dst_hbm, zz_hbm, out_hbm, dst_v, ones_v, acc):
        cid = lax.axis_index("c")
        sid = lax.axis_index("s")
        wid = sid * NC + cid
        pltpu.sync_copy(dst_hbm.at[wid], dst_v)

        pltpu.sync_copy(zz_hbm.at[pl.ds(0, CH)], ones_v)
        for p in range(_PPT):
            pltpu.sync_copy(ones_v, acc.at[pl.ds(sid * _RPT + p * CH, CH)])

        def fill_ones(r, c):
            for q in range(CH // LANES):
                ones_v[r, pl.ds(q * LANES, LANES)] = jnp.full(
                    (LANES,), 1.0, jnp.float32)
            return c
        lax.fori_loop(0, CH, fill_ones, 0)
        plsc.subcore_barrier()

        def step(j, c):
            pltpu.sync_copy(ones_v, acc.at[dst_v.at[j]], add=True)
            return c
        lax.fori_loop(0, nchunk, step, 0)
        plsc.subcore_barrier()

        base = cid * _NP + sid * _RPT
        for p in range(_PPT):
            pltpu.sync_copy(acc.at[pl.ds(sid * _RPT + p * CH, CH)], ones_v)
            pltpu.sync_copy(ones_v, out_hbm.at[pl.ds(base + p * CH, CH)])

    return pl.kernel(
        body,
        out_type=jax.ShapeDtypeStruct((NC * _NP, CH), jnp.float32),
        mesh=_mesh(),
        scratch_types=[
            pltpu.VMEM((nchunk, CH), jnp.int32),
            pltpu.VMEM((CH, CH), jnp.float32),
            pltpu.VMEM_SHARED((_NP, CH), jnp.float32),
        ],
    )(dst_r, zz)


CHS = 96
F0 = 152
F1 = 64
_WB = (6, 64)


def _sc_scatter(u_pad, pk0, pk1, zz):
    def body(u_hbm, pk0_hbm, pk1_hbm, zz_hbm, out_hbm,
             pk_v, sbuf, dbuf, rows, acc, g0, g1):
        cid = lax.axis_index("c")
        sid = lax.axis_index("s")

        @pl.when(cid == 0)
        def _stage0():
            pltpu.sync_copy(pk0_hbm.at[sid], pk_v)

        @pl.when(cid == 1)
        def _stage1():
            pltpu.sync_copy(pk1_hbm.at[sid], pk_v.at[pl.ds(0, F1)])

        pltpu.sync_copy(zz_hbm.at[pl.ds(0, CHS)], rows.at[0])
        for p in range(_WB[0]):
            pltpu.sync_copy(rows.at[0],
                            acc.at[pl.ds(sid * _RPT + p * CHS, CHS)])
        pltpu.sync_copy(rows.at[0].at[pl.ds(0, _WB[1])],
                        acc.at[pl.ds(sid * _RPT + _WB[0] * CHS, _WB[1])])
        plsc.subcore_barrier()

        gsems = (g0, g1)

        def unpack(c, b):
            for q in range(CHS // LANES):
                v = pk_v[c, pl.ds(q * LANES, LANES)]
                sbuf[b, pl.ds(q * LANES, LANES)] = v & jnp.int32(0xFFFF)
                dbuf[b, pl.ds(q * LANES, LANES)] = lax.shift_right_logical(
                    v, jnp.int32(16))

        def step(i, c):
            c0 = i * 2
            descs = []
            for b in range(2):
                unpack(c0 + b, b)
                descs.append(pltpu.async_copy(
                    u_hbm.at[sbuf.at[b]], rows.at[b], gsems[b]))
            for b in range(2):
                descs[b].wait()
                pltpu.sync_copy(rows.at[b], acc.at[dbuf.at[b]], add=True)
            return c
        npr = jnp.where(cid == 0, F0 // 2, F1 // 2)
        lax.fori_loop(0, npr, step, 0)
        plsc.subcore_barrier()

        base = cid * _NP + sid * _RPT
        for p in range(_WB[0]):
            pltpu.sync_copy(acc.at[pl.ds(sid * _RPT + p * CHS, CHS)],
                            rows.at[0])
            pltpu.sync_copy(rows.at[0], out_hbm.at[pl.ds(base + p * CHS,
                                                         CHS)])
        pltpu.sync_copy(acc.at[pl.ds(sid * _RPT + _WB[0] * CHS, _WB[1])],
                        rows.at[0].at[pl.ds(0, _WB[1])])
        pltpu.sync_copy(rows.at[0].at[pl.ds(0, _WB[1])],
                        out_hbm.at[pl.ds(base + _WB[0] * CHS, _WB[1])])

    return pl.kernel(
        body,
        out_type=jax.ShapeDtypeStruct((NC * _NP, _F), jnp.float32),
        mesh=_mesh(),
        scratch_types=[
            pltpu.VMEM((F0, CHS), jnp.int32),
            pltpu.VMEM((2, CHS), jnp.int32),
            pltpu.VMEM((2, CHS), jnp.int32),
            pltpu.VMEM((2, CHS, _F), jnp.float32),
            pltpu.VMEM_SHARED((_NP, _F), jnp.float32),
            pltpu.SemaphoreType.DMA,
            pltpu.SemaphoreType.DMA,
        ],
    )(u_pad, pk0, pk1, zz)


_R = 1280


def _tc_a(d0, d1, x_pad):
    def body(d0_ref, d1_ref, x_ref, dis_ref, u1_ref):
        dis = lax.rsqrt(d0_ref[...] + d1_ref[...])
        dis_ref[...] = dis
        u1_ref[...] = x_ref[...] * dis

    grid = _NP // _R
    return pl.pallas_call(
        body,
        grid=(grid,),
        in_specs=[
            pl.BlockSpec((_R, _F), lambda i: (i, 0)),
            pl.BlockSpec((_R, _F), lambda i: (i, 0)),
            pl.BlockSpec((_R, _F), lambda i: (i, 0)),
        ],
        out_specs=[
            pl.BlockSpec((_R, _F), lambda i: (i, 0)),
            pl.BlockSpec((_R, _F), lambda i: (i, 0)),
        ],
        out_shape=[
            jax.ShapeDtypeStruct((_NP, _F), jnp.float32),
            jax.ShapeDtypeStruct((_NP, _F), jnp.float32),
        ],
    )(d0, d1, x_pad)


def _tc_b(s0, s1, disb, W1, b1r):
    def body(s0_ref, s1_ref, dis_ref, w_ref, b_ref, u2_ref):
        agg = dis_ref[...] * (s0_ref[...] + s1_ref[...])
        h = jnp.dot(agg, w_ref[...],
                    preferred_element_type=jnp.float32,
                    precision=lax.Precision.HIGHEST) + b_ref[...]
        u2_ref[...] = dis_ref[...] * jnp.maximum(h, 0.0)

    grid = _NP // _R
    hid = W1.shape[1]
    return pl.pallas_call(
        body,
        grid=(grid,),
        in_specs=[
            pl.BlockSpec((_R, _F), lambda i: (i, 0)),
            pl.BlockSpec((_R, _F), lambda i: (i, 0)),
            pl.BlockSpec((_R, _F), lambda i: (i, 0)),
            pl.BlockSpec((_F, hid), lambda i: (0, 0)),
            pl.BlockSpec((1, hid), lambda i: (0, 0)),
        ],
        out_specs=pl.BlockSpec((_R, hid), lambda i: (i, 0)),
        out_shape=jax.ShapeDtypeStruct((_NP, hid), jnp.float32),
    )(s0, s1, disb, W1, b1r)


def _tc_c(s0, s1, disb, Wmu, bmur, Wls, blsr):
    oc = Wmu.shape[1]

    def body(s0_ref, s1_ref, dis_ref, wm_ref, bm_ref, wl_ref, bl_ref,
             mu_ref, ls_ref):
        agg = dis_ref[...] * (s0_ref[...] + s1_ref[...])
        mu_ref[...] = jnp.dot(agg, wm_ref[...],
                              preferred_element_type=jnp.float32,
                              precision=lax.Precision.HIGHEST) + bm_ref[...]
        ls_ref[...] = jnp.dot(agg, wl_ref[...],
                              preferred_element_type=jnp.float32,
                              precision=lax.Precision.HIGHEST) + bl_ref[...]

    grid = _NP // _R
    return pl.pallas_call(
        body,
        grid=(grid,),
        in_specs=[
            pl.BlockSpec((_R, _F), lambda i: (i, 0)),
            pl.BlockSpec((_R, _F), lambda i: (i, 0)),
            pl.BlockSpec((_R, _F), lambda i: (i, 0)),
            pl.BlockSpec((_F, oc), lambda i: (0, 0)),
            pl.BlockSpec((1, oc), lambda i: (0, 0)),
            pl.BlockSpec((_F, oc), lambda i: (0, 0)),
            pl.BlockSpec((1, oc), lambda i: (0, 0)),
        ],
        out_specs=[
            pl.BlockSpec((_R, oc), lambda i: (i, 0)),
            pl.BlockSpec((_R, oc), lambda i: (i, 0)),
        ],
        out_shape=[
            jax.ShapeDtypeStruct((_NP, oc), jnp.float32),
            jax.ShapeDtypeStruct((_NP, oc), jnp.float32),
        ],
    )(s0, s1, disb, Wmu, bmur, Wls, blsr)


def kernel(x, edge_index, W1, b1, Wmu, bmu, Wls, bls):
    n = x.shape[0]
    e = edge_index.shape[1]
    x_pad = jnp.pad(x, ((0, _NP - n), (0, 0)))

    loops = jnp.arange(_NP, dtype=edge_index.dtype)
    src = jnp.concatenate([edge_index[0], loops])
    dst = jnp.concatenate([edge_index[1], loops])
    etot = e + _NP
    nchunk = -(-etot // (NW * CH))
    ep = nchunk * NW * CH
    dst_r = jnp.pad(dst, (0, ep - etot), constant_values=n).reshape(
        NW, nchunk, CH)
    eps = (16 * (F0 + F1)) * CHS
    pk = (jnp.pad(src, (0, eps - etot), constant_values=n)
          | (jnp.pad(dst, (0, eps - etot), constant_values=n) << 16))
    pk0 = pk[:16 * F0 * CHS].reshape(NS, F0, CHS)
    pk1 = pk[16 * F0 * CHS:].reshape(NS, F1, CHS)
    zz = jnp.zeros((_NP, _F), jnp.float32)

    degp = _sc_degree(dst_r, zz)
    disb, u1 = _tc_a(degp[:_NP], degp[_NP:], x_pad)
    s1 = _sc_scatter(u1, pk0, pk1, zz)
    u2 = _tc_b(s1[:_NP], s1[_NP:], disb, W1, b1.reshape(1, -1))
    s2 = _sc_scatter(u2, pk0, pk1, zz)
    mu, ls = _tc_c(s2[:_NP], s2[_NP:], disb, Wmu, bmu.reshape(1, -1),
                   Wls, bls.reshape(1, -1))
    return mu[:n], ls[:n]

# --- scband reference (transcript-rebuilt; emitter-appended) ---
"""Pipeline reference for scband-variational-encoder-22548578304061 (READ-ONLY COPY).

The authoritative reference and input builder live on the scoring server;
editing this copy changes nothing except your own understanding.
"""

import jax, jax.numpy as jnp
import numpy as np

N = 10000
E = 320000
IN_C = 128
OUT_C = 64
HID = 2 * OUT_C


def setup_inputs(seed: int = 0) -> dict:
    key = jax.random.key(seed)
    ks = jax.random.split(key, 8)
    x = jax.random.normal(ks[0], (N, IN_C), dtype=jnp.float32)
    edge_index = jax.random.randint(ks[1], (2, E), 0, N)
    W1 = jax.random.normal(ks[2], (IN_C, HID), dtype=jnp.float32) * 0.05
    b1 = jnp.zeros((HID,), dtype=jnp.float32)
    Wmu = jax.random.normal(ks[3], (HID, OUT_C), dtype=jnp.float32) * 0.05
    bmu = jnp.zeros((OUT_C,), dtype=jnp.float32)
    Wls = jax.random.normal(ks[4], (HID, OUT_C), dtype=jnp.float32) * 0.05
    bls = jnp.zeros((OUT_C,), dtype=jnp.float32)
    return {"x": x, "edge_index": edge_index, "W1": W1, "b1": b1,
            "Wmu": Wmu, "bmu": bmu, "Wls": Wls, "bls": bls}


def _gcn_conv(x, edge_index, W, b):
    # Faithful GCNConv: add self-loops, symmetric normalization D^-1/2 (A+I) D^-1/2 (X W) + b
    src = edge_index[0]
    dst = edge_index[1]
    loop = jnp.arange(N, dtype=src.dtype)
    src = jnp.concatenate([src, loop], axis=0)
    dst = jnp.concatenate([dst, loop], axis=0)
    ew = jnp.ones(src.shape[0], dtype=x.dtype)
    deg = jnp.zeros((N,), dtype=x.dtype).at[dst].add(ew)
    deg_inv_sqrt = jnp.where(deg > 0, deg ** -0.5, 0.0)
    norm = deg_inv_sqrt[src] * ew * deg_inv_sqrt[dst]
    h = x @ W
    msg = h[src] * norm[:, None]
    out = jnp.zeros((N, W.shape[1]), dtype=x.dtype).at[dst].add(msg)
    return out + b


def reference(x, edge_index, W1, b1, Wmu, bmu, Wls, bls):
    h = jax.nn.relu(_gcn_conv(x, edge_index, W1, b1))
    mu = _gcn_conv(h, edge_index, Wmu, bmu)
    logstd = _gcn_conv(h, edge_index, Wls, bls)
    return (mu, logstd)

if __name__ == "__main__":
    import jax
    _d = setup_inputs()
    print(jax.jit(kernel)(*tuple(_d.values())))

</pallas_src>

<mosaic_0001>
#map = affine_map<(d0, d1) -> (0, 0)>
#map1 = affine_map<(d0, d1) -> (0, 0, 0)>
module attributes {stable_mosaic.version = 14 : i64} {
  func.func @body(%arg0: i32, %arg1: i32, %arg2: memref<10240x128xf32, #tpu.memory_space<hbm>>, %arg3: memref<16x152x96xi32, #tpu.memory_space<hbm>>, %arg4: memref<16x64x96xi32, #tpu.memory_space<hbm>>, %arg5: memref<10240x128xf32, #tpu.memory_space<hbm>>, %arg6: memref<20480x128xf32, #tpu.memory_space<hbm>>, %arg7: memref<152x96xi32, #tpu.memory_space<vmem>>, %arg8: memref<2x96xi32, #tpu.memory_space<vmem>>, %arg9: memref<2x96xi32, #tpu.memory_space<vmem>>, %arg10: memref<2x96x128xf32, #tpu.memory_space<vmem>>, %arg11: memref<10240x128xf32, #tpu.memory_space<vmem_shared>>, %arg12: memref<!tpu.dma_semaphore, #tpu.memory_space<semaphore_mem>>, %arg13: memref<!tpu.dma_semaphore, #tpu.memory_space<semaphore_mem>>) attributes {dimension_semantics = [#tpu.dimension_semantics<core_parallel>, #tpu.dimension_semantics<subcore_parallel>], iteration_bounds = array<i64: 2, 16>, scalar_prefetch = 0 : i64, scratch_operands = 7 : i64, tpu.core_type = #tpu.core_type<sc_vector_subcore>, window_params = [{transform_indices = #map}, {transform_indices = #map1}, {transform_indices = #map1}, {transform_indices = #map}, {transform_indices = #map}]} {
    %eq3A = arith.constant 0 : i32
    %eq3A_0 = arith.cmpi eq, %arg0, %eq3A : i32
    %convert_element_type3A = arith.extui %eq3A_0 : i1 to i32
    %cond3A = arith.constant 0 : i32
    %cond3A_1 = arith.cmpi ne, %convert_element_type3A, %cond3A : i32
    scf.if %cond3A_1 {
      "tpu.region"() ({
        %run_scoped3A_114 = tpu.sem_alloc : memref<!tpu.dma_semaphore, #tpu.memory_space<semaphore_mem>>
        %dma_start3A = arith.constant 0 : i32
        %dma_start3A_115 = arith.constant 0 : i32
        %dma_start3A_116 = tpu.memref_slice %arg3[%arg1, %dma_start3A, %dma_start3A_115] : memref<16x152x96xi32, #tpu.memory_space<hbm>> -> memref<1x152x96xi32, #tpu.memory_space<hbm>>
        %dma_start3A_117 = tpu.memref_squeeze %dma_start3A_116 : memref<1x152x96xi32, #tpu.memory_space<hbm>> -> memref<152x96xi32, #tpu.memory_space<hbm>>
        %dma_start3A_118 = arith.constant 0 : i32
        %dma_start3A_119 = arith.constant 0 : i32
        %dma_start3A_120 = tpu.memref_slice %arg3[%arg1, %dma_start3A_118, %dma_start3A_119] : memref<16x152x96xi32, #tpu.memory_space<hbm>> -> memref<1x152x96xi32, #tpu.memory_space<hbm>>
        %dma_start3A_121 = tpu.memref_squeeze %dma_start3A_120 : memref<1x152x96xi32, #tpu.memory_space<hbm>> -> memref<152x96xi32, #tpu.memory_space<hbm>>
        tpu.enqueue_dma source(%dma_start3A_121 : memref<152x96xi32, #tpu.memory_space<hbm>>) target(%arg7 : memref<152x96xi32, #tpu.memory_space<vmem>>) target_semaphore(%run_scoped3A_114 : memref<!tpu.dma_semaphore, #tpu.memory_space<semaphore_mem>>)
        %dma_wait3A = arith.constant 0 : i32
        %dma_wait3A_122 = arith.constant 0 : i32
        %dma_wait3A_123 = tpu.memref_slice %arg3[%arg1, %dma_wait3A, %dma_wait3A_122] : memref<16x152x96xi32, #tpu.memory_space<hbm>> -> memref<1x152x96xi32, #tpu.memory_space<hbm>>
        %dma_wait3A_124 = tpu.memref_squeeze %dma_wait3A_123 : memref<1x152x96xi32, #tpu.memory_space<hbm>> -> memref<152x96xi32, #tpu.memory_space<hbm>>
        %dma_wait3A_125 = arith.constant 0 : i32
        %dma_wait3A_126 = arith.constant 0 : i32
        %dma_wait3A_127 = tpu.memref_slice %arg3[%arg1, %dma_wait3A_125, %dma_wait3A_126] : memref<16x152x96xi32, #tpu.memory_space<hbm>> -> memref<1x152x96xi32, #tpu.memory_space<hbm>>
        %dma_wait3A_128 = tpu.memref_squeeze %dma_wait3A_127 : memref<1x152x96xi32, #tpu.memory_space<hbm>> -> memref<152x96xi32, #tpu.memory_space<hbm>>
        tpu.wait_dma2 semaphore(%run_scoped3A_114 : memref<!tpu.dma_semaphore, #tpu.memory_space<semaphore_mem>>) src(%dma_wait3A_128 : memref<152x96xi32, #tpu.memory_space<hbm>>) dst(%arg7 : memref<152x96xi32, #tpu.memory_space<vmem>>)
        tpu.yield
      }) : () -> ()
    } else {
    }
    %eq3A_2 = arith.constant 1 : i32
    %eq3A_3 = arith.cmpi eq, %arg0, %eq3A_2 : i32
    %convert_element_type3A_4 = arith.extui %eq3A_3 : i1 to i32
    %cond3A_5 = arith.constant 0 : i32
    %cond3A_6 = arith.cmpi ne, %convert_element_type3A_4, %cond3A_5 : i32
    scf.if %cond3A_6 {
      "tpu.region"() ({
        %run_scoped3A_114 = tpu.sem_alloc : memref<!tpu.dma_semaphore, #tpu.memory_space<semaphore_mem>>
        %dma_start3A = arith.constant 0 : i32
        %dma_start3A_115 = arith.constant 0 : i32
        %dma_start3A_116 = tpu.memref_slice %arg7[%dma_start3A, %dma_start3A_115] : memref<152x96xi32, #tpu.memory_space<vmem>> -> memref<64x96xi32, #tpu.memory_space<vmem>>
        %dma_start3A_117 = arith.constant 0 : i32
        %dma_start3A_118 = arith.constant 0 : i32
        %dma_start3A_119 = tpu.memref_slice %arg4[%arg1, %dma_start3A_117, %dma_start3A_118] : memref<16x64x96xi32, #tpu.memory_space<hbm>> -> memref<1x64x96xi32, #tpu.memory_space<hbm>>
        %dma_start3A_120 = tpu.memref_squeeze %dma_start3A_119 : memref<1x64x96xi32, #tpu.memory_space<hbm>> -> memref<64x96xi32, #tpu.memory_space<hbm>>
        %dma_start3A_121 = arith.constant 0 : i32
        %dma_start3A_122 = arith.constant 0 : i32
        %dma_start3A_123 = tpu.memref_slice %arg7[%dma_start3A_121, %dma_start3A_122] : memref<152x96xi32, #tpu.memory_space<vmem>> -> memref<64x96xi32, #tpu.memory_space<vmem>>
        %dma_start3A_124 = arith.constant 0 : i32
        %dma_start3A_125 = arith.constant 0 : i32
        %dma_start3A_126 = tpu.memref_slice %arg4[%arg1, %dma_start3A_124, %dma_start3A_125] : memref<16x64x96xi32, #tpu.memory_space<hbm>> -> memref<1x64x96xi32, #tpu.memory_space<hbm>>
        %dma_start3A_127 = tpu.memref_squeeze %dma_start3A_126 : memref<1x64x96xi32, #tpu.memory_space<hbm>> -> memref<64x96xi32, #tpu.memory_space<hbm>>
        tpu.enqueue_dma source(%dma_start3A_127 : memref<64x96xi32, #tpu.memory_space<hbm>>) target(%dma_start3A_123 : memref<64x96xi32, #tpu.memory_space<vmem>>) target_semaphore(%run_scoped3A_114 : memref<!tpu.dma_semaphore, #tpu.memory_space<semaphore_mem>>)
        %dma_wait3A = arith.constant 0 : i32
        %dma_wait3A_128 = arith.constant 0 : i32
        %dma_wait3A_129 = tpu.memref_slice %arg7[%dma_wait3A, %dma_wait3A_128] : memref<152x96xi32, #tpu.memory_space<vmem>> -> memref<64x96xi32, #tpu.memory_space<vmem>>
        %dma_wait3A_130 = arith.constant 0 : i32
        %dma_wait3A_131 = arith.constant 0 : i32
        %dma_wait3A_132 = tpu.memref_slice %arg4[%arg1, %dma_wait3A_130, %dma_wait3A_131] : memref<16x64x96xi32, #tpu.memory_space<hbm>> -> memref<1x64x96xi32, #tpu.memory_space<hbm>>
        %dma_wait3A_133 = tpu.memref_squeeze %dma_wait3A_132 : memref<1x64x96xi32, #tpu.memory_space<hbm>> -> memref<64x96xi32, #tpu.memory_space<hbm>>
        %dma_wait3A_134 = arith.constant 0 : i32
        %dma_wait3A_135 = arith.constant 0 : i32
        %dma_wait3A_136 = tpu.memref_slice %arg7[%dma_wait3A_134, %dma_wait3A_135] : memref<152x96xi32, #tpu.memory_space<vmem>> -> memref<64x96xi32, #tpu.memory_space<vmem>>
        %dma_wait3A_137 = arith.constant 0 : i32
        %dma_wait3A_138 = arith.constant 0 : i32
        %dma_wait3A_139 = tpu.memref_slice %arg4[%arg1, %dma_wait3A_137, %dma_wait3A_138] : memref<16x64x96xi32, #tpu.memory_space<hbm>> -> memref<1x64x96xi32, #tpu.memory_space<hbm>>
        %dma_wait3A_140 = tpu.memref_squeeze %dma_wait3A_139 : memref<1x64x96xi32, #tpu.memory_space<hbm>> -> memref<64x96xi32, #tpu.memory_space<hbm>>
        tpu.wait_dma2 semaphore(%run_scoped3A_114 : memref<!tpu.dma_semaphore, #tpu.memory_space<semaphore_mem>>) src(%dma_wait3A_140 : memref<64x96xi32, #tpu.memory_space<hbm>>) dst(%dma_wait3A_136 : memref<64x96xi32, #tpu.memory_space<vmem>>)
        tpu.yield
      }) : () -> ()
    } else {
    }
    %run_scoped3A = arith.constant 0 : i32
    "tpu.region"() ({
      %run_scoped3A_114 = tpu.sem_alloc : memref<!tpu.dma_semaphore, #tpu.memory_space<semaphore_mem>>
      %dma_start3A = arith.constant 0 : i32
      %dma_start3A_115 = arith.constant 0 : i32
      %dma_start3A_116 = tpu.memref_slice %arg10[%run_scoped3A, %dma_start3A, %dma_start3A_115] : memref<2x96x128xf32, #tpu.memory_space<vmem>> -> memref<1x96x128xf32, #tpu.memory_space<vmem>>
      %dma_start3A_117 = tpu.memref_squeeze %dma_start3A_116 : memref<1x96x128xf32, #tpu.memory_space<vmem>> -> memref<96x128xf32, #tpu.memory_space<vmem>>
      %dma_start3A_118 = arith.constant 0 : i32
      %dma_start3A_119 = arith.constant 0 : i32
      %dma_start3A_120 = tpu.memref_slice %arg5[%dma_start3A_118, %dma_start3A_119] : memref<10240x128xf32, #tpu.memory_space<hbm>> -> memref<96x128xf32, #tpu.memory_space<hbm>>
      %dma_start3A_121 = arith.constant 0 : i32
      %dma_start3A_122 = arith.constant 0 : i32
      %dma_start3A_123 = tpu.memref_slice %arg10[%run_scoped3A, %dma_start3A_121, %dma_start3A_122] : memref<2x96x128xf32, #tpu.memory_space<vmem>> -> memref<1x96x128xf32, #tpu.memory_space<vmem>>
      %dma_start3A_124 = tpu.memref_squeeze %dma_start3A_123 : memref<1x96x128xf32, #tpu.memory_space<vmem>> -> memref<96x128xf32, #tpu.memory_space<vmem>>
      %dma_start3A_125 = arith.constant 0 : i32
      %dma_start3A_126 = arith.constant 0 : i32
      %dma_start3A_127 = tpu.memref_slice %arg5[%dma_start3A_125, %dma_start3A_126] : memref<10240x128xf32, #tpu.memory_space<hbm>> -> memref<96x128xf32, #tpu.memory_space<hbm>>
      tpu.enqueue_dma source(%dma_start3A_127 : memref<96x128xf32, #tpu.memory_space<hbm>>) target(%dma_start3A_124 : memref<96x128xf32, #tpu.memory_space<vmem>>) target_semaphore(%run_scoped3A_114 : memref<!tpu.dma_semaphore, #tpu.memory_space<semaphore_mem>>)
      %dma_wait3A = arith.constant 0 : i32
      %dma_wait3A_128 = arith.constant 0 : i32
      %dma_wait3A_129 = tpu.memref_slice %arg10[%run_scoped3A, %dma_wait3A, %dma_wait3A_128] : memref<2x96x128xf32, #tpu.memory_space<vmem>> -> memref<1x96x128xf32, #tpu.memory_space<vmem>>
      %dma_wait3A_130 = tpu.memref_squeeze %dma_wait3A_129 : memref<1x96x128xf32, #tpu.memory_space<vmem>> -> memref<96x128xf32, #tpu.memory_space<vmem>>
      %dma_wait3A_131 = arith.constant 0 : i32
      %dma_wait3A_132 = arith.constant 0 : i32
      %dma_wait3A_133 = tpu.memref_slice %arg5[%dma_wait3A_131, %dma_wait3A_132] : memref<10240x128xf32, #tpu.memory_space<hbm>> -> memref<96x128xf32, #tpu.memory_space<hbm>>
      %dma_wait3A_134 = arith.constant 0 : i32
      %dma_wait3A_135 = arith.constant 0 : i32
      %dma_wait3A_136 = tpu.memref_slice %arg10[%run_scoped3A, %dma_wait3A_134, %dma_wait3A_135] : memref<2x96x128xf32, #tpu.memory_space<vmem>> -> memref<1x96x128xf32, #tpu.memory_space<vmem>>
      %dma_wait3A_137 = tpu.memref_squeeze %dma_wait3A_136 : memref<1x96x128xf32, #tpu.memory_space<vmem>> -> memref<96x128xf32, #tpu.memory_space<vmem>>
      %dma_wait3A_138 = arith.constant 0 : i32
      %dma_wait3A_139 = arith.constant 0 : i32
      %dma_wait3A_140 = tpu.memref_slice %arg5[%dma_wait3A_138, %dma_wait3A_139] : memref<10240x128xf32, #tpu.memory_space<hbm>> -> memref<96x128xf32, #tpu.memory_space<hbm>>
      tpu.wait_dma2 semaphore(%run_scoped3A_114 : memref<!tpu.dma_semaphore, #tpu.memory_space<semaphore_mem>>) src(%dma_wait3A_140 : memref<96x128xf32, #tpu.memory_space<hbm>>) dst(%dma_wait3A_137 : memref<96x128xf32, #tpu.memory_space<vmem>>)
      tpu.yield
    }) : () -> ()
    %mul3A = arith.constant 640 : i32
    %mul3A_7 = arith.muli %arg1, %mul3A : i32
    %add3A = arith.constant 0 : i32
    %add3A_8 = arith.addi %mul3A_7, %add3A : i32
    %run_scoped3A_9 = arith.constant 0 : i32
    "tpu.region"() ({
      %run_scoped3A_114 = tpu.sem_alloc : memref<!tpu.dma_semaphore, #tpu.memory_space<semaphore_mem>>
      %dma_start3A = arith.constant 0 : i32
      %dma_start3A_115 = arith.constant 0 : i32
      %dma_start3A_116 = tpu.memref_slice %arg10[%run_scoped3A_9, %dma_start3A, %dma_start3A_115] : memref<2x96x128xf32, #tpu.memory_space<vmem>> -> memref<1x96x128xf32, #tpu.memory_space<vmem>>
      %dma_start3A_117 = tpu.memref_squeeze %dma_start3A_116 : memref<1x96x128xf32, #tpu.memory_space<vmem>> -> memref<96x128xf32, #tpu.memory_space<vmem>>
      %dma_start3A_118 = arith.constant 0 : i32
      %dma_start3A_119 = tpu.memref_slice %arg11[%add3A_8, %dma_start3A_118] : memref<10240x128xf32, #tpu.memory_space<vmem_shared>> -> memref<96x128xf32, #tpu.memory_space<vmem_shared>>
      %dma_start3A_120 = arith.constant 0 : i32
      %dma_start3A_121 = tpu.memref_slice %arg11[%add3A_8, %dma_start3A_120] : memref<10240x128xf32, #tpu.memory_space<vmem_shared>> -> memref<96x128xf32, #tpu.memory_space<vmem_shared>>
      %dma_start3A_122 = arith.constant 0 : i32
      %dma_start3A_123 = arith.constant 0 : i32
      %dma_start3A_124 = tpu.memref_slice %arg10[%run_scoped3A_9, %dma_start3A_122, %dma_start3A_123] : memref<2x96x128xf32, #tpu.memory_space<vmem>> -> memref<1x96x128xf32, #tpu.memory_space<vmem>>
      %dma_start3A_125 = tpu.memref_squeeze %dma_start3A_124 : memref<1x96x128xf32, #tpu.memory_space<vmem>> -> memref<96x128xf32, #tpu.memory_space<vmem>>
      tpu.enqueue_dma source(%dma_start3A_125 : memref<96x128xf32, #tpu.memory_space<vmem>>) target(%dma_start3A_121 : memref<96x128xf32, #tpu.memory_space<vmem_shared>>) target_semaphore(%run_scoped3A_114 : memref<!tpu.dma_semaphore, #tpu.memory_space<semaphore_mem>>)
      %dma_wait3A = arith.constant 0 : i32
      %dma_wait3A_126 = arith.constant 0 : i32
      %dma_wait3A_127 = tpu.memref_slice %arg10[%run_scoped3A_9, %dma_wait3A, %dma_wait3A_126] : memref<2x96x128xf32, #tpu.memory_space<vmem>> -> memref<1x96x128xf32, #tpu.memory_space<vmem>>
      %dma_wait3A_128 = tpu.memref_squeeze %dma_wait3A_127 : memref<1x96x128xf32, #tpu.memory_space<vmem>> -> memref<96x128xf32, #tpu.memory_space<vmem>>
      %dma_wait3A_129 = arith.constant 0 : i32
      %dma_wait3A_130 = tpu.memref_slice %arg11[%add3A_8, %dma_wait3A_129] : memref<10240x128xf32, #tpu.memory_space<vmem_shared>> -> memref<96x128xf32, #tpu.memory_space<vmem_shared>>
      %dma_wait3A_131 = arith.constant 0 : i32
      %dma_wait3A_132 = tpu.memref_slice %arg11[%add3A_8, %dma_wait3A_131] : memref<10240x128xf32, #tpu.memory_space<vmem_shared>> -> memref<96x128xf32, #tpu.memory_space<vmem_shared>>
      %dma_wait3A_133 = arith.constant 0 : i32
      %dma_wait3A_134 = arith.constant 0 : i32
      %dma_wait3A_135 = tpu.memref_slice %arg10[%run_scoped3A_9, %dma_wait3A_133, %dma_wait3A_134] : memref<2x96x128xf32, #tpu.memory_space<vmem>> -> memref<1x96x128xf32, #tpu.memory_space<vmem>>
      %dma_wait3A_136 = tpu.memref_squeeze %dma_wait3A_135 : memref<1x96x128xf32, #tpu.memory_space<vmem>> -> memref<96x128xf32, #tpu.memory_space<vmem>>
      tpu.wait_dma2 semaphore(%run_scoped3A_114 : memref<!tpu.dma_semaphore, #tpu.memory_space<semaphore_mem>>) src(%dma_wait3A_136 : memref<96x128xf32, #tpu.memory_space<vmem>>) dst(%dma_wait3A_132 : memref<96x128xf32, #tpu.memory_space<vmem_shared>>)
      tpu.yield
    }) : () -> ()
    %mul3A_10 = arith.constant 640 : i32
    %mul3A_11 = arith.muli %arg1, %mul3A_10 : i32
    %add3A_12 = arith.constant 96 : i32
    %add3A_13 = arith.addi %mul3A_11, %add3A_12 : i32
    %run_scoped3A_14 = arith.constant 0 : i32
    "tpu.region"() ({
      %run_scoped3A_114 = tpu.sem_alloc : memref<!tpu.dma_semaphore, #tpu.memory_space<semaphore_mem>>
      %dma_start3A = arith.constant 0 : i32
      %dma_start3A_115 = arith.constant 0 : i32
      %dma_start3A_116 = tpu.memref_slice %arg10[%run_scoped3A_14, %dma_start3A, %dma_start3A_115] : memref<2x96x128xf32, #tpu.memory_space<vmem>> -> memref<1x96x128xf32, #tpu.memory_space<vmem>>
      %dma_start3A_117 = tpu.memref_squeeze %dma_start3A_116 : memref<1x96x128xf32, #tpu.memory_space<vmem>> -> memref<96x128xf32, #tpu.memory_space<vmem>>
      %dma_start3A_118 = arith.constant 0 : i32
      %dma_start3A_119 = tpu.memref_slice %arg11[%add3A_13, %dma_start3A_118] : memref<10240x128xf32, #tpu.memory_space<vmem_shared>> -> memref<96x128xf32, #tpu.memory_space<vmem_shared>>
      %dma_start3A_120 = arith.constant 0 : i32
      %dma_start3A_121 = tpu.memref_slice %arg11[%add3A_13, %dma_start3A_120] : memref<10240x128xf32, #tpu.memory_space<vmem_shared>> -> memref<96x128xf32, #tpu.memory_space<vmem_shared>>
      %dma_start3A_122 = arith.constant 0 : i32
      %dma_start3A_123 = arith.constant 0 : i32
      %dma_start3A_124 = tpu.memref_slice %arg10[%run_scoped3A_14, %dma_start3A_122, %dma_start3A_123] : memref<2x96x128xf32, #tpu.memory_space<vmem>> -> memref<1x96x128xf32, #tpu.memory_space<vmem>>
      %dma_start3A_125 = tpu.memref_squeeze %dma_start3A_124 : memref<1x96x128xf32, #tpu.memory_space<vmem>> -> memref<96x128xf32, #tpu.memory_space<vmem>>
      tpu.enqueue_dma source(%dma_start3A_125 : memref<96x128xf32, #tpu.memory_space<vmem>>) target(%dma_start3A_121 : memref<96x128xf32, #tpu.memory_space<vmem_shared>>) target_semaphore(%run_scoped3A_114 : memref<!tpu.dma_semaphore, #tpu.memory_space<semaphore_mem>>)
      %dma_wait3A = arith.constant 0 : i32
      %dma_wait3A_126 = arith.constant 0 : i32
      %dma_wait3A_127 = tpu.memref_slice %arg10[%run_scoped3A_14, %dma_wait3A, %dma_wait3A_126] : memref<2x96x128xf32, #tpu.memory_space<vmem>> -> memref<1x96x128xf32, #tpu.memory_space<vmem>>
      %dma_wait3A_128 = tpu.memref_squeeze %dma_wait3A_127 : memref<1x96x128xf32, #tpu.memory_space<vmem>> -> memref<96x128xf32, #tpu.memory_space<vmem>>
      %dma_wait3A_129 = arith.constant 0 : i32
      %dma_wait3A_130 = tpu.memref_slice %arg11[%add3A_13, %dma_wait3A_129] : memref<10240x128xf32, #tpu.memory_space<vmem_shared>> -> memref<96x128xf32, #tpu.memory_space<vmem_shared>>
      %dma_wait3A_131 = arith.constant 0 : i32
      %dma_wait3A_132 = tpu.memref_slice %arg11[%add3A_13, %dma_wait3A_131] : memref<10240x128xf32, #tpu.memory_space<vmem_shared>> -> memref<96x128xf32, #tpu.memory_space<vmem_shared>>
      %dma_wait3A_133 = arith.constant 0 : i32
      %dma_wait3A_134 = arith.constant 0 : i32
      %dma_wait3A_135 = tpu.memref_slice %arg10[%run_scoped3A_14, %dma_wait3A_133, %dma_wait3A_134] : memref<2x96x128xf32, #tpu.memory_space<vmem>> -> memref<1x96x128xf32, #tpu.memory_space<vmem>>
      %dma_wait3A_136 = tpu.memref_squeeze %dma_wait3A_135 : memref<1x96x128xf32, #tpu.memory_space<vmem>> -> memref<96x128xf32, #tpu.memory_space<vmem>>
      tpu.wait_dma2 semaphore(%run_scoped3A_114 : memref<!tpu.dma_semaphore, #tpu.memory_space<semaphore_mem>>) src(%dma_wait3A_136 : memref<96x128xf32, #tpu.memory_space<vmem>>) dst(%dma_wait3A_132 : memref<96x128xf32, #tpu.memory_space<vmem_shared>>)
      tpu.yield
    }) : () -> ()
    %mul3A_15 = arith.constant 640 : i32
    %mul3A_16 = arith.muli %arg1, %mul3A_15 : i32
    %add3A_17 = arith.constant 192 : i32
    %add3A_18 = arith.addi %mul3A_16, %add3A_17 : i32
    %run_scoped3A_19 = arith.constant 0 : i32
    "tpu.region"() ({
      %run_scoped3A_114 = tpu.sem_alloc : memref<!tpu.dma_semaphore, #tpu.memory_space<semaphore_mem>>
      %dma_start3A = arith.constant 0 : i32
      %dma_start3A_115 = arith.constant 0 : i32
      %dma_start3A_116 = tpu.memref_slice %arg10[%run_scoped3A_19, %dma_start3A, %dma_start3A_115] : memref<2x96x128xf32, #tpu.memory_space<vmem>> -> memref<1x96x128xf32, #tpu.memory_space<vmem>>
      %dma_start3A_117 = tpu.memref_squeeze %dma_start3A_116 : memref<1x96x128xf32, #tpu.memory_space<vmem>> -> memref<96x128xf32, #tpu.memory_space<vmem>>
      %dma_start3A_118 = arith.constant 0 : i32
      %dma_start3A_119 = tpu.memref_slice %arg11[%add3A_18, %dma_start3A_118] : memref<10240x128xf32, #tpu.memory_space<vmem_shared>> -> memref<96x128xf32, #tpu.memory_space<vmem_shared>>
      %dma_start3A_120 = arith.constant 0 : i32
      %dma_start3A_121 = tpu.memref_slice %arg11[%add3A_18, %dma_start3A_120] : memref<10240x128xf32, #tpu.memory_space<vmem_shared>> -> memref<96x128xf32, #tpu.memory_space<vmem_shared>>
      %dma_start3A_122 = arith.constant 0 : i32
      %dma_start3A_123 = arith.constant 0 : i32
      %dma_start3A_124 = tpu.memref_slice %arg10[%run_scoped3A_19, %dma_start3A_122, %dma_start3A_123] : memref<2x96x128xf32, #tpu.memory_space<vmem>> -> memref<1x96x128xf32, #tpu.memory_space<vmem>>
      %dma_start3A_125 = tpu.memref_squeeze %dma_start3A_124 : memref<1x96x128xf32, #tpu.memory_space<vmem>> -> memref<96x128xf32, #tpu.memory_space<vmem>>
      tpu.enqueue_dma source(%dma_start3A_125 : memref<96x128xf32, #tpu.memory_space<vmem>>) target(%dma_start3A_121 : memref<96x128xf32, #tpu.memory_space<vmem_shared>>) target_semaphore(%run_scoped3A_114 : memref<!tpu.dma_semaphore, #tpu.memory_space<semaphore_mem>>)
      %dma_wait3A = arith.constant 0 : i32
      %dma_wait3A_126 = arith.constant 0 : i32
      %dma_wait3A_127 = tpu.memref_slice %arg10[%run_scoped3A_19, %dma_wait3A, %dma_wait3A_126] : memref<2x96x128xf32, #tpu.memory_space<vmem>> -> memref<1x96x128xf32, #tpu.memory_space<vmem>>
      %dma_wait3A_128 = tpu.memref_squeeze %dma_wait3A_127 : memref<1x96x128xf32, #tpu.memory_space<vmem>> -> memref<96x128xf32, #tpu.memory_space<vmem>>
      %dma_wait3A_129 = arith.constant 0 : i32
      %dma_wait3A_130 = tpu.memref_slice %arg11[%add3A_18, %dma_wait3A_129] : memref<10240x128xf32, #tpu.memory_space<vmem_shared>> -> memref<96x128xf32, #tpu.memory_space<vmem_shared>>
      %dma_wait3A_131 = arith.constant 0 : i32
      %dma_wait3A_132 = tpu.memref_slice %arg11[%add3A_18, %dma_wait3A_131] : memref<10240x128xf32, #tpu.memory_space<vmem_shared>> -> memref<96x128xf32, #tpu.memory_space<vmem_shared>>
      %dma_wait3A_133 = arith.constant 0 : i32
      %dma_wait3A_134 = arith.constant 0 : i32
      %dma_wait3A_135 = tpu.memref_slice %arg10[%run_scoped3A_19, %dma_wait3A_133, %dma_wait3A_134] : memref<2x96x128xf32, #tpu.memory_space<vmem>> -> memref<1x96x128xf32, #tpu.memory_space<vmem>>
      %dma_wait3A_136 = tpu.memref_squeeze %dma_wait3A_135 : memref<1x96x128xf32, #tpu.memory_space<vmem>> -> memref<96x128xf32, #tpu.memory_space<vmem>>
      tpu.wait_dma2 semaphore(%run_scoped3A_114 : memref<!tpu.dma_semaphore, #tpu.memory_space<semaphore_mem>>) src(%dma_wait3A_136 : memref<96x128xf32, #tpu.memory_space<vmem>>) dst(%dma_wait3A_132 : memref<96x128xf32, #tpu.memory_space<vmem_shared>>)
      tpu.yield
    }) : () -> ()
    %mul3A_20 = arith.constant 640 : i32
    %mul3A_21 = arith.muli %arg1, %mul3A_20 : i32
    %add3A_22 = arith.constant 288 : i32
    %add3A_23 = arith.addi %mul3A_21, %add3A_22 : i32
    %run_scoped3A_24 = arith.constant 0 : i32
    "tpu.region"() ({
      %run_scoped3A_114 = tpu.sem_alloc : memref<!tpu.dma_semaphore, #tpu.memory_space<semaphore_mem>>
      %dma_start3A = arith.constant 0 : i32
      %dma_start3A_115 = arith.constant 0 : i32
      %dma_start3A_116 = tpu.memref_slice %arg10[%run_scoped3A_24, %dma_start3A, %dma_start3A_115] : memref<2x96x128xf32, #tpu.memory_space<vmem>> -> memref<1x96x128xf32, #tpu.memory_space<vmem>>
      %dma_start3A_117 = tpu.memref_squeeze %dma_start3A_116 : memref<1x96x128xf32, #tpu.memory_space<vmem>> -> memref<96x128xf32, #tpu.memory_space<vmem>>
      %dma_start3A_118 = arith.constant 0 : i32
      %dma_start3A_119 = tpu.memref_slice %arg11[%add3A_23, %dma_start3A_118] : memref<10240x128xf32, #tpu.memory_space<vmem_shared>> -> memref<96x128xf32, #tpu.memory_space<vmem_shared>>
      %dma_start3A_120 = arith.constant 0 : i32
      %dma_start3A_121 = tpu.memref_slice %arg11[%add3A_23, %dma_start3A_120] : memref<10240x128xf32, #tpu.memory_space<vmem_shared>> -> memref<96x128xf32, #tpu.memory_space<vmem_shared>>
      %dma_start3A_122 = arith.constant 0 : i32
      %dma_start3A_123 = arith.constant 0 : i32
      %dma_start3A_124 = tpu.memref_slice %arg10[%run_scoped3A_24, %dma_start3A_122, %dma_start3A_123] : memref<2x96x128xf32, #tpu.memory_space<vmem>> -> memref<1x96x128xf32, #tpu.memory_space<vmem>>
      %dma_start3A_125 = tpu.memref_squeeze %dma_start3A_124 : memref<1x96x128xf32, #tpu.memory_space<vmem>> -> memref<96x128xf32, #tpu.memory_space<vmem>>
      tpu.enqueue_dma source(%dma_start3A_125 : memref<96x128xf32, #tpu.memory_space<vmem>>) target(%dma_start3A_121 : memref<96x128xf32, #tpu.memory_space<vmem_shared>>) target_semaphore(%run_scoped3A_114 : memref<!tpu.dma_semaphore, #tpu.memory_space<semaphore_mem>>)
      %dma_wait3A = arith.constant 0 : i32
      %dma_wait3A_126 = arith.constant 0 : i32
      %dma_wait3A_127 = tpu.memref_slice %arg10[%run_scoped3A_24, %dma_wait3A, %dma_wait3A_126] : memref<2x96x128xf32, #tpu.memory_space<vmem>> -> memref<1x96x128xf32, #tpu.memory_space<vmem>>
      %dma_wait3A_128 = tpu.memref_squeeze %dma_wait3A_127 : memref<1x96x128xf32, #tpu.memory_space<vmem>> -> memref<96x128xf32, #tpu.memory_space<vmem>>
      %dma_wait3A_129 = arith.constant 0 : i32
      %dma_wait3A_130 = tpu.memref_slice %arg11[%add3A_23, %dma_wait3A_129] : memref<10240x128xf32, #tpu.memory_space<vmem_shared>> -> memref<96x128xf32, #tpu.memory_space<vmem_shared>>
      %dma_wait3A_131 = arith.constant 0 : i32
      %dma_wait3A_132 = tpu.memref_slice %arg11[%add3A_23, %dma_wait3A_131] : memref<10240x128xf32, #tpu.memory_space<vmem_shared>> -> memref<96x128xf32, #tpu.memory_space<vmem_shared>>
      %dma_wait3A_133 = arith.constant 0 : i32
      %dma_wait3A_134 = arith.constant 0 : i32
      %dma_wait3A_135 = tpu.memref_slice %arg10[%run_scoped3A_24, %dma_wait3A_133, %dma_wait3A_134] : memref<2x96x128xf32, #tpu.memory_space<vmem>> -> memref<1x96x128xf32, #tpu.memory_space<vmem>>
      %dma_wait3A_136 = tpu.memref_squeeze %dma_wait3A_135 : memref<1x96x128xf32, #tpu.memory_space<vmem>> -> memref<96x128xf32, #tpu.memory_space<vmem>>
      tpu.wait_dma2 semaphore(%run_scoped3A_114 : memref<!tpu.dma_semaphore, #tpu.memory_space<semaphore_mem>>) src(%dma_wait3A_136 : memref<96x128xf32, #tpu.memory_space<vmem>>) dst(%dma_wait3A_132 : memref<96x128xf32, #tpu.memory_space<vmem_shared>>)
      tpu.yield
    }) : () -> ()
    %mul3A_25 = arith.constant 640 : i32
    %mul3A_26 = arith.muli %arg1, %mul3A_25 : i32
    %add3A_27 = arith.constant 384 : i32
    %add3A_28 = arith.addi %mul3A_26, %add3A_27 : i32
    %run_scoped3A_29 = arith.constant 0 : i32
    "tpu.region"() ({
      %run_scoped3A_114 = tpu.sem_alloc : memref<!tpu.dma_semaphore, #tpu.memory_space<semaphore_mem>>
      %dma_start3A = arith.constant 0 : i32
      %dma_start3A_115 = arith.constant 0 : i32
      %dma_start3A_116 = tpu.memref_slice %arg10[%run_scoped3A_29, %dma_start3A, %dma_start3A_115] : memref<2x96x128xf32, #tpu.memory_space<vmem>> -> memref<1x96x128xf32, #tpu.memory_space<vmem>>
      %dma_start3A_117 = tpu.memref_squeeze %dma_start3A_116 : memref<1x96x128xf32, #tpu.memory_space<vmem>> -> memref<96x128xf32, #tpu.memory_space<vmem>>
      %dma_start3A_118 = arith.constant 0 : i32
      %dma_start3A_119 = tpu.memref_slice %arg11[%add3A_28, %dma_start3A_118] : memref<10240x128xf32, #tpu.memory_space<vmem_shared>> -> memref<96x128xf32, #tpu.memory_space<vmem_shared>>
      %dma_start3A_120 = arith.constant 0 : i32
      %dma_start3A_121 = tpu.memref_slice %arg11[%add3A_28, %dma_start3A_120] : memref<10240x128xf32, #tpu.memory_space<vmem_shared>> -> memref<96x128xf32, #tpu.memory_space<vmem_shared>>
      %dma_start3A_122 = arith.constant 0 : i32
      %dma_start3A_123 = arith.constant 0 : i32
      %dma_start3A_124 = tpu.memref_slice %arg10[%run_scoped3A_29, %dma_start3A_122, %dma_start3A_123] : memref<2x96x128xf32, #tpu.memory_space<vmem>> -> memref<1x96x128xf32, #tpu.memory_space<vmem>>
      %dma_start3A_125 = tpu.memref_squeeze %dma_start3A_124 : memref<1x96x128xf32, #tpu.memory_space<vmem>> -> memref<96x128xf32, #tpu.memory_space<vmem>>
      tpu.enqueue_dma source(%dma_start3A_125 : memref<96x128xf32, #tpu.memory_space<vmem>>) target(%dma_start3A_121 : memref<96x128xf32, #tpu.memory_space<vmem_shared>>) target_semaphore(%run_scoped3A_114 : memref<!tpu.dma_semaphore, #tpu.memory_space<semaphore_mem>>)
      %dma_wait3A = arith.constant 0 : i32
      %dma_wait3A_126 = arith.constant 0 : i32
      %dma_wait3A_127 = tpu.memref_slice %arg10[%run_scoped3A_29, %dma_wait3A, %dma_wait3A_126] : memref<2x96x128xf32, #tpu.memory_space<vmem>> -> memref<1x96x128xf32, #tpu.memory_space<vmem>>
      %dma_wait3A_128 = tpu.memref_squeeze %dma_wait3A_127 : memref<1x96x128xf32, #tpu.memory_space<vmem>> -> memref<96x128xf32, #tpu.memory_space<vmem>>
      %dma_wait3A_129 = arith.constant 0 : i32
      %dma_wait3A_130 = tpu.memref_slice %arg11[%add3A_28, %dma_wait3A_129] : memref<10240x128xf32, #tpu.memory_space<vmem_shared>> -> memref<96x128xf32, #tpu.memory_space<vmem_shared>>
      %dma_wait3A_131 = arith.constant 0 : i32
      %dma_wait3A_132 = tpu.memref_slice %arg11[%add3A_28, %dma_wait3A_131] : memref<10240x128xf32, #tpu.memory_space<vmem_shared>> -> memref<96x128xf32, #tpu.memory_space<vmem_shared>>
      %dma_wait3A_133 = arith.constant 0 : i32
      %dma_wait3A_134 = arith.constant 0 : i32
      %dma_wait3A_135 = tpu.memref_slice %arg10[%run_scoped3A_29, %dma_wait3A_133, %dma_wait3A_134] : memref<2x96x128xf32, #tpu.memory_space<vmem>> -> memref<1x96x128xf32, #tpu.memory_space<vmem>>
      %dma_wait3A_136 = tpu.memref_squeeze %dma_wait3A_135 : memref<1x96x128xf32, #tpu.memory_space<vmem>> -> memref<96x128xf32, #tpu.memory_space<vmem>>
      tpu.wait_dma2 semaphore(%run_scoped3A_114 : memref<!tpu.dma_semaphore, #tpu.memory_space<semaphore_mem>>) src(%dma_wait3A_136 : memref<96x128xf32, #tpu.memory_space<vmem>>) dst(%dma_wait3A_132 : memref<96x128xf32, #tpu.memory_space<vmem_shared>>)
      tpu.yield
    }) : () -> ()
    %mul3A_30 = arith.constant 640 : i32
    %mul3A_31 = arith.muli %arg1, %mul3A_30 : i32
    %add3A_32 = arith.constant 480 : i32
    %add3A_33 = arith.addi %mul3A_31, %add3A_32 : i32
    %run_scoped3A_34 = arith.constant 0 : i32
    "tpu.region"() ({
      %run_scoped3A_114 = tpu.sem_alloc : memref<!tpu.dma_semaphore, #tpu.memory_space<semaphore_mem>>
      %dma_start3A = arith.constant 0 : i32
      %dma_start3A_115 = arith.constant 0 : i32
      %dma_start3A_116 = tpu.memref_slice %arg10[%run_scoped3A_34, %dma_start3A, %dma_start3A_115] : memref<2x96x128xf32, #tpu.memory_space<vmem>> -> memref<1x96x128xf32, #tpu.memory_space<vmem>>
      %dma_start3A_117 = tpu.memref_squeeze %dma_start3A_116 : memref<1x96x128xf32, #tpu.memory_space<vmem>> -> memref<96x128xf32, #tpu.memory_space<vmem>>
      %dma_start3A_118 = arith.constant 0 : i32
      %dma_start3A_119 = tpu.memref_slice %arg11[%add3A_33, %dma_start3A_118] : memref<10240x128xf32, #tpu.memory_space<vmem_shared>> -> memref<96x128xf32, #tpu.memory_space<vmem_shared>>
      %dma_start3A_120 = arith.constant 0 : i32
      %dma_start3A_121 = tpu.memref_slice %arg11[%add3A_33, %dma_start3A_120] : memref<10240x128xf32, #tpu.memory_space<vmem_shared>> -> memref<96x128xf32, #tpu.memory_space<vmem_shared>>
      %dma_start3A_122 = arith.constant 0 : i32
      %dma_start3A_123 = arith.constant 0 : i32
      %dma_start3A_124 = tpu.memref_slice %arg10[%run_scoped3A_34, %dma_start3A_122, %dma_start3A_123] : memref<2x96x128xf32, #tpu.memory_space<vmem>> -> memref<1x96x128xf32, #tpu.memory_space<vmem>>
      %dma_start3A_125 = tpu.memref_squeeze %dma_start3A_124 : memref<1x96x128xf32, #tpu.memory_space<vmem>> -> memref<96x128xf32, #tpu.memory_space<vmem>>
      tpu.enqueue_dma source(%dma_start3A_125 : memref<96x128xf32, #tpu.memory_space<vmem>>) target(%dma_start3A_121 : memref<96x128xf32, #tpu.memory_space<vmem_shared>>) target_semaphore(%run_scoped3A_114 : memref<!tpu.dma_semaphore, #tpu.memory_space<semaphore_mem>>)
      %dma_wait3A = arith.constant 0 : i32
      %dma_wait3A_126 = arith.constant 0 : i32
      %dma_wait3A_127 = tpu.memref_slice %arg10[%run_scoped3A_34, %dma_wait3A, %dma_wait3A_126] : memref<2x96x128xf32, #tpu.memory_space<vmem>> -> memref<1x96x128xf32, #tpu.memory_space<vmem>>
      %dma_wait3A_128 = tpu.memref_squeeze %dma_wait3A_127 : memref<1x96x128xf32, #tpu.memory_space<vmem>> -> memref<96x128xf32, #tpu.memory_space<vmem>>
      %dma_wait3A_129 = arith.constant 0 : i32
      %dma_wait3A_130 = tpu.memref_slice %arg11[%add3A_33, %dma_wait3A_129] : memref<10240x128xf32, #tpu.memory_space<vmem_shared>> -> memref<96x128xf32, #tpu.memory_space<vmem_shared>>
      %dma_wait3A_131 = arith.constant 0 : i32
      %dma_wait3A_132 = tpu.memref_slice %arg11[%add3A_33, %dma_wait3A_131] : memref<10240x128xf32, #tpu.memory_space<vmem_shared>> -> memref<96x128xf32, #tpu.memory_space<vmem_shared>>
      %dma_wait3A_133 = arith.constant 0 : i32
      %dma_wait3A_134 = arith.constant 0 : i32
      %dma_wait3A_135 = tpu.memref_slice %arg10[%run_scoped3A_34, %dma_wait3A_133, %dma_wait3A_134] : memref<2x96x128xf32, #tpu.memory_space<vmem>> -> memref<1x96x128xf32, #tpu.memory_space<vmem>>
      %dma_wait3A_136 = tpu.memref_squeeze %dma_wait3A_135 : memref<1x96x128xf32, #tpu.memory_space<vmem>> -> memref<96x128xf32, #tpu.memory_space<vmem>>
      tpu.wait_dma2 semaphore(%run_scoped3A_114 : memref<!tpu.dma_semaphore, #tpu.memory_space<semaphore_mem>>) src(%dma_wait3A_136 : memref<96x128xf32, #tpu.memory_space<vmem>>) dst(%dma_wait3A_132 : memref<96x128xf32, #tpu.memory_space<vmem_shared>>)
      tpu.yield
    }) : () -> ()
    %mul3A_35 = arith.constant 640 : i32
    %mul3A_36 = arith.muli %arg1, %mul3A_35 : i32
    %add3A_37 = arith.constant 576 : i32
    %add3A_38 = arith.addi %mul3A_36, %add3A_37 : i32
    %run_scoped3A_39 = arith.constant 0 : i32
    "tpu.region"() ({
      %run_scoped3A_114 = tpu.sem_alloc : memref<!tpu.dma_semaphore, #tpu.memory_space<semaphore_mem>>
      %dma_start3A = arith.constant 0 : i32
      %dma_start3A_115 = arith.constant 0 : i32
      %dma_start3A_116 = tpu.memref_slice %arg10[%run_scoped3A_39, %dma_start3A, %dma_start3A_115] : memref<2x96x128xf32, #tpu.memory_space<vmem>> -> memref<1x96x128xf32, #tpu.memory_space<vmem>>
      %dma_start3A_117 = tpu.memref_squeeze %dma_start3A_116 : memref<1x96x128xf32, #tpu.memory_space<vmem>> -> memref<96x128xf32, #tpu.memory_space<vmem>>
      %dma_start3A_118 = arith.constant 0 : i32
      %dma_start3A_119 = arith.constant 0 : i32
      %dma_start3A_120 = tpu.memref_slice %dma_start3A_117[%dma_start3A_118, %dma_start3A_119] : memref<96x128xf32, #tpu.memory_space<vmem>> -> memref<64x128xf32, #tpu.memory_space<vmem>>
      %dma_start3A_121 = arith.constant 0 : i32
      %dma_start3A_122 = tpu.memref_slice %arg11[%add3A_38, %dma_start3A_121] : memref<10240x128xf32, #tpu.memory_space<vmem_shared>> -> memref<64x128xf32, #tpu.memory_space<vmem_shared>>
      %dma_start3A_123 = arith.constant 0 : i32
      %dma_start3A_124 = tpu.memref_slice %arg11[%add3A_38, %dma_start3A_123] : memref<10240x128xf32, #tpu.memory_space<vmem_shared>> -> memref<64x128xf32, #tpu.memory_space<vmem_shared>>
      %dma_start3A_125 = arith.constant 0 : i32
      %dma_start3A_126 = arith.constant 0 : i32
      %dma_start3A_127 = tpu.memref_slice %arg10[%run_scoped3A_39, %dma_start3A_125, %dma_start3A_126] : memref<2x96x128xf32, #tpu.memory_space<vmem>> -> memref<1x96x128xf32, #tpu.memory_space<vmem>>
      %dma_start3A_128 = tpu.memref_squeeze %dma_start3A_127 : memref<1x96x128xf32, #tpu.memory_space<vmem>> -> memref<96x128xf32, #tpu.memory_space<vmem>>
      %dma_start3A_129 = arith.constant 0 : i32
      %dma_start3A_130 = arith.constant 0 : i32
      %dma_start3A_131 = tpu.memref_slice %dma_start3A_128[%dma_start3A_129, %dma_start3A_130] : memref<96x128xf32, #tpu.memory_space<vmem>> -> memref<64x128xf32, #tpu.memory_space<vmem>>
      tpu.enqueue_dma source(%dma_start3A_131 : memref<64x128xf32, #tpu.memory_space<vmem>>) target(%dma_start3A_124 : memref<64x128xf32, #tpu.memory_space<vmem_shared>>) target_semaphore(%run_scoped3A_114 : memref<!tpu.dma_semaphore, #tpu.memory_space<semaphore_mem>>)
      %dma_wait3A = arith.constant 0 : i32
      %dma_wait3A_132 = arith.constant 0 : i32
      %dma_wait3A_133 = tpu.memref_slice %arg10[%run_scoped3A_39, %dma_wait3A, %dma_wait3A_132] : memref<2x96x128xf32, #tpu.memory_space<vmem>> -> memref<1x96x128xf32, #tpu.memory_space<vmem>>
      %dma_wait3A_134 = tpu.memref_squeeze %dma_wait3A_133 : memref<1x96x128xf32, #tpu.memory_space<vmem>> -> memref<96x128xf32, #tpu.memory_space<vmem>>
      %dma_wait3A_135 = arith.constant 0 : i32
      %dma_wait3A_136 = arith.constant 0 : i32
      %dma_wait3A_137 = tpu.memref_slice %dma_wait3A_134[%dma_wait3A_135, %dma_wait3A_136] : memref<96x128xf32, #tpu.memory_space<vmem>> -> memref<64x128xf32, #tpu.memory_space<vmem>>
      %dma_wait3A_138 = arith.constant 0 : i32
      %dma_wait3A_139 = tpu.memref_slice %arg11[%add3A_38, %dma_wait3A_138] : memref<10240x128xf32, #tpu.memory_space<vmem_shared>> -> memref<64x128xf32, #tpu.memory_space<vmem_shared>>
      %dma_wait3A_140 = arith.constant 0 : i32
      %dma_wait3A_141 = tpu.memref_slice %arg11[%add3A_38, %dma_wait3A_140] : memref<10240x128xf32, #tpu.memory_space<vmem_shared>> -> memref<64x128xf32, #tpu.memory_space<vmem_shared>>
      %dma_wait3A_142 = arith.constant 0 : i32
      %dma_wait3A_143 = arith.constant 0 : i32
      %dma_wait3A_144 = tpu.memref_slice %arg10[%run_scoped3A_39, %dma_wait3A_142, %dma_wait3A_143] : memref<2x96x128xf32, #tpu.memory_space<vmem>> -> memref<1x96x128xf32, #tpu.memory_space<vmem>>
      %dma_wait3A_145 = tpu.memref_squeeze %dma_wait3A_144 : memref<1x96x128xf32, #tpu.memory_space<vmem>> -> memref<96x128xf32, #tpu.memory_space<vmem>>
      %dma_wait3A_146 = arith.constant 0 : i32
      %dma_wait3A_147 = arith.constant 0 : i32
      %dma_wait3A_148 = tpu.memref_slice %dma_wait3A_145[%dma_wait3A_146, %dma_wait3A_147] : memref<96x128xf32, #tpu.memory_space<vmem>> -> memref<64x128xf32, #tpu.memory_space<vmem>>
      tpu.wait_dma2 semaphore(%run_scoped3A_114 : memref<!tpu.dma_semaphore, #tpu.memory_space<semaphore_mem>>) src(%dma_wait3A_148 : memref<64x128xf32, #tpu.memory_space<vmem>>) dst(%dma_wait3A_141 : memref<64x128xf32, #tpu.memory_space<vmem_shared>>)
      tpu.yield
    }) : () -> ()
    %barrier3A = arith.constant 0 : index
    tpu.barrier barrier_id(%barrier3A)
    %eq3A_40 = arith.constant 0 : i32
    %eq3A_41 = arith.cmpi eq, %arg0, %eq3A_40 : i32
    %jit3A = arith.constant 76 : i32
    %jit3A_42 = arith.constant 32 : i32
    %select_n3A = arith.select %eq3A_41, %jit3A, %jit3A_42 : i32
    %while3A = arith.constant 0 : i32
    %while3A_43 = arith.constant 0 : i32
    %while3A_44 = arith.subi %select_n3A, %while3A_43 : i32
    %while3A_45 = arith.addi %while3A_43, %while3A_44 : i32
    %while3A_46 = arith.constant 1 : i32
    %while3A_47 = arith.divsi %while3A_44, %while3A_46 : i32
    %while3A_48 = arith.muli %while3A_47, %while3A_46 : i32
    %while3A_49 = arith.addi %while3A_43, %while3A_48 : i32
    %while3A_50 = arith.constant 1 : i32
    scf.for %while3A_114 = %while3A_43 to %while3A_49 step %while3A_50  : i32 {
      %mul3A_115 = arith.constant 2 : i32
      %mul3A_116 = arith.muli %while3A_114, %mul3A_115 : i32
      %add3A_117 = arith.constant 0 : i32
      %add3A_118 = arith.addi %mul3A_116, %add3A_117 : i32
      %get3A = arith.index_cast %add3A_118 : i32 to index
      %get3A_119 = arith.constant 0 : index
      %get3A_120 = tpu.vector_load %arg7[%get3A, %get3A_119] {strides = array<i32>} : memref<152x96xi32, #tpu.memory_space<vmem>>, vector<1x16xi32>,
      %get3A_121 = vector.shape_cast %get3A_120 : vector<1x16xi32> to vector<16xi32>
      %and3A = arith.constant 65535 : i32
      %and3A_122 = vector.broadcast %and3A : i32 to vector<16xi32>
      %and3A_123 = arith.andi %get3A_121, %and3A_122 : vector<16xi32>
      %swap3A = arith.constant 0 : i32
      %swap3A_124 = arith.index_cast %swap3A : i32 to index
      %swap3A_125 = arith.constant 0 : index
      %swap3A_126 = tpu.vector_load %arg8[%swap3A_124, %swap3A_125] {strides = array<i32>} : memref<2x96xi32, #tpu.memory_space<vmem>>, vector<1x16xi32>,
      %swap3A_127 = vector.shape_cast %swap3A_126 : vector<1x16xi32> to vector<16xi32>
      %swap3A_128 = vector.shape_cast %and3A_123 : vector<16xi32> to vector<1x16xi32>
      tpu.vector_store %arg8[%swap3A_124, %swap3A_125], %swap3A_128 {strides = array<i32>} : memref<2x96xi32, #tpu.memory_space<vmem>>, vector<1x16xi32>,
      %shift_right_logical3A = arith.constant 16 : i32
      %shift_right_logical3A_129 = vector.broadcast %shift_right_logical3A : i32 to vector<16xi32>
      %shift_right_logical3A_130 = arith.shrui %get3A_121, %shift_right_logical3A_129 : vector<16xi32>
      %swap3A_131 = arith.constant 0 : i32
      %swap3A_132 = arith.index_cast %swap3A_131 : i32 to index
      %swap3A_133 = arith.constant 0 : index
      %swap3A_134 = tpu.vector_load %arg9[%swap3A_132, %swap3A_133] {strides = array<i32>} : memref<2x96xi32, #tpu.memory_space<vmem>>, vector<1x16xi32>,
      %swap3A_135 = vector.shape_cast %swap3A_134 : vector<1x16xi32> to vector<16xi32>
      %swap3A_136 = vector.shape_cast %shift_right_logical3A_130 : vector<16xi32> to vector<1x16xi32>
      tpu.vector_store %arg9[%swap3A_132, %swap3A_133], %swap3A_136 {strides = array<i32>} : memref<2x96xi32, #tpu.memory_space<vmem>>, vector<1x16xi32>,
      %get3A_137 = arith.index_cast %add3A_118 : i32 to index
      %get3A_138 = arith.constant 16 : index
      %get3A_139 = tpu.vector_load %arg7[%get3A_137, %get3A_138] {strides = array<i32>} : memref<152x96xi32, #tpu.memory_space<vmem>>, vector<1x16xi32>,
      %get3A_140 = vector.shape_cast %get3A_139 : vector<1x16xi32> to vector<16xi32>
      %and3A_141 = arith.constant 65535 : i32
      %and3A_142 = vector.broadcast %and3A_141 : i32 to vector<16xi32>
      %and3A_143 = arith.andi %get3A_140, %and3A_142 : vector<16xi32>
      %swap3A_144 = arith.constant 0 : i32
      %swap3A_145 = arith.index_cast %swap3A_144 : i32 to index
      %swap3A_146 = arith.constant 16 : index
      %swap3A_147 = tpu.vector_load %arg8[%swap3A_145, %swap3A_146] {strides = array<i32>} : memref<2x96xi32, #tpu.memory_space<vmem>>, vector<1x16xi32>,
      %swap3A_148 = vector.shape_cast %swap3A_147 : vector<1x16xi32> to vector<16xi32>
      %swap3A_149 = vector.shape_cast %and3A_143 : vector<16xi32> to vector<1x16xi32>
      tpu.vector_store %arg8[%swap3A_145, %swap3A_146], %swap3A_149 {strides = array<i32>} : memref<2x96xi32, #tpu.memory_space<vmem>>, vector<1x16xi32>,
      %shift_right_logical3A_150 = arith.constant 16 : i32
      %shift_right_logical3A_151 = vector.broadcast %shift_right_logical3A_150 : i32 to vector<16xi32>
      %shift_right_logical3A_152 = arith.shrui %get3A_140, %shift_right_logical3A_151 : vector<16xi32>
      %swap3A_153 = arith.constant 0 : i32
      %swap3A_154 = arith.index_cast %swap3A_153 : i32 to index
      %swap3A_155 = arith.constant 16 : index
      %swap3A_156 = tpu.vector_load %arg9[%swap3A_154, %swap3A_155] {strides = array<i32>} : memref<2x96xi32, #tpu.memory_space<vmem>>, vector<1x16xi32>,
      %swap3A_157 = vector.shape_cast %swap3A_156 : vector<1x16xi32> to vector<16xi32>
      %swap3A_158 = vector.shape_cast %shift_right_logical3A_152 : vector<16xi32> to vector<1x16xi32>
      tpu.vector_store %arg9[%swap3A_154, %swap3A_155], %swap3A_158 {strides = array<i32>} : memref<2x96xi32, #tpu.memory_space<vmem>>, vector<1x16xi32>,
      %get3A_159 = arith.index_cast %add3A_118 : i32 to index
      %get3A_160 = arith.constant 32 : index
      %get3A_161 = tpu.vector_load %arg7[%get3A_159, %get3A_160] {strides = array<i32>} : memref<152x96xi32, #tpu.memory_space<vmem>>, vector<1x16xi32>,
      %get3A_162 = vector.shape_cast %get3A_161 : vector<1x16xi32> to vector<16xi32>
      %and3A_163 = arith.constant 65535 : i32
      %and3A_164 = vector.broadcast %and3A_163 : i32 to vector<16xi32>
      %and3A_165 = arith.andi %get3A_162, %and3A_164 : vector<16xi32>
      %swap3A_166 = arith.constant 0 : i32
      %swap3A_167 = arith.index_cast %swap3A_166 : i32 to index
      %swap3A_168 = arith.constant 32 : index
      %swap3A_169 = tpu.vector_load %arg8[%swap3A_167, %swap3A_168] {strides = array<i32>} : memref<2x96xi32, #tpu.memory_space<vmem>>, vector<1x16xi32>,
      %swap3A_170 = vector.shape_cast %swap3A_169 : vector<1x16xi32> to vector<16xi32>
      %swap3A_171 = vector.shape_cast %and3A_165 : vector<16xi32> to vector<1x16xi32>
      tpu.vector_store %arg8[%swap3A_167, %swap3A_168], %swap3A_171 {strides = array<i32>} : memref<2x96xi32, #tpu.memory_space<vmem>>, vector<1x16xi32>,
      %shift_right_logical3A_172 = arith.constant 16 : i32
      %shift_right_logical3A_173 = vector.broadcast %shift_right_logical3A_172 : i32 to vector<16xi32>
      %shift_right_logical3A_174 = arith.shrui %get3A_162, %shift_right_logical3A_173 : vector<16xi32>
      %swap3A_175 = arith.constant 0 : i32
      %swap3A_176 = arith.index_cast %swap3A_175 : i32 to index
      %swap3A_177 = arith.constant 32 : index
      %swap3A_178 = tpu.vector_load %arg9[%swap3A_176, %swap3A_177] {strides = array<i32>} : memref<2x96xi32, #tpu.memory_space<vmem>>, vector<1x16xi32>,
      %swap3A_179 = vector.shape_cast %swap3A_178 : vector<1x16xi32> to vector<16xi32>
      %swap3A_180 = vector.shape_cast %shift_right_logical3A_174 : vector<16xi32> to vector<1x16xi32>
      tpu.vector_store %arg9[%swap3A_176, %swap3A_177], %swap3A_180 {strides = array<i32>} : memref<2x96xi32, #tpu.memory_space<vmem>>, vector<1x16xi32>,
      %get3A_181 = arith.index_cast %add3A_118 : i32 to index
      %get3A_182 = arith.constant 48 : index
      %get3A_183 = tpu.vector_load %arg7[%get3A_181, %get3A_182] {strides = array<i32>} : memref<152x96xi32, #tpu.memory_space<vmem>>, vector<1x16xi32>,
      %get3A_184 = vector.shape_cast %get3A_183 : vector<1x16xi32> to vector<16xi32>
      %and3A_185 = arith.constant 65535 : i32
      %and3A_186 = vector.broadcast %and3A_185 : i32 to vector<16xi32>
      %and3A_187 = arith.andi %get3A_184, %and3A_186 : vector<16xi32>
      %swap3A_188 = arith.constant 0 : i32
      %swap3A_189 = arith.index_cast %swap3A_188 : i32 to index
      %swap3A_190 = arith.constant 48 : index
      %swap3A_191 = tpu.vector_load %arg8[%swap3A_189, %swap3A_190] {strides = array<i32>} : memref<2x96xi32, #tpu.memory_space<vmem>>, vector<1x16xi32>,
      %swap3A_192 = vector.shape_cast %swap3A_191 : vector<1x16xi32> to vector<16xi32>
      %swap3A_193 = vector.shape_cast %and3A_187 : vector<16xi32> to vector<1x16xi32>
      tpu.vector_store %arg8[%swap3A_189, %swap3A_190], %swap3A_193 {strides = array<i32>} : memref<2x96xi32, #tpu.memory_space<vmem>>, vector<1x16xi32>,
      %shift_right_logical3A_194 = arith.constant 16 : i32
      %shift_right_logical3A_195 = vector.broadcast %shift_right_logical3A_194 : i32 to vector<16xi32>
      %shift_right_logical3A_196 = arith.shrui %get3A_184, %shift_right_logical3A_195 : vector<16xi32>
      %swap3A_197 = arith.constant 0 : i32
      %swap3A_198 = arith.index_cast %swap3A_197 : i32 to index
      %swap3A_199 = arith.constant 48 : index
      %swap3A_200 = tpu.vector_load %arg9[%swap3A_198, %swap3A_199] {strides = array<i32>} : memref<2x96xi32, #tpu.memory_space<vmem>>, vector<1x16xi32>,
      %swap3A_201 = vector.shape_cast %swap3A_200 : vector<1x16xi32> to vector<16xi32>
      %swap3A_202 = vector.shape_cast %shift_right_logical3A_196 : vector<16xi32> to vector<1x16xi32>
      tpu.vector_store %arg9[%swap3A_198, %swap3A_199], %swap3A_202 {strides = array<i32>} : memref<2x96xi32, #tpu.memory_space<vmem>>, vector<1x16xi32>,
      %get3A_203 = arith.index_cast %add3A_118 : i32 to index
      %get3A_204 = arith.constant 64 : index
      %get3A_205 = tpu.vector_load %arg7[%get3A_203, %get3A_204] {strides = array<i32>} : memref<152x96xi32, #tpu.memory_space<vmem>>, vector<1x16xi32>,
      %get3A_206 = vector.shape_cast %get3A_205 : vector<1x16xi32> to vector<16xi32>
      %and3A_207 = arith.constant 65535 : i32
      %and3A_208 = vector.broadcast %and3A_207 : i32 to vector<16xi32>
      %and3A_209 = arith.andi %get3A_206, %and3A_208 : vector<16xi32>
      %swap3A_210 = arith.constant 0 : i32
      %swap3A_211 = arith.index_cast %swap3A_210 : i32 to index
      %swap3A_212 = arith.constant 64 : index
      %swap3A_213 = tpu.vector_load %arg8[%swap3A_211, %swap3A_212] {strides = array<i32>} : memref<2x96xi32, #tpu.memory_space<vmem>>, vector<1x16xi32>,
      %swap3A_214 = vector.shape_cast %swap3A_213 : vector<1x16xi32> to vector<16xi32>
      %swap3A_215 = vector.shape_cast %and3A_209 : vector<16xi32> to vector<1x16xi32>
      tpu.vector_store %arg8[%swap3A_211, %swap3A_212], %swap3A_215 {strides = array<i32>} : memref<2x96xi32, #tpu.memory_space<vmem>>, vector<1x16xi32>,
      %shift_right_logical3A_216 = arith.constant 16 : i32
      %shift_right_logical3A_217 = vector.broadcast %shift_right_logical3A_216 : i32 to vector<16xi32>
      %shift_right_logical3A_218 = arith.shrui %get3A_206, %shift_right_logical3A_217 : vector<16xi32>
      %swap3A_219 = arith.constant 0 : i32
      %swap3A_220 = arith.index_cast %swap3A_219 : i32 to index
      %swap3A_221 = arith.constant 64 : index
      %swap3A_222 = tpu.vector_load %arg9[%swap3A_220, %swap3A_221] {strides = array<i32>} : memref<2x96xi32, #tpu.memory_space<vmem>>, vector<1x16xi32>,
      %swap3A_223 = vector.shape_cast %swap3A_222 : vector<1x16xi32> to vector<16xi32>
      %swap3A_224 = vector.shape_cast %shift_right_logical3A_218 : vector<16xi32> to vector<1x16xi32>
      tpu.vector_store %arg9[%swap3A_220, %swap3A_221], %swap3A_224 {strides = array<i32>} : memref<2x96xi32, #tpu.memory_space<vmem>>, vector<1x16xi32>,
      %get3A_225 = arith.index_cast %add3A_118 : i32 to index
      %get3A_226 = arith.constant 80 : index
      %get3A_227 = tpu.vector_load %arg7[%get3A_225, %get3A_226] {strides = array<i32>} : memref<152x96xi32, #tpu.memory_space<vmem>>, vector<1x16xi32>,
      %get3A_228 = vector.shape_cast %get3A_227 : vector<1x16xi32> to vector<16xi32>
      %and3A_229 = arith.constant 65535 : i32
      %and3A_230 = vector.broadcast %and3A_229 : i32 to vector<16xi32>
      %and3A_231 = arith.andi %get3A_228, %and3A_230 : vector<16xi32>
      %swap3A_232 = arith.constant 0 : i32
      %swap3A_233 = arith.index_cast %swap3A_232 : i32 to index
      %swap3A_234 = arith.constant 80 : index
      %swap3A_235 = tpu.vector_load %arg8[%swap3A_233, %swap3A_234] {strides = array<i32>} : memref<2x96xi32, #tpu.memory_space<vmem>>, vector<1x16xi32>,
      %swap3A_236 = vector.shape_cast %swap3A_235 : vector<1x16xi32> to vector<16xi32>
      %swap3A_237 = vector.shape_cast %and3A_231 : vector<16xi32> to vector<1x16xi32>
      tpu.vector_store %arg8[%swap3A_233, %swap3A_234], %swap3A_237 {strides = array<i32>} : memref<2x96xi32, #tpu.memory_space<vmem>>, vector<1x16xi32>,
      %shift_right_logical3A_238 = arith.constant 16 : i32
      %shift_right_logical3A_239 = vector.broadcast %shift_right_logical3A_238 : i32 to vector<16xi32>
      %shift_right_logical3A_240 = arith.shrui %get3A_228, %shift_right_logical3A_239 : vector<16xi32>
      %swap3A_241 = arith.constant 0 : i32
      %swap3A_242 = arith.index_cast %swap3A_241 : i32 to index
      %swap3A_243 = arith.constant 80 : index
      %swap3A_244 = tpu.vector_load %arg9[%swap3A_242, %swap3A_243] {strides = array<i32>} : memref<2x96xi32, #tpu.memory_space<vmem>>, vector<1x16xi32>,
      %swap3A_245 = vector.shape_cast %swap3A_244 : vector<1x16xi32> to vector<16xi32>
      %swap3A_246 = vector.shape_cast %shift_right_logical3A_240 : vector<16xi32> to vector<1x16xi32>
      tpu.vector_store %arg9[%swap3A_242, %swap3A_243], %swap3A_246 {strides = array<i32>} : memref<2x96xi32, #tpu.memory_space<vmem>>, vector<1x16xi32>,
      %dma_start3A = arith.constant 0 : i32
      %dma_start3A_247 = arith.constant 0 : i32
      %dma_start3A_248 = arith.constant 0 : i32
      %dma_start3A_249 = arith.constant 0 : i32
      %dma_start3A_250 = tpu.memref_slice %arg10[%dma_start3A_247, %dma_start3A_248, %dma_start3A_249] : memref<2x96x128xf32, #tpu.memory_space<vmem>> -> memref<1x96x128xf32, #tpu.memory_space<vmem>>
      %dma_start3A_251 = tpu.memref_squeeze %dma_start3A_250 : memref<1x96x128xf32, #tpu.memory_space<vmem>> -> memref<96x128xf32, #tpu.memory_space<vmem>>
      %dma_start3A_252 = arith.constant 0 : i32
      %dma_start3A_253 = tpu.memref_slice %arg8[%dma_start3A, %dma_start3A_252] : memref<2x96xi32, #tpu.memory_space<vmem>> -> memref<1x96xi32, #tpu.memory_space<vmem>>
      %dma_start3A_254 = tpu.memref_squeeze %dma_start3A_253 : memref<1x96xi32, #tpu.memory_space<vmem>> -> memref<96xi32, #tpu.memory_space<vmem>>
      %dma_start3A_255 = arith.constant 0 : i32
      %dma_start3A_256 = arith.constant 0 : i32
      %dma_start3A_257 = tpu.memref_slice %arg2[%dma_start3A_255, %dma_start3A_256] : memref<10240x128xf32, #tpu.memory_space<hbm>> -> memref<10240x128xf32, #tpu.memory_space<hbm>>
      tpu.enqueue_indirect_dma source(%dma_start3A_257 : memref<10240x128xf32, #tpu.memory_space<hbm>>) target(%dma_start3A_251 : memref<96x128xf32, #tpu.memory_space<vmem>>) offsets(%dma_start3A_254 : memref<96xi32, #tpu.memory_space<vmem>>) semaphore(%arg12 : memref<!tpu.dma_semaphore, #tpu.memory_space<semaphore_mem>>)
      %add3A_258 = arith.constant 1 : i32
      %add3A_259 = arith.addi %mul3A_116, %add3A_258 : i32
      %get3A_260 = arith.index_cast %add3A_259 : i32 to index
      %get3A_261 = arith.constant 0 : index
      %get3A_262 = tpu.vector_load %arg7[%get3A_260, %get3A_261] {strides = array<i32>} : memref<152x96xi32, #tpu.memory_space<vmem>>, vector<1x16xi32>,
      %get3A_263 = vector.shape_cast %get3A_262 : vector<1x16xi32> to vector<16xi32>
      %and3A_264 = arith.constant 65535 : i32
      %and3A_265 = vector.broadcast %and3A_264 : i32 to vector<16xi32>
      %and3A_266 = arith.andi %get3A_263, %and3A_265 : vector<16xi32>
      %swap3A_267 = arith.constant 1 : i32
      %swap3A_268 = arith.index_cast %swap3A_267 : i32 to index
      %swap3A_269 = arith.constant 0 : index
      %swap3A_270 = tpu.vector_load %arg8[%swap3A_268, %swap3A_269] {strides = array<i32>} : memref<2x96xi32, #tpu.memory_space<vmem>>, vector<1x16xi32>,
      %swap3A_271 = vector.shape_cast %swap3A_270 : vector<1x16xi32> to vector<16xi32>
      %swap3A_272 = vector.shape_cast %and3A_266 : vector<16xi32> to vector<1x16xi32>
      tpu.vector_store %arg8[%swap3A_268, %swap3A_269], %swap3A_272 {strides = array<i32>} : memref<2x96xi32, #tpu.memory_space<vmem>>, vector<1x16xi32>,
      %shift_right_logical3A_273 = arith.constant 16 : i32
      %shift_right_logical3A_274 = vector.broadcast %shift_right_logical3A_273 : i32 to vector<16xi32>
      %shift_right_logical3A_275 = arith.shrui %get3A_263, %shift_right_logical3A_274 : vector<16xi32>
      %swap3A_276 = arith.constant 1 : i32
      %swap3A_277 = arith.index_cast %swap3A_276 : i32 to index
      %swap3A_278 = arith.constant 0 : index
      %swap3A_279 = tpu.vector_load %arg9[%swap3A_277, %swap3A_278] {strides = array<i32>} : memref<2x96xi32, #tpu.memory_space<vmem>>, vector<1x16xi32>,
      %swap3A_280 = vector.shape_cast %swap3A_279 : vector<1x16xi32> to vector<16xi32>
      %swap3A_281 = vector.shape_cast %shift_right_logical3A_275 : vector<16xi32> to vector<1x16xi32>
      tpu.vector_store %arg9[%swap3A_277, %swap3A_278], %swap3A_281 {strides = array<i32>} : memref<2x96xi32, #tpu.memory_space<vmem>>, vector<1x16xi32>,
      %get3A_282 = arith.index_cast %add3A_259 : i32 to index
      %get3A_283 = arith.constant 16 : index
      %get3A_284 = tpu.vector_load %arg7[%get3A_282, %get3A_283] {strides = array<i32>} : memref<152x96xi32, #tpu.memory_space<vmem>>, vector<1x16xi32>,
      %get3A_285 = vector.shape_cast %get3A_284 : vector<1x16xi32> to vector<16xi32>
      %and3A_286 = arith.constant 65535 : i32
      %and3A_287 = vector.broadcast %and3A_286 : i32 to vector<16xi32>
      %and3A_288 = arith.andi %get3A_285, %and3A_287 : vector<16xi32>
      %swap3A_289 = arith.constant 1 : i32
      %swap3A_290 = arith.index_cast %swap3A_289 : i32 to index
      %swap3A_291 = arith.constant 16 : index
      %swap3A_292 = tpu.vector_load %arg8[%swap3A_290, %swap3A_291] {strides = array<i32>} : memref<2x96xi32, #tpu.memory_space<vmem>>, vector<1x16xi32>,
      %swap3A_293 = vector.shape_cast %swap3A_292 : vector<1x16xi32> to vector<16xi32>
      %swap3A_294 = vector.shape_cast %and3A_288 : vector<16xi32> to vector<1x16xi32>
      tpu.vector_store %arg8[%swap3A_290, %swap3A_291], %swap3A_294 {strides = array<i32>} : memref<2x96xi32, #tpu.memory_space<vmem>>, vector<1x16xi32>,
      %shift_right_logical3A_295 = arith.constant 16 : i32
      %shift_right_logical3A_296 = vector.broadcast %shift_right_logical3A_295 : i32 to vector<16xi32>
      %shift_right_logical3A_297 = arith.shrui %get3A_285, %shift_right_logical3A_296 : vector<16xi32>
      %swap3A_298 = arith.constant 1 : i32
      %swap3A_299 = arith.index_cast %swap3A_298 : i32 to index
      %swap3A_300 = arith.constant 16 : index
      %swap3A_301 = tpu.vector_load %arg9[%swap3A_299, %swap3A_300] {strides = array<i32>} : memref<2x96xi32, #tpu.memory_space<vmem>>, vector<1x16xi32>,
      %swap3A_302 = vector.shape_cast %swap3A_301 : vector<1x16xi32> to vector<16xi32>
      %swap3A_303 = vector.shape_cast %shift_right_logical3A_297 : vector<16xi32> to vector<1x16xi32>
      tpu.vector_store %arg9[%swap3A_299, %swap3A_300], %swap3A_303 {strides = array<i32>} : memref<2x96xi32, #tpu.memory_space<vmem>>, vector<1x16xi32>,
      %get3A_304 = arith.index_cast %add3A_259 : i32 to index
      %get3A_305 = arith.constant 32 : index
      %get3A_306 = tpu.vector_load %arg7[%get3A_304, %get3A_305] {strides = array<i32>} : memref<152x96xi32, #tpu.memory_space<vmem>>, vector<1x16xi32>,
      %get3A_307 = vector.shape_cast %get3A_306 : vector<1x16xi32> to vector<16xi32>
      %and3A_308 = arith.constant 65535 : i32
      %and3A_309 = vector.broadcast %and3A_308 : i32 to vector<16xi32>
      %and3A_310 = arith.andi %get3A_307, %and3A_309 : vector<16xi32>
      %swap3A_311 = arith.constant 1 : i32
      %swap3A_312 = arith.index_cast %swap3A_311 : i32 to index
      %swap3A_313 = arith.constant 32 : index
      %swap3A_314 = tpu.vector_load %arg8[%swap3A_312, %swap3A_313] {strides = array<i32>} : memref<2x96xi32, #tpu.memory_space<vmem>>, vector<1x16xi32>,
      %swap3A_315 = vector.shape_cast %swap3A_314 : vector<1x16xi32> to vector<16xi32>
      %swap3A_316 = vector.shape_cast %and3A_310 : vector<16xi32> to vector<1x16xi32>
      tpu.vector_store %arg8[%swap3A_312, %swap3A_313], %swap3A_316 {strides = array<i32>} : memref<2x96xi32, #tpu.memory_space<vmem>>, vector<1x16xi32>,
      %shift_right_logical3A_317 = arith.constant 16 : i32
      %shift_right_logical3A_318 = vector.broadcast %shift_right_logical3A_317 : i32 to vector<16xi32>
      %shift_right_logical3A_319 = arith.shrui %get3A_307, %shift_right_logical3A_318 : vector<16xi32>
      %swap3A_320 = arith.constant 1 : i32
      %swap3A_321 = arith.index_cast %swap3A_320 : i32 to index
      %swap3A_322 = arith.constant 32 : index
      %swap3A_323 = tpu.vector_load %arg9[%swap3A_321, %swap3A_322] {strides = array<i32>} : memref<2x96xi32, #tpu.memory_space<vmem>>, vector<1x16xi32>,
      %swap3A_324 = vector.shape_cast %swap3A_323 : vector<1x16xi32> to vector<16xi32>
      %swap3A_325 = vector.shape_cast %shift_right_logical3A_319 : vector<16xi32> to vector<1x16xi32>
      tpu.vector_store %arg9[%swap3A_321, %swap3A_322], %swap3A_325 {strides = array<i32>} : memref<2x96xi32, #tpu.memory_space<vmem>>, vector<1x16xi32>,
      %get3A_326 = arith.index_cast %add3A_259 : i32 to index
      %get3A_327 = arith.constant 48 : index
      %get3A_328 = tpu.vector_load %arg7[%get3A_326, %get3A_327] {strides = array<i32>} : memref<152x96xi32, #tpu.memory_space<vmem>>, vector<1x16xi32>,
      %get3A_329 = vector.shape_cast %get3A_328 : vector<1x16xi32> to vector<16xi32>
      %and3A_330 = arith.constant 65535 : i32
      %and3A_331 = vector.broadcast %and3A_330 : i32 to vector<16xi32>
      %and3A_332 = arith.andi %get3A_329, %and3A_331 : vector<16xi32>
      %swap3A_333 = arith.constant 1 : i32
      %swap3A_334 = arith.index_cast %swap3A_333 : i32 to index
      %swap3A_335 = arith.constant 48 : index
      %swap3A_336 = tpu.vector_load %arg8[%swap3A_334, %swap3A_335] {strides = array<i32>} : memref<2x96xi32, #tpu.memory_space<vmem>>, vector<1x16xi32>,
      %swap3A_337 = vector.shape_cast %swap3A_336 : vector<1x16xi32> to vector<16xi32>
      %swap3A_338 = vector.shape_cast %and3A_332 : vector<16xi32> to vector<1x16xi32>
      tpu.vector_store %arg8[%swap3A_334, %swap3A_335], %swap3A_338 {strides = array<i32>} : memref<2x96xi32, #tpu.memory_space<vmem>>, vector<1x16xi32>,
      %shift_right_logical3A_339 = arith.constant 16 : i32
      %shift_right_logical3A_340 = vector.broadcast %shift_right_logical3A_339 : i32 to vector<16xi32>
      %shift_right_logical3A_341 = arith.shrui %get3A_329, %shift_right_logical3A_340 : vector<16xi32>
      %swap3A_342 = arith.constant 1 : i32
      %swap3A_343 = arith.index_cast %swap3A_342 : i32 to index
      %swap3A_344 = arith.constant 48 : index
      %swap3A_345 = tpu.vector_load %arg9[%swap3A_343, %swap3A_344] {strides = array<i32>} : memref<2x96xi32, #tpu.memory_space<vmem>>, vector<1x16xi32>,
      %swap3A_346 = vector.shape_cast %swap3A_345 : vector<1x16xi32> to vector<16xi32>
      %swap3A_347 = vector.shape_cast %shift_right_logical3A_341 : vector<16xi32> to vector<1x16xi32>
      tpu.vector_store %arg9[%swap3A_343, %swap3A_344], %swap3A_347 {strides = array<i32>} : memref<2x96xi32, #tpu.memory_space<vmem>>, vector<1x16xi32>,
      %get3A_348 = arith.index_cast %add3A_259 : i32 to index
      %get3A_349 = arith.constant 64 : index
      %get3A_350 = tpu.vector_load %arg7[%get3A_348, %get3A_349] {strides = array<i32>} : memref<152x96xi32, #tpu.memory_space<vmem>>, vector<1x16xi32>,
      %get3A_351 = vector.shape_cast %get3A_350 : vector<1x16xi32> to vector<16xi32>
      %and3A_352 = arith.constant 65535 : i32
      %and3A_353 = vector.broadcast %and3A_352 : i32 to vector<16xi32>
      %and3A_354 = arith.andi %get3A_351, %and3A_353 : vector<16xi32>
      %swap3A_355 = arith.constant 1 : i32
      %swap3A_356 = arith.index_cast %swap3A_355 : i32 to index
      %swap3A_357 = arith.constant 64 : index
      %swap3A_358 = tpu.vector_load %arg8[%swap3A_356, %swap3A_357] {strides = array<i32>} : memref<2x96xi32, #tpu.memory_space<vmem>>, vector<1x16xi32>,
      %swap3A_359 = vector.shape_cast %swap3A_358 : vector<1x16xi32> to vector<16xi32>
      %swap3A_360 = vector.shape_cast %and3A_354 : vector<16xi32> to vector<1x16xi32>
      tpu.vector_store %arg8[%swap3A_356, %swap3A_357], %swap3A_360 {strides = array<i32>} : memref<2x96xi32, #tpu.memory_space<vmem>>, vector<1x16xi32>,
      %shift_right_logical3A_361 = arith.constant 16 : i32
      %shift_right_logical3A_362 = vector.broadcast %shift_right_logical3A_361 : i32 to vector<16xi32>
      %shift_right_logical3A_363 = arith.shrui %get3A_351, %shift_right_logical3A_362 : vector<16xi32>
      %swap3A_364 = arith.constant 1 : i32
      %swap3A_365 = arith.index_cast %swap3A_364 : i32 to index
      %swap3A_366 = arith.constant 64 : index
      %swap3A_367 = tpu.vector_load %arg9[%swap3A_365, %swap3A_366] {strides = array<i32>} : memref<2x96xi32, #tpu.memory_space<vmem>>, vector<1x16xi32>,
      %swap3A_368 = vector.shape_cast %swap3A_367 : vector<1x16xi32> to vector<16xi32>
      %swap3A_369 = vector.shape_cast %shift_right_logical3A_363 : vector<16xi32> to vector<1x16xi32>
      tpu.vector_store %arg9[%swap3A_365, %swap3A_366], %swap3A_369 {strides = array<i32>} : memref<2x96xi32, #tpu.memory_space<vmem>>, vector<1x16xi32>,
      %get3A_370 = arith.index_cast %add3A_259 : i32 to index
      %get3A_371 = arith.constant 80 : index
      %get3A_372 = tpu.vector_load %arg7[%get3A_370, %get3A_371] {strides = array<i32>} : memref<152x96xi32, #tpu.memory_space<vmem>>, vector<1x16xi32>,
      %get3A_373 = vector.shape_cast %get3A_372 : vector<1x16xi32> to vector<16xi32>
      %and3A_374 = arith.constant 65535 : i32
      %and3A_375 = vector.broadcast %and3A_374 : i32 to vector<16xi32>
      %and3A_376 = arith.andi %get3A_373, %and3A_375 : vector<16xi32>
      %swap3A_377 = arith.constant 1 : i32
      %swap3A_378 = arith.index_cast %swap3A_377 : i32 to index
      %swap3A_379 = arith.constant 80 : index
      %swap3A_380 = tpu.vector_load %arg8[%swap3A_378, %swap3A_379] {strides = array<i32>} : memref<2x96xi32, #tpu.memory_space<vmem>>, vector<1x16xi32>,
      %swap3A_381 = vector.shape_cast %swap3A_380 : vector<1x16xi32> to vector<16xi32>
      %swap3A_382 = vector.shape_cast %and3A_376 : vector<16xi32> to vector<1x16xi32>
      tpu.vector_store %arg8[%swap3A_378, %swap3A_379], %swap3A_382 {strides = array<i32>} : memref<2x96xi32, #tpu.memory_space<vmem>>, vector<1x16xi32>,
      %shift_right_logical3A_383 = arith.constant 16 : i32
      %shift_right_logical3A_384 = vector.broadcast %shift_right_logical3A_383 : i32 to vector<16xi32>
      %shift_right_logical3A_385 = arith.shrui %get3A_373, %shift_right_logical3A_384 : vector<16xi32>
      %swap3A_386 = arith.constant 1 : i32
      %swap3A_387 = arith.index_cast %swap3A_386 : i32 to index
      %swap3A_388 = arith.constant 80 : index
      %swap3A_389 = tpu.vector_load %arg9[%swap3A_387, %swap3A_388] {strides = array<i32>} : memref<2x96xi32, #tpu.memory_space<vmem>>, vector<1x16xi32>,
      %swap3A_390 = vector.shape_cast %swap3A_389 : vector<1x16xi32> to vector<16xi32>
      %swap3A_391 = vector.shape_cast %shift_right_logical3A_385 : vector<16xi32> to vector<1x16xi32>
      tpu.vector_store %arg9[%swap3A_387, %swap3A_388], %swap3A_391 {strides = array<i32>} : memref<2x96xi32, #tpu.memory_space<vmem>>, vector<1x16xi32>,
      %dma_start3A_392 = arith.constant 1 : i32
      %dma_start3A_393 = arith.constant 1 : i32
      %dma_start3A_394 = arith.constant 0 : i32
      %dma_start3A_395 = arith.constant 0 : i32
      %dma_start3A_396 = tpu.memref_slice %arg10[%dma_start3A_393, %dma_start3A_394, %dma_start3A_395] : memref<2x96x128xf32, #tpu.memory_space<vmem>> -> memref<1x96x128xf32, #tpu.memory_space<vmem>>
      %dma_start3A_397 = tpu.memref_squeeze %dma_start3A_396 : memref<1x96x128xf32, #tpu.memory_space<vmem>> -> memref<96x128xf32, #tpu.memory_space<vmem>>
      %dma_start3A_398 = arith.constant 0 : i32
      %dma_start3A_399 = tpu.memref_slice %arg8[%dma_start3A_392, %dma_start3A_398] : memref<2x96xi32, #tpu.memory_space<vmem>> -> memref<1x96xi32, #tpu.memory_space<vmem>>
      %dma_start3A_400 = tpu.memref_squeeze %dma_start3A_399 : memref<1x96xi32, #tpu.memory_space<vmem>> -> memref<96xi32, #tpu.memory_space<vmem>>
      %dma_start3A_401 = arith.constant 0 : i32
      %dma_start3A_402 = arith.constant 0 : i32
      %dma_start3A_403 = tpu.memref_slice %arg2[%dma_start3A_401, %dma_start3A_402] : memref<10240x128xf32, #tpu.memory_space<hbm>> -> memref<10240x128xf32, #tpu.memory_space<hbm>>
      tpu.enqueue_indirect_dma source(%dma_start3A_403 : memref<10240x128xf32, #tpu.memory_space<hbm>>) target(%dma_start3A_397 : memref<96x128xf32, #tpu.memory_space<vmem>>) offsets(%dma_start3A_400 : memref<96xi32, #tpu.memory_space<vmem>>) semaphore(%arg13 : memref<!tpu.dma_semaphore, #tpu.memory_space<semaphore_mem>>)
      %dma_wait3A = arith.constant 0 : i32
      %dma_wait3A_404 = arith.constant 0 : i32
      %dma_wait3A_405 = arith.constant 0 : i32
      %dma_wait3A_406 = arith.constant 0 : i32
      %dma_wait3A_407 = tpu.memref_slice %arg10[%dma_wait3A_404, %dma_wait3A_405, %dma_wait3A_406] : memref<2x96x128xf32, #tpu.memory_space<vmem>> -> memref<1x96x128xf32, #tpu.memory_space<vmem>>
      %dma_wait3A_408 = tpu.memref_squeeze %dma_wait3A_407 : memref<1x96x128xf32, #tpu.memory_space<vmem>> -> memref<96x128xf32, #tpu.memory_space<vmem>>
      %dma_wait3A_409 = arith.constant 0 : i32
      %dma_wait3A_410 = tpu.memref_slice %arg8[%dma_wait3A, %dma_wait3A_409] : memref<2x96xi32, #tpu.memory_space<vmem>> -> memref<1x96xi32, #tpu.memory_space<vmem>>
      %dma_wait3A_411 = tpu.memref_squeeze %dma_wait3A_410 : memref<1x96xi32, #tpu.memory_space<vmem>> -> memref<96xi32, #tpu.memory_space<vmem>>
      %dma_wait3A_412 = arith.constant 0 : i32
      %dma_wait3A_413 = arith.constant 0 : i32
      %dma_wait3A_414 = tpu.memref_slice %arg2[%dma_wait3A_412, %dma_wait3A_413] : memref<10240x128xf32, #tpu.memory_space<hbm>> -> memref<10240x128xf32, #tpu.memory_space<hbm>>
      tpu.wait_indirect_dma semaphore(%arg12 : memref<!tpu.dma_semaphore, #tpu.memory_space<semaphore_mem>>) src(%dma_wait3A_414 : memref<10240x128xf32, #tpu.memory_space<hbm>>) dst(%dma_wait3A_408 : memref<96x128xf32, #tpu.memory_space<vmem>>)
      %run_scoped3A_415 = arith.constant 0 : i32
      %run_scoped3A_416 = arith.constant 0 : i32
      "tpu.region"() ({
        %run_scoped3A_431 = tpu.sem_alloc : memref<!tpu.dma_semaphore, #tpu.memory_space<semaphore_mem>>
        %dma_start3A_432 = arith.constant 0 : i32
        %dma_start3A_433 = arith.constant 0 : i32
        %dma_start3A_434 = tpu.memref_slice %arg10[%run_scoped3A_415, %dma_start3A_432, %dma_start3A_433] : memref<2x96x128xf32, #tpu.memory_space<vmem>> -> memref<1x96x128xf32, #tpu.memory_space<vmem>>
        %dma_start3A_435 = tpu.memref_squeeze %dma_start3A_434 : memref<1x96x128xf32, #tpu.memory_space<vmem>> -> memref<96x128xf32, #tpu.memory_space<vmem>>
        %dma_start3A_436 = arith.constant 0 : i32
        %dma_start3A_437 = tpu.memref_slice %arg9[%run_scoped3A_416, %dma_start3A_436] : memref<2x96xi32, #tpu.memory_space<vmem>> -> memref<1x96xi32, #tpu.memory_space<vmem>>
        %dma_start3A_438 = tpu.memref_squeeze %dma_start3A_437 : memref<1x96xi32, #tpu.memory_space<vmem>> -> memref<96xi32, #tpu.memory_space<vmem>>
        %dma_start3A_439 = arith.constant 0 : i32
        %dma_start3A_440 = arith.constant 0 : i32
        %dma_start3A_441 = tpu.memref_slice %arg11[%dma_start3A_439, %dma_start3A_440] : memref<10240x128xf32, #tpu.memory_space<vmem_shared>> -> memref<10240x128xf32, #tpu.memory_space<vmem_shared>>
        tpu.enqueue_indirect_dma source(%dma_start3A_435 : memref<96x128xf32, #tpu.memory_space<vmem>>) target(%dma_start3A_441 : memref<10240x128xf32, #tpu.memory_space<vmem_shared>>) offsets(%dma_start3A_438 : memref<96xi32, #tpu.memory_space<vmem>>) semaphore(%run_scoped3A_431 : memref<!tpu.dma_semaphore, #tpu.memory_space<semaphore_mem>>) {add = true}
        %dma_wait3A_442 = arith.constant 0 : i32
        %dma_wait3A_443 = arith.constant 0 : i32
        %dma_wait3A_444 = tpu.memref_slice %arg10[%run_scoped3A_415, %dma_wait3A_442, %dma_wait3A_443] : memref<2x96x128xf32, #tpu.memory_space<vmem>> -> memref<1x96x128xf32, #tpu.memory_space<vmem>>
        %dma_wait3A_445 = tpu.memref_squeeze %dma_wait3A_444 : memref<1x96x128xf32, #tpu.memory_space<vmem>> -> memref<96x128xf32, #tpu.memory_space<vmem>>
        %dma_wait3A_446 = arith.constant 0 : i32
        %dma_wait3A_447 = tpu.memref_slice %arg9[%run_scoped3A_416, %dma_wait3A_446] : memref<2x96xi32, #tpu.memory_space<vmem>> -> memref<1x96xi32, #tpu.memory_space<vmem>>
        %dma_wait3A_448 = tpu.memref_squeeze %dma_wait3A_447 : memref<1x96xi32, #tpu.memory_space<vmem>> -> memref<96xi32, #tpu.memory_space<vmem>>
        %dma_wait3A_449 = arith.constant 0 : i32
        %dma_wait3A_450 = arith.constant 0 : i32
        %dma_wait3A_451 = tpu.memref_slice %arg11[%dma_wait3A_449, %dma_wait3A_450] : memref<10240x128xf32, #tpu.memory_space<vmem_shared>> -> memref<10240x128xf32, #tpu.memory_space<vmem_shared>>
        tpu.wait_indirect_dma semaphore(%run_scoped3A_431 : memref<!tpu.dma_semaphore, #tpu.memory_space<semaphore_mem>>) src(%dma_wait3A_445 : memref<96x128xf32, #tpu.memory_space<vmem>>) dst(%dma_wait3A_451 : memref<10240x128xf32, #tpu.memory_space<vmem_shared>>)
        tpu.yield
      }) : () -> ()
      %dma_wait3A_417 = arith.constant 1 : i32
      %dma_wait3A_418 = arith.constant 1 : i32
      %dma_wait3A_419 = arith.constant 0 : i32
      %dma_wait3A_420 = arith.constant 0 : i32
      %dma_wait3A_421 = tpu.memref_slice %arg10[%dma_wait3A_418, %dma_wait3A_419, %dma_wait3A_420] : memref<2x96x128xf32, #tpu.memory_space<vmem>> -> memref<1x96x128xf32, #tpu.memory_space<vmem>>
      %dma_wait3A_422 = tpu.memref_squeeze %dma_wait3A_421 : memref<1x96x128xf32, #tpu.memory_space<vmem>> -> memref<96x128xf32, #tpu.memory_space<vmem>>
      %dma_wait3A_423 = arith.constant 0 : i32
      %dma_wait3A_424 = tpu.memref_slice %arg8[%dma_wait3A_417, %dma_wait3A_423] : memref<2x96xi32, #tpu.memory_space<vmem>> -> memref<1x96xi32, #tpu.memory_space<vmem>>
      %dma_wait3A_425 = tpu.memref_squeeze %dma_wait3A_424 : memref<1x96xi32, #tpu.memory_space<vmem>> -> memref<96xi32, #tpu.memory_space<vmem>>
      %dma_wait3A_426 = arith.constant 0 : i32
      %dma_wait3A_427 = arith.constant 0 : i32
      %dma_wait3A_428 = tpu.memref_slice %arg2[%dma_wait3A_426, %dma_wait3A_427] : memref<10240x128xf32, #tpu.memory_space<hbm>> -> memref<10240x128xf32, #tpu.memory_space<hbm>>
      tpu.wait_indirect_dma semaphore(%arg13 : memref<!tpu.dma_semaphore, #tpu.memory_space<semaphore_mem>>) src(%dma_wait3A_428 : memref<10240x128xf32, #tpu.memory_space<hbm>>) dst(%dma_wait3A_422 : memref<96x128xf32, #tpu.memory_space<vmem>>)
      %run_scoped3A_429 = arith.constant 1 : i32
      %run_scoped3A_430 = arith.constant 1 : i32
      "tpu.region"() ({
        %run_scoped3A_431 = tpu.sem_alloc : memref<!tpu.dma_semaphore, #tpu.memory_space<semaphore_mem>>
        %dma_start3A_432 = arith.constant 0 : i32
        %dma_start3A_433 = arith.constant 0 : i32
        %dma_start3A_434 = tpu.memref_slice %arg10[%run_scoped3A_429, %dma_start3A_432, %dma_start3A_433] : memref<2x96x128xf32, #tpu.memory_space<vmem>> -> memref<1x96x128xf32, #tpu.memory_space<vmem>>
        %dma_start3A_435 = tpu.memref_squeeze %dma_start3A_434 : memref<1x96x128xf32, #tpu.memory_space<vmem>> -> memref<96x128xf32, #tpu.memory_space<vmem>>
        %dma_start3A_436 = arith.constant 0 : i32
        %dma_start3A_437 = tpu.memref_slice %arg9[%run_scoped3A_430, %dma_start3A_436] : memref<2x96xi32, #tpu.memory_space<vmem>> -> memref<1x96xi32, #tpu.memory_space<vmem>>
        %dma_start3A_438 = tpu.memref_squeeze %dma_start3A_437 : memref<1x96xi32, #tpu.memory_space<vmem>> -> memref<96xi32, #tpu.memory_space<vmem>>
        %dma_start3A_439 = arith.constant 0 : i32
        %dma_start3A_440 = arith.constant 0 : i32
        %dma_start3A_441 = tpu.memref_slice %arg11[%dma_start3A_439, %dma_start3A_440] : memref<10240x128xf32, #tpu.memory_space<vmem_shared>> -> memref<10240x128xf32, #tpu.memory_space<vmem_shared>>
        tpu.enqueue_indirect_dma source(%dma_start3A_435 : memref<96x128xf32, #tpu.memory_space<vmem>>) target(%dma_start3A_441 : memref<10240x128xf32, #tpu.memory_space<vmem_shared>>) offsets(%dma_start3A_438 : memref<96xi32, #tpu.memory_space<vmem>>) semaphore(%run_scoped3A_431 : memref<!tpu.dma_semaphore, #tpu.memory_space<semaphore_mem>>) {add = true}
        %dma_wait3A_442 = arith.constant 0 : i32
        %dma_wait3A_443 = arith.constant 0 : i32
        %dma_wait3A_444 = tpu.memref_slice %arg10[%run_scoped3A_429, %dma_wait3A_442, %dma_wait3A_443] : memref<2x96x128xf32, #tpu.memory_space<vmem>> -> memref<1x96x128xf32, #tpu.memory_space<vmem>>
        %dma_wait3A_445 = tpu.memref_squeeze %dma_wait3A_444 : memref<1x96x128xf32, #tpu.memory_space<vmem>> -> memref<96x128xf32, #tpu.memory_space<vmem>>
        %dma_wait3A_446 = arith.constant 0 : i32
        %dma_wait3A_447 = tpu.memref_slice %arg9[%run_scoped3A_430, %dma_wait3A_446] : memref<2x96xi32, #tpu.memory_space<vmem>> -> memref<1x96xi32, #tpu.memory_space<vmem>>
        %dma_wait3A_448 = tpu.memref_squeeze %dma_wait3A_447 : memref<1x96xi32, #tpu.memory_space<vmem>> -> memref<96xi32, #tpu.memory_space<vmem>>
        %dma_wait3A_449 = arith.constant 0 : i32
        %dma_wait3A_450 = arith.constant 0 : i32
        %dma_wait3A_451 = tpu.memref_slice %arg11[%dma_wait3A_449, %dma_wait3A_450] : memref<10240x128xf32, #tpu.memory_space<vmem_shared>> -> memref<10240x128xf32, #tpu.memory_space<vmem_shared>>
        tpu.wait_indirect_dma semaphore(%run_scoped3A_431 : memref<!tpu.dma_semaphore, #tpu.memory_space<semaphore_mem>>) src(%dma_wait3A_445 : memref<96x128xf32, #tpu.memory_space<vmem>>) dst(%dma_wait3A_451 : memref<10240x128xf32, #tpu.memory_space<vmem_shared>>)
        tpu.yield
      }) : () -> ()
    }
    %while3A_51 = arith.constant 1 : i32
    scf.for %while3A_114 = %while3A_49 to %while3A_45 step %while3A_51  : i32 {
      %mul3A_115 = arith.constant 2 : i32
      %mul3A_116 = arith.muli %while3A_114, %mul3A_115 : i32
      %add3A_117 = arith.constant 0 : i32
      %add3A_118 = arith.addi %mul3A_116, %add3A_117 : i32
      %get3A = arith.index_cast %add3A_118 : i32 to index
      %get3A_119 = arith.constant 0 : index
      %get3A_120 = tpu.vector_load %arg7[%get3A, %get3A_119] {strides = array<i32>} : memref<152x96xi32, #tpu.memory_space<vmem>>, vector<1x16xi32>,
      %get3A_121 = vector.shape_cast %get3A_120 : vector<1x16xi32> to vector<16xi32>
      %and3A = arith.constant 65535 : i32
      %and3A_122 = vector.broadcast %and3A : i32 to vector<16xi32>
      %and3A_123 = arith.andi %get3A_121, %and3A_122 : vector<16xi32>
      %swap3A = arith.constant 0 : i32
      %swap3A_124 = arith.index_cast %swap3A : i32 to index
      %swap3A_125 = arith.constant 0 : index
      %swap3A_126 = tpu.vector_load %arg8[%swap3A_124, %swap3A_125] {strides = array<i32>} : memref<2x96xi32, #tpu.memory_space<vmem>>, vector<1x16xi32>,
      %swap3A_127 = vector.shape_cast %swap3A_126 : vector<1x16xi32> to vector<16xi32>
      %swap3A_128 = vector.shape_cast %and3A_123 : vector<16xi32> to vector<1x16xi32>
      tpu.vector_store %arg8[%swap3A_124, %swap3A_125], %swap3A_128 {strides = array<i32>} : memref<2x96xi32, #tpu.memory_space<vmem>>, vector<1x16xi32>,
      %shift_right_logical3A = arith.constant 16 : i32
      %shift_right_logical3A_129 = vector.broadcast %shift_right_logical3A : i32 to vector<16xi32>
      %shift_right_logical3A_130 = arith.shrui %get3A_121, %shift_right_logical3A_129 : vector<16xi32>
      %swap3A_131 = arith.constant 0 : i32
      %swap3A_132 = arith.index_cast %swap3A_131 : i32 to index
      %swap3A_133 = arith.constant 0 : index
      %swap3A_134 = tpu.vector_load %arg9[%swap3A_132, %swap3A_133] {strides = array<i32>} : memref<2x96xi32, #tpu.memory_space<vmem>>, vector<1x16xi32>,
      %swap3A_135 = vector.shape_cast %swap3A_134 : vector<1x16xi32> to vector<16xi32>
      %swap3A_136 = vector.shape_cast %shift_right_logical3A_130 : vector<16xi32> to vector<1x16xi32>
      tpu.vector_store %arg9[%swap3A_132, %swap3A_133], %swap3A_136 {strides = array<i32>} : memref<2x96xi32, #tpu.memory_space<vmem>>, vector<1x16xi32>,
      %get3A_137 = arith.index_cast %add3A_118 : i32 to index
      %get3A_138 = arith.constant 16 : index
      %get3A_139 = tpu.vector_load %arg7[%get3A_137, %get3A_138] {strides = array<i32>} : memref<152x96xi32, #tpu.memory_space<vmem>>, vector<1x16xi32>,
      %get3A_140 = vector.shape_cast %get3A_139 : vector<1x16xi32> to vector<16xi32>
      %and3A_141 = arith.constant 65535 : i32
      %and3A_142 = vector.broadcast %and3A_141 : i32 to vector<16xi32>
      %and3A_143 = arith.andi %get3A_140, %and3A_142 : vector<16xi32>
      %swap3A_144 = arith.constant 0 : i32
      %swap3A_145 = arith.index_cast %swap3A_144 : i32 to index
      %swap3A_146 = arith.constant 16 : index
      %swap3A_147 = tpu.vector_load %arg8[%swap3A_145, %swap3A_146] {strides = array<i32>} : memref<2x96xi32, #tpu.memory_space<vmem>>, vector<1x16xi32>,
      %swap3A_148 = vector.shape_cast %swap3A_147 : vector<1x16xi32> to vector<16xi32>
      %swap3A_149 = vector.shape_cast %and3A_143 : vector<16xi32> to vector<1x16xi32>
      tpu.vector_store %arg8[%swap3A_145, %swap3A_146], %swap3A_149 {strides = array<i32>} : memref<2x96xi32, #tpu.memory_space<vmem>>, vector<1x16xi32>,
      %shift_right_logical3A_150 = arith.constant 16 : i32
      %shift_right_logical3A_151 = vector.broadcast %shift_right_logical3A_150 : i32 to vector<16xi32>
      %shift_right_logical3A_152 = arith.shrui %get3A_140, %shift_right_logical3A_151 : vector<16xi32>
      %swap3A_153 = arith.constant 0 : i32
      %swap3A_154 = arith.index_cast %swap3A_153 : i32 to index
      %swap3A_155 = arith.constant 16 : index
      %swap3A_156 = tpu.vector_load %arg9[%swap3A_154, %swap3A_155] {strides = array<i32>} : memref<2x96xi32, #tpu.memory_space<vmem>>, vector<1x16xi32>,
      %swap3A_157 = vector.shape_cast %swap3A_156 : vector<1x16xi32> to vector<16xi32>
      %swap3A_158 = vector.shape_cast %shift_right_logical3A_152 : vector<16xi32> to vector<1x16xi32>
      tpu.vector_store %arg9[%swap3A_154, %swap3A_155], %swap3A_158 {strides = array<i32>} : memref<2x96xi32, #tpu.memory_space<vmem>>, vector<1x16xi32>,
      %get3A_159 = arith.index_cast %add3A_118 : i32 to index
      %get3A_160 = arith.constant 32 : index
      %get3A_161 = tpu.vector_load %arg7[%get3A_159, %get3A_160] {strides = array<i32>} : memref<152x96xi32, #tpu.memory_space<vmem>>, vector<1x16xi32>,
      %get3A_162 = vector.shape_cast %get3A_161 : vector<1x16xi32> to vector<16xi32>
      %and3A_163 = arith.constant 65535 : i32
      %and3A_164 = vector.broadcast %and3A_163 : i32 to vector<16xi32>
      %and3A_165 = arith.andi %get3A_162, %and3A_164 : vector<16xi32>
      %swap3A_166 = arith.constant 0 : i32
      %swap3A_167 = arith.index_cast %swap3A_166 : i32 to index
      %swap3A_168 = arith.constant 32 : index
      %swap3A_169 = tpu.vector_load %arg8[%swap3A_167, %swap3A_168] {strides = array<i32>} : memref<2x96xi32, #tpu.memory_space<vmem>>, vector<1x16xi32>,
      %swap3A_170 = vector.shape_cast %swap3A_169 : vector<1x16xi32> to vector<16xi32>
      %swap3A_171 = vector.shape_cast %and3A_165 : vector<16xi32> to vector<1x16xi32>
      tpu.vector_store %arg8[%swap3A_167, %swap3A_168], %swap3A_171 {strides = array<i32>} : memref<2x96xi32, #tpu.memory_space<vmem>>, vector<1x16xi32>,
      %shift_right_logical3A_172 = arith.constant 16 : i32
      %shift_right_logical3A_173 = vector.broadcast %shift_right_logical3A_172 : i32 to vector<16xi32>
      %shift_right_logical3A_174 = arith.shrui %get3A_162, %shift_right_logical3A_173 : vector<16xi32>
      %swap3A_175 = arith.constant 0 : i32
      %swap3A_176 = arith.index_cast %swap3A_175 : i32 to index
      %swap3A_177 = arith.constant 32 : index
      %swap3A_178 = tpu.vector_load %arg9[%swap3A_176, %swap3A_177] {strides = array<i32>} : memref<2x96xi32, #tpu.memory_space<vmem>>, vector<1x16xi32>,
      %swap3A_179 = vector.shape_cast %swap3A_178 : vector<1x16xi32> to vector<16xi32>
      %swap3A_180 = vector.shape_cast %shift_right_logical3A_174 : vector<16xi32> to vector<1x16xi32>
      tpu.vector_store %arg9[%swap3A_176, %swap3A_177], %swap3A_180 {strides = array<i32>} : memref<2x96xi32, #tpu.memory_space<vmem>>, vector<1x16xi32>,
      %get3A_181 = arith.index_cast %add3A_118 : i32 to index
      %get3A_182 = arith.constant 48 : index
      %get3A_183 = tpu.vector_load %arg7[%get3A_181, %get3A_182] {strides = array<i32>} : memref<152x96xi32, #tpu.memory_space<vmem>>, vector<1x16xi32>,
      %get3A_184 = vector.shape_cast %get3A_183 : vector<1x16xi32> to vector<16xi32>
      %and3A_185 = arith.constant 65535 : i32
      %and3A_186 = vector.broadcast %and3A_185 : i32 to vector<16xi32>
      %and3A_187 = arith.andi %get3A_184, %and3A_186 : vector<16xi32>
      %swap3A_188 = arith.constant 0 : i32
      %swap3A_189 = arith.index_cast %swap3A_188 : i32 to index
      %swap3A_190 = arith.constant 48 : index
      %swap3A_191 = tpu.vector_load %arg8[%swap3A_189, %swap3A_190] {strides = array<i32>} : memref<2x96xi32, #tpu.memory_space<vmem>>, vector<1x16xi32>,
      %swap3A_192 = vector.shape_cast %swap3A_191 : vector<1x16xi32> to vector<16xi32>
      %swap3A_193 = vector.shape_cast %and3A_187 : vector<16xi32> to vector<1x16xi32>
      tpu.vector_store %arg8[%swap3A_189, %swap3A_190], %swap3A_193 {strides = array<i32>} : memref<2x96xi32, #tpu.memory_space<vmem>>, vector<1x16xi32>,
      %shift_right_logical3A_194 = arith.constant 16 : i32
      %shift_right_logical3A_195 = vector.broadcast %shift_right_logical3A_194 : i32 to vector<16xi32>
      %shift_right_logical3A_196 = arith.shrui %get3A_184, %shift_right_logical3A_195 : vector<16xi32>
      %swap3A_197 = arith.constant 0 : i32
      %swap3A_198 = arith.index_cast %swap3A_197 : i32 to index
      %swap3A_199 = arith.constant 48 : index
      %swap3A_200 = tpu.vector_load %arg9[%swap3A_198, %swap3A_199] {strides = array<i32>} : memref<2x96xi32, #tpu.memory_space<vmem>>, vector<1x16xi32>,
      %swap3A_201 = vector.shape_cast %swap3A_200 : vector<1x16xi32> to vector<16xi32>
      %swap3A_202 = vector.shape_cast %shift_right_logical3A_196 : vector<16xi32> to vector<1x16xi32>
      tpu.vector_store %arg9[%swap3A_198, %swap3A_199], %swap3A_202 {strides = array<i32>} : memref<2x96xi32, #tpu.memory_space<vmem>>, vector<1x16xi32>,
      %get3A_203 = arith.index_cast %add3A_118 : i32 to index
      %get3A_204 = arith.constant 64 : index
      %get3A_205 = tpu.vector_load %arg7[%get3A_203, %get3A_204] {strides = array<i32>} : memref<152x96xi32, #tpu.memory_space<vmem>>, vector<1x16xi32>,
      %get3A_206 = vector.shape_cast %get3A_205 : vector<1x16xi32> to vector<16xi32>
      %and3A_207 = arith.constant 65535 : i32
      %and3A_208 = vector.broadcast %and3A_207 : i32 to vector<16xi32>
      %and3A_209 = arith.andi %get3A_206, %and3A_208 : vector<16xi32>
      %swap3A_210 = arith.constant 0 : i32
      %swap3A_211 = arith.index_cast %swap3A_210 : i32 to index
      %swap3A_212 = arith.constant 64 : index
      %swap3A_213 = tpu.vector_load %arg8[%swap3A_211, %swap3A_212] {strides = array<i32>} : memref<2x96xi32, #tpu.memory_space<vmem>>, vector<1x16xi32>,
      %swap3A_214 = vector.shape_cast %swap3A_213 : vector<1x16xi32> to vector<16xi32>
      %swap3A_215 = vector.shape_cast %and3A_209 : vector<16xi32> to vector<1x16xi32>
      tpu.vector_store %arg8[%swap3A_211, %swap3A_212], %swap3A_215 {strides = array<i32>} : memref<2x96xi32, #tpu.memory_space<vmem>>, vector<1x16xi32>,
      %shift_right_logical3A_216 = arith.constant 16 : i32
      %shift_right_logical3A_217 = vector.broadcast %shift_right_logical3A_216 : i32 to vector<16xi32>
      %shift_right_logical3A_218 = arith.shrui %get3A_206, %shift_right_logical3A_217 : vector<16xi32>
      %swap3A_219 = arith.constant 0 : i32
      %swap3A_220 = arith.index_cast %swap3A_219 : i32 to index
      %swap3A_221 = arith.constant 64 : index
      %swap3A_222 = tpu.vector_load %arg9[%swap3A_220, %swap3A_221] {strides = array<i32>} : memref<2x96xi32, #tpu.memory_space<vmem>>, vector<1x16xi32>,
      %swap3A_223 = vector.shape_cast %swap3A_222 : vector<1x16xi32> to vector<16xi32>
      %swap3A_224 = vector.shape_cast %shift_right_logical3A_218 : vector<16xi32> to vector<1x16xi32>
      tpu.vector_store %arg9[%swap3A_220, %swap3A_221], %swap3A_224 {strides = array<i32>} : memref<2x96xi32, #tpu.memory_space<vmem>>, vector<1x16xi32>,
      %get3A_225 = arith.index_cast %add3A_118 : i32 to index
      %get3A_226 = arith.constant 80 : index
      %get3A_227 = tpu.vector_load %arg7[%get3A_225, %get3A_226] {strides = array<i32>} : memref<152x96xi32, #tpu.memory_space<vmem>>, vector<1x16xi32>,
      %get3A_228 = vector.shape_cast %get3A_227 : vector<1x16xi32> to vector<16xi32>
      %and3A_229 = arith.constant 65535 : i32
      %and3A_230 = vector.broadcast %and3A_229 : i32 to vector<16xi32>
      %and3A_231 = arith.andi %get3A_228, %and3A_230 : vector<16xi32>
      %swap3A_232 = arith.constant 0 : i32
      %swap3A_233 = arith.index_cast %swap3A_232 : i32 to index
      %swap3A_234 = arith.constant 80 : index
      %swap3A_235 = tpu.vector_load %arg8[%swap3A_233, %swap3A_234] {strides = array<i32>} : memref<2x96xi32, #tpu.memory_space<vmem>>, vector<1x16xi32>,
      %swap3A_236 = vector.shape_cast %swap3A_235 : vector<1x16xi32> to vector<16xi32>
      %swap3A_237 = vector.shape_cast %and3A_231 : vector<16xi32> to vector<1x16xi32>
      tpu.vector_store %arg8[%swap3A_233, %swap3A_234], %swap3A_237 {strides = array<i32>} : memref<2x96xi32, #tpu.memory_space<vmem>>, vector<1x16xi32>,
      %shift_right_logical3A_238 = arith.constant 16 : i32
      %shift_right_logical3A_239 = vector.broadcast %shift_right_logical3A_238 : i32 to vector<16xi32>
      %shift_right_logical3A_240 = arith.shrui %get3A_228, %shift_right_logical3A_239 : vector<16xi32>
      %swap3A_241 = arith.constant 0 : i32
      %swap3A_242 = arith.index_cast %swap3A_241 : i32 to index
      %swap3A_243 = arith.constant 80 : index
      %swap3A_244 = tpu.vector_load %arg9[%swap3A_242, %swap3A_243] {strides = array<i32>} : memref<2x96xi32, #tpu.memory_space<vmem>>, vector<1x16xi32>,
      %swap3A_245 = vector.shape_cast %swap3A_244 : vector<1x16xi32> to vector<16xi32>
      %swap3A_246 = vector.shape_cast %shift_right_logical3A_240 : vector<16xi32> to vector<1x16xi32>
      tpu.vector_store %arg9[%swap3A_242, %swap3A_243], %swap3A_246 {strides = array<i32>} : memref<2x96xi32, #tpu.memory_space<vmem>>, vector<1x16xi32>,
      %dma_start3A = arith.constant 0 : i32
      %dma_start3A_247 = arith.constant 0 : i32
      %dma_start3A_248 = arith.constant 0 : i32
      %dma_start3A_249 = arith.constant 0 : i32
      %dma_start3A_250 = tpu.memref_slice %arg10[%dma_start3A_247, %dma_start3A_248, %dma_start3A_249] : memref<2x96x128xf32, #tpu.memory_space<vmem>> -> memref<1x96x128xf32, #tpu.memory_space<vmem>>
      %dma_start3A_251 = tpu.memref_squeeze %dma_start3A_250 : memref<1x96x128xf32, #tpu.memory_space<vmem>> -> memref<96x128xf32, #tpu.memory_space<vmem>>
      %dma_start3A_252 = arith.constant 0 : i32
      %dma_start3A_253 = tpu.memref_slice %arg8[%dma_start3A, %dma_start3A_252] : memref<2x96xi32, #tpu.memory_space<vmem>> -> memref<1x96xi32, #tpu.memory_space<vmem>>
      %dma_start3A_254 = tpu.memref_squeeze %dma_start3A_253 : memref<1x96xi32, #tpu.memory_space<vmem>> -> memref<96xi32, #tpu.memory_space<vmem>>
      %dma_start3A_255 = arith.constant 0 : i32
      %dma_start3A_256 = arith.constant 0 : i32
      %dma_start3A_257 = tpu.memref_slice %arg2[%dma_start3A_255, %dma_start3A_256] : memref<10240x128xf32, #tpu.memory_space<hbm>> -> memref<10240x128xf32, #tpu.memory_space<hbm>>
      tpu.enqueue_indirect_dma source(%dma_start3A_257 : memref<10240x128xf32, #tpu.memory_space<hbm>>) target(%dma_start3A_251 : memref<96x128xf32, #tpu.memory_space<vmem>>) offsets(%dma_start3A_254 : memref<96xi32, #tpu.memory_space<vmem>>) semaphore(%arg12 : memref<!tpu.dma_semaphore, #tpu.memory_space<semaphore_mem>>)
      %add3A_258 = arith.constant 1 : i32
      %add3A_259 = arith.addi %mul3A_116, %add3A_258 : i32
      %get3A_260 = arith.index_cast %add3A_259 : i32 to index
      %get3A_261 = arith.constant 0 : index
      %get3A_262 = tpu.vector_load %arg7[%get3A_260, %get3A_261] {strides = array<i32>} : memref<152x96xi32, #tpu.memory_space<vmem>>, vector<1x16xi32>,
      %get3A_263 = vector.shape_cast %get3A_262 : vector<1x16xi32> to vector<16xi32>
      %and3A_264 = arith.constant 65535 : i32
      %and3A_265 = vector.broadcast %and3A_264 : i32 to vector<16xi32>
      %and3A_266 = arith.andi %get3A_263, %and3A_265 : vector<16xi32>
      %swap3A_267 = arith.constant 1 : i32
      %swap3A_268 = arith.index_cast %swap3A_267 : i32 to index
      %swap3A_269 = arith.constant 0 : index
      %swap3A_270 = tpu.vector_load %arg8[%swap3A_268, %swap3A_269] {strides = array<i32>} : memref<2x96xi32, #tpu.memory_space<vmem>>, vector<1x16xi32>,
      %swap3A_271 = vector.shape_cast %swap3A_270 : vector<1x16xi32> to vector<16xi32>
      %swap3A_272 = vector.shape_cast %and3A_266 : vector<16xi32> to vector<1x16xi32>
      tpu.vector_store %arg8[%swap3A_268, %swap3A_269], %swap3A_272 {strides = array<i32>} : memref<2x96xi32, #tpu.memory_space<vmem>>, vector<1x16xi32>,
      %shift_right_logical3A_273 = arith.constant 16 : i32
      %shift_right_logical3A_274 = vector.broadcast %shift_right_logical3A_273 : i32 to vector<16xi32>
      %shift_right_logical3A_275 = arith.shrui %get3A_263, %shift_right_logical3A_274 : vector<16xi32>
      %swap3A_276 = arith.constant 1 : i32
      %swap3A_277 = arith.index_cast %swap3A_276 : i32 to index
      %swap3A_278 = arith.constant 0 : index
      %swap3A_279 = tpu.vector_load %arg9[%swap3A_277, %swap3A_278] {strides = array<i32>} : memref<2x96xi32, #tpu.memory_space<vmem>>, vector<1x16xi32>,
      %swap3A_280 = vector.shape_cast %swap3A_279 : vector<1x16xi32> to vector<16xi32>
      %swap3A_281 = vector.shape_cast %shift_right_logical3A_275 : vector<16xi32> to vector<1x16xi32>
      tpu.vector_store %arg9[%swap3A_277, %swap3A_278], %swap3A_281 {strides = array<i32>} : memref<2x96xi32, #tpu.memory_space<vmem>>, vector<1x16xi32>,
      %get3A_282 = arith.index_cast %add3A_259 : i32 to index
      %get3A_283 = arith.constant 16 : index
      %get3A_284 = tpu.vector_load %arg7[%get3A_282, %get3A_283] {strides = array<i32>} : memref<152x96xi32, #tpu.memory_space<vmem>>, vector<1x16xi32>,
      %get3A_285 = vector.shape_cast %get3A_284 : vector<1x16xi32> to vector<16xi32>
      %and3A_286 = arith.constant 65535 : i32
      %and3A_287 = vector.broadcast %and3A_286 : i32 to vector<16xi32>
      %and3A_288 = arith.andi %get3A_285, %and3A_287 : vector<16xi32>
      %swap3A_289 = arith.constant 1 : i32
      %swap3A_290 = arith.index_cast %swap3A_289 : i32 to index
      %swap3A_291 = arith.constant 16 : index
      %swap3A_292 = tpu.vector_load %arg8[%swap3A_290, %swap3A_291] {strides = array<i32>} : memref<2x96xi32, #tpu.memory_space<vmem>>, vector<1x16xi32>,
      %swap3A_293 = vector.shape_cast %swap3A_292 : vector<1x16xi32> to vector<16xi32>
      %swap3A_294 = vector.shape_cast %and3A_288 : vector<16xi32> to vector<1x16xi32>
      tpu.vector_store %arg8[%swap3A_290, %swap3A_291], %swap3A_294 {strides = array<i32>} : memref<2x96xi32, #tpu.memory_space<vmem>>, vector<1x16xi32>,
      %shift_right_logical3A_295 = arith.constant 16 : i32
      %shift_right_logical3A_296 = vector.broadcast %shift_right_logical3A_295 : i32 to vector<16xi32>
      %shift_right_logical3A_297 = arith.shrui %get3A_285, %shift_right_logical3A_296 : vector<16xi32>
      %swap3A_298 = arith.constant 1 : i32
      %swap3A_299 = arith.index_cast %swap3A_298 : i32 to index
      %swap3A_300 = arith.constant 16 : index
      %swap3A_301 = tpu.vector_load %arg9[%swap3A_299, %swap3A_300] {strides = array<i32>} : memref<2x96xi32, #tpu.memory_space<vmem>>, vector<1x16xi32>,
      %swap3A_302 = vector.shape_cast %swap3A_301 : vector<1x16xi32> to vector<16xi32>
      %swap3A_303 = vector.shape_cast %shift_right_logical3A_297 : vector<16xi32> to vector<1x16xi32>
      tpu.vector_store %arg9[%swap3A_299, %swap3A_300], %swap3A_303 {strides = array<i32>} : memref<2x96xi32, #tpu.memory_space<vmem>>, vector<1x16xi32>,
      %get3A_304 = arith.index_cast %add3A_259 : i32 to index
      %get3A_305 = arith.constant 32 : index
      %get3A_306 = tpu.vector_load %arg7[%get3A_304, %get3A_305] {strides = array<i32>} : memref<152x96xi32, #tpu.memory_space<vmem>>, vector<1x16xi32>,
      %get3A_307 = vector.shape_cast %get3A_306 : vector<1x16xi32> to vector<16xi32>
      %and3A_308 = arith.constant 65535 : i32
      %and3A_309 = vector.broadcast %and3A_308 : i32 to vector<16xi32>
      %and3A_310 = arith.andi %get3A_307, %and3A_309 : vector<16xi32>
      %swap3A_311 = arith.constant 1 : i32
      %swap3A_312 = arith.index_cast %swap3A_311 : i32 to index
      %swap3A_313 = arith.constant 32 : index
      %swap3A_314 = tpu.vector_load %arg8[%swap3A_312, %swap3A_313] {strides = array<i32>} : memref<2x96xi32, #tpu.memory_space<vmem>>, vector<1x16xi32>,
      %swap3A_315 = vector.shape_cast %swap3A_314 : vector<1x16xi32> to vector<16xi32>
      %swap3A_316 = vector.shape_cast %and3A_310 : vector<16xi32> to vector<1x16xi32>
      tpu.vector_store %arg8[%swap3A_312, %swap3A_313], %swap3A_316 {strides = array<i32>} : memref<2x96xi32, #tpu.memory_space<vmem>>, vector<1x16xi32>,
      %shift_right_logical3A_317 = arith.constant 16 : i32
      %shift_right_logical3A_318 = vector.broadcast %shift_right_logical3A_317 : i32 to vector<16xi32>
      %shift_right_logical3A_319 = arith.shrui %get3A_307, %shift_right_logical3A_318 : vector<16xi32>
      %swap3A_320 = arith.constant 1 : i32
      %swap3A_321 = arith.index_cast %swap3A_320 : i32 to index
      %swap3A_322 = arith.constant 32 : index
      %swap3A_323 = tpu.vector_load %arg9[%swap3A_321, %swap3A_322] {strides = array<i32>} : memref<2x96xi32, #tpu.memory_space<vmem>>, vector<1x16xi32>,
      %swap3A_324 = vector.shape_cast %swap3A_323 : vector<1x16xi32> to vector<16xi32>
      %swap3A_325 = vector.shape_cast %shift_right_logical3A_319 : vector<16xi32> to vector<1x16xi32>
      tpu.vector_store %arg9[%swap3A_321, %swap3A_322], %swap3A_325 {strides = array<i32>} : memref<2x96xi32, #tpu.memory_space<vmem>>, vector<1x16xi32>,
      %get3A_326 = arith.index_cast %add3A_259 : i32 to index
      %get3A_327 = arith.constant 48 : index
      %get3A_328 = tpu.vector_load %arg7[%get3A_326, %get3A_327] {strides = array<i32>} : memref<152x96xi32, #tpu.memory_space<vmem>>, vector<1x16xi32>,
      %get3A_329 = vector.shape_cast %get3A_328 : vector<1x16xi32> to vector<16xi32>
      %and3A_330 = arith.constant 65535 : i32
      %and3A_331 = vector.broadcast %and3A_330 : i32 to vector<16xi32>
      %and3A_332 = arith.andi %get3A_329, %and3A_331 : vector<16xi32>
      %swap3A_333 = arith.constant 1 : i32
      %swap3A_334 = arith.index_cast %swap3A_333 : i32 to index
      %swap3A_335 = arith.constant 48 : index
      %swap3A_336 = tpu.vector_load %arg8[%swap3A_334, %swap3A_335] {strides = array<i32>} : memref<2x96xi32, #tpu.memory_space<vmem>>, vector<1x16xi32>,
      %swap3A_337 = vector.shape_cast %swap3A_336 : vector<1x16xi32> to vector<16xi32>
      %swap3A_338 = vector.shape_cast %and3A_332 : vector<16xi32> to vector<1x16xi32>
      tpu.vector_store %arg8[%swap3A_334, %swap3A_335], %swap3A_338 {strides = array<i32>} : memref<2x96xi32, #tpu.memory_space<vmem>>, vector<1x16xi32>,
      %shift_right_logical3A_339 = arith.constant 16 : i32
      %shift_right_logical3A_340 = vector.broadcast %shift_right_logical3A_339 : i32 to vector<16xi32>
      %shift_right_logical3A_341 = arith.shrui %get3A_329, %shift_right_logical3A_340 : vector<16xi32>
      %swap3A_342 = arith.constant 1 : i32
      %swap3A_343 = arith.index_cast %swap3A_342 : i32 to index
      %swap3A_344 = arith.constant 48 : index
      %swap3A_345 = tpu.vector_load %arg9[%swap3A_343, %swap3A_344] {strides = array<i32>} : memref<2x96xi32, #tpu.memory_space<vmem>>, vector<1x16xi32>,
      %swap3A_346 = vector.shape_cast %swap3A_345 : vector<1x16xi32> to vector<16xi32>
      %swap3A_347 = vector.shape_cast %shift_right_logical3A_341 : vector<16xi32> to vector<1x16xi32>
      tpu.vector_store %arg9[%swap3A_343, %swap3A_344], %swap3A_347 {strides = array<i32>} : memref<2x96xi32, #tpu.memory_space<vmem>>, vector<1x16xi32>,
      %get3A_348 = arith.index_cast %add3A_259 : i32 to index
      %get3A_349 = arith.constant 64 : index
      %get3A_350 = tpu.vector_load %arg7[%get3A_348, %get3A_349] {strides = array<i32>} : memref<152x96xi32, #tpu.memory_space<vmem>>, vector<1x16xi32>,
      %get3A_351 = vector.shape_cast %get3A_350 : vector<1x16xi32> to vector<16xi32>
      %and3A_352 = arith.constant 65535 : i32
      %and3A_353 = vector.broadcast %and3A_352 : i32 to vector<16xi32>
      %and3A_354 = arith.andi %get3A_351, %and3A_353 : vector<16xi32>
      %swap3A_355 = arith.constant 1 : i32
      %swap3A_356 = arith.index_cast %swap3A_355 : i32 to index
      %swap3A_357 = arith.constant 64 : index
      %swap3A_358 = tpu.vector_load %arg8[%swap3A_356, %swap3A_357] {strides = array<i32>} : memref<2x96xi32, #tpu.memory_space<vmem>>, vector<1x16xi32>,
      %swap3A_359 = vector.shape_cast %swap3A_358 : vector<1x16xi32> to vector<16xi32>
      %swap3A_360 = vector.shape_cast %and3A_354 : vector<16xi32> to vector<1x16xi32>
      tpu.vector_store %arg8[%swap3A_356, %swap3A_357], %swap3A_360 {strides = array<i32>} : memref<2x96xi32, #tpu.memory_space<vmem>>, vector<1x16xi32>,
      %shift_right_logical3A_361 = arith.constant 16 : i32
      %shift_right_logical3A_362 = vector.broadcast %shift_right_logical3A_361 : i32 to vector<16xi32>
      %shift_right_logical3A_363 = arith.shrui %get3A_351, %shift_right_logical3A_362 : vector<16xi32>
      %swap3A_364 = arith.constant 1 : i32
      %swap3A_365 = arith.index_cast %swap3A_364 : i32 to index
      %swap3A_366 = arith.constant 64 : index
      %swap3A_367 = tpu.vector_load %arg9[%swap3A_365, %swap3A_366] {strides = array<i32>} : memref<2x96xi32, #tpu.memory_space<vmem>>, vector<1x16xi32>,
      %swap3A_368 = vector.shape_cast %swap3A_367 : vector<1x16xi32> to vector<16xi32>
      %swap3A_369 = vector.shape_cast %shift_right_logical3A_363 : vector<16xi32> to vector<1x16xi32>
      tpu.vector_store %arg9[%swap3A_365, %swap3A_366], %swap3A_369 {strides = array<i32>} : memref<2x96xi32, #tpu.memory_space<vmem>>, vector<1x16xi32>,
      %get3A_370 = arith.index_cast %add3A_259 : i32 to index
      %get3A_371 = arith.constant 80 : index
      %get3A_372 = tpu.vector_load %arg7[%get3A_370, %get3A_371] {strides = array<i32>} : memref<152x96xi32, #tpu.memory_space<vmem>>, vector<1x16xi32>,
      %get3A_373 = vector.shape_cast %get3A_372 : vector<1x16xi32> to vector<16xi32>
      %and3A_374 = arith.constant 65535 : i32
      %and3A_375 = vector.broadcast %and3A_374 : i32 to vector<16xi32>
      %and3A_376 = arith.andi %get3A_373, %and3A_375 : vector<16xi32>
      %swap3A_377 = arith.constant 1 : i32
      %swap3A_378 = arith.index_cast %swap3A_377 : i32 to index
      %swap3A_379 = arith.constant 80 : index
      %swap3A_380 = tpu.vector_load %arg8[%swap3A_378, %swap3A_379] {strides = array<i32>} : memref<2x96xi32, #tpu.memory_space<vmem>>, vector<1x16xi32>,
      %swap3A_381 = vector.shape_cast %swap3A_380 : vector<1x16xi32> to vector<16xi32>
      %swap3A_382 = vector.shape_cast %and3A_376 : vector<16xi32> to vector<1x16xi32>
      tpu.vector_store %arg8[%swap3A_378, %swap3A_379], %swap3A_382 {strides = array<i32>} : memref<2x96xi32, #tpu.memory_space<vmem>>, vector<1x16xi32>,
      %shift_right_logical3A_383 = arith.constant 16 : i32
      %shift_right_logical3A_384 = vector.broadcast %shift_right_logical3A_383 : i32 to vector<16xi32>
      %shift_right_logical3A_385 = arith.shrui %get3A_373, %shift_right_logical3A_384 : vector<16xi32>
      %swap3A_386 = arith.constant 1 : i32
      %swap3A_387 = arith.index_cast %swap3A_386 : i32 to index
      %swap3A_388 = arith.constant 80 : index
      %swap3A_389 = tpu.vector_load %arg9[%swap3A_387, %swap3A_388] {strides = array<i32>} : memref<2x96xi32, #tpu.memory_space<vmem>>, vector<1x16xi32>,
      %swap3A_390 = vector.shape_cast %swap3A_389 : vector<1x16xi32> to vector<16xi32>
      %swap3A_391 = vector.shape_cast %shift_right_logical3A_385 : vector<16xi32> to vector<1x16xi32>
      tpu.vector_store %arg9[%swap3A_387, %swap3A_388], %swap3A_391 {strides = array<i32>} : memref<2x96xi32, #tpu.memory_space<vmem>>, vector<1x16xi32>,
      %dma_start3A_392 = arith.constant 1 : i32
      %dma_start3A_393 = arith.constant 1 : i32
      %dma_start3A_394 = arith.constant 0 : i32
      %dma_start3A_395 = arith.constant 0 : i32
      %dma_start3A_396 = tpu.memref_slice %arg10[%dma_start3A_393, %dma_start3A_394, %dma_start3A_395] : memref<2x96x128xf32, #tpu.memory_space<vmem>> -> memref<1x96x128xf32, #tpu.memory_space<vmem>>
      %dma_start3A_397 = tpu.memref_squeeze %dma_start3A_396 : memref<1x96x128xf32, #tpu.memory_space<vmem>> -> memref<96x128xf32, #tpu.memory_space<vmem>>
      %dma_start3A_398 = arith.constant 0 : i32
      %dma_start3A_399 = tpu.memref_slice %arg8[%dma_start3A_392, %dma_start3A_398] : memref<2x96xi32, #tpu.memory_space<vmem>> -> memref<1x96xi32, #tpu.memory_space<vmem>>
      %dma_start3A_400 = tpu.memref_squeeze %dma_start3A_399 : memref<1x96xi32, #tpu.memory_space<vmem>> -> memref<96xi32, #tpu.memory_space<vmem>>
      %dma_start3A_401 = arith.constant 0 : i32
      %dma_start3A_402 = arith.constant 0 : i32
      %dma_start3A_403 = tpu.memref_slice %arg2[%dma_start3A_401, %dma_start3A_402] : memref<10240x128xf32, #tpu.memory_space<hbm>> -> memref<10240x128xf32, #tpu.memory_space<hbm>>
      tpu.enqueue_indirect_dma source(%dma_start3A_403 : memref<10240x128xf32, #tpu.memory_space<hbm>>) target(%dma_start3A_397 : memref<96x128xf32, #tpu.memory_space<vmem>>) offsets(%dma_start3A_400 : memref<96xi32, #tpu.memory_space<vmem>>) semaphore(%arg13 : memref<!tpu.dma_semaphore, #tpu.memory_space<semaphore_mem>>)
      %dma_wait3A = arith.constant 0 : i32
      %dma_wait3A_404 = arith.constant 0 : i32
      %dma_wait3A_405 = arith.constant 0 : i32
      %dma_wait3A_406 = arith.constant 0 : i32
      %dma_wait3A_407 = tpu.memref_slice %arg10[%dma_wait3A_404, %dma_wait3A_405, %dma_wait3A_406] : memref<2x96x128xf32, #tpu.memory_space<vmem>> -> memref<1x96x128xf32, #tpu.memory_space<vmem>>
      %dma_wait3A_408 = tpu.memref_squeeze %dma_wait3A_407 : memref<1x96x128xf32, #tpu.memory_space<vmem>> -> memref<96x128xf32, #tpu.memory_space<vmem>>
      %dma_wait3A_409 = arith.constant 0 : i32
      %dma_wait3A_410 = tpu.memref_slice %arg8[%dma_wait3A, %dma_wait3A_409] : memref<2x96xi32, #tpu.memory_space<vmem>> -> memref<1x96xi32, #tpu.memory_space<vmem>>
      %dma_wait3A_411 = tpu.memref_squeeze %dma_wait3A_410 : memref<1x96xi32, #tpu.memory_space<vmem>> -> memref<96xi32, #tpu.memory_space<vmem>>
      %dma_wait3A_412 = arith.constant 0 : i32
      %dma_wait3A_413 = arith.constant 0 : i32
      %dma_wait3A_414 = tpu.memref_slice %arg2[%dma_wait3A_412, %dma_wait3A_413] : memref<10240x128xf32, #tpu.memory_space<hbm>> -> memref<10240x128xf32, #tpu.memory_space<hbm>>
      tpu.wait_indirect_dma semaphore(%arg12 : memref<!tpu.dma_semaphore, #tpu.memory_space<semaphore_mem>>) src(%dma_wait3A_414 : memref<10240x128xf32, #tpu.memory_space<hbm>>) dst(%dma_wait3A_408 : memref<96x128xf32, #tpu.memory_space<vmem>>)
      %run_scoped3A_415 = arith.constant 0 : i32
      %run_scoped3A_416 = arith.constant 0 : i32
      "tpu.region"() ({
        %run_scoped3A_431 = tpu.sem_alloc : memref<!tpu.dma_semaphore, #tpu.memory_space<semaphore_mem>>
        %dma_start3A_432 = arith.constant 0 : i32
        %dma_start3A_433 = arith.constant 0 : i32
        %dma_start3A_434 = tpu.memref_slice %arg10[%run_scoped3A_415, %dma_start3A_432, %dma_start3A_433] : memref<2x96x128xf32, #tpu.memory_space<vmem>> -> memref<1x96x128xf32, #tpu.memory_space<vmem>>
        %dma_start3A_435 = tpu.memref_squeeze %dma_start3A_434 : memref<1x96x128xf32, #tpu.memory_space<vmem>> -> memref<96x128xf32, #tpu.memory_space<vmem>>
        %dma_start3A_436 = arith.constant 0 : i32
        %dma_start3A_437 = tpu.memref_slice %arg9[%run_scoped3A_416, %dma_start3A_436] : memref<2x96xi32, #tpu.memory_space<vmem>> -> memref<1x96xi32, #tpu.memory_space<vmem>>
        %dma_start3A_438 = tpu.memref_squeeze %dma_start3A_437 : memref<1x96xi32, #tpu.memory_space<vmem>> -> memref<96xi32, #tpu.memory_space<vmem>>
        %dma_start3A_439 = arith.constant 0 : i32
        %dma_start3A_440 = arith.constant 0 : i32
        %dma_start3A_441 = tpu.memref_slice %arg11[%dma_start3A_439, %dma_start3A_440] : memref<10240x128xf32, #tpu.memory_space<vmem_shared>> -> memref<10240x128xf32, #tpu.memory_space<vmem_shared>>
        tpu.enqueue_indirect_dma source(%dma_start3A_435 : memref<96x128xf32, #tpu.memory_space<vmem>>) target(%dma_start3A_441 : memref<10240x128xf32, #tpu.memory_space<vmem_shared>>) offsets(%dma_start3A_438 : memref<96xi32, #tpu.memory_space<vmem>>) semaphore(%run_scoped3A_431 : memref<!tpu.dma_semaphore, #tpu.memory_space<semaphore_mem>>) {add = true}
        %dma_wait3A_442 = arith.constant 0 : i32
        %dma_wait3A_443 = arith.constant 0 : i32
        %dma_wait3A_444 = tpu.memref_slice %arg10[%run_scoped3A_415, %dma_wait3A_442, %dma_wait3A_443] : memref<2x96x128xf32, #tpu.memory_space<vmem>> -> memref<1x96x128xf32, #tpu.memory_space<vmem>>
        %dma_wait3A_445 = tpu.memref_squeeze %dma_wait3A_444 : memref<1x96x128xf32, #tpu.memory_space<vmem>> -> memref<96x128xf32, #tpu.memory_space<vmem>>
        %dma_wait3A_446 = arith.constant 0 : i32
        %dma_wait3A_447 = tpu.memref_slice %arg9[%run_scoped3A_416, %dma_wait3A_446] : memref<2x96xi32, #tpu.memory_space<vmem>> -> memref<1x96xi32, #tpu.memory_space<vmem>>
        %dma_wait3A_448 = tpu.memref_squeeze %dma_wait3A_447 : memref<1x96xi32, #tpu.memory_space<vmem>> -> memref<96xi32, #tpu.memory_space<vmem>>
        %dma_wait3A_449 = arith.constant 0 : i32
        %dma_wait3A_450 = arith.constant 0 : i32
        %dma_wait3A_451 = tpu.memref_slice %arg11[%dma_wait3A_449, %dma_wait3A_450] : memref<10240x128xf32, #tpu.memory_space<vmem_shared>> -> memref<10240x128xf32, #tpu.memory_space<vmem_shared>>
        tpu.wait_indirect_dma semaphore(%run_scoped3A_431 : memref<!tpu.dma_semaphore, #tpu.memory_space<semaphore_mem>>) src(%dma_wait3A_445 : memref<96x128xf32, #tpu.memory_space<vmem>>) dst(%dma_wait3A_451 : memref<10240x128xf32, #tpu.memory_space<vmem_shared>>)
        tpu.yield
      }) : () -> ()
      %dma_wait3A_417 = arith.constant 1 : i32
      %dma_wait3A_418 = arith.constant 1 : i32
      %dma_wait3A_419 = arith.constant 0 : i32
      %dma_wait3A_420 = arith.constant 0 : i32
      %dma_wait3A_421 = tpu.memref_slice %arg10[%dma_wait3A_418, %dma_wait3A_419, %dma_wait3A_420] : memref<2x96x128xf32, #tpu.memory_space<vmem>> -> memref<1x96x128xf32, #tpu.memory_space<vmem>>
      %dma_wait3A_422 = tpu.memref_squeeze %dma_wait3A_421 : memref<1x96x128xf32, #tpu.memory_space<vmem>> -> memref<96x128xf32, #tpu.memory_space<vmem>>
      %dma_wait3A_423 = arith.constant 0 : i32
      %dma_wait3A_424 = tpu.memref_slice %arg8[%dma_wait3A_417, %dma_wait3A_423] : memref<2x96xi32, #tpu.memory_space<vmem>> -> memref<1x96xi32, #tpu.memory_space<vmem>>
      %dma_wait3A_425 = tpu.memref_squeeze %dma_wait3A_424 : memref<1x96xi32, #tpu.memory_space<vmem>> -> memref<96xi32, #tpu.memory_space<vmem>>
      %dma_wait3A_426 = arith.constant 0 : i32
      %dma_wait3A_427 = arith.constant 0 : i32
      %dma_wait3A_428 = tpu.memref_slice %arg2[%dma_wait3A_426, %dma_wait3A_427] : memref<10240x128xf32, #tpu.memory_space<hbm>> -> memref<10240x128xf32, #tpu.memory_space<hbm>>
      tpu.wait_indirect_dma semaphore(%arg13 : memref<!tpu.dma_semaphore, #tpu.memory_space<semaphore_mem>>) src(%dma_wait3A_428 : memref<10240x128xf32, #tpu.memory_space<hbm>>) dst(%dma_wait3A_422 : memref<96x128xf32, #tpu.memory_space<vmem>>)
      %run_scoped3A_429 = arith.constant 1 : i32
      %run_scoped3A_430 = arith.constant 1 : i32
      "tpu.region"() ({
        %run_scoped3A_431 = tpu.sem_alloc : memref<!tpu.dma_semaphore, #tpu.memory_space<semaphore_mem>>
        %dma_start3A_432 = arith.constant 0 : i32
        %dma_start3A_433 = arith.constant 0 : i32
        %dma_start3A_434 = tpu.memref_slice %arg10[%run_scoped3A_429, %dma_start3A_432, %dma_start3A_433] : memref<2x96x128xf32, #tpu.memory_space<vmem>> -> memref<1x96x128xf32, #tpu.memory_space<vmem>>
        %dma_start3A_435 = tpu.memref_squeeze %dma_start3A_434 : memref<1x96x128xf32, #tpu.memory_space<vmem>> -> memref<96x128xf32, #tpu.memory_space<vmem>>
        %dma_start3A_436 = arith.constant 0 : i32
        %dma_start3A_437 = tpu.memref_slice %arg9[%run_scoped3A_430, %dma_start3A_436] : memref<2x96xi32, #tpu.memory_space<vmem>> -> memref<1x96xi32, #tpu.memory_space<vmem>>
        %dma_start3A_438 = tpu.memref_squeeze %dma_start3A_437 : memref<1x96xi32, #tpu.memory_space<vmem>> -> memref<96xi32, #tpu.memory_space<vmem>>
        %dma_start3A_439 = arith.constant 0 : i32
        %dma_start3A_440 = arith.constant 0 : i32
        %dma_start3A_441 = tpu.memref_slice %arg11[%dma_start3A_439, %dma_start3A_440] : memref<10240x128xf32, #tpu.memory_space<vmem_shared>> -> memref<10240x128xf32, #tpu.memory_space<vmem_shared>>
        tpu.enqueue_indirect_dma source(%dma_start3A_435 : memref<96x128xf32, #tpu.memory_space<vmem>>) target(%dma_start3A_441 : memref<10240x128xf32, #tpu.memory_space<vmem_shared>>) offsets(%dma_start3A_438 : memref<96xi32, #tpu.memory_space<vmem>>) semaphore(%run_scoped3A_431 : memref<!tpu.dma_semaphore, #tpu.memory_space<semaphore_mem>>) {add = true}
        %dma_wait3A_442 = arith.constant 0 : i32
        %dma_wait3A_443 = arith.constant 0 : i32
        %dma_wait3A_444 = tpu.memref_slice %arg10[%run_scoped3A_429, %dma_wait3A_442, %dma_wait3A_443] : memref<2x96x128xf32, #tpu.memory_space<vmem>> -> memref<1x96x128xf32, #tpu.memory_space<vmem>>
        %dma_wait3A_445 = tpu.memref_squeeze %dma_wait3A_444 : memref<1x96x128xf32, #tpu.memory_space<vmem>> -> memref<96x128xf32, #tpu.memory_space<vmem>>
        %dma_wait3A_446 = arith.constant 0 : i32
        %dma_wait3A_447 = tpu.memref_slice %arg9[%run_scoped3A_430, %dma_wait3A_446] : memref<2x96xi32, #tpu.memory_space<vmem>> -> memref<1x96xi32, #tpu.memory_space<vmem>>
        %dma_wait3A_448 = tpu.memref_squeeze %dma_wait3A_447 : memref<1x96xi32, #tpu.memory_space<vmem>> -> memref<96xi32, #tpu.memory_space<vmem>>
        %dma_wait3A_449 = arith.constant 0 : i32
        %dma_wait3A_450 = arith.constant 0 : i32
        %dma_wait3A_451 = tpu.memref_slice %arg11[%dma_wait3A_449, %dma_wait3A_450] : memref<10240x128xf32, #tpu.memory_space<vmem_shared>> -> memref<10240x128xf32, #tpu.memory_space<vmem_shared>>
        tpu.wait_indirect_dma semaphore(%run_scoped3A_431 : memref<!tpu.dma_semaphore, #tpu.memory_space<semaphore_mem>>) src(%dma_wait3A_445 : memref<96x128xf32, #tpu.memory_space<vmem>>) dst(%dma_wait3A_451 : memref<10240x128xf32, #tpu.memory_space<vmem_shared>>)
        tpu.yield
      }) : () -> ()
    }
    %barrier3A_52 = arith.constant 0 : index
    tpu.barrier barrier_id(%barrier3A_52)
    %mul3A_53 = arith.constant 10240 : i32
    %mul3A_54 = arith.muli %arg0, %mul3A_53 : i32
    %mul3A_55 = arith.constant 640 : i32
    %mul3A_56 = arith.muli %arg1, %mul3A_55 : i32
    %add3A_57 = arith.addi %mul3A_54, %mul3A_56 : i32
    %mul3A_58 = arith.constant 640 : i32
    %mul3A_59 = arith.muli %arg1, %mul3A_58 : i32
    %add3A_60 = arith.constant 0 : i32
    %add3A_61 = arith.addi %mul3A_59, %add3A_60 : i32
    %run_scoped3A_62 = arith.constant 0 : i32
    "tpu.region"() ({
      %run_scoped3A_114 = tpu.sem_alloc : memref<!tpu.dma_semaphore, #tpu.memory_space<semaphore_mem>>
      %dma_start3A = arith.constant 0 : i32
      %dma_start3A_115 = arith.constant 0 : i32
      %dma_start3A_116 = tpu.memref_slice %arg10[%run_scoped3A_62, %dma_start3A, %dma_start3A_115] : memref<2x96x128xf32, #tpu.memory_space<vmem>> -> memref<1x96x128xf32, #tpu.memory_space<vmem>>
      %dma_start3A_117 = tpu.memref_squeeze %dma_start3A_116 : memref<1x96x128xf32, #tpu.memory_space<vmem>> -> memref<96x128xf32, #tpu.memory_space<vmem>>
      %dma_start3A_118 = arith.constant 0 : i32
      %dma_start3A_119 = tpu.memref_slice %arg11[%add3A_61, %dma_start3A_118] : memref<10240x128xf32, #tpu.memory_space<vmem_shared>> -> memref<96x128xf32, #tpu.memory_space<vmem_shared>>
      %dma_start3A_120 = arith.constant 0 : i32
      %dma_start3A_121 = arith.constant 0 : i32
      %dma_start3A_122 = tpu.memref_slice %arg10[%run_scoped3A_62, %dma_start3A_120, %dma_start3A_121] : memref<2x96x128xf32, #tpu.memory_space<vmem>> -> memref<1x96x128xf32, #tpu.memory_space<vmem>>
      %dma_start3A_123 = tpu.memref_squeeze %dma_start3A_122 : memref<1x96x128xf32, #tpu.memory_space<vmem>> -> memref<96x128xf32, #tpu.memory_space<vmem>>
      %dma_start3A_124 = arith.constant 0 : i32
      %dma_start3A_125 = tpu.memref_slice %arg11[%add3A_61, %dma_start3A_124] : memref<10240x128xf32, #tpu.memory_space<vmem_shared>> -> memref<96x128xf32, #tpu.memory_space<vmem_shared>>
      tpu.enqueue_dma source(%dma_start3A_125 : memref<96x128xf32, #tpu.memory_space<vmem_shared>>) target(%dma_start3A_123 : memref<96x128xf32, #tpu.memory_space<vmem>>) target_semaphore(%run_scoped3A_114 : memref<!tpu.dma_semaphore, #tpu.memory_space<semaphore_mem>>)
      %dma_wait3A = arith.constant 0 : i32
      %dma_wait3A_126 = arith.constant 0 : i32
      %dma_wait3A_127 = tpu.memref_slice %arg10[%run_scoped3A_62, %dma_wait3A, %dma_wait3A_126] : memref<2x96x128xf32, #tpu.memory_space<vmem>> -> memref<1x96x128xf32, #tpu.memory_space<vmem>>
      %dma_wait3A_128 = tpu.memref_squeeze %dma_wait3A_127 : memref<1x96x128xf32, #tpu.memory_space<vmem>> -> memref<96x128xf32, #tpu.memory_space<vmem>>
      %dma_wait3A_129 = arith.constant 0 : i32
      %dma_wait3A_130 = tpu.memref_slice %arg11[%add3A_61, %dma_wait3A_129] : memref<10240x128xf32, #tpu.memory_space<vmem_shared>> -> memref<96x128xf32, #tpu.memory_space<vmem_shared>>
      %dma_wait3A_131 = arith.constant 0 : i32
      %dma_wait3A_132 = arith.constant 0 : i32
      %dma_wait3A_133 = tpu.memref_slice %arg10[%run_scoped3A_62, %dma_wait3A_131, %dma_wait3A_132] : memref<2x96x128xf32, #tpu.memory_space<vmem>> -> memref<1x96x128xf32, #tpu.memory_space<vmem>>
      %dma_wait3A_134 = tpu.memref_squeeze %dma_wait3A_133 : memref<1x96x128xf32, #tpu.memory_space<vmem>> -> memref<96x128xf32, #tpu.memory_space<vmem>>
      %dma_wait3A_135 = arith.constant 0 : i32
      %dma_wait3A_136 = tpu.memref_slice %arg11[%add3A_61, %dma_wait3A_135] : memref<10240x128xf32, #tpu.memory_space<vmem_shared>> -> memref<96x128xf32, #tpu.memory_space<vmem_shared>>
      tpu.wait_dma2 semaphore(%run_scoped3A_114 : memref<!tpu.dma_semaphore, #tpu.memory_space<semaphore_mem>>) src(%dma_wait3A_136 : memref<96x128xf32, #tpu.memory_space<vmem_shared>>) dst(%dma_wait3A_134 : memref<96x128xf32, #tpu.memory_space<vmem>>)
      tpu.yield
    }) : () -> ()
    %add3A_63 = arith.constant 0 : i32
    %add3A_64 = arith.addi %add3A_57, %add3A_63 : i32
    %run_scoped3A_65 = arith.constant 0 : i32
    "tpu.region"() ({
      %run_scoped3A_114 = tpu.sem_alloc : memref<!tpu.dma_semaphore, #tpu.memory_space<semaphore_mem>>
      %dma_start3A = arith.constant 0 : i32
      %dma_start3A_115 = arith.constant 0 : i32
      %dma_start3A_116 = tpu.memref_slice %arg10[%run_scoped3A_65, %dma_start3A, %dma_start3A_115] : memref<2x96x128xf32, #tpu.memory_space<vmem>> -> memref<1x96x128xf32, #tpu.memory_space<vmem>>
      %dma_start3A_117 = tpu.memref_squeeze %dma_start3A_116 : memref<1x96x128xf32, #tpu.memory_space<vmem>> -> memref<96x128xf32, #tpu.memory_space<vmem>>
      %dma_start3A_118 = arith.constant 0 : i32
      %dma_start3A_119 = tpu.memref_slice %arg6[%add3A_64, %dma_start3A_118] : memref<20480x128xf32, #tpu.memory_space<hbm>> -> memref<96x128xf32, #tpu.memory_space<hbm>>
      %dma_start3A_120 = arith.constant 0 : i32
      %dma_start3A_121 = tpu.memref_slice %arg6[%add3A_64, %dma_start3A_120] : memref<20480x128xf32, #tpu.memory_space<hbm>> -> memref<96x128xf32, #tpu.memory_space<hbm>>
      %dma_start3A_122 = arith.constant 0 : i32
      %dma_start3A_123 = arith.constant 0 : i32
      %dma_start3A_124 = tpu.memref_slice %arg10[%run_scoped3A_65, %dma_start3A_122, %dma_start3A_123] : memref<2x96x128xf32, #tpu.memory_space<vmem>> -> memref<1x96x128xf32, #tpu.memory_space<vmem>>
      %dma_start3A_125 = tpu.memref_squeeze %dma_start3A_124 : memref<1x96x128xf32, #tpu.memory_space<vmem>> -> memref<96x128xf32, #tpu.memory_space<vmem>>
      tpu.enqueue_dma source(%dma_start3A_125 : memref<96x128xf32, #tpu.memory_space<vmem>>) target(%dma_start3A_121 : memref<96x128xf32, #tpu.memory_space<hbm>>) target_semaphore(%run_scoped3A_114 : memref<!tpu.dma_semaphore, #tpu.memory_space<semaphore_mem>>)
      %dma_wait3A = arith.constant 0 : i32
      %dma_wait3A_126 = arith.constant 0 : i32
      %dma_wait3A_127 = tpu.memref_slice %arg10[%run_scoped3A_65, %dma_wait3A, %dma_wait3A_126] : memref<2x96x128xf32, #tpu.memory_space<vmem>> -> memref<1x96x128xf32, #tpu.memory_space<vmem>>
      %dma_wait3A_128 = tpu.memref_squeeze %dma_wait3A_127 : memref<1x96x128xf32, #tpu.memory_space<vmem>> -> memref<96x128xf32, #tpu.memory_space<vmem>>
      %dma_wait3A_129 = arith.constant 0 : i32
      %dma_wait3A_130 = tpu.memref_slice %arg6[%add3A_64, %dma_wait3A_129] : memref<20480x128xf32, #tpu.memory_space<hbm>> -> memref<96x128xf32, #tpu.memory_space<hbm>>
      %dma_wait3A_131 = arith.constant 0 : i32
      %dma_wait3A_132 = tpu.memref_slice %arg6[%add3A_64, %dma_wait3A_131] : memref<20480x128xf32, #tpu.memory_space<hbm>> -> memref<96x128xf32, #tpu.memory_space<hbm>>
      %dma_wait3A_133 = arith.constant 0 : i32
      %dma_wait3A_134 = arith.constant 0 : i32
      %dma_wait3A_135 = tpu.memref_slice %arg10[%run_scoped3A_65, %dma_wait3A_133, %dma_wait3A_134] : memref<2x96x128xf32, #tpu.memory_space<vmem>> -> memref<1x96x128xf32, #tpu.memory_space<vmem>>
      %dma_wait3A_136 = tpu.memref_squeeze %dma_wait3A_135 : memref<1x96x128xf32, #tpu.memory_space<vmem>> -> memref<96x128xf32, #tpu.memory_space<vmem>>
      tpu.wait_dma2 semaphore(%run_scoped3A_114 : memref<!tpu.dma_semaphore, #tpu.memory_space<semaphore_mem>>) src(%dma_wait3A_136 : memref<96x128xf32, #tpu.memory_space<vmem>>) dst(%dma_wait3A_132 : memref<96x128xf32, #tpu.memory_space<hbm>>)
      tpu.yield
    }) : () -> ()
    %mul3A_66 = arith.constant 640 : i32
    %mul3A_67 = arith.muli %arg1, %mul3A_66 : i32
    %add3A_68 = arith.constant 96 : i32
    %add3A_69 = arith.addi %mul3A_67, %add3A_68 : i32
    %run_scoped3A_70 = arith.constant 0 : i32
    "tpu.region"() ({
      %run_scoped3A_114 = tpu.sem_alloc : memref<!tpu.dma_semaphore, #tpu.memory_space<semaphore_mem>>
      %dma_start3A = arith.constant 0 : i32
      %dma_start3A_115 = arith.constant 0 : i32
      %dma_start3A_116 = tpu.memref_slice %arg10[%run_scoped3A_70, %dma_start3A, %dma_start3A_115] : memref<2x96x128xf32, #tpu.memory_space<vmem>> -> memref<1x96x128xf32, #tpu.memory_space<vmem>>
      %dma_start3A_117 = tpu.memref_squeeze %dma_start3A_116 : memref<1x96x128xf32, #tpu.memory_space<vmem>> -> memref<96x128xf32, #tpu.memory_space<vmem>>
      %dma_start3A_118 = arith.constant 0 : i32
      %dma_start3A_119 = tpu.memref_slice %arg11[%add3A_69, %dma_start3A_118] : memref<10240x128xf32, #tpu.memory_space<vmem_shared>> -> memref<96x128xf32, #tpu.memory_space<vmem_shared>>
      %dma_start3A_120 = arith.constant 0 : i32
      %dma_start3A_121 = arith.constant 0 : i32
      %dma_start3A_122 = tpu.memref_slice %arg10[%run_scoped3A_70, %dma_start3A_120, %dma_start3A_121] : memref<2x96x128xf32, #tpu.memory_space<vmem>> -> memref<1x96x128xf32, #tpu.memory_space<vmem>>
      %dma_start3A_123 = tpu.memref_squeeze %dma_start3A_122 : memref<1x96x128xf32, #tpu.memory_space<vmem>> -> memref<96x128xf32, #tpu.memory_space<vmem>>
      %dma_start3A_124 = arith.constant 0 : i32
      %dma_start3A_125 = tpu.memref_slice %arg11[%add3A_69, %dma_start3A_124] : memref<10240x128xf32, #tpu.memory_space<vmem_shared>> -> memref<96x128xf32, #tpu.memory_space<vmem_shared>>
      tpu.enqueue_dma source(%dma_start3A_125 : memref<96x128xf32, #tpu.memory_space<vmem_shared>>) target(%dma_start3A_123 : memref<96x128xf32, #tpu.memory_space<vmem>>) target_semaphore(%run_scoped3A_114 : memref<!tpu.dma_semaphore, #tpu.memory_space<semaphore_mem>>)
      %dma_wait3A = arith.constant 0 : i32
      %dma_wait3A_126 = arith.constant 0 : i32
      %dma_wait3A_127 = tpu.memref_slice %arg10[%run_scoped3A_70, %dma_wait3A, %dma_wait3A_126] : memref<2x96x128xf32, #tpu.memory_space<vmem>> -> memref<1x96x128xf32, #tpu.memory_space<vmem>>
      %dma_wait3A_128 = tpu.memref_squeeze %dma_wait3A_127 : memref<1x96x128xf32, #tpu.memory_space<vmem>> -> memref<96x128xf32, #tpu.memory_space<vmem>>
      %dma_wait3A_129 = arith.constant 0 : i32
      %dma_wait3A_130 = tpu.memref_slice %arg11[%add3A_69, %dma_wait3A_129] : memref<10240x128xf32, #tpu.memory_space<vmem_shared>> -> memref<96x128xf32, #tpu.memory_space<vmem_shared>>
      %dma_wait3A_131 = arith.constant 0 : i32
      %dma_wait3A_132 = arith.constant 0 : i32
      %dma_wait3A_133 = tpu.memref_slice %arg10[%run_scoped3A_70, %dma_wait3A_131, %dma_wait3A_132] : memref<2x96x128xf32, #tpu.memory_space<vmem>> -> memref<1x96x128xf32, #tpu.memory_space<vmem>>
      %dma_wait3A_134 = tpu.memref_squeeze %dma_wait3A_133 : memref<1x96x128xf32, #tpu.memory_space<vmem>> -> memref<96x128xf32, #tpu.memory_space<vmem>>
      %dma_wait3A_135 = arith.constant 0 : i32
      %dma_wait3A_136 = tpu.memref_slice %arg11[%add3A_69, %dma_wait3A_135] : memref<10240x128xf32, #tpu.memory_space<vmem_shared>> -> memref<96x128xf32, #tpu.memory_space<vmem_shared>>
      tpu.wait_dma2 semaphore(%run_scoped3A_114 : memref<!tpu.dma_semaphore, #tpu.memory_space<semaphore_mem>>) src(%dma_wait3A_136 : memref<96x128xf32, #tpu.memory_space<vmem_shared>>) dst(%dma_wait3A_134 : memref<96x128xf32, #tpu.memory_space<vmem>>)
      tpu.yield
    }) : () -> ()
    %add3A_71 = arith.constant 96 : i32
    %add3A_72 = arith.addi %add3A_57, %add3A_71 : i32
    %run_scoped3A_73 = arith.constant 0 : i32
    "tpu.region"() ({
      %run_scoped3A_114 = tpu.sem_alloc : memref<!tpu.dma_semaphore, #tpu.memory_space<semaphore_mem>>
      %dma_start3A = arith.constant 0 : i32
      %dma_start3A_115 = arith.constant 0 : i32
      %dma_start3A_116 = tpu.memref_slice %arg10[%run_scoped3A_73, %dma_start3A, %dma_start3A_115] : memref<2x96x128xf32, #tpu.memory_space<vmem>> -> memref<1x96x128xf32, #tpu.memory_space<vmem>>
      %dma_start3A_117 = tpu.memref_squeeze %dma_start3A_116 : memref<1x96x128xf32, #tpu.memory_space<vmem>> -> memref<96x128xf32, #tpu.memory_space<vmem>>
      %dma_start3A_118 = arith.constant 0 : i32
      %dma_start3A_119 = tpu.memref_slice %arg6[%add3A_72, %dma_start3A_118] : memref<20480x128xf32, #tpu.memory_space<hbm>> -> memref<96x128xf32, #tpu.memory_space<hbm>>
      %dma_start3A_120 = arith.constant 0 : i32
      %dma_start3A_121 = tpu.memref_slice %arg6[%add3A_72, %dma_start3A_120] : memref<20480x128xf32, #tpu.memory_space<hbm>> -> memref<96x128xf32, #tpu.memory_space<hbm>>
      %dma_start3A_122 = arith.constant 0 : i32
      %dma_start3A_123 = arith.constant 0 : i32
      %dma_start3A_124 = tpu.memref_slice %arg10[%run_scoped3A_73, %dma_start3A_122, %dma_start3A_123] : memref<2x96x128xf32, #tpu.memory_space<vmem>> -> memref<1x96x128xf32, #tpu.memory_space<vmem>>
      %dma_start3A_125 = tpu.memref_squeeze %dma_start3A_124 : memref<1x96x128xf32, #tpu.memory_space<vmem>> -> memref<96x128xf32, #tpu.memory_space<vmem>>
      tpu.enqueue_dma source(%dma_start3A_125 : memref<96x128xf32, #tpu.memory_space<vmem>>) target(%dma_start3A_121 : memref<96x128xf32, #tpu.memory_space<hbm>>) target_semaphore(%run_scoped3A_114 : memref<!tpu.dma_semaphore, #tpu.memory_space<semaphore_mem>>)
      %dma_wait3A = arith.constant 0 : i32
      %dma_wait3A_126 = arith.constant 0 : i32
      %dma_wait3A_127 = tpu.memref_slice %arg10[%run_scoped3A_73, %dma_wait3A, %dma_wait3A_126] : memref<2x96x128xf32, #tpu.memory_space<vmem>> -> memref<1x96x128xf32, #tpu.memory_space<vmem>>
      %dma_wait3A_128 = tpu.memref_squeeze %dma_wait3A_127 : memref<1x96x128xf32, #tpu.memory_space<vmem>> -> memref<96x128xf32, #tpu.memory_space<vmem>>
      %dma_wait3A_129 = arith.constant 0 : i32
      %dma_wait3A_130 = tpu.memref_slice %arg6[%add3A_72, %dma_wait3A_129] : memref<20480x128xf32, #tpu.memory_space<hbm>> -> memref<96x128xf32, #tpu.memory_space<hbm>>
      %dma_wait3A_131 = arith.constant 0 : i32
      %dma_wait3A_132 = tpu.memref_slice %arg6[%add3A_72, %dma_wait3A_131] : memref<20480x128xf32, #tpu.memory_space<hbm>> -> memref<96x128xf32, #tpu.memory_space<hbm>>
      %dma_wait3A_133 = arith.constant 0 : i32
      %dma_wait3A_134 = arith.constant 0 : i32
      %dma_wait3A_135 = tpu.memref_slice %arg10[%run_scoped3A_73, %dma_wait3A_133, %dma_wait3A_134] : memref<2x96x128xf32, #tpu.memory_space<vmem>> -> memref<1x96x128xf32, #tpu.memory_space<vmem>>
      %dma_wait3A_136 = tpu.memref_squeeze %dma_wait3A_135 : memref<1x96x128xf32, #tpu.memory_space<vmem>> -> memref<96x128xf32, #tpu.memory_space<vmem>>
      tpu.wait_dma2 semaphore(%run_scoped3A_114 : memref<!tpu.dma_semaphore, #tpu.memory_space<semaphore_mem>>) src(%dma_wait3A_136 : memref<96x128xf32, #tpu.memory_space<vmem>>) dst(%dma_wait3A_132 : memref<96x128xf32, #tpu.memory_space<hbm>>)
      tpu.yield
    }) : () -> ()
    %mul3A_74 = arith.constant 640 : i32
    %mul3A_75 = arith.muli %arg1, %mul3A_74 : i32
    %add3A_76 = arith.constant 192 : i32
    %add3A_77 = arith.addi %mul3A_75, %add3A_76 : i32
    %run_scoped3A_78 = arith.constant 0 : i32
    "tpu.region"() ({
      %run_scoped3A_114 = tpu.sem_alloc : memref<!tpu.dma_semaphore, #tpu.memory_space<semaphore_mem>>
      %dma_start3A = arith.constant 0 : i32
      %dma_start3A_115 = arith.constant 0 : i32
      %dma_start3A_116 = tpu.memref_slice %arg10[%run_scoped3A_78, %dma_start3A, %dma_start3A_115] : memref<2x96x128xf32, #tpu.memory_space<vmem>> -> memref<1x96x128xf32, #tpu.memory_space<vmem>>
      %dma_start3A_117 = tpu.memref_squeeze %dma_start3A_116 : memref<1x96x128xf32, #tpu.memory_space<vmem>> -> memref<96x128xf32, #tpu.memory_space<vmem>>
      %dma_start3A_118 = arith.constant 0 : i32
      %dma_start3A_119 = tpu.memref_slice %arg11[%add3A_77, %dma_start3A_118] : memref<10240x128xf32, #tpu.memory_space<vmem_shared>> -> memref<96x128xf32, #tpu.memory_space<vmem_shared>>
      %dma_start3A_120 = arith.constant 0 : i32
      %dma_start3A_121 = arith.constant 0 : i32
      %dma_start3A_122 = tpu.memref_slice %arg10[%run_scoped3A_78, %dma_start3A_120, %dma_start3A_121] : memref<2x96x128xf32, #tpu.memory_space<vmem>> -> memref<1x96x128xf32, #tpu.memory_space<vmem>>
      %dma_start3A_123 = tpu.memref_squeeze %dma_start3A_122 : memref<1x96x128xf32, #tpu.memory_space<vmem>> -> memref<96x128xf32, #tpu.memory_space<vmem>>
      %dma_start3A_124 = arith.constant 0 : i32
      %dma_start3A_125 = tpu.memref_slice %arg11[%add3A_77, %dma_start3A_124] : memref<10240x128xf32, #tpu.memory_space<vmem_shared>> -> memref<96x128xf32, #tpu.memory_space<vmem_shared>>
      tpu.enqueue_dma source(%dma_start3A_125 : memref<96x128xf32, #tpu.memory_space<vmem_shared>>) target(%dma_start3A_123 : memref<96x128xf32, #tpu.memory_space<vmem>>) target_semaphore(%run_scoped3A_114 : memref<!tpu.dma_semaphore, #tpu.memory_space<semaphore_mem>>)
      %dma_wait3A = arith.constant 0 : i32
      %dma_wait3A_126 = arith.constant 0 : i32
      %dma_wait3A_127 = tpu.memref_slice %arg10[%run_scoped3A_78, %dma_wait3A, %dma_wait3A_126] : memref<2x96x128xf32, #tpu.memory_space<vmem>> -> memref<1x96x128xf32, #tpu.memory_space<vmem>>
      %dma_wait3A_128 = tpu.memref_squeeze %dma_wait3A_127 : memref<1x96x128xf32, #tpu.memory_space<vmem>> -> memref<96x128xf32, #tpu.memory_space<vmem>>
      %dma_wait3A_129 = arith.constant 0 : i32
      %dma_wait3A_130 = tpu.memref_slice %arg11[%add3A_77, %dma_wait3A_129] : memref<10240x128xf32, #tpu.memory_space<vmem_shared>> -> memref<96x128xf32, #tpu.memory_space<vmem_shared>>
      %dma_wait3A_131 = arith.constant 0 : i32
      %dma_wait3A_132 = arith.constant 0 : i32
      %dma_wait3A_133 = tpu.memref_slice %arg10[%run_scoped3A_78, %dma_wait3A_131, %dma_wait3A_132] : memref<2x96x128xf32, #tpu.memory_space<vmem>> -> memref<1x96x128xf32, #tpu.memory_space<vmem>>
      %dma_wait3A_134 = tpu.memref_squeeze %dma_wait3A_133 : memref<1x96x128xf32, #tpu.memory_space<vmem>> -> memref<96x128xf32, #tpu.memory_space<vmem>>
      %dma_wait3A_135 = arith.constant 0 : i32
      %dma_wait3A_136 = tpu.memref_slice %arg11[%add3A_77, %dma_wait3A_135] : memref<10240x128xf32, #tpu.memory_space<vmem_shared>> -> memref<96x128xf32, #tpu.memory_space<vmem_shared>>
      tpu.wait_dma2 semaphore(%run_scoped3A_114 : memref<!tpu.dma_semaphore, #tpu.memory_space<semaphore_mem>>) src(%dma_wait3A_136 : memref<96x128xf32, #tpu.memory_space<vmem_shared>>) dst(%dma_wait3A_134 : memref<96x128xf32, #tpu.memory_space<vmem>>)
      tpu.yield
    }) : () -> ()
    %add3A_79 = arith.constant 192 : i32
    %add3A_80 = arith.addi %add3A_57, %add3A_79 : i32
    %run_scoped3A_81 = arith.constant 0 : i32
    "tpu.region"() ({
      %run_scoped3A_114 = tpu.sem_alloc : memref<!tpu.dma_semaphore, #tpu.memory_space<semaphore_mem>>
      %dma_start3A = arith.constant 0 : i32
      %dma_start3A_115 = arith.constant 0 : i32
      %dma_start3A_116 = tpu.memref_slice %arg10[%run_scoped3A_81, %dma_start3A, %dma_start3A_115] : memref<2x96x128xf32, #tpu.memory_space<vmem>> -> memref<1x96x128xf32, #tpu.memory_space<vmem>>
      %dma_start3A_117 = tpu.memref_squeeze %dma_start3A_116 : memref<1x96x128xf32, #tpu.memory_space<vmem>> -> memref<96x128xf32, #tpu.memory_space<vmem>>
      %dma_start3A_118 = arith.constant 0 : i32
      %dma_start3A_119 = tpu.memref_slice %arg6[%add3A_80, %dma_start3A_118] : memref<20480x128xf32, #tpu.memory_space<hbm>> -> memref<96x128xf32, #tpu.memory_space<hbm>>
      %dma_start3A_120 = arith.constant 0 : i32
      %dma_start3A_121 = tpu.memref_slice %arg6[%add3A_80, %dma_start3A_120] : memref<20480x128xf32, #tpu.memory_space<hbm>> -> memref<96x128xf32, #tpu.memory_space<hbm>>
      %dma_start3A_122 = arith.constant 0 : i32
      %dma_start3A_123 = arith.constant 0 : i32
      %dma_start3A_124 = tpu.memref_slice %arg10[%run_scoped3A_81, %dma_start3A_122, %dma_start3A_123] : memref<2x96x128xf32, #tpu.memory_space<vmem>> -> memref<1x96x128xf32, #tpu.memory_space<vmem>>
      %dma_start3A_125 = tpu.memref_squeeze %dma_start3A_124 : memref<1x96x128xf32, #tpu.memory_space<vmem>> -> memref<96x128xf32, #tpu.memory_space<vmem>>
      tpu.enqueue_dma source(%dma_start3A_125 : memref<96x128xf32, #tpu.memory_space<vmem>>) target(%dma_start3A_121 : memref<96x128xf32, #tpu.memory_space<hbm>>) target_semaphore(%run_scoped3A_114 : memref<!tpu.dma_semaphore, #tpu.memory_space<semaphore_mem>>)
      %dma_wait3A = arith.constant 0 : i32
      %dma_wait3A_126 = arith.constant 0 : i32
      %dma_wait3A_127 = tpu.memref_slice %arg10[%run_scoped3A_81, %dma_wait3A, %dma_wait3A_126] : memref<2x96x128xf32, #tpu.memory_space<vmem>> -> memref<1x96x128xf32, #tpu.memory_space<vmem>>
      %dma_wait3A_128 = tpu.memref_squeeze %dma_wait3A_127 : memref<1x96x128xf32, #tpu.memory_space<vmem>> -> memref<96x128xf32, #tpu.memory_space<vmem>>
      %dma_wait3A_129 = arith.constant 0 : i32
      %dma_wait3A_130 = tpu.memref_slice %arg6[%add3A_80, %dma_wait3A_129] : memref<20480x128xf32, #tpu.memory_space<hbm>> -> memref<96x128xf32, #tpu.memory_space<hbm>>
      %dma_wait3A_131 = arith.constant 0 : i32
      %dma_wait3A_132 = tpu.memref_slice %arg6[%add3A_80, %dma_wait3A_131] : memref<20480x128xf32, #tpu.memory_space<hbm>> -> memref<96x128xf32, #tpu.memory_space<hbm>>
      %dma_wait3A_133 = arith.constant 0 : i32
      %dma_wait3A_134 = arith.constant 0 : i32
      %dma_wait3A_135 = tpu.memref_slice %arg10[%run_scoped3A_81, %dma_wait3A_133, %dma_wait3A_134] : memref<2x96x128xf32, #tpu.memory_space<vmem>> -> memref<1x96x128xf32, #tpu.memory_space<vmem>>
      %dma_wait3A_136 = tpu.memref_squeeze %dma_wait3A_135 : memref<1x96x128xf32, #tpu.memory_space<vmem>> -> memref<96x128xf32, #tpu.memory_space<vmem>>
      tpu.wait_dma2 semaphore(%run_scoped3A_114 : memref<!tpu.dma_semaphore, #tpu.memory_space<semaphore_mem>>) src(%dma_wait3A_136 : memref<96x128xf32, #tpu.memory_space<vmem>>) dst(%dma_wait3A_132 : memref<96x128xf32, #tpu.memory_space<hbm>>)
      tpu.yield
    }) : () -> ()
    %mul3A_82 = arith.constant 640 : i32
    %mul3A_83 = arith.muli %arg1, %mul3A_82 : i32
    %add3A_84 = arith.constant 288 : i32
    %add3A_85 = arith.addi %mul3A_83, %add3A_84 : i32
    %run_scoped3A_86 = arith.constant 0 : i32
    "tpu.region"() ({
      %run_scoped3A_114 = tpu.sem_alloc : memref<!tpu.dma_semaphore, #tpu.memory_space<semaphore_mem>>
      %dma_start3A = arith.constant 0 : i32
      %dma_start3A_115 = arith.constant 0 : i32
      %dma_start3A_116 = tpu.memref_slice %arg10[%run_scoped3A_86, %dma_start3A, %dma_start3A_115] : memref<2x96x128xf32, #tpu.memory_space<vmem>> -> memref<1x96x128xf32, #tpu.memory_space<vmem>>
      %dma_start3A_117 = tpu.memref_squeeze %dma_start3A_116 : memref<1x96x128xf32, #tpu.memory_space<vmem>> -> memref<96x128xf32, #tpu.memory_space<vmem>>
      %dma_start3A_118 = arith.constant 0 : i32
      %dma_start3A_119 = tpu.memref_slice %arg11[%add3A_85, %dma_start3A_118] : memref<10240x128xf32, #tpu.memory_space<vmem_shared>> -> memref<96x128xf32, #tpu.memory_space<vmem_shared>>
      %dma_start3A_120 = arith.constant 0 : i32
      %dma_start3A_121 = arith.constant 0 : i32
      %dma_start3A_122 = tpu.memref_slice %arg10[%run_scoped3A_86, %dma_start3A_120, %dma_start3A_121] : memref<2x96x128xf32, #tpu.memory_space<vmem>> -> memref<1x96x128xf32, #tpu.memory_space<vmem>>
      %dma_start3A_123 = tpu.memref_squeeze %dma_start3A_122 : memref<1x96x128xf32, #tpu.memory_space<vmem>> -> memref<96x128xf32, #tpu.memory_space<vmem>>
      %dma_start3A_124 = arith.constant 0 : i32
      %dma_start3A_125 = tpu.memref_slice %arg11[%add3A_85, %dma_start3A_124] : memref<10240x128xf32, #tpu.memory_space<vmem_shared>> -> memref<96x128xf32, #tpu.memory_space<vmem_shared>>
      tpu.enqueue_dma source(%dma_start3A_125 : memref<96x128xf32, #tpu.memory_space<vmem_shared>>) target(%dma_start3A_123 : memref<96x128xf32, #tpu.memory_space<vmem>>) target_semaphore(%run_scoped3A_114 : memref<!tpu.dma_semaphore, #tpu.memory_space<semaphore_mem>>)
      %dma_wait3A = arith.constant 0 : i32
      %dma_wait3A_126 = arith.constant 0 : i32
      %dma_wait3A_127 = tpu.memref_slice %arg10[%run_scoped3A_86, %dma_wait3A, %dma_wait3A_126] : memref<2x96x128xf32, #tpu.memory_space<vmem>> -> memref<1x96x128xf32, #tpu.memory_space<vmem>>
      %dma_wait3A_128 = tpu.memref_squeeze %dma_wait3A_127 : memref<1x96x128xf32, #tpu.memory_space<vmem>> -> memref<96x128xf32, #tpu.memory_space<vmem>>
      %dma_wait3A_129 = arith.constant 0 : i32
      %dma_wait3A_130 = tpu.memref_slice %arg11[%add3A_85, %dma_wait3A_129] : memref<10240x128xf32, #tpu.memory_space<vmem_shared>> -> memref<96x128xf32, #tpu.memory_space<vmem_shared>>
      %dma_wait3A_131 = arith.constant 0 : i32
      %dma_wait3A_132 = arith.constant 0 : i32
      %dma_wait3A_133 = tpu.memref_slice %arg10[%run_scoped3A_86, %dma_wait3A_131, %dma_wait3A_132] : memref<2x96x128xf32, #tpu.memory_space<vmem>> -> memref<1x96x128xf32, #tpu.memory_space<vmem>>
      %dma_wait3A_134 = tpu.memref_squeeze %dma_wait3A_133 : memref<1x96x128xf32, #tpu.memory_space<vmem>> -> memref<96x128xf32, #tpu.memory_space<vmem>>
      %dma_wait3A_135 = arith.constant 0 : i32
      %dma_wait3A_136 = tpu.memref_slice %arg11[%add3A_85, %dma_wait3A_135] : memref<10240x128xf32, #tpu.memory_space<vmem_shared>> -> memref<96x128xf32, #tpu.memory_space<vmem_shared>>
      tpu.wait_dma2 semaphore(%run_scoped3A_114 : memref<!tpu.dma_semaphore, #tpu.memory_space<semaphore_mem>>) src(%dma_wait3A_136 : memref<96x128xf32, #tpu.memory_space<vmem_shared>>) dst(%dma_wait3A_134 : memref<96x128xf32, #tpu.memory_space<vmem>>)
      tpu.yield
    }) : () -> ()
    %add3A_87 = arith.constant 288 : i32
    %add3A_88 = arith.addi %add3A_57, %add3A_87 : i32
    %run_scoped3A_89 = arith.constant 0 : i32
    "tpu.region"() ({
      %run_scoped3A_114 = tpu.sem_alloc : memref<!tpu.dma_semaphore, #tpu.memory_space<semaphore_mem>>
      %dma_start3A = arith.constant 0 : i32
      %dma_start3A_115 = arith.constant 0 : i32
      %dma_start3A_116 = tpu.memref_slice %arg10[%run_scoped3A_89, %dma_start3A, %dma_start3A_115] : memref<2x96x128xf32, #tpu.memory_space<vmem>> -> memref<1x96x128xf32, #tpu.memory_space<vmem>>
      %dma_start3A_117 = tpu.memref_squeeze %dma_start3A_116 : memref<1x96x128xf32, #tpu.memory_space<vmem>> -> memref<96x128xf32, #tpu.memory_space<vmem>>
      %dma_start3A_118 = arith.constant 0 : i32
      %dma_start3A_119 = tpu.memref_slice %arg6[%add3A_88, %dma_start3A_118] : memref<20480x128xf32, #tpu.memory_space<hbm>> -> memref<96x128xf32, #tpu.memory_space<hbm>>
      %dma_start3A_120 = arith.constant 0 : i32
      %dma_start3A_121 = tpu.memref_slice %arg6[%add3A_88, %dma_start3A_120] : memref<20480x128xf32, #tpu.memory_space<hbm>> -> memref<96x128xf32, #tpu.memory_space<hbm>>
      %dma_start3A_122 = arith.constant 0 : i32
      %dma_start3A_123 = arith.constant 0 : i32
      %dma_start3A_124 = tpu.memref_slice %arg10[%run_scoped3A_89, %dma_start3A_122, %dma_start3A_123] : memref<2x96x128xf32, #tpu.memory_space<vmem>> -> memref<1x96x128xf32, #tpu.memory_space<vmem>>
      %dma_start3A_125 = tpu.memref_squeeze %dma_start3A_124 : memref<1x96x128xf32, #tpu.memory_space<vmem>> -> memref<96x128xf32, #tpu.memory_space<vmem>>
      tpu.enqueue_dma source(%dma_start3A_125 : memref<96x128xf32, #tpu.memory_space<vmem>>) target(%dma_start3A_121 : memref<96x128xf32, #tpu.memory_space<hbm>>) target_semaphore(%run_scoped3A_114 : memref<!tpu.dma_semaphore, #tpu.memory_space<semaphore_mem>>)
      %dma_wait3A = arith.constant 0 : i32
      %dma_wait3A_126 = arith.constant 0 : i32
      %dma_wait3A_127 = tpu.memref_slice %arg10[%run_scoped3A_89, %dma_wait3A, %dma_wait3A_126] : memref<2x96x128xf32, #tpu.memory_space<vmem>> -> memref<1x96x128xf32, #tpu.memory_space<vmem>>
      %dma_wait3A_128 = tpu.memref_squeeze %dma_wait3A_127 : memref<1x96x128xf32, #tpu.memory_space<vmem>> -> memref<96x128xf32, #tpu.memory_space<vmem>>
      %dma_wait3A_129 = arith.constant 0 : i32
      %dma_wait3A_130 = tpu.memref_slice %arg6[%add3A_88, %dma_wait3A_129] : memref<20480x128xf32, #tpu.memory_space<hbm>> -> memref<96x128xf32, #tpu.memory_space<hbm>>
      %dma_wait3A_131 = arith.constant 0 : i32
      %dma_wait3A_132 = tpu.memref_slice %arg6[%add3A_88, %dma_wait3A_131] : memref<20480x128xf32, #tpu.memory_space<hbm>> -> memref<96x128xf32, #tpu.memory_space<hbm>>
      %dma_wait3A_133 = arith.constant 0 : i32
      %dma_wait3A_134 = arith.constant 0 : i32
      %dma_wait3A_135 = tpu.memref_slice %arg10[%run_scoped3A_89, %dma_wait3A_133, %dma_wait3A_134] : memref<2x96x128xf32, #tpu.memory_space<vmem>> -> memref<1x96x128xf32, #tpu.memory_space<vmem>>
      %dma_wait3A_136 = tpu.memref_squeeze %dma_wait3A_135 : memref<1x96x128xf32, #tpu.memory_space<vmem>> -> memref<96x128xf32, #tpu.memory_space<vmem>>
      tpu.wait_dma2 semaphore(%run_scoped3A_114 : memref<!tpu.dma_semaphore, #tpu.memory_space<semaphore_mem>>) src(%dma_wait3A_136 : memref<96x128xf32, #tpu.memory_space<vmem>>) dst(%dma_wait3A_132 : memref<96x128xf32, #tpu.memory_space<hbm>>)
      tpu.yield
    }) : () -> ()
    %mul3A_90 = arith.constant 640 : i32
    %mul3A_91 = arith.muli %arg1, %mul3A_90 : i32
    %add3A_92 = arith.constant 384 : i32
    %add3A_93 = arith.addi %mul3A_91, %add3A_92 : i32
    %run_scoped3A_94 = arith.constant 0 : i32
    "tpu.region"() ({
      %run_scoped3A_114 = tpu.sem_alloc : memref<!tpu.dma_semaphore, #tpu.memory_space<semaphore_mem>>
      %dma_start3A = arith.constant 0 : i32
      %dma_start3A_115 = arith.constant 0 : i32
      %dma_start3A_116 = tpu.memref_slice %arg10[%run_scoped3A_94, %dma_start3A, %dma_start3A_115] : memref<2x96x128xf32, #tpu.memory_space<vmem>> -> memref<1x96x128xf32, #tpu.memory_space<vmem>>
      %dma_start3A_117 = tpu.memref_squeeze %dma_start3A_116 : memref<1x96x128xf32, #tpu.memory_space<vmem>> -> memref<96x128xf32, #tpu.memory_space<vmem>>
      %dma_start3A_118 = arith.constant 0 : i32
      %dma_start3A_119 = tpu.memref_slice %arg11[%add3A_93, %dma_start3A_118] : memref<10240x128xf32, #tpu.memory_space<vmem_shared>> -> memref<96x128xf32, #tpu.memory_space<vmem_shared>>
      %dma_start3A_120 = arith.constant 0 : i32
      %dma_start3A_121 = arith.constant 0 : i32
      %dma_start3A_122 = tpu.memref_slice %arg10[%run_scoped3A_94, %dma_start3A_120, %dma_start3A_121] : memref<2x96x128xf32, #tpu.memory_space<vmem>> -> memref<1x96x128xf32, #tpu.memory_space<vmem>>
      %dma_start3A_123 = tpu.memref_squeeze %dma_start3A_122 : memref<1x96x128xf32, #tpu.memory_space<vmem>> -> memref<96x128xf32, #tpu.memory_space<vmem>>
      %dma_start3A_124 = arith.constant 0 : i32
      %dma_start3A_125 = tpu.memref_slice %arg11[%add3A_93, %dma_start3A_124] : memref<10240x128xf32, #tpu.memory_space<vmem_shared>> -> memref<96x128xf32, #tpu.memory_space<vmem_shared>>
      tpu.enqueue_dma source(%dma_start3A_125 : memref<96x128xf32, #tpu.memory_space<vmem_shared>>) target(%dma_start3A_123 : memref<96x128xf32, #tpu.memory_space<vmem>>) target_semaphore(%run_scoped3A_114 : memref<!tpu.dma_semaphore, #tpu.memory_space<semaphore_mem>>)
      %dma_wait3A = arith.constant 0 : i32
      %dma_wait3A_126 = arith.constant 0 : i32
      %dma_wait3A_127 = tpu.memref_slice %arg10[%run_scoped3A_94, %dma_wait3A, %dma_wait3A_126] : memref<2x96x128xf32, #tpu.memory_space<vmem>> -> memref<1x96x128xf32, #tpu.memory_space<vmem>>
      %dma_wait3A_128 = tpu.memref_squeeze %dma_wait3A_127 : memref<1x96x128xf32, #tpu.memory_space<vmem>> -> memref<96x128xf32, #tpu.memory_space<vmem>>
      %dma_wait3A_129 = arith.constant 0 : i32
      %dma_wait3A_130 = tpu.memref_slice %arg11[%add3A_93, %dma_wait3A_129] : memref<10240x128xf32, #tpu.memory_space<vmem_shared>> -> memref<96x128xf32, #tpu.memory_space<vmem_shared>>
      %dma_wait3A_131 = arith.constant 0 : i32
      %dma_wait3A_132 = arith.constant 0 : i32
      %dma_wait3A_133 = tpu.memref_slice %arg10[%run_scoped3A_94, %dma_wait3A_131, %dma_wait3A_132] : memref<2x96x128xf32, #tpu.memory_space<vmem>> -> memref<1x96x128xf32, #tpu.memory_space<vmem>>
      %dma_wait3A_134 = tpu.memref_squeeze %dma_wait3A_133 : memref<1x96x128xf32, #tpu.memory_space<vmem>> -> memref<96x128xf32, #tpu.memory_space<vmem>>
      %dma_wait3A_135 = arith.constant 0 : i32
      %dma_wait3A_136 = tpu.memref_slice %arg11[%add3A_93, %dma_wait3A_135] : memref<10240x128xf32, #tpu.memory_space<vmem_shared>> -> memref<96x128xf32, #tpu.memory_space<vmem_shared>>
      tpu.wait_dma2 semaphore(%run_scoped3A_114 : memref<!tpu.dma_semaphore, #tpu.memory_space<semaphore_mem>>) src(%dma_wait3A_136 : memref<96x128xf32, #tpu.memory_space<vmem_shared>>) dst(%dma_wait3A_134 : memref<96x128xf32, #tpu.memory_space<vmem>>)
      tpu.yield
    }) : () -> ()
    %add3A_95 = arith.constant 384 : i32
    %add3A_96 = arith.addi %add3A_57, %add3A_95 : i32
    %run_scoped3A_97 = arith.constant 0 : i32
    "tpu.region"() ({
      %run_scoped3A_114 = tpu.sem_alloc : memref<!tpu.dma_semaphore, #tpu.memory_space<semaphore_mem>>
      %dma_start3A = arith.constant 0 : i32
      %dma_start3A_115 = arith.constant 0 : i32
      %dma_start3A_116 = tpu.memref_slice %arg10[%run_scoped3A_97, %dma_start3A, %dma_start3A_115] : memref<2x96x128xf32, #tpu.memory_space<vmem>> -> memref<1x96x128xf32, #tpu.memory_space<vmem>>
      %dma_start3A_117 = tpu.memref_squeeze %dma_start3A_116 : memref<1x96x128xf32, #tpu.memory_space<vmem>> -> memref<96x128xf32, #tpu.memory_space<vmem>>
      %dma_start3A_118 = arith.constant 0 : i32
      %dma_start3A_119 = tpu.memref_slice %arg6[%add3A_96, %dma_start3A_118] : memref<20480x128xf32, #tpu.memory_space<hbm>> -> memref<96x128xf32, #tpu.memory_space<hbm>>
      %dma_start3A_120 = arith.constant 0 : i32
      %dma_start3A_121 = tpu.memref_slice %arg6[%add3A_96, %dma_start3A_120] : memref<20480x128xf32, #tpu.memory_space<hbm>> -> memref<96x128xf32, #tpu.memory_space<hbm>>
      %dma_start3A_122 = arith.constant 0 : i32
      %dma_start3A_123 = arith.constant 0 : i32
      %dma_start3A_124 = tpu.memref_slice %arg10[%run_scoped3A_97, %dma_start3A_122, %dma_start3A_123] : memref<2x96x128xf32, #tpu.memory_space<vmem>> -> memref<1x96x128xf32, #tpu.memory_space<vmem>>
      %dma_start3A_125 = tpu.memref_squeeze %dma_start3A_124 : memref<1x96x128xf32, #tpu.memory_space<vmem>> -> memref<96x128xf32, #tpu.memory_space<vmem>>
      tpu.enqueue_dma source(%dma_start3A_125 : memref<96x128xf32, #tpu.memory_space<vmem>>) target(%dma_start3A_121 : memref<96x128xf32, #tpu.memory_space<hbm>>) target_semaphore(%run_scoped3A_114 : memref<!tpu.dma_semaphore, #tpu.memory_space<semaphore_mem>>)
      %dma_wait3A = arith.constant 0 : i32
      %dma_wait3A_126 = arith.constant 0 : i32
      %dma_wait3A_127 = tpu.memref_slice %arg10[%run_scoped3A_97, %dma_wait3A, %dma_wait3A_126] : memref<2x96x128xf32, #tpu.memory_space<vmem>> -> memref<1x96x128xf32, #tpu.memory_space<vmem>>
      %dma_wait3A_128 = tpu.memref_squeeze %dma_wait3A_127 : memref<1x96x128xf32, #tpu.memory_space<vmem>> -> memref<96x128xf32, #tpu.memory_space<vmem>>
      %dma_wait3A_129 = arith.constant 0 : i32
      %dma_wait3A_130 = tpu.memref_slice %arg6[%add3A_96, %dma_wait3A_129] : memref<20480x128xf32, #tpu.memory_space<hbm>> -> memref<96x128xf32, #tpu.memory_space<hbm>>
      %dma_wait3A_131 = arith.constant 0 : i32
      %dma_wait3A_132 = tpu.memref_slice %arg6[%add3A_96, %dma_wait3A_131] : memref<20480x128xf32, #tpu.memory_space<hbm>> -> memref<96x128xf32, #tpu.memory_space<hbm>>
      %dma_wait3A_133 = arith.constant 0 : i32
      %dma_wait3A_134 = arith.constant 0 : i32
      %dma_wait3A_135 = tpu.memref_slice %arg10[%run_scoped3A_97, %dma_wait3A_133, %dma_wait3A_134] : memref<2x96x128xf32, #tpu.memory_space<vmem>> -> memref<1x96x128xf32, #tpu.memory_space<vmem>>
      %dma_wait3A_136 = tpu.memref_squeeze %dma_wait3A_135 : memref<1x96x128xf32, #tpu.memory_space<vmem>> -> memref<96x128xf32, #tpu.memory_space<vmem>>
      tpu.wait_dma2 semaphore(%run_scoped3A_114 : memref<!tpu.dma_semaphore, #tpu.memory_space<semaphore_mem>>) src(%dma_wait3A_136 : memref<96x128xf32, #tpu.memory_space<vmem>>) dst(%dma_wait3A_132 : memref<96x128xf32, #tpu.memory_space<hbm>>)
      tpu.yield
    }) : () -> ()
    %mul3A_98 = arith.constant 640 : i32
    %mul3A_99 = arith.muli %arg1, %mul3A_98 : i32
    %add3A_100 = arith.constant 480 : i32
    %add3A_101 = arith.addi %mul3A_99, %add3A_100 : i32
    %run_scoped3A_102 = arith.constant 0 : i32
    "tpu.region"() ({
      %run_scoped3A_114 = tpu.sem_alloc : memref<!tpu.dma_semaphore, #tpu.memory_space<semaphore_mem>>
      %dma_start3A = arith.constant 0 : i32
      %dma_start3A_115 = arith.constant 0 : i32
      %dma_start3A_116 = tpu.memref_slice %arg10[%run_scoped3A_102, %dma_start3A, %dma_start3A_115] : memref<2x96x128xf32, #tpu.memory_space<vmem>> -> memref<1x96x128xf32, #tpu.memory_space<vmem>>
      %dma_start3A_117 = tpu.memref_squeeze %dma_start3A_116 : memref<1x96x128xf32, #tpu.memory_space<vmem>> -> memref<96x128xf32, #tpu.memory_space<vmem>>
      %dma_start3A_118 = arith.constant 0 : i32
      %dma_start3A_119 = tpu.memref_slice %arg11[%add3A_101, %dma_start3A_118] : memref<10240x128xf32, #tpu.memory_space<vmem_shared>> -> memref<96x128xf32, #tpu.memory_space<vmem_shared>>
      %dma_start3A_120 = arith.constant 0 : i32
      %dma_start3A_121 = arith.constant 0 : i32
      %dma_start3A_122 = tpu.memref_slice %arg10[%run_scoped3A_102, %dma_start3A_120, %dma_start3A_121] : memref<2x96x128xf32, #tpu.memory_space<vmem>> -> memref<1x96x128xf32, #tpu.memory_space<vmem>>
      %dma_start3A_123 = tpu.memref_squeeze %dma_start3A_122 : memref<1x96x128xf32, #tpu.memory_space<vmem>> -> memref<96x128xf32, #tpu.memory_space<vmem>>
      %dma_start3A_124 = arith.constant 0 : i32
      %dma_start3A_125 = tpu.memref_slice %arg11[%add3A_101, %dma_start3A_124] : memref<10240x128xf32, #tpu.memory_space<vmem_shared>> -> memref<96x128xf32, #tpu.memory_space<vmem_shared>>
      tpu.enqueue_dma source(%dma_start3A_125 : memref<96x128xf32, #tpu.memory_space<vmem_shared>>) target(%dma_start3A_123 : memref<96x128xf32, #tpu.memory_space<vmem>>) target_semaphore(%run_scoped3A_114 : memref<!tpu.dma_semaphore, #tpu.memory_space<semaphore_mem>>)
      %dma_wait3A = arith.constant 0 : i32
      %dma_wait3A_126 = arith.constant 0 : i32
      %dma_wait3A_127 = tpu.memref_slice %arg10[%run_scoped3A_102, %dma_wait3A, %dma_wait3A_126] : memref<2x96x128xf32, #tpu.memory_space<vmem>> -> memref<1x96x128xf32, #tpu.memory_space<vmem>>
      %dma_wait3A_128 = tpu.memref_squeeze %dma_wait3A_127 : memref<1x96x128xf32, #tpu.memory_space<vmem>> -> memref<96x128xf32, #tpu.memory_space<vmem>>
      %dma_wait3A_129 = arith.constant 0 : i32
      %dma_wait3A_130 = tpu.memref_slice %arg11[%add3A_101, %dma_wait3A_129] : memref<10240x128xf32, #tpu.memory_space<vmem_shared>> -> memref<96x128xf32, #tpu.memory_space<vmem_shared>>
      %dma_wait3A_131 = arith.constant 0 : i32
      %dma_wait3A_132 = arith.constant 0 : i32
      %dma_wait3A_133 = tpu.memref_slice %arg10[%run_scoped3A_102, %dma_wait3A_131, %dma_wait3A_132] : memref<2x96x128xf32, #tpu.memory_space<vmem>> -> memref<1x96x128xf32, #tpu.memory_space<vmem>>
      %dma_wait3A_134 = tpu.memref_squeeze %dma_wait3A_133 : memref<1x96x128xf32, #tpu.memory_space<vmem>> -> memref<96x128xf32, #tpu.memory_space<vmem>>
      %dma_wait3A_135 = arith.constant 0 : i32
      %dma_wait3A_136 = tpu.memref_slice %arg11[%add3A_101, %dma_wait3A_135] : memref<10240x128xf32, #tpu.memory_space<vmem_shared>> -> memref<96x128xf32, #tpu.memory_space<vmem_shared>>
      tpu.wait_dma2 semaphore(%run_scoped3A_114 : memref<!tpu.dma_semaphore, #tpu.memory_space<semaphore_mem>>) src(%dma_wait3A_136 : memref<96x128xf32, #tpu.memory_space<vmem_shared>>) dst(%dma_wait3A_134 : memref<96x128xf32, #tpu.memory_space<vmem>>)
      tpu.yield
    }) : () -> ()
    %add3A_103 = arith.constant 480 : i32
    %add3A_104 = arith.addi %add3A_57, %add3A_103 : i32
    %run_scoped3A_105 = arith.constant 0 : i32
    "tpu.region"() ({
      %run_scoped3A_114 = tpu.sem_alloc : memref<!tpu.dma_semaphore, #tpu.memory_space<semaphore_mem>>
      %dma_start3A = arith.constant 0 : i32
      %dma_start3A_115 = arith.constant 0 : i32
      %dma_start3A_116 = tpu.memref_slice %arg10[%run_scoped3A_105, %dma_start3A, %dma_start3A_115] : memref<2x96x128xf32, #tpu.memory_space<vmem>> -> memref<1x96x128xf32, #tpu.memory_space<vmem>>
      %dma_start3A_117 = tpu.memref_squeeze %dma_start3A_116 : memref<1x96x128xf32, #tpu.memory_space<vmem>> -> memref<96x128xf32, #tpu.memory_space<vmem>>
      %dma_start3A_118 = arith.constant 0 : i32
      %dma_start3A_119 = tpu.memref_slice %arg6[%add3A_104, %dma_start3A_118] : memref<20480x128xf32, #tpu.memory_space<hbm>> -> memref<96x128xf32, #tpu.memory_space<hbm>>
      %dma_start3A_120 = arith.constant 0 : i32
      %dma_start3A_121 = tpu.memref_slice %arg6[%add3A_104, %dma_start3A_120] : memref<20480x128xf32, #tpu.memory_space<hbm>> -> memref<96x128xf32, #tpu.memory_space<hbm>>
      %dma_start3A_122 = arith.constant 0 : i32
      %dma_start3A_123 = arith.constant 0 : i32
      %dma_start3A_124 = tpu.memref_slice %arg10[%run_scoped3A_105, %dma_start3A_122, %dma_start3A_123] : memref<2x96x128xf32, #tpu.memory_space<vmem>> -> memref<1x96x128xf32, #tpu.memory_space<vmem>>
      %dma_start3A_125 = tpu.memref_squeeze %dma_start3A_124 : memref<1x96x128xf32, #tpu.memory_space<vmem>> -> memref<96x128xf32, #tpu.memory_space<vmem>>
      tpu.enqueue_dma source(%dma_start3A_125 : memref<96x128xf32, #tpu.memory_space<vmem>>) target(%dma_start3A_121 : memref<96x128xf32, #tpu.memory_space<hbm>>) target_semaphore(%run_scoped3A_114 : memref<!tpu.dma_semaphore, #tpu.memory_space<semaphore_mem>>)
      %dma_wait3A = arith.constant 0 : i32
      %dma_wait3A_126 = arith.constant 0 : i32
      %dma_wait3A_127 = tpu.memref_slice %arg10[%run_scoped3A_105, %dma_wait3A, %dma_wait3A_126] : memref<2x96x128xf32, #tpu.memory_space<vmem>> -> memref<1x96x128xf32, #tpu.memory_space<vmem>>
      %dma_wait3A_128 = tpu.memref_squeeze %dma_wait3A_127 : memref<1x96x128xf32, #tpu.memory_space<vmem>> -> memref<96x128xf32, #tpu.memory_space<vmem>>
      %dma_wait3A_129 = arith.constant 0 : i32
      %dma_wait3A_130 = tpu.memref_slice %arg6[%add3A_104, %dma_wait3A_129] : memref<20480x128xf32, #tpu.memory_space<hbm>> -> memref<96x128xf32, #tpu.memory_space<hbm>>
      %dma_wait3A_131 = arith.constant 0 : i32
      %dma_wait3A_132 = tpu.memref_slice %arg6[%add3A_104, %dma_wait3A_131] : memref<20480x128xf32, #tpu.memory_space<hbm>> -> memref<96x128xf32, #tpu.memory_space<hbm>>
      %dma_wait3A_133 = arith.constant 0 : i32
      %dma_wait3A_134 = arith.constant 0 : i32
      %dma_wait3A_135 = tpu.memref_slice %arg10[%run_scoped3A_105, %dma_wait3A_133, %dma_wait3A_134] : memref<2x96x128xf32, #tpu.memory_space<vmem>> -> memref<1x96x128xf32, #tpu.memory_space<vmem>>
      %dma_wait3A_136 = tpu.memref_squeeze %dma_wait3A_135 : memref<1x96x128xf32, #tpu.memory_space<vmem>> -> memref<96x128xf32, #tpu.memory_space<vmem>>
      tpu.wait_dma2 semaphore(%run_scoped3A_114 : memref<!tpu.dma_semaphore, #tpu.memory_space<semaphore_mem>>) src(%dma_wait3A_136 : memref<96x128xf32, #tpu.memory_space<vmem>>) dst(%dma_wait3A_132 : memref<96x128xf32, #tpu.memory_space<hbm>>)
      tpu.yield
    }) : () -> ()
    %mul3A_106 = arith.constant 640 : i32
    %mul3A_107 = arith.muli %arg1, %mul3A_106 : i32
    %add3A_108 = arith.constant 576 : i32
    %add3A_109 = arith.addi %mul3A_107, %add3A_108 : i32
    %run_scoped3A_110 = arith.constant 0 : i32
    "tpu.region"() ({
      %run_scoped3A_114 = tpu.sem_alloc : memref<!tpu.dma_semaphore, #tpu.memory_space<semaphore_mem>>
      %dma_start3A = arith.constant 0 : i32
      %dma_start3A_115 = arith.constant 0 : i32
      %dma_start3A_116 = tpu.memref_slice %arg10[%run_scoped3A_110, %dma_start3A, %dma_start3A_115] : memref<2x96x128xf32, #tpu.memory_space<vmem>> -> memref<1x96x128xf32, #tpu.memory_space<vmem>>
      %dma_start3A_117 = tpu.memref_squeeze %dma_start3A_116 : memref<1x96x128xf32, #tpu.memory_space<vmem>> -> memref<96x128xf32, #tpu.memory_space<vmem>>
      %dma_start3A_118 = arith.constant 0 : i32
      %dma_start3A_119 = arith.constant 0 : i32
      %dma_start3A_120 = tpu.memref_slice %dma_start3A_117[%dma_start3A_118, %dma_start3A_119] : memref<96x128xf32, #tpu.memory_space<vmem>> -> memref<64x128xf32, #tpu.memory_space<vmem>>
      %dma_start3A_121 = arith.constant 0 : i32
      %dma_start3A_122 = tpu.memref_slice %arg11[%add3A_109, %dma_start3A_121] : memref<10240x128xf32, #tpu.memory_space<vmem_shared>> -> memref<64x128xf32, #tpu.memory_space<vmem_shared>>
      %dma_start3A_123 = arith.constant 0 : i32
      %dma_start3A_124 = arith.constant 0 : i32
      %dma_start3A_125 = tpu.memref_slice %arg10[%run_scoped3A_110, %dma_start3A_123, %dma_start3A_124] : memref<2x96x128xf32, #tpu.memory_space<vmem>> -> memref<1x96x128xf32, #tpu.memory_space<vmem>>
      %dma_start3A_126 = tpu.memref_squeeze %dma_start3A_125 : memref<1x96x128xf32, #tpu.memory_space<vmem>> -> memref<96x128xf32, #tpu.memory_space<vmem>>
      %dma_start3A_127 = arith.constant 0 : i32
      %dma_start3A_128 = arith.constant 0 : i32
      %dma_start3A_129 = tpu.memref_slice %dma_start3A_126[%dma_start3A_127, %dma_start3A_128] : memref<96x128xf32, #tpu.memory_space<vmem>> -> memref<64x128xf32, #tpu.memory_space<vmem>>
      %dma_start3A_130 = arith.constant 0 : i32
      %dma_start3A_131 = tpu.memref_slice %arg11[%add3A_109, %dma_start3A_130] : memref<10240x128xf32, #tpu.memory_space<vmem_shared>> -> memref<64x128xf32, #tpu.memory_space<vmem_shared>>
      tpu.enqueue_dma source(%dma_start3A_131 : memref<64x128xf32, #tpu.memory_space<vmem_shared>>) target(%dma_start3A_129 : memref<64x128xf32, #tpu.memory_space<vmem>>) target_semaphore(%run_scoped3A_114 : memref<!tpu.dma_semaphore, #tpu.memory_space<semaphore_mem>>)
      %dma_wait3A = arith.constant 0 : i32
      %dma_wait3A_132 = arith.constant 0 : i32
      %dma_wait3A_133 = tpu.memref_slice %arg10[%run_scoped3A_110, %dma_wait3A, %dma_wait3A_132] : memref<2x96x128xf32, #tpu.memory_space<vmem>> -> memref<1x96x128xf32, #tpu.memory_space<vmem>>
      %dma_wait3A_134 = tpu.memref_squeeze %dma_wait3A_133 : memref<1x96x128xf32, #tpu.memory_space<vmem>> -> memref<96x128xf32, #tpu.memory_space<vmem>>
      %dma_wait3A_135 = arith.constant 0 : i32
      %dma_wait3A_136 = arith.constant 0 : i32
      %dma_wait3A_137 = tpu.memref_slice %dma_wait3A_134[%dma_wait3A_135, %dma_wait3A_136] : memref<96x128xf32, #tpu.memory_space<vmem>> -> memref<64x128xf32, #tpu.memory_space<vmem>>
      %dma_wait3A_138 = arith.constant 0 : i32
      %dma_wait3A_139 = tpu.memref_slice %arg11[%add3A_109, %dma_wait3A_138] : memref<10240x128xf32, #tpu.memory_space<vmem_shared>> -> memref<64x128xf32, #tpu.memory_space<vmem_shared>>
      %dma_wait3A_140 = arith.constant 0 : i32
      %dma_wait3A_141 = arith.constant 0 : i32
      %dma_wait3A_142 = tpu.memref_slice %arg10[%run_scoped3A_110, %dma_wait3A_140, %dma_wait3A_141] : memref<2x96x128xf32, #tpu.memory_space<vmem>> -> memref<1x96x128xf32, #tpu.memory_space<vmem>>
      %dma_wait3A_143 = tpu.memref_squeeze %dma_wait3A_142 : memref<1x96x128xf32, #tpu.memory_space<vmem>> -> memref<96x128xf32, #tpu.memory_space<vmem>>
      %dma_wait3A_144 = arith.constant 0 : i32
      %dma_wait3A_145 = arith.constant 0 : i32
      %dma_wait3A_146 = tpu.memref_slice %dma_wait3A_143[%dma_wait3A_144, %dma_wait3A_145] : memref<96x128xf32, #tpu.memory_space<vmem>> -> memref<64x128xf32, #tpu.memory_space<vmem>>
      %dma_wait3A_147 = arith.constant 0 : i32
      %dma_wait3A_148 = tpu.memref_slice %arg11[%add3A_109, %dma_wait3A_147] : memref<10240x128xf32, #tpu.memory_space<vmem_shared>> -> memref<64x128xf32, #tpu.memory_space<vmem_shared>>
      tpu.wait_dma2 semaphore(%run_scoped3A_114 : memref<!tpu.dma_semaphore, #tpu.memory_space<semaphore_mem>>) src(%dma_wait3A_148 : memref<64x128xf32, #tpu.memory_space<vmem_shared>>) dst(%dma_wait3A_146 : memref<64x128xf32, #tpu.memory_space<vmem>>)
      tpu.yield
    }) : () -> ()
    %add3A_111 = arith.constant 576 : i32
    %add3A_112 = arith.addi %add3A_57, %add3A_111 : i32
    %run_scoped3A_113 = arith.constant 0 : i32
    "tpu.region"() ({
      %run_scoped3A_114 = tpu.sem_alloc : memref<!tpu.dma_semaphore, #tpu.memory_space<semaphore_mem>>
      %dma_start3A = arith.constant 0 : i32
      %dma_start3A_115 = arith.constant 0 : i32
      %dma_start3A_116 = tpu.memref_slice %arg10[%run_scoped3A_113, %dma_start3A, %dma_start3A_115] : memref<2x96x128xf32, #tpu.memory_space<vmem>> -> memref<1x96x128xf32, #tpu.memory_space<vmem>>
      %dma_start3A_117 = tpu.memref_squeeze %dma_start3A_116 : memref<1x96x128xf32, #tpu.memory_space<vmem>> -> memref<96x128xf32, #tpu.memory_space<vmem>>
      %dma_start3A_118 = arith.constant 0 : i32
      %dma_start3A_119 = arith.constant 0 : i32
      %dma_start3A_120 = tpu.memref_slice %dma_start3A_117[%dma_start3A_118, %dma_start3A_119] : memref<96x128xf32, #tpu.memory_space<vmem>> -> memref<64x128xf32, #tpu.memory_space<vmem>>
      %dma_start3A_121 = arith.constant 0 : i32
      %dma_start3A_122 = tpu.memref_slice %arg6[%add3A_112, %dma_start3A_121] : memref<20480x128xf32, #tpu.memory_space<hbm>> -> memref<64x128xf32, #tpu.memory_space<hbm>>
      %dma_start3A_123 = arith.constant 0 : i32
      %dma_start3A_124 = tpu.memref_slice %arg6[%add3A_112, %dma_start3A_123] : memref<20480x128xf32, #tpu.memory_space<hbm>> -> memref<64x128xf32, #tpu.memory_space<hbm>>
      %dma_start3A_125 = arith.constant 0 : i32
      %dma_start3A_126 = arith.constant 0 : i32
      %dma_start3A_127 = tpu.memref_slice %arg10[%run_scoped3A_113, %dma_start3A_125, %dma_start3A_126] : memref<2x96x128xf32, #tpu.memory_space<vmem>> -> memref<1x96x128xf32, #tpu.memory_space<vmem>>
      %dma_start3A_128 = tpu.memref_squeeze %dma_start3A_127 : memref<1x96x128xf32, #tpu.memory_space<vmem>> -> memref<96x128xf32, #tpu.memory_space<vmem>>
      %dma_start3A_129 = arith.constant 0 : i32
      %dma_start3A_130 = arith.constant 0 : i32
      %dma_start3A_131 = tpu.memref_slice %dma_start3A_128[%dma_start3A_129, %dma_start3A_130] : memref<96x128xf32, #tpu.memory_space<vmem>> -> memref<64x128xf32, #tpu.memory_space<vmem>>
      tpu.enqueue_dma source(%dma_start3A_131 : memref<64x128xf32, #tpu.memory_space<vmem>>) target(%dma_start3A_124 : memref<64x128xf32, #tpu.memory_space<hbm>>) target_semaphore(%run_scoped3A_114 : memref<!tpu.dma_semaphore, #tpu.memory_space<semaphore_mem>>)
      %dma_wait3A = arith.constant 0 : i32
      %dma_wait3A_132 = arith.constant 0 : i32
      %dma_wait3A_133 = tpu.memref_slice %arg10[%run_scoped3A_113, %dma_wait3A, %dma_wait3A_132] : memref<2x96x128xf32, #tpu.memory_space<vmem>> -> memref<1x96x128xf32, #tpu.memory_space<vmem>>
      %dma_wait3A_134 = tpu.memref_squeeze %dma_wait3A_133 : memref<1x96x128xf32, #tpu.memory_space<vmem>> -> memref<96x128xf32, #tpu.memory_space<vmem>>
      %dma_wait3A_135 = arith.constant 0 : i32
      %dma_wait3A_136 = arith.constant 0 : i32
      %dma_wait3A_137 = tpu.memref_slice %dma_wait3A_134[%dma_wait3A_135, %dma_wait3A_136] : memref<96x128xf32, #tpu.memory_space<vmem>> -> memref<64x128xf32, #tpu.memory_space<vmem>>
      %dma_wait3A_138 = arith.constant 0 : i32
      %dma_wait3A_139 = tpu.memref_slice %arg6[%add3A_112, %dma_wait3A_138] : memref<20480x128xf32, #tpu.memory_space<hbm>> -> memref<64x128xf32, #tpu.memory_space<hbm>>
      %dma_wait3A_140 = arith.constant 0 : i32
      %dma_wait3A_141 = tpu.memref_slice %arg6[%add3A_112, %dma_wait3A_140] : memref<20480x128xf32, #tpu.memory_space<hbm>> -> memref<64x128xf32, #tpu.memory_space<hbm>>
      %dma_wait3A_142 = arith.constant 0 : i32
      %dma_wait3A_143 = arith.constant 0 : i32
      %dma_wait3A_144 = tpu.memref_slice %arg10[%run_scoped3A_113, %dma_wait3A_142, %dma_wait3A_143] : memref<2x96x128xf32, #tpu.memory_space<vmem>> -> memref<1x96x128xf32, #tpu.memory_space<vmem>>
      %dma_wait3A_145 = tpu.memref_squeeze %dma_wait3A_144 : memref<1x96x128xf32, #tpu.memory_space<vmem>> -> memref<96x128xf32, #tpu.memory_space<vmem>>
      %dma_wait3A_146 = arith.constant 0 : i32
      %dma_wait3A_147 = arith.constant 0 : i32
      %dma_wait3A_148 = tpu.memref_slice %dma_wait3A_145[%dma_wait3A_146, %dma_wait3A_147] : memref<96x128xf32, #tpu.memory_space<vmem>> -> memref<64x128xf32, #tpu.memory_space<vmem>>
      tpu.wait_dma2 semaphore(%run_scoped3A_114 : memref<!tpu.dma_semaphore, #tpu.memory_space<semaphore_mem>>) src(%dma_wait3A_148 : memref<64x128xf32, #tpu.memory_space<vmem>>) dst(%dma_wait3A_141 : memref<64x128xf32, #tpu.memory_space<hbm>>)
      tpu.yield
    }) : () -> ()
    return
  }
}

#map = affine_map<(d0, d1) -> (0, 0, 0)>
#map1 = affine_map<(d0, d1) -> (0, 0)>
module attributes {stable_mosaic.version = 14 : i64} {
  func.func @body(%arg0: i32, %arg1: i32, %arg2: memref<32x81x128xi32, #tpu.memory_space<hbm>>, %arg3: memref<10240x128xf32, #tpu.memory_space<hbm>>, %arg4: memref<20480x128xf32, #tpu.memory_space<hbm>>, %arg5: memref<81x128xi32, #tpu.memory_space<vmem>>, %arg6: memref<128x128xf32, #tpu.memory_space<vmem>>, %arg7: memref<10240x128xf32, #tpu.memory_space<vmem_shared>>) attributes {dimension_semantics = [#tpu.dimension_semantics<core_parallel>, #tpu.dimension_semantics<subcore_parallel>], iteration_bounds = array<i64: 2, 16>, scalar_prefetch = 0 : i64, scratch_operands = 3 : i64, tpu.core_type = #tpu.core_type<sc_vector_subcore>, window_params = [{transform_indices = #map}, {transform_indices = #map1}, {transform_indices = #map1}]} {
    %mul3A = arith.constant 2 : i32
    %mul3A_0 = arith.muli %arg1, %mul3A : i32
    %add3A = arith.addi %mul3A_0, %arg0 : i32
    "tpu.region"() ({
      %run_scoped3A = tpu.sem_alloc : memref<!tpu.dma_semaphore, #tpu.memory_space<semaphore_mem>>
      %dma_start3A = arith.constant 0 : i32
      %dma_start3A_68 = arith.constant 0 : i32
      %dma_start3A_69 = tpu.memref_slice %arg2[%add3A, %dma_start3A, %dma_start3A_68] : memref<32x81x128xi32, #tpu.memory_space<hbm>> -> memref<1x81x128xi32, #tpu.memory_space<hbm>>
      %dma_start3A_70 = tpu.memref_squeeze %dma_start3A_69 : memref<1x81x128xi32, #tpu.memory_space<hbm>> -> memref<81x128xi32, #tpu.memory_space<hbm>>
      %dma_start3A_71 = arith.constant 0 : i32
      %dma_start3A_72 = arith.constant 0 : i32
      %dma_start3A_73 = tpu.memref_slice %arg2[%add3A, %dma_start3A_71, %dma_start3A_72] : memref<32x81x128xi32, #tpu.memory_space<hbm>> -> memref<1x81x128xi32, #tpu.memory_space<hbm>>
      %dma_start3A_74 = tpu.memref_squeeze %dma_start3A_73 : memref<1x81x128xi32, #tpu.memory_space<hbm>> -> memref<81x128xi32, #tpu.memory_space<hbm>>
      tpu.enqueue_dma source(%dma_start3A_74 : memref<81x128xi32, #tpu.memory_space<hbm>>) target(%arg5 : memref<81x128xi32, #tpu.memory_space<vmem>>) target_semaphore(%run_scoped3A : memref<!tpu.dma_semaphore, #tpu.memory_space<semaphore_mem>>)
      %dma_wait3A = arith.constant 0 : i32
      %dma_wait3A_75 = arith.constant 0 : i32
      %dma_wait3A_76 = tpu.memref_slice %arg2[%add3A, %dma_wait3A, %dma_wait3A_75] : memref<32x81x128xi32, #tpu.memory_space<hbm>> -> memref<1x81x128xi32, #tpu.memory_space<hbm>>
      %dma_wait3A_77 = tpu.memref_squeeze %dma_wait3A_76 : memref<1x81x128xi32, #tpu.memory_space<hbm>> -> memref<81x128xi32, #tpu.memory_space<hbm>>
      %dma_wait3A_78 = arith.constant 0 : i32
      %dma_wait3A_79 = arith.constant 0 : i32
      %dma_wait3A_80 = tpu.memref_slice %arg2[%add3A, %dma_wait3A_78, %dma_wait3A_79] : memref<32x81x128xi32, #tpu.memory_space<hbm>> -> memref<1x81x128xi32, #tpu.memory_space<hbm>>
      %dma_wait3A_81 = tpu.memref_squeeze %dma_wait3A_80 : memref<1x81x128xi32, #tpu.memory_space<hbm>> -> memref<81x128xi32, #tpu.memory_space<hbm>>
      tpu.wait_dma2 semaphore(%run_scoped3A : memref<!tpu.dma_semaphore, #tpu.memory_space<semaphore_mem>>) src(%dma_wait3A_81 : memref<81x128xi32, #tpu.memory_space<hbm>>) dst(%arg5 : memref<81x128xi32, #tpu.memory_space<vmem>>)
      tpu.yield
    }) : () -> ()
    "tpu.region"() ({
      %run_scoped3A = tpu.sem_alloc : memref<!tpu.dma_semaphore, #tpu.memory_space<semaphore_mem>>
      %dma_start3A = arith.constant 0 : i32
      %dma_start3A_68 = arith.constant 0 : i32
      %dma_start3A_69 = tpu.memref_slice %arg3[%dma_start3A, %dma_start3A_68] : memref<10240x128xf32, #tpu.memory_space<hbm>> -> memref<128x128xf32, #tpu.memory_space<hbm>>
      %dma_start3A_70 = arith.constant 0 : i32
      %dma_start3A_71 = arith.constant 0 : i32
      %dma_start3A_72 = tpu.memref_slice %arg3[%dma_start3A_70, %dma_start3A_71] : memref<10240x128xf32, #tpu.memory_space<hbm>> -> memref<128x128xf32, #tpu.memory_space<hbm>>
      tpu.enqueue_dma source(%dma_start3A_72 : memref<128x128xf32, #tpu.memory_space<hbm>>) target(%arg6 : memref<128x128xf32, #tpu.memory_space<vmem>>) target_semaphore(%run_scoped3A : memref<!tpu.dma_semaphore, #tpu.memory_space<semaphore_mem>>)
      %dma_wait3A = arith.constant 0 : i32
      %dma_wait3A_73 = arith.constant 0 : i32
      %dma_wait3A_74 = tpu.memref_slice %arg3[%dma_wait3A, %dma_wait3A_73] : memref<10240x128xf32, #tpu.memory_space<hbm>> -> memref<128x128xf32, #tpu.memory_space<hbm>>
      %dma_wait3A_75 = arith.constant 0 : i32
      %dma_wait3A_76 = arith.constant 0 : i32
      %dma_wait3A_77 = tpu.memref_slice %arg3[%dma_wait3A_75, %dma_wait3A_76] : memref<10240x128xf32, #tpu.memory_space<hbm>> -> memref<128x128xf32, #tpu.memory_space<hbm>>
      tpu.wait_dma2 semaphore(%run_scoped3A : memref<!tpu.dma_semaphore, #tpu.memory_space<semaphore_mem>>) src(%dma_wait3A_77 : memref<128x128xf32, #tpu.memory_space<hbm>>) dst(%arg6 : memref<128x128xf32, #tpu.memory_space<vmem>>)
      tpu.yield
    }) : () -> ()
    %mul3A_1 = arith.constant 640 : i32
    %mul3A_2 = arith.muli %arg1, %mul3A_1 : i32
    %add3A_3 = arith.constant 0 : i32
    %add3A_4 = arith.addi %mul3A_2, %add3A_3 : i32
    "tpu.region"() ({
      %run_scoped3A = tpu.sem_alloc : memref<!tpu.dma_semaphore, #tpu.memory_space<semaphore_mem>>
      %dma_start3A = arith.constant 0 : i32
      %dma_start3A_68 = tpu.memref_slice %arg7[%add3A_4, %dma_start3A] : memref<10240x128xf32, #tpu.memory_space<vmem_shared>> -> memref<128x128xf32, #tpu.memory_space<vmem_shared>>
      %dma_start3A_69 = arith.constant 0 : i32
      %dma_start3A_70 = tpu.memref_slice %arg7[%add3A_4, %dma_start3A_69] : memref<10240x128xf32, #tpu.memory_space<vmem_shared>> -> memref<128x128xf32, #tpu.memory_space<vmem_shared>>
      tpu.enqueue_dma source(%arg6 : memref<128x128xf32, #tpu.memory_space<vmem>>) target(%dma_start3A_70 : memref<128x128xf32, #tpu.memory_space<vmem_shared>>) target_semaphore(%run_scoped3A : memref<!tpu.dma_semaphore, #tpu.memory_space<semaphore_mem>>)
      %dma_wait3A = arith.constant 0 : i32
      %dma_wait3A_71 = tpu.memref_slice %arg7[%add3A_4, %dma_wait3A] : memref<10240x128xf32, #tpu.memory_space<vmem_shared>> -> memref<128x128xf32, #tpu.memory_space<vmem_shared>>
      %dma_wait3A_72 = arith.constant 0 : i32
      %dma_wait3A_73 = tpu.memref_slice %arg7[%add3A_4, %dma_wait3A_72] : memref<10240x128xf32, #tpu.memory_space<vmem_shared>> -> memref<128x128xf32, #tpu.memory_space<vmem_shared>>
      tpu.wait_dma2 semaphore(%run_scoped3A : memref<!tpu.dma_semaphore, #tpu.memory_space<semaphore_mem>>) src(%arg6 : memref<128x128xf32, #tpu.memory_space<vmem>>) dst(%dma_wait3A_73 : memref<128x128xf32, #tpu.memory_space<vmem_shared>>)
      tpu.yield
    }) : () -> ()
    %mul3A_5 = arith.constant 640 : i32
    %mul3A_6 = arith.muli %arg1, %mul3A_5 : i32
    %add3A_7 = arith.constant 128 : i32
    %add3A_8 = arith.addi %mul3A_6, %add3A_7 : i32
    "tpu.region"() ({
      %run_scoped3A = tpu.sem_alloc : memref<!tpu.dma_semaphore, #tpu.memory_space<semaphore_mem>>
      %dma_start3A = arith.constant 0 : i32
      %dma_start3A_68 = tpu.memref_slice %arg7[%add3A_8, %dma_start3A] : memref<10240x128xf32, #tpu.memory_space<vmem_shared>> -> memref<128x128xf32, #tpu.memory_space<vmem_shared>>
      %dma_start3A_69 = arith.constant 0 : i32
      %dma_start3A_70 = tpu.memref_slice %arg7[%add3A_8, %dma_start3A_69] : memref<10240x128xf32, #tpu.memory_space<vmem_shared>> -> memref<128x128xf32, #tpu.memory_space<vmem_shared>>
      tpu.enqueue_dma source(%arg6 : memref<128x128xf32, #tpu.memory_space<vmem>>) target(%dma_start3A_70 : memref<128x128xf32, #tpu.memory_space<vmem_shared>>) target_semaphore(%run_scoped3A : memref<!tpu.dma_semaphore, #tpu.memory_space<semaphore_mem>>)
      %dma_wait3A = arith.constant 0 : i32
      %dma_wait3A_71 = tpu.memref_slice %arg7[%add3A_8, %dma_wait3A] : memref<10240x128xf32, #tpu.memory_space<vmem_shared>> -> memref<128x128xf32, #tpu.memory_space<vmem_shared>>
      %dma_wait3A_72 = arith.constant 0 : i32
      %dma_wait3A_73 = tpu.memref_slice %arg7[%add3A_8, %dma_wait3A_72] : memref<10240x128xf32, #tpu.memory_space<vmem_shared>> -> memref<128x128xf32, #tpu.memory_space<vmem_shared>>
      tpu.wait_dma2 semaphore(%run_scoped3A : memref<!tpu.dma_semaphore, #tpu.memory_space<semaphore_mem>>) src(%arg6 : memref<128x128xf32, #tpu.memory_space<vmem>>) dst(%dma_wait3A_73 : memref<128x128xf32, #tpu.memory_space<vmem_shared>>)
      tpu.yield
    }) : () -> ()
    %mul3A_9 = arith.constant 640 : i32
    %mul3A_10 = arith.muli %arg1, %mul3A_9 : i32
    %add3A_11 = arith.constant 256 : i32
    %add3A_12 = arith.addi %mul3A_10, %add3A_11 : i32
    "tpu.region"() ({
      %run_scoped3A = tpu.sem_alloc : memref<!tpu.dma_semaphore, #tpu.memory_space<semaphore_mem>>
      %dma_start3A = arith.constant 0 : i32
      %dma_start3A_68 = tpu.memref_slice %arg7[%add3A_12, %dma_start3A] : memref<10240x128xf32, #tpu.memory_space<vmem_shared>> -> memref<128x128xf32, #tpu.memory_space<vmem_shared>>
      %dma_start3A_69 = arith.constant 0 : i32
      %dma_start3A_70 = tpu.memref_slice %arg7[%add3A_12, %dma_start3A_69] : memref<10240x128xf32, #tpu.memory_space<vmem_shared>> -> memref<128x128xf32, #tpu.memory_space<vmem_shared>>
      tpu.enqueue_dma source(%arg6 : memref<128x128xf32, #tpu.memory_space<vmem>>) target(%dma_start3A_70 : memref<128x128xf32, #tpu.memory_space<vmem_shared>>) target_semaphore(%run_scoped3A : memref<!tpu.dma_semaphore, #tpu.memory_space<semaphore_mem>>)
      %dma_wait3A = arith.constant 0 : i32
      %dma_wait3A_71 = tpu.memref_slice %arg7[%add3A_12, %dma_wait3A] : memref<10240x128xf32, #tpu.memory_space<vmem_shared>> -> memref<128x128xf32, #tpu.memory_space<vmem_shared>>
      %dma_wait3A_72 = arith.constant 0 : i32
      %dma_wait3A_73 = tpu.memref_slice %arg7[%add3A_12, %dma_wait3A_72] : memref<10240x128xf32, #tpu.memory_space<vmem_shared>> -> memref<128x128xf32, #tpu.memory_space<vmem_shared>>
      tpu.wait_dma2 semaphore(%run_scoped3A : memref<!tpu.dma_semaphore, #tpu.memory_space<semaphore_mem>>) src(%arg6 : memref<128x128xf32, #tpu.memory_space<vmem>>) dst(%dma_wait3A_73 : memref<128x128xf32, #tpu.memory_space<vmem_shared>>)
      tpu.yield
    }) : () -> ()
    %mul3A_13 = arith.constant 640 : i32
    %mul3A_14 = arith.muli %arg1, %mul3A_13 : i32
    %add3A_15 = arith.constant 384 : i32
    %add3A_16 = arith.addi %mul3A_14, %add3A_15 : i32
    "tpu.region"() ({
      %run_scoped3A = tpu.sem_alloc : memref<!tpu.dma_semaphore, #tpu.memory_space<semaphore_mem>>
      %dma_start3A = arith.constant 0 : i32
      %dma_start3A_68 = tpu.memref_slice %arg7[%add3A_16, %dma_start3A] : memref<10240x128xf32, #tpu.memory_space<vmem_shared>> -> memref<128x128xf32, #tpu.memory_space<vmem_shared>>
      %dma_start3A_69 = arith.constant 0 : i32
      %dma_start3A_70 = tpu.memref_slice %arg7[%add3A_16, %dma_start3A_69] : memref<10240x128xf32, #tpu.memory_space<vmem_shared>> -> memref<128x128xf32, #tpu.memory_space<vmem_shared>>
      tpu.enqueue_dma source(%arg6 : memref<128x128xf32, #tpu.memory_space<vmem>>) target(%dma_start3A_70 : memref<128x128xf32, #tpu.memory_space<vmem_shared>>) target_semaphore(%run_scoped3A : memref<!tpu.dma_semaphore, #tpu.memory_space<semaphore_mem>>)
      %dma_wait3A = arith.constant 0 : i32
      %dma_wait3A_71 = tpu.memref_slice %arg7[%add3A_16, %dma_wait3A] : memref<10240x128xf32, #tpu.memory_space<vmem_shared>> -> memref<128x128xf32, #tpu.memory_space<vmem_shared>>
      %dma_wait3A_72 = arith.constant 0 : i32
      %dma_wait3A_73 = tpu.memref_slice %arg7[%add3A_16, %dma_wait3A_72] : memref<10240x128xf32, #tpu.memory_space<vmem_shared>> -> memref<128x128xf32, #tpu.memory_space<vmem_shared>>
      tpu.wait_dma2 semaphore(%run_scoped3A : memref<!tpu.dma_semaphore, #tpu.memory_space<semaphore_mem>>) src(%arg6 : memref<128x128xf32, #tpu.memory_space<vmem>>) dst(%dma_wait3A_73 : memref<128x128xf32, #tpu.memory_space<vmem_shared>>)
      tpu.yield
    }) : () -> ()
    %mul3A_17 = arith.constant 640 : i32
    %mul3A_18 = arith.muli %arg1, %mul3A_17 : i32
    %add3A_19 = arith.constant 512 : i32
    %add3A_20 = arith.addi %mul3A_18, %add3A_19 : i32
    "tpu.region"() ({
      %run_scoped3A = tpu.sem_alloc : memref<!tpu.dma_semaphore, #tpu.memory_space<semaphore_mem>>
      %dma_start3A = arith.constant 0 : i32
      %dma_start3A_68 = tpu.memref_slice %arg7[%add3A_20, %dma_start3A] : memref<10240x128xf32, #tpu.memory_space<vmem_shared>> -> memref<128x128xf32, #tpu.memory_space<vmem_shared>>
      %dma_start3A_69 = arith.constant 0 : i32
      %dma_start3A_70 = tpu.memref_slice %arg7[%add3A_20, %dma_start3A_69] : memref<10240x128xf32, #tpu.memory_space<vmem_shared>> -> memref<128x128xf32, #tpu.memory_space<vmem_shared>>
      tpu.enqueue_dma source(%arg6 : memref<128x128xf32, #tpu.memory_space<vmem>>) target(%dma_start3A_70 : memref<128x128xf32, #tpu.memory_space<vmem_shared>>) target_semaphore(%run_scoped3A : memref<!tpu.dma_semaphore, #tpu.memory_space<semaphore_mem>>)
      %dma_wait3A = arith.constant 0 : i32
      %dma_wait3A_71 = tpu.memref_slice %arg7[%add3A_20, %dma_wait3A] : memref<10240x128xf32, #tpu.memory_space<vmem_shared>> -> memref<128x128xf32, #tpu.memory_space<vmem_shared>>
      %dma_wait3A_72 = arith.constant 0 : i32
      %dma_wait3A_73 = tpu.memref_slice %arg7[%add3A_20, %dma_wait3A_72] : memref<10240x128xf32, #tpu.memory_space<vmem_shared>> -> memref<128x128xf32, #tpu.memory_space<vmem_shared>>
      tpu.wait_dma2 semaphore(%run_scoped3A : memref<!tpu.dma_semaphore, #tpu.memory_space<semaphore_mem>>) src(%arg6 : memref<128x128xf32, #tpu.memory_space<vmem>>) dst(%dma_wait3A_73 : memref<128x128xf32, #tpu.memory_space<vmem_shared>>)
      tpu.yield
    }) : () -> ()
    %scan3A = arith.constant 0 : i32
    %scan3A_21 = arith.constant 0 : i32
    %scan3A_22 = arith.constant 128 : i32
    %scan3A_23 = arith.addi %scan3A_21, %scan3A_22 : i32
    %scan3A_24 = arith.constant 1 : i32
    scf.for %scan3A_68 = %scan3A_21 to %scan3A_23 step %scan3A_24  : i32 {
      %broadcast_in_dim3A = arith.constant 1.000000e+00 : f32
      %broadcast_in_dim3A_69 = vector.broadcast %broadcast_in_dim3A : f32 to vector<16xf32>
      %swap3A = arith.index_cast %scan3A_68 : i32 to index
      %swap3A_70 = arith.constant 0 : index
      %swap3A_71 = tpu.vector_load %arg6[%swap3A, %swap3A_70] {strides = array<i32>} : memref<128x128xf32, #tpu.memory_space<vmem>>, vector<1x16xf32>,
      %swap3A_72 = vector.shape_cast %swap3A_71 : vector<1x16xf32> to vector<16xf32>
      %swap3A_73 = vector.shape_cast %broadcast_in_dim3A_69 : vector<16xf32> to vector<1x16xf32>
      tpu.vector_store %arg6[%swap3A, %swap3A_70], %swap3A_73 {strides = array<i32>} : memref<128x128xf32, #tpu.memory_space<vmem>>, vector<1x16xf32>,
      %broadcast_in_dim3A_74 = arith.constant 1.000000e+00 : f32
      %broadcast_in_dim3A_75 = vector.broadcast %broadcast_in_dim3A_74 : f32 to vector<16xf32>
      %swap3A_76 = arith.index_cast %scan3A_68 : i32 to index
      %swap3A_77 = arith.constant 16 : index
      %swap3A_78 = tpu.vector_load %arg6[%swap3A_76, %swap3A_77] {strides = array<i32>} : memref<128x128xf32, #tpu.memory_space<vmem>>, vector<1x16xf32>,
      %swap3A_79 = vector.shape_cast %swap3A_78 : vector<1x16xf32> to vector<16xf32>
      %swap3A_80 = vector.shape_cast %broadcast_in_dim3A_75 : vector<16xf32> to vector<1x16xf32>
      tpu.vector_store %arg6[%swap3A_76, %swap3A_77], %swap3A_80 {strides = array<i32>} : memref<128x128xf32, #tpu.memory_space<vmem>>, vector<1x16xf32>,
      %broadcast_in_dim3A_81 = arith.constant 1.000000e+00 : f32
      %broadcast_in_dim3A_82 = vector.broadcast %broadcast_in_dim3A_81 : f32 to vector<16xf32>
      %swap3A_83 = arith.index_cast %scan3A_68 : i32 to index
      %swap3A_84 = arith.constant 32 : index
      %swap3A_85 = tpu.vector_load %arg6[%swap3A_83, %swap3A_84] {strides = array<i32>} : memref<128x128xf32, #tpu.memory_space<vmem>>, vector<1x16xf32>,
      %swap3A_86 = vector.shape_cast %swap3A_85 : vector<1x16xf32> to vector<16xf32>
      %swap3A_87 = vector.shape_cast %broadcast_in_dim3A_82 : vector<16xf32> to vector<1x16xf32>
      tpu.vector_store %arg6[%swap3A_83, %swap3A_84], %swap3A_87 {strides = array<i32>} : memref<128x128xf32, #tpu.memory_space<vmem>>, vector<1x16xf32>,
      %broadcast_in_dim3A_88 = arith.constant 1.000000e+00 : f32
      %broadcast_in_dim3A_89 = vector.broadcast %broadcast_in_dim3A_88 : f32 to vector<16xf32>
      %swap3A_90 = arith.index_cast %scan3A_68 : i32 to index
      %swap3A_91 = arith.constant 48 : index
      %swap3A_92 = tpu.vector_load %arg6[%swap3A_90, %swap3A_91] {strides = array<i32>} : memref<128x128xf32, #tpu.memory_space<vmem>>, vector<1x16xf32>,
      %swap3A_93 = vector.shape_cast %swap3A_92 : vector<1x16xf32> to vector<16xf32>
      %swap3A_94 = vector.shape_cast %broadcast_in_dim3A_89 : vector<16xf32> to vector<1x16xf32>
      tpu.vector_store %arg6[%swap3A_90, %swap3A_91], %swap3A_94 {strides = array<i32>} : memref<128x128xf32, #tpu.memory_space<vmem>>, vector<1x16xf32>,
      %broadcast_in_dim3A_95 = arith.constant 1.000000e+00 : f32
      %broadcast_in_dim3A_96 = vector.broadcast %broadcast_in_dim3A_95 : f32 to vector<16xf32>
      %swap3A_97 = arith.index_cast %scan3A_68 : i32 to index
      %swap3A_98 = arith.constant 64 : index
      %swap3A_99 = tpu.vector_load %arg6[%swap3A_97, %swap3A_98] {strides = array<i32>} : memref<128x128xf32, #tpu.memory_space<vmem>>, vector<1x16xf32>,
      %swap3A_100 = vector.shape_cast %swap3A_99 : vector<1x16xf32> to vector<16xf32>
      %swap3A_101 = vector.shape_cast %broadcast_in_dim3A_96 : vector<16xf32> to vector<1x16xf32>
      tpu.vector_store %arg6[%swap3A_97, %swap3A_98], %swap3A_101 {strides = array<i32>} : memref<128x128xf32, #tpu.memory_space<vmem>>, vector<1x16xf32>,
      %broadcast_in_dim3A_102 = arith.constant 1.000000e+00 : f32
      %broadcast_in_dim3A_103 = vector.broadcast %broadcast_in_dim3A_102 : f32 to vector<16xf32>
      %swap3A_104 = arith.index_cast %scan3A_68 : i32 to index
      %swap3A_105 = arith.constant 80 : index
      %swap3A_106 = tpu.vector_load %arg6[%swap3A_104, %swap3A_105] {strides = array<i32>} : memref<128x128xf32, #tpu.memory_space<vmem>>, vector<1x16xf32>,
      %swap3A_107 = vector.shape_cast %swap3A_106 : vector<1x16xf32> to vector<16xf32>
      %swap3A_108 = vector.shape_cast %broadcast_in_dim3A_103 : vector<16xf32> to vector<1x16xf32>
      tpu.vector_store %arg6[%swap3A_104, %swap3A_105], %swap3A_108 {strides = array<i32>} : memref<128x128xf32, #tpu.memory_space<vmem>>, vector<1x16xf32>,
      %broadcast_in_dim3A_109 = arith.constant 1.000000e+00 : f32
      %broadcast_in_dim3A_110 = vector.broadcast %broadcast_in_dim3A_109 : f32 to vector<16xf32>
      %swap3A_111 = arith.index_cast %scan3A_68 : i32 to index
      %swap3A_112 = arith.constant 96 : index
      %swap3A_113 = tpu.vector_load %arg6[%swap3A_111, %swap3A_112] {strides = array<i32>} : memref<128x128xf32, #tpu.memory_space<vmem>>, vector<1x16xf32>,
      %swap3A_114 = vector.shape_cast %swap3A_113 : vector<1x16xf32> to vector<16xf32>
      %swap3A_115 = vector.shape_cast %broadcast_in_dim3A_110 : vector<16xf32> to vector<1x16xf32>
      tpu.vector_store %arg6[%swap3A_111, %swap3A_112], %swap3A_115 {strides = array<i32>} : memref<128x128xf32, #tpu.memory_space<vmem>>, vector<1x16xf32>,
      %broadcast_in_dim3A_116 = arith.constant 1.000000e+00 : f32
      %broadcast_in_dim3A_117 = vector.broadcast %broadcast_in_dim3A_116 : f32 to vector<16xf32>
      %swap3A_118 = arith.index_cast %scan3A_68 : i32 to index
      %swap3A_119 = arith.constant 112 : index
      %swap3A_120 = tpu.vector_load %arg6[%swap3A_118, %swap3A_119] {strides = array<i32>} : memref<128x128xf32, #tpu.memory_space<vmem>>, vector<1x16xf32>,
      %swap3A_121 = vector.shape_cast %swap3A_120 : vector<1x16xf32> to vector<16xf32>
      %swap3A_122 = vector.shape_cast %broadcast_in_dim3A_117 : vector<16xf32> to vector<1x16xf32>
      tpu.vector_store %arg6[%swap3A_118, %swap3A_119], %swap3A_122 {strides = array<i32>} : memref<128x128xf32, #tpu.memory_space<vmem>>, vector<1x16xf32>,
    }
    %scan3A_25 = arith.constant 128 : i32
    %barrier3A = arith.constant 0 : index
    tpu.barrier barrier_id(%barrier3A)
    %scan3A_26 = arith.constant 0 : i32
    %scan3A_27 = arith.constant 0 : i32
    %scan3A_28 = arith.constant 81 : i32
    %scan3A_29 = arith.addi %scan3A_27, %scan3A_28 : i32
    %scan3A_30 = arith.constant 1 : i32
    scf.for %scan3A_68 = %scan3A_27 to %scan3A_29 step %scan3A_30  : i32 {
      "tpu.region"() ({
        %run_scoped3A = tpu.sem_alloc : memref<!tpu.dma_semaphore, #tpu.memory_space<semaphore_mem>>
        %dma_start3A = arith.constant 0 : i32
        %dma_start3A_69 = tpu.memref_slice %arg5[%scan3A_68, %dma_start3A] : memref<81x128xi32, #tpu.memory_space<vmem>> -> memref<1x128xi32, #tpu.memory_space<vmem>>
        %dma_start3A_70 = tpu.memref_squeeze %dma_start3A_69 : memref<1x128xi32, #tpu.memory_space<vmem>> -> memref<128xi32, #tpu.memory_space<vmem>>
        %dma_start3A_71 = arith.constant 0 : i32
        %dma_start3A_72 = arith.constant 0 : i32
        %dma_start3A_73 = tpu.memref_slice %arg7[%dma_start3A_71, %dma_start3A_72] : memref<10240x128xf32, #tpu.memory_space<vmem_shared>> -> memref<10240x128xf32, #tpu.memory_space<vmem_shared>>
        tpu.enqueue_indirect_dma source(%arg6 : memref<128x128xf32, #tpu.memory_space<vmem>>) target(%dma_start3A_73 : memref<10240x128xf32, #tpu.memory_space<vmem_shared>>) offsets(%dma_start3A_70 : memref<128xi32, #tpu.memory_space<vmem>>) semaphore(%run_scoped3A : memref<!tpu.dma_semaphore, #tpu.memory_space<semaphore_mem>>) {add = true}
        %dma_wait3A = arith.constant 0 : i32
        %dma_wait3A_74 = tpu.memref_slice %arg5[%scan3A_68, %dma_wait3A] : memref<81x128xi32, #tpu.memory_space<vmem>> -> memref<1x128xi32, #tpu.memory_space<vmem>>
        %dma_wait3A_75 = tpu.memref_squeeze %dma_wait3A_74 : memref<1x128xi32, #tpu.memory_space<vmem>> -> memref<128xi32, #tpu.memory_space<vmem>>
        %dma_wait3A_76 = arith.constant 0 : i32
        %dma_wait3A_77 = arith.constant 0 : i32
        %dma_wait3A_78 = tpu.memref_slice %arg7[%dma_wait3A_76, %dma_wait3A_77] : memref<10240x128xf32, #tpu.memory_space<vmem_shared>> -> memref<10240x128xf32, #tpu.memory_space<vmem_shared>>
        tpu.wait_indirect_dma semaphore(%run_scoped3A : memref<!tpu.dma_semaphore, #tpu.memory_space<semaphore_mem>>) src(%arg6 : memref<128x128xf32, #tpu.memory_space<vmem>>) dst(%dma_wait3A_78 : memref<10240x128xf32, #tpu.memory_space<vmem_shared>>)
        tpu.yield
      }) : () -> ()
    }
    %scan3A_31 = arith.constant 81 : i32
    %barrier3A_32 = arith.constant 0 : index
    tpu.barrier barrier_id(%barrier3A_32)
    %mul3A_33 = arith.constant 10240 : i32
    %mul3A_34 = arith.muli %arg0, %mul3A_33 : i32
    %mul3A_35 = arith.constant 640 : i32
    %mul3A_36 = arith.muli %arg1, %mul3A_35 : i32
    %add3A_37 = arith.addi %mul3A_34, %mul3A_36 : i32
    %mul3A_38 = arith.constant 640 : i32
    %mul3A_39 = arith.muli %arg1, %mul3A_38 : i32
    %add3A_40 = arith.constant 0 : i32
    %add3A_41 = arith.addi %mul3A_39, %add3A_40 : i32
    "tpu.region"() ({
      %run_scoped3A = tpu.sem_alloc : memref<!tpu.dma_semaphore, #tpu.memory_space<semaphore_mem>>
      %dma_start3A = arith.constant 0 : i32
      %dma_start3A_68 = tpu.memref_slice %arg7[%add3A_41, %dma_start3A] : memref<10240x128xf32, #tpu.memory_space<vmem_shared>> -> memref<128x128xf32, #tpu.memory_space<vmem_shared>>
      %dma_start3A_69 = arith.constant 0 : i32
      %dma_start3A_70 = tpu.memref_slice %arg7[%add3A_41, %dma_start3A_69] : memref<10240x128xf32, #tpu.memory_space<vmem_shared>> -> memref<128x128xf32, #tpu.memory_space<vmem_shared>>
      tpu.enqueue_dma source(%dma_start3A_70 : memref<128x128xf32, #tpu.memory_space<vmem_shared>>) target(%arg6 : memref<128x128xf32, #tpu.memory_space<vmem>>) target_semaphore(%run_scoped3A : memref<!tpu.dma_semaphore, #tpu.memory_space<semaphore_mem>>)
      %dma_wait3A = arith.constant 0 : i32
      %dma_wait3A_71 = tpu.memref_slice %arg7[%add3A_41, %dma_wait3A] : memref<10240x128xf32, #tpu.memory_space<vmem_shared>> -> memref<128x128xf32, #tpu.memory_space<vmem_shared>>
      %dma_wait3A_72 = arith.constant 0 : i32
      %dma_wait3A_73 = tpu.memref_slice %arg7[%add3A_41, %dma_wait3A_72] : memref<10240x128xf32, #tpu.memory_space<vmem_shared>> -> memref<128x128xf32, #tpu.memory_space<vmem_shared>>
      tpu.wait_dma2 semaphore(%run_scoped3A : memref<!tpu.dma_semaphore, #tpu.memory_space<semaphore_mem>>) src(%dma_wait3A_73 : memref<128x128xf32, #tpu.memory_space<vmem_shared>>) dst(%arg6 : memref<128x128xf32, #tpu.memory_space<vmem>>)
      tpu.yield
    }) : () -> ()
    %add3A_42 = arith.constant 0 : i32
    %add3A_43 = arith.addi %add3A_37, %add3A_42 : i32
    "tpu.region"() ({
      %run_scoped3A = tpu.sem_alloc : memref<!tpu.dma_semaphore, #tpu.memory_space<semaphore_mem>>
      %dma_start3A = arith.constant 0 : i32
      %dma_start3A_68 = tpu.memref_slice %arg4[%add3A_43, %dma_start3A] : memref<20480x128xf32, #tpu.memory_space<hbm>> -> memref<128x128xf32, #tpu.memory_space<hbm>>
      %dma_start3A_69 = arith.constant 0 : i32
      %dma_start3A_70 = tpu.memref_slice %arg4[%add3A_43, %dma_start3A_69] : memref<20480x128xf32, #tpu.memory_space<hbm>> -> memref<128x128xf32, #tpu.memory_space<hbm>>
      tpu.enqueue_dma source(%arg6 : memref<128x128xf32, #tpu.memory_space<vmem>>) target(%dma_start3A_70 : memref<128x128xf32, #tpu.memory_space<hbm>>) target_semaphore(%run_scoped3A : memref<!tpu.dma_semaphore, #tpu.memory_space<semaphore_mem>>)
      %dma_wait3A = arith.constant 0 : i32
      %dma_wait3A_71 = tpu.memref_slice %arg4[%add3A_43, %dma_wait3A] : memref<20480x128xf32, #tpu.memory_space<hbm>> -> memref<128x128xf32, #tpu.memory_space<hbm>>
      %dma_wait3A_72 = arith.constant 0 : i32
      %dma_wait3A_73 = tpu.memref_slice %arg4[%add3A_43, %dma_wait3A_72] : memref<20480x128xf32, #tpu.memory_space<hbm>> -> memref<128x128xf32, #tpu.memory_space<hbm>>
      tpu.wait_dma2 semaphore(%run_scoped3A : memref<!tpu.dma_semaphore, #tpu.memory_space<semaphore_mem>>) src(%arg6 : memref<128x128xf32, #tpu.memory_space<vmem>>) dst(%dma_wait3A_73 : memref<128x128xf32, #tpu.memory_space<hbm>>)
      tpu.yield
    }) : () -> ()
    %mul3A_44 = arith.constant 640 : i32
    %mul3A_45 = arith.muli %arg1, %mul3A_44 : i32
    %add3A_46 = arith.constant 128 : i32
    %add3A_47 = arith.addi %mul3A_45, %add3A_46 : i32
    "tpu.region"() ({
      %run_scoped3A = tpu.sem_alloc : memref<!tpu.dma_semaphore, #tpu.memory_space<semaphore_mem>>
      %dma_start3A = arith.constant 0 : i32
      %dma_start3A_68 = tpu.memref_slice %arg7[%add3A_47, %dma_start3A] : memref<10240x128xf32, #tpu.memory_space<vmem_shared>> -> memref<128x128xf32, #tpu.memory_space<vmem_shared>>
      %dma_start3A_69 = arith.constant 0 : i32
      %dma_start3A_70 = tpu.memref_slice %arg7[%add3A_47, %dma_start3A_69] : memref<10240x128xf32, #tpu.memory_space<vmem_shared>> -> memref<128x128xf32, #tpu.memory_space<vmem_shared>>
      tpu.enqueue_dma source(%dma_start3A_70 : memref<128x128xf32, #tpu.memory_space<vmem_shared>>) target(%arg6 : memref<128x128xf32, #tpu.memory_space<vmem>>) target_semaphore(%run_scoped3A : memref<!tpu.dma_semaphore, #tpu.memory_space<semaphore_mem>>)
      %dma_wait3A = arith.constant 0 : i32
      %dma_wait3A_71 = tpu.memref_slice %arg7[%add3A_47, %dma_wait3A] : memref<10240x128xf32, #tpu.memory_space<vmem_shared>> -> memref<128x128xf32, #tpu.memory_space<vmem_shared>>
      %dma_wait3A_72 = arith.constant 0 : i32
      %dma_wait3A_73 = tpu.memref_slice %arg7[%add3A_47, %dma_wait3A_72] : memref<10240x128xf32, #tpu.memory_space<vmem_shared>> -> memref<128x128xf32, #tpu.memory_space<vmem_shared>>
      tpu.wait_dma2 semaphore(%run_scoped3A : memref<!tpu.dma_semaphore, #tpu.memory_space<semaphore_mem>>) src(%dma_wait3A_73 : memref<128x128xf32, #tpu.memory_space<vmem_shared>>) dst(%arg6 : memref<128x128xf32, #tpu.memory_space<vmem>>)
      tpu.yield
    }) : () -> ()
    %add3A_48 = arith.constant 128 : i32
    %add3A_49 = arith.addi %add3A_37, %add3A_48 : i32
    "tpu.region"() ({
      %run_scoped3A = tpu.sem_alloc : memref<!tpu.dma_semaphore, #tpu.memory_space<semaphore_mem>>
      %dma_start3A = arith.constant 0 : i32
      %dma_start3A_68 = tpu.memref_slice %arg4[%add3A_49, %dma_start3A] : memref<20480x128xf32, #tpu.memory_space<hbm>> -> memref<128x128xf32, #tpu.memory_space<hbm>>
      %dma_start3A_69 = arith.constant 0 : i32
      %dma_start3A_70 = tpu.memref_slice %arg4[%add3A_49, %dma_start3A_69] : memref<20480x128xf32, #tpu.memory_space<hbm>> -> memref<128x128xf32, #tpu.memory_space<hbm>>
      tpu.enqueue_dma source(%arg6 : memref<128x128xf32, #tpu.memory_space<vmem>>) target(%dma_start3A_70 : memref<128x128xf32, #tpu.memory_space<hbm>>) target_semaphore(%run_scoped3A : memref<!tpu.dma_semaphore, #tpu.memory_space<semaphore_mem>>)
      %dma_wait3A = arith.constant 0 : i32
      %dma_wait3A_71 = tpu.memref_slice %arg4[%add3A_49, %dma_wait3A] : memref<20480x128xf32, #tpu.memory_space<hbm>> -> memref<128x128xf32, #tpu.memory_space<hbm>>
      %dma_wait3A_72 = arith.constant 0 : i32
      %dma_wait3A_73 = tpu.memref_slice %arg4[%add3A_49, %dma_wait3A_72] : memref<20480x128xf32, #tpu.memory_space<hbm>> -> memref<128x128xf32, #tpu.memory_space<hbm>>
      tpu.wait_dma2 semaphore(%run_scoped3A : memref<!tpu.dma_semaphore, #tpu.memory_space<semaphore_mem>>) src(%arg6 : memref<128x128xf32, #tpu.memory_space<vmem>>) dst(%dma_wait3A_73 : memref<128x128xf32, #tpu.memory_space<hbm>>)
      tpu.yield
    }) : () -> ()
    %mul3A_50 = arith.constant 640 : i32
    %mul3A_51 = arith.muli %arg1, %mul3A_50 : i32
    %add3A_52 = arith.constant 256 : i32
    %add3A_53 = arith.addi %mul3A_51, %add3A_52 : i32
    "tpu.region"() ({
      %run_scoped3A = tpu.sem_alloc : memref<!tpu.dma_semaphore, #tpu.memory_space<semaphore_mem>>
      %dma_start3A = arith.constant 0 : i32
      %dma_start3A_68 = tpu.memref_slice %arg7[%add3A_53, %dma_start3A] : memref<10240x128xf32, #tpu.memory_space<vmem_shared>> -> memref<128x128xf32, #tpu.memory_space<vmem_shared>>
      %dma_start3A_69 = arith.constant 0 : i32
      %dma_start3A_70 = tpu.memref_slice %arg7[%add3A_53, %dma_start3A_69] : memref<10240x128xf32, #tpu.memory_space<vmem_shared>> -> memref<128x128xf32, #tpu.memory_space<vmem_shared>>
      tpu.enqueue_dma source(%dma_start3A_70 : memref<128x128xf32, #tpu.memory_space<vmem_shared>>) target(%arg6 : memref<128x128xf32, #tpu.memory_space<vmem>>) target_semaphore(%run_scoped3A : memref<!tpu.dma_semaphore, #tpu.memory_space<semaphore_mem>>)
      %dma_wait3A = arith.constant 0 : i32
      %dma_wait3A_71 = tpu.memref_slice %arg7[%add3A_53, %dma_wait3A] : memref<10240x128xf32, #tpu.memory_space<vmem_shared>> -> memref<128x128xf32, #tpu.memory_space<vmem_shared>>
      %dma_wait3A_72 = arith.constant 0 : i32
      %dma_wait3A_73 = tpu.memref_slice %arg7[%add3A_53, %dma_wait3A_72] : memref<10240x128xf32, #tpu.memory_space<vmem_shared>> -> memref<128x128xf32, #tpu.memory_space<vmem_shared>>
      tpu.wait_dma2 semaphore(%run_scoped3A : memref<!tpu.dma_semaphore, #tpu.memory_space<semaphore_mem>>) src(%dma_wait3A_73 : memref<128x128xf32, #tpu.memory_space<vmem_shared>>) dst(%arg6 : memref<128x128xf32, #tpu.memory_space<vmem>>)
      tpu.yield
    }) : () -> ()
    %add3A_54 = arith.constant 256 : i32
    %add3A_55 = arith.addi %add3A_37, %add3A_54 : i32
    "tpu.region"() ({
      %run_scoped3A = tpu.sem_alloc : memref<!tpu.dma_semaphore, #tpu.memory_space<semaphore_mem>>
      %dma_start3A = arith.constant 0 : i32
      %dma_start3A_68 = tpu.memref_slice %arg4[%add3A_55, %dma_start3A] : memref<20480x128xf32, #tpu.memory_space<hbm>> -> memref<128x128xf32, #tpu.memory_space<hbm>>
      %dma_start3A_69 = arith.constant 0 : i32
      %dma_start3A_70 = tpu.memref_slice %arg4[%add3A_55, %dma_start3A_69] : memref<20480x128xf32, #tpu.memory_space<hbm>> -> memref<128x128xf32, #tpu.memory_space<hbm>>
      tpu.enqueue_dma source(%arg6 : memref<128x128xf32, #tpu.memory_space<vmem>>) target(%dma_start3A_70 : memref<128x128xf32, #tpu.memory_space<hbm>>) target_semaphore(%run_scoped3A : memref<!tpu.dma_semaphore, #tpu.memory_space<semaphore_mem>>)
      %dma_wait3A = arith.constant 0 : i32
      %dma_wait3A_71 = tpu.memref_slice %arg4[%add3A_55, %dma_wait3A] : memref<20480x128xf32, #tpu.memory_space<hbm>> -> memref<128x128xf32, #tpu.memory_space<hbm>>
      %dma_wait3A_72 = arith.constant 0 : i32
      %dma_wait3A_73 = tpu.memref_slice %arg4[%add3A_55, %dma_wait3A_72] : memref<20480x128xf32, #tpu.memory_space<hbm>> -> memref<128x128xf32, #tpu.memory_space<hbm>>
      tpu.wait_dma2 semaphore(%run_scoped3A : memref<!tpu.dma_semaphore, #tpu.memory_space<semaphore_mem>>) src(%arg6 : memref<128x128xf32, #tpu.memory_space<vmem>>) dst(%dma_wait3A_73 : memref<128x128xf32, #tpu.memory_space<hbm>>)
      tpu.yield
    }) : () -> ()
    %mul3A_56 = arith.constant 640 : i32
    %mul3A_57 = arith.muli %arg1, %mul3A_56 : i32
    %add3A_58 = arith.constant 384 : i32
    %add3A_59 = arith.addi %mul3A_57, %add3A_58 : i32
    "tpu.region"() ({
      %run_scoped3A = tpu.sem_alloc : memref<!tpu.dma_semaphore, #tpu.memory_space<semaphore_mem>>
      %dma_start3A = arith.constant 0 : i32
      %dma_start3A_68 = tpu.memref_slice %arg7[%add3A_59, %dma_start3A] : memref<10240x128xf32, #tpu.memory_space<vmem_shared>> -> memref<128x128xf32, #tpu.memory_space<vmem_shared>>
      %dma_start3A_69 = arith.constant 0 : i32
      %dma_start3A_70 = tpu.memref_slice %arg7[%add3A_59, %dma_start3A_69] : memref<10240x128xf32, #tpu.memory_space<vmem_shared>> -> memref<128x128xf32, #tpu.memory_space<vmem_shared>>
      tpu.enqueue_dma source(%dma_start3A_70 : memref<128x128xf32, #tpu.memory_space<vmem_shared>>) target(%arg6 : memref<128x128xf32, #tpu.memory_space<vmem>>) target_semaphore(%run_scoped3A : memref<!tpu.dma_semaphore, #tpu.memory_space<semaphore_mem>>)
      %dma_wait3A = arith.constant 0 : i32
      %dma_wait3A_71 = tpu.memref_slice %arg7[%add3A_59, %dma_wait3A] : memref<10240x128xf32, #tpu.memory_space<vmem_shared>> -> memref<128x128xf32, #tpu.memory_space<vmem_shared>>
      %dma_wait3A_72 = arith.constant 0 : i32
      %dma_wait3A_73 = tpu.memref_slice %arg7[%add3A_59, %dma_wait3A_72] : memref<10240x128xf32, #tpu.memory_space<vmem_shared>> -> memref<128x128xf32, #tpu.memory_space<vmem_shared>>
      tpu.wait_dma2 semaphore(%run_scoped3A : memref<!tpu.dma_semaphore, #tpu.memory_space<semaphore_mem>>) src(%dma_wait3A_73 : memref<128x128xf32, #tpu.memory_space<vmem_shared>>) dst(%arg6 : memref<128x128xf32, #tpu.memory_space<vmem>>)
      tpu.yield
    }) : () -> ()
    %add3A_60 = arith.constant 384 : i32
    %add3A_61 = arith.addi %add3A_37, %add3A_60 : i32
    "tpu.region"() ({
      %run_scoped3A = tpu.sem_alloc : memref<!tpu.dma_semaphore, #tpu.memory_space<semaphore_mem>>
      %dma_start3A = arith.constant 0 : i32
      %dma_start3A_68 = tpu.memref_slice %arg4[%add3A_61, %dma_start3A] : memref<20480x128xf32, #tpu.memory_space<hbm>> -> memref<128x128xf32, #tpu.memory_space<hbm>>
      %dma_start3A_69 = arith.constant 0 : i32
      %dma_start3A_70 = tpu.memref_slice %arg4[%add3A_61, %dma_start3A_69] : memref<20480x128xf32, #tpu.memory_space<hbm>> -> memref<128x128xf32, #tpu.memory_space<hbm>>
      tpu.enqueue_dma source(%arg6 : memref<128x128xf32, #tpu.memory_space<vmem>>) target(%dma_start3A_70 : memref<128x128xf32, #tpu.memory_space<hbm>>) target_semaphore(%run_scoped3A : memref<!tpu.dma_semaphore, #tpu.memory_space<semaphore_mem>>)
      %dma_wait3A = arith.constant 0 : i32
      %dma_wait3A_71 = tpu.memref_slice %arg4[%add3A_61, %dma_wait3A] : memref<20480x128xf32, #tpu.memory_space<hbm>> -> memref<128x128xf32, #tpu.memory_space<hbm>>
      %dma_wait3A_72 = arith.constant 0 : i32
      %dma_wait3A_73 = tpu.memref_slice %arg4[%add3A_61, %dma_wait3A_72] : memref<20480x128xf32, #tpu.memory_space<hbm>> -> memref<128x128xf32, #tpu.memory_space<hbm>>
      tpu.wait_dma2 semaphore(%run_scoped3A : memref<!tpu.dma_semaphore, #tpu.memory_space<semaphore_mem>>) src(%arg6 : memref<128x128xf32, #tpu.memory_space<vmem>>) dst(%dma_wait3A_73 : memref<128x128xf32, #tpu.memory_space<hbm>>)
      tpu.yield
    }) : () -> ()
    %mul3A_62 = arith.constant 640 : i32
    %mul3A_63 = arith.muli %arg1, %mul3A_62 : i32
    %add3A_64 = arith.constant 512 : i32
    %add3A_65 = arith.addi %mul3A_63, %add3A_64 : i32
    "tpu.region"() ({
      %run_scoped3A = tpu.sem_alloc : memref<!tpu.dma_semaphore, #tpu.memory_space<semaphore_mem>>
      %dma_start3A = arith.constant 0 : i32
      %dma_start3A_68 = tpu.memref_slice %arg7[%add3A_65, %dma_start3A] : memref<10240x128xf32, #tpu.memory_space<vmem_shared>> -> memref<128x128xf32, #tpu.memory_space<vmem_shared>>
      %dma_start3A_69 = arith.constant 0 : i32
      %dma_start3A_70 = tpu.memref_slice %arg7[%add3A_65, %dma_start3A_69] : memref<10240x128xf32, #tpu.memory_space<vmem_shared>> -> memref<128x128xf32, #tpu.memory_space<vmem_shared>>
      tpu.enqueue_dma source(%dma_start3A_70 : memref<128x128xf32, #tpu.memory_space<vmem_shared>>) target(%arg6 : memref<128x128xf32, #tpu.memory_space<vmem>>) target_semaphore(%run_scoped3A : memref<!tpu.dma_semaphore, #tpu.memory_space<semaphore_mem>>)
      %dma_wait3A = arith.constant 0 : i32
      %dma_wait3A_71 = tpu.memref_slice %arg7[%add3A_65, %dma_wait3A] : memref<10240x128xf32, #tpu.memory_space<vmem_shared>> -> memref<128x128xf32, #tpu.memory_space<vmem_shared>>
      %dma_wait3A_72 = arith.constant 0 : i32
      %dma_wait3A_73 = tpu.memref_slice %arg7[%add3A_65, %dma_wait3A_72] : memref<10240x128xf32, #tpu.memory_space<vmem_shared>> -> memref<128x128xf32, #tpu.memory_space<vmem_shared>>
      tpu.wait_dma2 semaphore(%run_scoped3A : memref<!tpu.dma_semaphore, #tpu.memory_space<semaphore_mem>>) src(%dma_wait3A_73 : memref<128x128xf32, #tpu.memory_space<vmem_shared>>) dst(%arg6 : memref<128x128xf32, #tpu.memory_space<vmem>>)
      tpu.yield
    }) : () -> ()
    %add3A_66 = arith.constant 512 : i32
    %add3A_67 = arith.addi %add3A_37, %add3A_66 : i32
    "tpu.region"() ({
      %run_scoped3A = tpu.sem_alloc : memref<!tpu.dma_semaphore, #tpu.memory_space<semaphore_mem>>
      %dma_start3A = arith.constant 0 : i32
      %dma_start3A_68 = tpu.memref_slice %arg4[%add3A_67, %dma_start3A] : memref<20480x128xf32, #tpu.memory_space<hbm>> -> memref<128x128xf32, #tpu.memory_space<hbm>>
      %dma_start3A_69 = arith.constant 0 : i32
      %dma_start3A_70 = tpu.memref_slice %arg4[%add3A_67, %dma_start3A_69] : memref<20480x128xf32, #tpu.memory_space<hbm>> -> memref<128x128xf32, #tpu.memory_space<hbm>>
      tpu.enqueue_dma source(%arg6 : memref<128x128xf32, #tpu.memory_space<vmem>>) target(%dma_start3A_70 : memref<128x128xf32, #tpu.memory_space<hbm>>) target_semaphore(%run_scoped3A : memref<!tpu.dma_semaphore, #tpu.memory_space<semaphore_mem>>)
      %dma_wait3A = arith.constant 0 : i32
      %dma_wait3A_71 = tpu.memref_slice %arg4[%add3A_67, %dma_wait3A] : memref<20480x128xf32, #tpu.memory_space<hbm>> -> memref<128x128xf32, #tpu.memory_space<hbm>>
      %dma_wait3A_72 = arith.constant 0 : i32
      %dma_wait3A_73 = tpu.memref_slice %arg4[%add3A_67, %dma_wait3A_72] : memref<20480x128xf32, #tpu.memory_space<hbm>> -> memref<128x128xf32, #tpu.memory_space<hbm>>
      tpu.wait_dma2 semaphore(%run_scoped3A : memref<!tpu.dma_semaphore, #tpu.memory_space<semaphore_mem>>) src(%arg6 : memref<128x128xf32, #tpu.memory_space<vmem>>) dst(%dma_wait3A_73 : memref<128x128xf32, #tpu.memory_space<hbm>>)
      tpu.yield
    }) : () -> ()
    return
  }
}

#map = affine_map<(d0, d1) -> (0, 0)>
#map1 = affine_map<(d0, d1) -> (0, 0, 0)>
module attributes {stable_mosaic.version = 14 : i64} {
  func.func @body(%arg0: i32, %arg1: i32, %arg2: memref<10240x128xf32, #tpu.memory_space<hbm>>, %arg3: memref<16x152x96xi32, #tpu.memory_space<hbm>>, %arg4: memref<16x64x96xi32, #tpu.memory_space<hbm>>, %arg5: memref<10240x128xf32, #tpu.memory_space<hbm>>, %arg6: memref<20480x128xf32, #tpu.memory_space<hbm>>, %arg7: memref<152x96xi32, #tpu.memory_space<vmem>>, %arg8: memref<2x96xi32, #tpu.memory_space<vmem>>, %arg9: memref<2x96xi32, #tpu.memory_space<vmem>>, %arg10: memref<2x96x128xf32, #tpu.memory_space<vmem>>, %arg11: memref<10240x128xf32, #tpu.memory_space<vmem_shared>>, %arg12: memref<!tpu.dma_semaphore, #tpu.memory_space<semaphore_mem>>, %arg13: memref<!tpu.dma_semaphore, #tpu.memory_space<semaphore_mem>>) attributes {dimension_semantics = [#tpu.dimension_semantics<core_parallel>, #tpu.dimension_semantics<subcore_parallel>], iteration_bounds = array<i64: 2, 16>, scalar_prefetch = 0 : i64, scratch_operands = 7 : i64, tpu.core_type = #tpu.core_type<sc_vector_subcore>, window_params = [{transform_indices = #map}, {transform_indices = #map1}, {transform_indices = #map1}, {transform_indices = #map}, {transform_indices = #map}]} {
    %eq3A = arith.constant 0 : i32
    %eq3A_0 = arith.cmpi eq, %arg0, %eq3A : i32
    %convert_element_type3A = arith.extui %eq3A_0 : i1 to i32
    %cond3A = arith.constant 0 : i32
    %cond3A_1 = arith.cmpi ne, %convert_element_type3A, %cond3A : i32
    scf.if %cond3A_1 {
      "tpu.region"() ({
        %run_scoped3A_114 = tpu.sem_alloc : memref<!tpu.dma_semaphore, #tpu.memory_space<semaphore_mem>>
        %dma_start3A = arith.constant 0 : i32
        %dma_start3A_115 = arith.constant 0 : i32
        %dma_start3A_116 = tpu.memref_slice %arg3[%arg1, %dma_start3A, %dma_start3A_115] : memref<16x152x96xi32, #tpu.memory_space<hbm>> -> memref<1x152x96xi32, #tpu.memory_space<hbm>>
        %dma_start3A_117 = tpu.memref_squeeze %dma_start3A_116 : memref<1x152x96xi32, #tpu.memory_space<hbm>> -> memref<152x96xi32, #tpu.memory_space<hbm>>
        %dma_start3A_118 = arith.constant 0 : i32
        %dma_start3A_119 = arith.constant 0 : i32
        %dma_start3A_120 = tpu.memref_slice %arg3[%arg1, %dma_start3A_118, %dma_start3A_119] : memref<16x152x96xi32, #tpu.memory_space<hbm>> -> memref<1x152x96xi32, #tpu.memory_space<hbm>>
        %dma_start3A_121 = tpu.memref_squeeze %dma_start3A_120 : memref<1x152x96xi32, #tpu.memory_space<hbm>> -> memref<152x96xi32, #tpu.memory_space<hbm>>
        tpu.enqueue_dma source(%dma_start3A_121 : memref<152x96xi32, #tpu.memory_space<hbm>>) target(%arg7 : memref<152x96xi32, #tpu.memory_space<vmem>>) target_semaphore(%run_scoped3A_114 : memref<!tpu.dma_semaphore, #tpu.memory_space<semaphore_mem>>)
        %dma_wait3A = arith.constant 0 : i32
        %dma_wait3A_122 = arith.constant 0 : i32
        %dma_wait3A_123 = tpu.memref_slice %arg3[%arg1, %dma_wait3A, %dma_wait3A_122] : memref<16x152x96xi32, #tpu.memory_space<hbm>> -> memref<1x152x96xi32, #tpu.memory_space<hbm>>
        %dma_wait3A_124 = tpu.memref_squeeze %dma_wait3A_123 : memref<1x152x96xi32, #tpu.memory_space<hbm>> -> memref<152x96xi32, #tpu.memory_space<hbm>>
        %dma_wait3A_125 = arith.constant 0 : i32
        %dma_wait3A_126 = arith.constant 0 : i32
        %dma_wait3A_127 = tpu.memref_slice %arg3[%arg1, %dma_wait3A_125, %dma_wait3A_126] : memref<16x152x96xi32, #tpu.memory_space<hbm>> -> memref<1x152x96xi32, #tpu.memory_space<hbm>>
        %dma_wait3A_128 = tpu.memref_squeeze %dma_wait3A_127 : memref<1x152x96xi32, #tpu.memory_space<hbm>> -> memref<152x96xi32, #tpu.memory_space<hbm>>
        tpu.wait_dma2 semaphore(%run_scoped3A_114 : memref<!tpu.dma_semaphore, #tpu.memory_space<semaphore_mem>>) src(%dma_wait3A_128 : memref<152x96xi32, #tpu.memory_space<hbm>>) dst(%arg7 : memref<152x96xi32, #tpu.memory_space<vmem>>)
        tpu.yield
      }) : () -> ()
    } else {
    }
    %eq3A_2 = arith.constant 1 : i32
    %eq3A_3 = arith.cmpi eq, %arg0, %eq3A_2 : i32
    %convert_element_type3A_4 = arith.extui %eq3A_3 : i1 to i32
    %cond3A_5 = arith.constant 0 : i32
    %cond3A_6 = arith.cmpi ne, %convert_element_type3A_4, %cond3A_5 : i32
    scf.if %cond3A_6 {
      "tpu.region"() ({
        %run_scoped3A_114 = tpu.sem_alloc : memref<!tpu.dma_semaphore, #tpu.memory_space<semaphore_mem>>
        %dma_start3A = arith.constant 0 : i32
        %dma_start3A_115 = arith.constant 0 : i32
        %dma_start3A_116 = tpu.memref_slice %arg7[%dma_start3A, %dma_start3A_115] : memref<152x96xi32, #tpu.memory_space<vmem>> -> memref<64x96xi32, #tpu.memory_space<vmem>>
        %dma_start3A_117 = arith.constant 0 : i32
        %dma_start3A_118 = arith.constant 0 : i32
        %dma_start3A_119 = tpu.memref_slice %arg4[%arg1, %dma_start3A_117, %dma_start3A_118] : memref<16x64x96xi32, #tpu.memory_space<hbm>> -> memref<1x64x96xi32, #tpu.memory_space<hbm>>
        %dma_start3A_120 = tpu.memref_squeeze %dma_start3A_119 : memref<1x64x96xi32, #tpu.memory_space<hbm>> -> memref<64x96xi32, #tpu.memory_space<hbm>>
        %dma_start3A_121 = arith.constant 0 : i32
        %dma_start3A_122 = arith.constant 0 : i32
        %dma_start3A_123 = tpu.memref_slice %arg7[%dma_start3A_121, %dma_start3A_122] : memref<152x96xi32, #tpu.memory_space<vmem>> -> memref<64x96xi32, #tpu.memory_space<vmem>>
        %dma_start3A_124 = arith.constant 0 : i32
        %dma_start3A_125 = arith.constant 0 : i32
        %dma_start3A_126 = tpu.memref_slice %arg4[%arg1, %dma_start3A_124, %dma_start3A_125] : memref<16x64x96xi32, #tpu.memory_space<hbm>> -> memref<1x64x96xi32, #tpu.memory_space<hbm>>
        %dma_start3A_127 = tpu.memref_squeeze %dma_start3A_126 : memref<1x64x96xi32, #tpu.memory_space<hbm>> -> memref<64x96xi32, #tpu.memory_space<hbm>>
        tpu.enqueue_dma source(%dma_start3A_127 : memref<64x96xi32, #tpu.memory_space<hbm>>) target(%dma_start3A_123 : memref<64x96xi32, #tpu.memory_space<vmem>>) target_semaphore(%run_scoped3A_114 : memref<!tpu.dma_semaphore, #tpu.memory_space<semaphore_mem>>)
        %dma_wait3A = arith.constant 0 : i32
        %dma_wait3A_128 = arith.constant 0 : i32
        %dma_wait3A_129 = tpu.memref_slice %arg7[%dma_wait3A, %dma_wait3A_128] : memref<152x96xi32, #tpu.memory_space<vmem>> -> memref<64x96xi32, #tpu.memory_space<vmem>>
        %dma_wait3A_130 = arith.constant 0 : i32
        %dma_wait3A_131 = arith.constant 0 : i32
        %dma_wait3A_132 = tpu.memref_slice %arg4[%arg1, %dma_wait3A_130, %dma_wait3A_131] : memref<16x64x96xi32, #tpu.memory_space<hbm>> -> memref<1x64x96xi32, #tpu.memory_space<hbm>>
        %dma_wait3A_133 = tpu.memref_squeeze %dma_wait3A_132 : memref<1x64x96xi32, #tpu.memory_space<hbm>> -> memref<64x96xi32, #tpu.memory_space<hbm>>
        %dma_wait3A_134 = arith.constant 0 : i32
        %dma_wait3A_135 = arith.constant 0 : i32
        %dma_wait3A_136 = tpu.memref_slice %arg7[%dma_wait3A_134, %dma_wait3A_135] : memref<152x96xi32, #tpu.memory_space<vmem>> -> memref<64x96xi32, #tpu.memory_space<vmem>>
        %dma_wait3A_137 = arith.constant 0 : i32
        %dma_wait3A_138 = arith.constant 0 : i32
        %dma_wait3A_139 = tpu.memref_slice %arg4[%arg1, %dma_wait3A_137, %dma_wait3A_138] : memref<16x64x96xi32, #tpu.memory_space<hbm>> -> memref<1x64x96xi32, #tpu.memory_space<hbm>>
        %dma_wait3A_140 = tpu.memref_squeeze %dma_wait3A_139 : memref<1x64x96xi32, #tpu.memory_space<hbm>> -> memref<64x96xi32, #tpu.memory_space<hbm>>
        tpu.wait_dma2 semaphore(%run_scoped3A_114 : memref<!tpu.dma_semaphore, #tpu.memory_space<semaphore_mem>>) src(%dma_wait3A_140 : memref<64x96xi32, #tpu.memory_space<hbm>>) dst(%dma_wait3A_136 : memref<64x96xi32, #tpu.memory_space<vmem>>)
        tpu.yield
      }) : () -> ()
    } else {
    }
    %run_scoped3A = arith.constant 0 : i32
    "tpu.region"() ({
      %run_scoped3A_114 = tpu.sem_alloc : memref<!tpu.dma_semaphore, #tpu.memory_space<semaphore_mem>>
      %dma_start3A = arith.constant 0 : i32
      %dma_start3A_115 = arith.constant 0 : i32
      %dma_start3A_116 = tpu.memref_slice %arg10[%run_scoped3A, %dma_start3A, %dma_start3A_115] : memref<2x96x128xf32, #tpu.memory_space<vmem>> -> memref<1x96x128xf32, #tpu.memory_space<vmem>>
      %dma_start3A_117 = tpu.memref_squeeze %dma_start3A_116 : memref<1x96x128xf32, #tpu.memory_space<vmem>> -> memref<96x128xf32, #tpu.memory_space<vmem>>
      %dma_start3A_118 = arith.constant 0 : i32
      %dma_start3A_119 = arith.constant 0 : i32
      %dma_start3A_120 = tpu.memref_slice %arg5[%dma_start3A_118, %dma_start3A_119] : memref<10240x128xf32, #tpu.memory_space<hbm>> -> memref<96x128xf32, #tpu.memory_space<hbm>>
      %dma_start3A_121 = arith.constant 0 : i32
      %dma_start3A_122 = arith.constant 0 : i32
      %dma_start3A_123 = tpu.memref_slice %arg10[%run_scoped3A, %dma_start3A_121, %dma_start3A_122] : memref<2x96x128xf32, #tpu.memory_space<vmem>> -> memref<1x96x128xf32, #tpu.memory_space<vmem>>
      %dma_start3A_124 = tpu.memref_squeeze %dma_start3A_123 : memref<1x96x128xf32, #tpu.memory_space<vmem>> -> memref<96x128xf32, #tpu.memory_space<vmem>>
      %dma_start3A_125 = arith.constant 0 : i32
      %dma_start3A_126 = arith.constant 0 : i32
      %dma_start3A_127 = tpu.memref_slice %arg5[%dma_start3A_125, %dma_start3A_126] : memref<10240x128xf32, #tpu.memory_space<hbm>> -> memref<96x128xf32, #tpu.memory_space<hbm>>
      tpu.enqueue_dma source(%dma_start3A_127 : memref<96x128xf32, #tpu.memory_space<hbm>>) target(%dma_start3A_124 : memref<96x128xf32, #tpu.memory_space<vmem>>) target_semaphore(%run_scoped3A_114 : memref<!tpu.dma_semaphore, #tpu.memory_space<semaphore_mem>>)
      %dma_wait3A = arith.constant 0 : i32
      %dma_wait3A_128 = arith.constant 0 : i32
      %dma_wait3A_129 = tpu.memref_slice %arg10[%run_scoped3A, %dma_wait3A, %dma_wait3A_128] : memref<2x96x128xf32, #tpu.memory_space<vmem>> -> memref<1x96x128xf32, #tpu.memory_space<vmem>>
      %dma_wait3A_130 = tpu.memref_squeeze %dma_wait3A_129 : memref<1x96x128xf32, #tpu.memory_space<vmem>> -> memref<96x128xf32, #tpu.memory_space<vmem>>
      %dma_wait3A_131 = arith.constant 0 : i32
      %dma_wait3A_132 = arith.constant 0 : i32
      %dma_wait3A_133 = tpu.memref_slice %arg5[%dma_wait3A_131, %dma_wait3A_132] : memref<10240x128xf32, #tpu.memory_space<hbm>> -> memref<96x128xf32, #tpu.memory_space<hbm>>
      %dma_wait3A_134 = arith.constant 0 : i32
      %dma_wait3A_135 = arith.constant 0 : i32
      %dma_wait3A_136 = tpu.memref_slice %arg10[%run_scoped3A, %dma_wait3A_134, %dma_wait3A_135] : memref<2x96x128xf32, #tpu.memory_space<vmem>> -> memref<1x96x128xf32, #tpu.memory_space<vmem>>
      %dma_wait3A_137 = tpu.memref_squeeze %dma_wait3A_136 : memref<1x96x128xf32, #tpu.memory_space<vmem>> -> memref<96x128xf32, #tpu.memory_space<vmem>>
      %dma_wait3A_138 = arith.constant 0 : i32
      %dma_wait3A_139 = arith.constant 0 : i32
      %dma_wait3A_140 = tpu.memref_slice %arg5[%dma_wait3A_138, %dma_wait3A_139] : memref<10240x128xf32, #tpu.memory_space<hbm>> -> memref<96x128xf32, #tpu.memory_space<hbm>>
      tpu.wait_dma2 semaphore(%run_scoped3A_114 : memref<!tpu.dma_semaphore, #tpu.memory_space<semaphore_mem>>) src(%dma_wait3A_140 : memref<96x128xf32, #tpu.memory_space<hbm>>) dst(%dma_wait3A_137 : memref<96x128xf32, #tpu.memory_space<vmem>>)
      tpu.yield
    }) : () -> ()
    %mul3A = arith.constant 640 : i32
    %mul3A_7 = arith.muli %arg1, %mul3A : i32
    %add3A = arith.constant 0 : i32
    %add3A_8 = arith.addi %mul3A_7, %add3A : i32
    %run_scoped3A_9 = arith.constant 0 : i32
    "tpu.region"() ({
      %run_scoped3A_114 = tpu.sem_alloc : memref<!tpu.dma_semaphore, #tpu.memory_space<semaphore_mem>>
      %dma_start3A = arith.constant 0 : i32
      %dma_start3A_115 = arith.constant 0 : i32
      %dma_start3A_116 = tpu.memref_slice %arg10[%run_scoped3A_9, %dma_start3A, %dma_start3A_115] : memref<2x96x128xf32, #tpu.memory_space<vmem>> -> memref<1x96x128xf32, #tpu.memory_space<vmem>>
      %dma_start3A_117 = tpu.memref_squeeze %dma_start3A_116 : memref<1x96x128xf32, #tpu.memory_space<vmem>> -> memref<96x128xf32, #tpu.memory_space<vmem>>
      %dma_start3A_118 = arith.constant 0 : i32
      %dma_start3A_119 = tpu.memref_slice %arg11[%add3A_8, %dma_start3A_118] : memref<10240x128xf32, #tpu.memory_space<vmem_shared>> -> memref<96x128xf32, #tpu.memory_space<vmem_shared>>
      %dma_start3A_120 = arith.constant 0 : i32
      %dma_start3A_121 = tpu.memref_slice %arg11[%add3A_8, %dma_start3A_120] : memref<10240x128xf32, #tpu.memory_space<vmem_shared>> -> memref<96x128xf32, #tpu.memory_space<vmem_shared>>
      %dma_start3A_122 = arith.constant 0 : i32
      %dma_start3A_123 = arith.constant 0 : i32
      %dma_start3A_124 = tpu.memref_slice %arg10[%run_scoped3A_9, %dma_start3A_122, %dma_start3A_123] : memref<2x96x128xf32, #tpu.memory_space<vmem>> -> memref<1x96x128xf32, #tpu.memory_space<vmem>>
      %dma_start3A_125 = tpu.memref_squeeze %dma_start3A_124 : memref<1x96x128xf32, #tpu.memory_space<vmem>> -> memref<96x128xf32, #tpu.memory_space<vmem>>
      tpu.enqueue_dma source(%dma_start3A_125 : memref<96x128xf32, #tpu.memory_space<vmem>>) target(%dma_start3A_121 : memref<96x128xf32, #tpu.memory_space<vmem_shared>>) target_semaphore(%run_scoped3A_114 : memref<!tpu.dma_semaphore, #tpu.memory_space<semaphore_mem>>)
      %dma_wait3A = arith.constant 0 : i32
      %dma_wait3A_126 = arith.constant 0 : i32
      %dma_wait3A_127 = tpu.memref_slice %arg10[%run_scoped3A_9, %dma_wait3A, %dma_wait3A_126] : memref<2x96x128xf32, #tpu.memory_space<vmem>> -> memref<1x96x128xf32, #tpu.memory_space<vmem>>
      %dma_wait3A_128 = tpu.memref_squeeze %dma_wait3A_127 : memref<1x96x128xf32, #tpu.memory_space<vmem>> -> memref<96x128xf32, #tpu.memory_space<vmem>>
      %dma_wait3A_129 = arith.constant 0 : i32
      %dma_wait3A_130 = tpu.memref_slice %arg11[%add3A_8, %dma_wait3A_129] : memref<10240x128xf32, #tpu.memory_space<vmem_shared>> -> memref<96x128xf32, #tpu.memory_space<vmem_shared>>
      %dma_wait3A_131 = arith.constant 0 : i32
      %dma_wait3A_132 = tpu.memref_slice %arg11[%add3A_8, %dma_wait3A_131] : memref<10240x128xf32, #tpu.memory_space<vmem_shared>> -> memref<96x128xf32, #tpu.memory_space<vmem_shared>>
      %dma_wait3A_133 = arith.constant 0 : i32
      %dma_wait3A_134 = arith.constant 0 : i32
      %dma_wait3A_135 = tpu.memref_slice %arg10[%run_scoped3A_9, %dma_wait3A_133, %dma_wait3A_134] : memref<2x96x128xf32, #tpu.memory_space<vmem>> -> memref<1x96x128xf32, #tpu.memory_space<vmem>>
      %dma_wait3A_136 = tpu.memref_squeeze %dma_wait3A_135 : memref<1x96x128xf32, #tpu.memory_space<vmem>> -> memref<96x128xf32, #tpu.memory_space<vmem>>
      tpu.wait_dma2 semaphore(%run_scoped3A_114 : memref<!tpu.dma_semaphore, #tpu.memory_space<semaphore_mem>>) src(%dma_wait3A_136 : memref<96x128xf32, #tpu.memory_space<vmem>>) dst(%dma_wait3A_132 : memref<96x128xf32, #tpu.memory_space<vmem_shared>>)
      tpu.yield
    }) : () -> ()
    %mul3A_10 = arith.constant 640 : i32
    %mul3A_11 = arith.muli %arg1, %mul3A_10 : i32
    %add3A_12 = arith.constant 96 : i32
    %add3A_13 = arith.addi %mul3A_11, %add3A_12 : i32
    %run_scoped3A_14 = arith.constant 0 : i32
    "tpu.region"() ({
      %run_scoped3A_114 = tpu.sem_alloc : memref<!tpu.dma_semaphore, #tpu.memory_space<semaphore_mem>>
      %dma_start3A = arith.constant 0 : i32
      %dma_start3A_115 = arith.constant 0 : i32
      %dma_start3A_116 = tpu.memref_slice %arg10[%run_scoped3A_14, %dma_start3A, %dma_start3A_115] : memref<2x96x128xf32, #tpu.memory_space<vmem>> -> memref<1x96x128xf32, #tpu.memory_space<vmem>>
      %dma_start3A_117 = tpu.memref_squeeze %dma_start3A_116 : memref<1x96x128xf32, #tpu.memory_space<vmem>> -> memref<96x128xf32, #tpu.memory_space<vmem>>
      %dma_start3A_118 = arith.constant 0 : i32
      %dma_start3A_119 = tpu.memref_slice %arg11[%add3A_13, %dma_start3A_118] : memref<10240x128xf32, #tpu.memory_space<vmem_shared>> -> memref<96x128xf32, #tpu.memory_space<vmem_shared>>
      %dma_start3A_120 = arith.constant 0 : i32
      %dma_start3A_121 = tpu.memref_slice %arg11[%add3A_13, %dma_start3A_120] : memref<10240x128xf32, #tpu.memory_space<vmem_shared>> -> memref<96x128xf32, #tpu.memory_space<vmem_shared>>
      %dma_start3A_122 = arith.constant 0 : i32
      %dma_start3A_123 = arith.constant 0 : i32
      %dma_start3A_124 = tpu.memref_slice %arg10[%run_scoped3A_14, %dma_start3A_122, %dma_start3A_123] : memref<2x96x128xf32, #tpu.memory_space<vmem>> -> memref<1x96x128xf32, #tpu.memory_space<vmem>>
      %dma_start3A_125 = tpu.memref_squeeze %dma_start3A_124 : memref<1x96x128xf32, #tpu.memory_space<vmem>> -> memref<96x128xf32, #tpu.memory_space<vmem>>
      tpu.enqueue_dma source(%dma_start3A_125 : memref<96x128xf32, #tpu.memory_space<vmem>>) target(%dma_start3A_121 : memref<96x128xf32, #tpu.memory_space<vmem_shared>>) target_semaphore(%run_scoped3A_114 : memref<!tpu.dma_semaphore, #tpu.memory_space<semaphore_mem>>)
      %dma_wait3A = arith.constant 0 : i32
      %dma_wait3A_126 = arith.constant 0 : i32
      %dma_wait3A_127 = tpu.memref_slice %arg10[%run_scoped3A_14, %dma_wait3A, %dma_wait3A_126] : memref<2x96x128xf32, #tpu.memory_space<vmem>> -> memref<1x96x128xf32, #tpu.memory_space<vmem>>
      %dma_wait3A_128 = tpu.memref_squeeze %dma_wait3A_127 : memref<1x96x128xf32, #tpu.memory_space<vmem>> -> memref<96x128xf32, #tpu.memory_space<vmem>>
      %dma_wait3A_129 = arith.constant 0 : i32
      %dma_wait3A_130 = tpu.memref_slice %arg11[%add3A_13, %dma_wait3A_129] : memref<10240x128xf32, #tpu.memory_space<vmem_shared>> -> memref<96x128xf32, #tpu.memory_space<vmem_shared>>
      %dma_wait3A_131 = arith.constant 0 : i32
      %dma_wait3A_132 = tpu.memref_slice %arg11[%add3A_13, %dma_wait3A_131] : memref<10240x128xf32, #tpu.memory_space<vmem_shared>> -> memref<96x128xf32, #tpu.memory_space<vmem_shared>>
      %dma_wait3A_133 = arith.constant 0 : i32
      %dma_wait3A_134 = arith.constant 0 : i32
      %dma_wait3A_135 = tpu.memref_slice %arg10[%run_scoped3A_14, %dma_wait3A_133, %dma_wait3A_134] : memref<2x96x128xf32, #tpu.memory_space<vmem>> -> memref<1x96x128xf32, #tpu.memory_space<vmem>>
      %dma_wait3A_136 = tpu.memref_squeeze %dma_wait3A_135 : memref<1x96x128xf32, #tpu.memory_space<vmem>> -> memref<96x128xf32, #tpu.memory_space<vmem>>
      tpu.wait_dma2 semaphore(%run_scoped3A_114 : memref<!tpu.dma_semaphore, #tpu.memory_space<semaphore_mem>>) src(%dma_wait3A_136 : memref<96x128xf32, #tpu.memory_space<vmem>>) dst(%dma_wait3A_132 : memref<96x128xf32, #tpu.memory_space<vmem_shared>>)
      tpu.yield
    }) : () -> ()
    %mul3A_15 = arith.constant 640 : i32
    %mul3A_16 = arith.muli %arg1, %mul3A_15 : i32
    %add3A_17 = arith.constant 192 : i32
    %add3A_18 = arith.addi %mul3A_16, %add3A_17 : i32
    %run_scoped3A_19 = arith.constant 0 : i32
    "tpu.region"() ({
      %run_scoped3A_114 = tpu.sem_alloc : memref<!tpu.dma_semaphore, #tpu.memory_space<semaphore_mem>>
      %dma_start3A = arith.constant 0 : i32
      %dma_start3A_115 = arith.constant 0 : i32
      %dma_start3A_116 = tpu.memref_slice %arg10[%run_scoped3A_19, %dma_start3A, %dma_start3A_115] : memref<2x96x128xf32, #tpu.memory_space<vmem>> -> memref<1x96x128xf32, #tpu.memory_space<vmem>>
      %dma_start3A_117 = tpu.memref_squeeze %dma_start3A_116 : memref<1x96x128xf32, #tpu.memory_space<vmem>> -> memref<96x128xf32, #tpu.memory_space<vmem>>
      %dma_start3A_118 = arith.constant 0 : i32
      %dma_start3A_119 = tpu.memref_slice %arg11[%add3A_18, %dma_start3A_118] : memref<10240x128xf32, #tpu.memory_space<vmem_shared>> -> memref<96x128xf32, #tpu.memory_space<vmem_shared>>
      %dma_start3A_120 = arith.constant 0 : i32
      %dma_start3A_121 = tpu.memref_slice %arg11[%add3A_18, %dma_start3A_120] : memref<10240x128xf32, #tpu.memory_space<vmem_shared>> -> memref<96x128xf32, #tpu.memory_space<vmem_shared>>
      %dma_start3A_122 = arith.constant 0 : i32
      %dma_start3A_123 = arith.constant 0 : i32
      %dma_start3A_124 = tpu.memref_slice %arg10[%run_scoped3A_19, %dma_start3A_122, %dma_start3A_123] : memref<2x96x128xf32, #tpu.memory_space<vmem>> -> memref<1x96x128xf32, #tpu.memory_space<vmem>>
      %dma_start3A_125 = tpu.memref_squeeze %dma_start3A_124 : memref<1x96x128xf32, #tpu.memory_space<vmem>> -> memref<96x128xf32, #tpu.memory_space<vmem>>
      tpu.enqueue_dma source(%dma_start3A_125 : memref<96x128xf32, #tpu.memory_space<vmem>>) target(%dma_start3A_121 : memref<96x128xf32, #tpu.memory_space<vmem_shared>>) target_semaphore(%run_scoped3A_114 : memref<!tpu.dma_semaphore, #tpu.memory_space<semaphore_mem>>)
      %dma_wait3A = arith.constant 0 : i32
      %dma_wait3A_126 = arith.constant 0 : i32
      %dma_wait3A_127 = tpu.memref_slice %arg10[%run_scoped3A_19, %dma_wait3A, %dma_wait3A_126] : memref<2x96x128xf32, #tpu.memory_space<vmem>> -> memref<1x96x128xf32, #tpu.memory_space<vmem>>
      %dma_wait3A_128 = tpu.memref_squeeze %dma_wait3A_127 : memref<1x96x128xf32, #tpu.memory_space<vmem>> -> memref<96x128xf32, #tpu.memory_space<vmem>>
      %dma_wait3A_129 = arith.constant 0 : i32
      %dma_wait3A_130 = tpu.memref_slice %arg11[%add3A_18, %dma_wait3A_129] : memref<10240x128xf32, #tpu.memory_space<vmem_shared>> -> memref<96x128xf32, #tpu.memory_space<vmem_shared>>
      %dma_wait3A_131 = arith.constant 0 : i32
      %dma_wait3A_132 = tpu.memref_slice %arg11[%add3A_18, %dma_wait3A_131] : memref<10240x128xf32, #tpu.memory_space<vmem_shared>> -> memref<96x128xf32, #tpu.memory_space<vmem_shared>>
      %dma_wait3A_133 = arith.constant 0 : i32
      %dma_wait3A_134 = arith.constant 0 : i32
      %dma_wait3A_135 = tpu.memref_slice %arg10[%run_scoped3A_19, %dma_wait3A_133, %dma_wait3A_134] : memref<2x96x128xf32, #tpu.memory_space<vmem>> -> memref<1x96x128xf32, #tpu.memory_space<vmem>>
      %dma_wait3A_136 = tpu.memref_squeeze %dma_wait3A_135 : memref<1x96x128xf32, #tpu.memory_space<vmem>> -> memref<96x128xf32, #tpu.memory_space<vmem>>
      tpu.wait_dma2 semaphore(%run_scoped3A_114 : memref<!tpu.dma_semaphore, #tpu.memory_space<semaphore_mem>>) src(%dma_wait3A_136 : memref<96x128xf32, #tpu.memory_space<vmem>>) dst(%dma_wait3A_132 : memref<96x128xf32, #tpu.memory_space<vmem_shared>>)
      tpu.yield
    }) : () -> ()
    %mul3A_20 = arith.constant 640 : i32
    %mul3A_21 = arith.muli %arg1, %mul3A_20 : i32
    %add3A_22 = arith.constant 288 : i32
    %add3A_23 = arith.addi %mul3A_21, %add3A_22 : i32
    %run_scoped3A_24 = arith.constant 0 : i32
    "tpu.region"() ({
      %run_scoped3A_114 = tpu.sem_alloc : memref<!tpu.dma_semaphore, #tpu.memory_space<semaphore_mem>>
      %dma_start3A = arith.constant 0 : i32
      %dma_start3A_115 = arith.constant 0 : i32
      %dma_start3A_116 = tpu.memref_slice %arg10[%run_scoped3A_24, %dma_start3A, %dma_start3A_115] : memref<2x96x128xf32, #tpu.memory_space<vmem>> -> memref<1x96x128xf32, #tpu.memory_space<vmem>>
      %dma_start3A_117 = tpu.memref_squeeze %dma_start3A_116 : memref<1x96x128xf32, #tpu.memory_space<vmem>> -> memref<96x128xf32, #tpu.memory_space<vmem>>
      %dma_start3A_118 = arith.constant 0 : i32
      %dma_start3A_119 = tpu.memref_slice %arg11[%add3A_23, %dma_start3A_118] : memref<10240x128xf32, #tpu.memory_space<vmem_shared>> -> memref<96x128xf32, #tpu.memory_space<vmem_shared>>
      %dma_start3A_120 = arith.constant 0 : i32
      %dma_start3A_121 = tpu.memref_slice %arg11[%add3A_23, %dma_start3A_120] : memref<10240x128xf32, #tpu.memory_space<vmem_shared>> -> memref<96x128xf32, #tpu.memory_space<vmem_shared>>
      %dma_start3A_122 = arith.constant 0 : i32
      %dma_start3A_123 = arith.constant 0 : i32
      %dma_start3A_124 = tpu.memref_slice %arg10[%run_scoped3A_24, %dma_start3A_122, %dma_start3A_123] : memref<2x96x128xf32, #tpu.memory_space<vmem>> -> memref<1x96x128xf32, #tpu.memory_space<vmem>>
      %dma_start3A_125 = tpu.memref_squeeze %dma_start3A_124 : memref<1x96x128xf32, #tpu.memory_space<vmem>> -> memref<96x128xf32, #tpu.memory_space<vmem>>
      tpu.enqueue_dma source(%dma_start3A_125 : memref<96x128xf32, #tpu.memory_space<vmem>>) target(%dma_start3A_121 : memref<96x128xf32, #tpu.memory_space<vmem_shared>>) target_semaphore(%run_scoped3A_114 : memref<!tpu.dma_semaphore, #tpu.memory_space<semaphore_mem>>)
      %dma_wait3A = arith.constant 0 : i32
      %dma_wait3A_126 = arith.constant 0 : i32
      %dma_wait3A_127 = tpu.memref_slice %arg10[%run_scoped3A_24, %dma_wait3A, %dma_wait3A_126] : memref<2x96x128xf32, #tpu.memory_space<vmem>> -> memref<1x96x128xf32, #tpu.memory_space<vmem>>
      %dma_wait3A_128 = tpu.memref_squeeze %dma_wait3A_127 : memref<1x96x128xf32, #tpu.memory_space<vmem>> -> memref<96x128xf32, #tpu.memory_space<vmem>>
      %dma_wait3A_129 = arith.constant 0 : i32
      %dma_wait3A_130 = tpu.memref_slice %arg11[%add3A_23, %dma_wait3A_129] : memref<10240x128xf32, #tpu.memory_space<vmem_shared>> -> memref<96x128xf32, #tpu.memory_space<vmem_shared>>
      %dma_wait3A_131 = arith.constant 0 : i32
      %dma_wait3A_132 = tpu.memref_slice %arg11[%add3A_23, %dma_wait3A_131] : memref<10240x128xf32, #tpu.memory_space<vmem_shared>> -> memref<96x128xf32, #tpu.memory_space<vmem_shared>>
      %dma_wait3A_133 = arith.constant 0 : i32
      %dma_wait3A_134 = arith.constant 0 : i32
      %dma_wait3A_135 = tpu.memref_slice %arg10[%run_scoped3A_24, %dma_wait3A_133, %dma_wait3A_134] : memref<2x96x128xf32, #tpu.memory_space<vmem>> -> memref<1x96x128xf32, #tpu.memory_space<vmem>>
      %dma_wait3A_136 = tpu.memref_squeeze %dma_wait3A_135 : memref<1x96x128xf32, #tpu.memory_space<vmem>> -> memref<96x128xf32, #tpu.memory_space<vmem>>
      tpu.wait_dma2 semaphore(%run_scoped3A_114 : memref<!tpu.dma_semaphore, #tpu.memory_space<semaphore_mem>>) src(%dma_wait3A_136 : memref<96x128xf32, #tpu.memory_space<vmem>>) dst(%dma_wait3A_132 : memref<96x128xf32, #tpu.memory_space<vmem_shared>>)
      tpu.yield
    }) : () -> ()
    %mul3A_25 = arith.constant 640 : i32
    %mul3A_26 = arith.muli %arg1, %mul3A_25 : i32
    %add3A_27 = arith.constant 384 : i32
    %add3A_28 = arith.addi %mul3A_26, %add3A_27 : i32
    %run_scoped3A_29 = arith.constant 0 : i32
    "tpu.region"() ({
      %run_scoped3A_114 = tpu.sem_alloc : memref<!tpu.dma_semaphore, #tpu.memory_space<semaphore_mem>>
      %dma_start3A = arith.constant 0 : i32
      %dma_start3A_115 = arith.constant 0 : i32
      %dma_start3A_116 = tpu.memref_slice %arg10[%run_scoped3A_29, %dma_start3A, %dma_start3A_115] : memref<2x96x128xf32, #tpu.memory_space<vmem>> -> memref<1x96x128xf32, #tpu.memory_space<vmem>>
      %dma_start3A_117 = tpu.memref_squeeze %dma_start3A_116 : memref<1x96x128xf32, #tpu.memory_space<vmem>> -> memref<96x128xf32, #tpu.memory_space<vmem>>
      %dma_start3A_118 = arith.constant 0 : i32
      %dma_start3A_119 = tpu.memref_slice %arg11[%add3A_28, %dma_start3A_118] : memref<10240x128xf32, #tpu.memory_space<vmem_shared>> -> memref<96x128xf32, #tpu.memory_space<vmem_shared>>
      %dma_start3A_120 = arith.constant 0 : i32
      %dma_start3A_121 = tpu.memref_slice %arg11[%add3A_28, %dma_start3A_120] : memref<10240x128xf32, #tpu.memory_space<vmem_shared>> -> memref<96x128xf32, #tpu.memory_space<vmem_shared>>
      %dma_start3A_122 = arith.constant 0 : i32
      %dma_start3A_123 = arith.constant 0 : i32
      %dma_start3A_124 = tpu.memref_slice %arg10[%run_scoped3A_29, %dma_start3A_122, %dma_start3A_123] : memref<2x96x128xf32, #tpu.memory_space<vmem>> -> memref<1x96x128xf32, #tpu.memory_space<vmem>>
      %dma_start3A_125 = tpu.memref_squeeze %dma_start3A_124 : memref<1x96x128xf32, #tpu.memory_space<vmem>> -> memref<96x128xf32, #tpu.memory_space<vmem>>
      tpu.enqueue_dma source(%dma_start3A_125 : memref<96x128xf32, #tpu.memory_space<vmem>>) target(%dma_start3A_121 : memref<96x128xf32, #tpu.memory_space<vmem_shared>>) target_semaphore(%run_scoped3A_114 : memref<!tpu.dma_semaphore, #tpu.memory_space<semaphore_mem>>)
      %dma_wait3A = arith.constant 0 : i32
      %dma_wait3A_126 = arith.constant 0 : i32
      %dma_wait3A_127 = tpu.memref_slice %arg10[%run_scoped3A_29, %dma_wait3A, %dma_wait3A_126] : memref<2x96x128xf32, #tpu.memory_space<vmem>> -> memref<1x96x128xf32, #tpu.memory_space<vmem>>
      %dma_wait3A_128 = tpu.memref_squeeze %dma_wait3A_127 : memref<1x96x128xf32, #tpu.memory_space<vmem>> -> memref<96x128xf32, #tpu.memory_space<vmem>>
      %dma_wait3A_129 = arith.constant 0 : i32
      %dma_wait3A_130 = tpu.memref_slice %arg11[%add3A_28, %dma_wait3A_129] : memref<10240x128xf32, #tpu.memory_space<vmem_shared>> -> memref<96x128xf32, #tpu.memory_space<vmem_shared>>
      %dma_wait3A_131 = arith.constant 0 : i32
      %dma_wait3A_132 = tpu.memref_slice %arg11[%add3A_28, %dma_wait3A_131] : memref<10240x128xf32, #tpu.memory_space<vmem_shared>> -> memref<96x128xf32, #tpu.memory_space<vmem_shared>>
      %dma_wait3A_133 = arith.constant 0 : i32
      %dma_wait3A_134 = arith.constant 0 : i32
      %dma_wait3A_135 = tpu.memref_slice %arg10[%run_scoped3A_29, %dma_wait3A_133, %dma_wait3A_134] : memref<2x96x128xf32, #tpu.memory_space<vmem>> -> memref<1x96x128xf32, #tpu.memory_space<vmem>>
      %dma_wait3A_136 = tpu.memref_squeeze %dma_wait3A_135 : memref<1x96x128xf32, #tpu.memory_space<vmem>> -> memref<96x128xf32, #tpu.memory_space<vmem>>
      tpu.wait_dma2 semaphore(%run_scoped3A_114 : memref<!tpu.dma_semaphore, #tpu.memory_space<semaphore_mem>>) src(%dma_wait3A_136 : memref<96x128xf32, #tpu.memory_space<vmem>>) dst(%dma_wait3A_132 : memref<96x128xf32, #tpu.memory_space<vmem_shared>>)
      tpu.yield
    }) : () -> ()
    %mul3A_30 = arith.constant 640 : i32
    %mul3A_31 = arith.muli %arg1, %mul3A_30 : i32
    %add3A_32 = arith.constant 480 : i32
    %add3A_33 = arith.addi %mul3A_31, %add3A_32 : i32
    %run_scoped3A_34 = arith.constant 0 : i32
    "tpu.region"() ({
      %run_scoped3A_114 = tpu.sem_alloc : memref<!tpu.dma_semaphore, #tpu.memory_space<semaphore_mem>>
      %dma_start3A = arith.constant 0 : i32
      %dma_start3A_115 = arith.constant 0 : i32
      %dma_start3A_116 = tpu.memref_slice %arg10[%run_scoped3A_34, %dma_start3A, %dma_start3A_115] : memref<2x96x128xf32, #tpu.memory_space<vmem>> -> memref<1x96x128xf32, #tpu.memory_space<vmem>>
      %dma_start3A_117 = tpu.memref_squeeze %dma_start3A_116 : memref<1x96x128xf32, #tpu.memory_space<vmem>> -> memref<96x128xf32, #tpu.memory_space<vmem>>
      %dma_start3A_118 = arith.constant 0 : i32
      %dma_start3A_119 = tpu.memref_slice %arg11[%add3A_33, %dma_start3A_118] : memref<10240x128xf32, #tpu.memory_space<vmem_shared>> -> memref<96x128xf32, #tpu.memory_space<vmem_shared>>
      %dma_start3A_120 = arith.constant 0 : i32
      %dma_start3A_121 = tpu.memref_slice %arg11[%add3A_33, %dma_start3A_120] : memref<10240x128xf32, #tpu.memory_space<vmem_shared>> -> memref<96x128xf32, #tpu.memory_space<vmem_shared>>
      %dma_start3A_122 = arith.constant 0 : i32
      %dma_start3A_123 = arith.constant 0 : i32
      %dma_start3A_124 = tpu.memref_slice %arg10[%run_scoped3A_34, %dma_start3A_122, %dma_start3A_123] : memref<2x96x128xf32, #tpu.memory_space<vmem>> -> memref<1x96x128xf32, #tpu.memory_space<vmem>>
      %dma_start3A_125 = tpu.memref_squeeze %dma_start3A_124 : memref<1x96x128xf32, #tpu.memory_space<vmem>> -> memref<96x128xf32, #tpu.memory_space<vmem>>
      tpu.enqueue_dma source(%dma_start3A_125 : memref<96x128xf32, #tpu.memory_space<vmem>>) target(%dma_start3A_121 : memref<96x128xf32, #tpu.memory_space<vmem_shared>>) target_semaphore(%run_scoped3A_114 : memref<!tpu.dma_semaphore, #tpu.memory_space<semaphore_mem>>)
      %dma_wait3A = arith.constant 0 : i32
      %dma_wait3A_126 = arith.constant 0 : i32
      %dma_wait3A_127 = tpu.memref_slice %arg10[%run_scoped3A_34, %dma_wait3A, %dma_wait3A_126] : memref<2x96x128xf32, #tpu.memory_space<vmem>> -> memref<1x96x128xf32, #tpu.memory_space<vmem>>
      %dma_wait3A_128 = tpu.memref_squeeze %dma_wait3A_127 : memref<1x96x128xf32, #tpu.memory_space<vmem>> -> memref<96x128xf32, #tpu.memory_space<vmem>>
      %dma_wait3A_129 = arith.constant 0 : i32
      %dma_wait3A_130 = tpu.memref_slice %arg11[%add3A_33, %dma_wait3A_129] : memref<10240x128xf32, #tpu.memory_space<vmem_shared>> -> memref<96x128xf32, #tpu.memory_space<vmem_shared>>
      %dma_wait3A_131 = arith.constant 0 : i32
      %dma_wait3A_132 = tpu.memref_slice %arg11[%add3A_33, %dma_wait3A_131] : memref<10240x128xf32, #tpu.memory_space<vmem_shared>> -> memref<96x128xf32, #tpu.memory_space<vmem_shared>>
      %dma_wait3A_133 = arith.constant 0 : i32
      %dma_wait3A_134 = arith.constant 0 : i32
      %dma_wait3A_135 = tpu.memref_slice %arg10[%run_scoped3A_34, %dma_wait3A_133, %dma_wait3A_134] : memref<2x96x128xf32, #tpu.memory_space<vmem>> -> memref<1x96x128xf32, #tpu.memory_space<vmem>>
      %dma_wait3A_136 = tpu.memref_squeeze %dma_wait3A_135 : memref<1x96x128xf32, #tpu.memory_space<vmem>> -> memref<96x128xf32, #tpu.memory_space<vmem>>
      tpu.wait_dma2 semaphore(%run_scoped3A_114 : memref<!tpu.dma_semaphore, #tpu.memory_space<semaphore_mem>>) src(%dma_wait3A_136 : memref<96x128xf32, #tpu.memory_space<vmem>>) dst(%dma_wait3A_132 : memref<96x128xf32, #tpu.memory_space<vmem_shared>>)
      tpu.yield
    }) : () -> ()
    %mul3A_35 = arith.constant 640 : i32
    %mul3A_36 = arith.muli %arg1, %mul3A_35 : i32
    %add3A_37 = arith.constant 576 : i32
    %add3A_38 = arith.addi %mul3A_36, %add3A_37 : i32
    %run_scoped3A_39 = arith.constant 0 : i32
    "tpu.region"() ({
      %run_scoped3A_114 = tpu.sem_alloc : memref<!tpu.dma_semaphore, #tpu.memory_space<semaphore_mem>>
      %dma_start3A = arith.constant 0 : i32
      %dma_start3A_115 = arith.constant 0 : i32
      %dma_start3A_116 = tpu.memref_slice %arg10[%run_scoped3A_39, %dma_start3A, %dma_start3A_115] : memref<2x96x128xf32, #tpu.memory_space<vmem>> -> memref<1x96x128xf32, #tpu.memory_space<vmem>>
      %dma_start3A_117 = tpu.memref_squeeze %dma_start3A_116 : memref<1x96x128xf32, #tpu.memory_space<vmem>> -> memref<96x128xf32, #tpu.memory_space<vmem>>
      %dma_start3A_118 = arith.constant 0 : i32
      %dma_start3A_119 = arith.constant 0 : i32
      %dma_start3A_120 = tpu.memref_slice %dma_start3A_117[%dma_start3A_118, %dma_start3A_119] : memref<96x128xf32, #tpu.memory_space<vmem>> -> memref<64x128xf32, #tpu.memory_space<vmem>>
      %dma_start3A_121 = arith.constant 0 : i32
      %dma_start3A_122 = tpu.memref_slice %arg11[%add3A_38, %dma_start3A_121] : memref<10240x128xf32, #tpu.memory_space<vmem_shared>> -> memref<64x128xf32, #tpu.memory_space<vmem_shared>>
      %dma_start3A_123 = arith.constant 0 : i32
      %dma_start3A_124 = tpu.memref_slice %arg11[%add3A_38, %dma_start3A_123] : memref<10240x128xf32, #tpu.memory_space<vmem_shared>> -> memref<64x128xf32, #tpu.memory_space<vmem_shared>>
      %dma_start3A_125 = arith.constant 0 : i32
      %dma_start3A_126 = arith.constant 0 : i32
      %dma_start3A_127 = tpu.memref_slice %arg10[%run_scoped3A_39, %dma_start3A_125, %dma_start3A_126] : memref<2x96x128xf32, #tpu.memory_space<vmem>> -> memref<1x96x128xf32, #tpu.memory_space<vmem>>
      %dma_start3A_128 = tpu.memref_squeeze %dma_start3A_127 : memref<1x96x128xf32, #tpu.memory_space<vmem>> -> memref<96x128xf32, #tpu.memory_space<vmem>>
      %dma_start3A_129 = arith.constant 0 : i32
      %dma_start3A_130 = arith.constant 0 : i32
      %dma_start3A_131 = tpu.memref_slice %dma_start3A_128[%dma_start3A_129, %dma_start3A_130] : memref<96x128xf32, #tpu.memory_space<vmem>> -> memref<64x128xf32, #tpu.memory_space<vmem>>
      tpu.enqueue_dma source(%dma_start3A_131 : memref<64x128xf32, #tpu.memory_space<vmem>>) target(%dma_start3A_124 : memref<64x128xf32, #tpu.memory_space<vmem_shared>>) target_semaphore(%run_scoped3A_114 : memref<!tpu.dma_semaphore, #tpu.memory_space<semaphore_mem>>)
      %dma_wait3A = arith.constant 0 : i32
      %dma_wait3A_132 = arith.constant 0 : i32
      %dma_wait3A_133 = tpu.memref_slice %arg10[%run_scoped3A_39, %dma_wait3A, %dma_wait3A_132] : memref<2x96x128xf32, #tpu.memory_space<vmem>> -> memref<1x96x128xf32, #tpu.memory_space<vmem>>
      %dma_wait3A_134 = tpu.memref_squeeze %dma_wait3A_133 : memref<1x96x128xf32, #tpu.memory_space<vmem>> -> memref<96x128xf32, #tpu.memory_space<vmem>>
      %dma_wait3A_135 = arith.constant 0 : i32
      %dma_wait3A_136 = arith.constant 0 : i32
      %dma_wait3A_137 = tpu.memref_slice %dma_wait3A_134[%dma_wait3A_135, %dma_wait3A_136] : memref<96x128xf32, #tpu.memory_space<vmem>> -> memref<64x128xf32, #tpu.memory_space<vmem>>
      %dma_wait3A_138 = arith.constant 0 : i32
      %dma_wait3A_139 = tpu.memref_slice %arg11[%add3A_38, %dma_wait3A_138] : memref<10240x128xf32, #tpu.memory_space<vmem_shared>> -> memref<64x128xf32, #tpu.memory_space<vmem_shared>>
      %dma_wait3A_140 = arith.constant 0 : i32
      %dma_wait3A_141 = tpu.memref_slice %arg11[%add3A_38, %dma_wait3A_140] : memref<10240x128xf32, #tpu.memory_space<vmem_shared>> -> memref<64x128xf32, #tpu.memory_space<vmem_shared>>
      %dma_wait3A_142 = arith.constant 0 : i32
      %dma_wait3A_143 = arith.constant 0 : i32
      %dma_wait3A_144 = tpu.memref_slice %arg10[%run_scoped3A_39, %dma_wait3A_142, %dma_wait3A_143] : memref<2x96x128xf32, #tpu.memory_space<vmem>> -> memref<1x96x128xf32, #tpu.memory_space<vmem>>
      %dma_wait3A_145 = tpu.memref_squeeze %dma_wait3A_144 : memref<1x96x128xf32, #tpu.memory_space<vmem>> -> memref<96x128xf32, #tpu.memory_space<vmem>>
      %dma_wait3A_146 = arith.constant 0 : i32
      %dma_wait3A_147 = arith.constant 0 : i32
      %dma_wait3A_148 = tpu.memref_slice %dma_wait3A_145[%dma_wait3A_146, %dma_wait3A_147] : memref<96x128xf32, #tpu.memory_space<vmem>> -> memref<64x128xf32, #tpu.memory_space<vmem>>
      tpu.wait_dma2 semaphore(%run_scoped3A_114 : memref<!tpu.dma_semaphore, #tpu.memory_space<semaphore_mem>>) src(%dma_wait3A_148 : memref<64x128xf32, #tpu.memory_space<vmem>>) dst(%dma_wait3A_141 : memref<64x128xf32, #tpu.memory_space<vmem_shared>>)
      tpu.yield
    }) : () -> ()
    %barrier3A = arith.constant 0 : index
    tpu.barrier barrier_id(%barrier3A)
    %eq3A_40 = arith.constant 0 : i32
    %eq3A_41 = arith.cmpi eq, %arg0, %eq3A_40 : i32
    %jit3A = arith.constant 76 : i32
    %jit3A_42 = arith.constant 32 : i32
    %select_n3A = arith.select %eq3A_41, %jit3A, %jit3A_42 : i32
    %while3A = arith.constant 0 : i32
    %while3A_43 = arith.constant 0 : i32
    %while3A_44 = arith.subi %select_n3A, %while3A_43 : i32
    %while3A_45 = arith.addi %while3A_43, %while3A_44 : i32
    %while3A_46 = arith.constant 1 : i32
    %while3A_47 = arith.divsi %while3A_44, %while3A_46 : i32
    %while3A_48 = arith.muli %while3A_47, %while3A_46 : i32
    %while3A_49 = arith.addi %while3A_43, %while3A_48 : i32
    %while3A_50 = arith.constant 1 : i32
    scf.for %while3A_114 = %while3A_43 to %while3A_49 step %while3A_50  : i32 {
      %mul3A_115 = arith.constant 2 : i32
      %mul3A_116 = arith.muli %while3A_114, %mul3A_115 : i32
      %add3A_117 = arith.constant 0 : i32
      %add3A_118 = arith.addi %mul3A_116, %add3A_117 : i32
      %get3A = arith.index_cast %add3A_118 : i32 to index
      %get3A_119 = arith.constant 0 : index
      %get3A_120 = tpu.vector_load %arg7[%get3A, %get3A_119] {strides = array<i32>} : memref<152x96xi32, #tpu.memory_space<vmem>>, vector<1x16xi32>,
      %get3A_121 = vector.shape_cast %get3A_120 : vector<1x16xi32> to vector<16xi32>
      %and3A = arith.constant 65535 : i32
      %and3A_122 = vector.broadcast %and3A : i32 to vector<16xi32>
      %and3A_123 = arith.andi %get3A_121, %and3A_122 : vector<16xi32>
      %swap3A = arith.constant 0 : i32
      %swap3A_124 = arith.index_cast %swap3A : i32 to index
      %swap3A_125 = arith.constant 0 : index
      %swap3A_126 = tpu.vector_load %arg8[%swap3A_124, %swap3A_125] {strides = array<i32>} : memref<2x96xi32, #tpu.memory_space<vmem>>, vector<1x16xi32>,
      %swap3A_127 = vector.shape_cast %swap3A_126 : vector<1x16xi32> to vector<16xi32>
      %swap3A_128 = vector.shape_cast %and3A_123 : vector<16xi32> to vector<1x16xi32>
      tpu.vector_store %arg8[%swap3A_124, %swap3A_125], %swap3A_128 {strides = array<i32>} : memref<2x96xi32, #tpu.memory_space<vmem>>, vector<1x16xi32>,
      %shift_right_logical3A = arith.constant 16 : i32
      %shift_right_logical3A_129 = vector.broadcast %shift_right_logical3A : i32 to vector<16xi32>
      %shift_right_logical3A_130 = arith.shrui %get3A_121, %shift_right_logical3A_129 : vector<16xi32>
      %swap3A_131 = arith.constant 0 : i32
      %swap3A_132 = arith.index_cast %swap3A_131 : i32 to index
      %swap3A_133 = arith.constant 0 : index
      %swap3A_134 = tpu.vector_load %arg9[%swap3A_132, %swap3A_133] {strides = array<i32>} : memref<2x96xi32, #tpu.memory_space<vmem>>, vector<1x16xi32>,
      %swap3A_135 = vector.shape_cast %swap3A_134 : vector<1x16xi32> to vector<16xi32>
      %swap3A_136 = vector.shape_cast %shift_right_logical3A_130 : vector<16xi32> to vector<1x16xi32>
      tpu.vector_store %arg9[%swap3A_132, %swap3A_133], %swap3A_136 {strides = array<i32>} : memref<2x96xi32, #tpu.memory_space<vmem>>, vector<1x16xi32>,
      %get3A_137 = arith.index_cast %add3A_118 : i32 to index
      %get3A_138 = arith.constant 16 : index
      %get3A_139 = tpu.vector_load %arg7[%get3A_137, %get3A_138] {strides = array<i32>} : memref<152x96xi32, #tpu.memory_space<vmem>>, vector<1x16xi32>,
      %get3A_140 = vector.shape_cast %get3A_139 : vector<1x16xi32> to vector<16xi32>
      %and3A_141 = arith.constant 65535 : i32
      %and3A_142 = vector.broadcast %and3A_141 : i32 to vector<16xi32>
      %and3A_143 = arith.andi %get3A_140, %and3A_142 : vector<16xi32>
      %swap3A_144 = arith.constant 0 : i32
      %swap3A_145 = arith.index_cast %swap3A_144 : i32 to index
      %swap3A_146 = arith.constant 16 : index
      %swap3A_147 = tpu.vector_load %arg8[%swap3A_145, %swap3A_146] {strides = array<i32>} : memref<2x96xi32, #tpu.memory_space<vmem>>, vector<1x16xi32>,
      %swap3A_148 = vector.shape_cast %swap3A_147 : vector<1x16xi32> to vector<16xi32>
      %swap3A_149 = vector.shape_cast %and3A_143 : vector<16xi32> to vector<1x16xi32>
      tpu.vector_store %arg8[%swap3A_145, %swap3A_146], %swap3A_149 {strides = array<i32>} : memref<2x96xi32, #tpu.memory_space<vmem>>, vector<1x16xi32>,
      %shift_right_logical3A_150 = arith.constant 16 : i32
      %shift_right_logical3A_151 = vector.broadcast %shift_right_logical3A_150 : i32 to vector<16xi32>
      %shift_right_logical3A_152 = arith.shrui %get3A_140, %shift_right_logical3A_151 : vector<16xi32>
      %swap3A_153 = arith.constant 0 : i32
      %swap3A_154 = arith.index_cast %swap3A_153 : i32 to index
      %swap3A_155 = arith.constant 16 : index
      %swap3A_156 = tpu.vector_load %arg9[%swap3A_154, %swap3A_155] {strides = array<i32>} : memref<2x96xi32, #tpu.memory_space<vmem>>, vector<1x16xi32>,
      %swap3A_157 = vector.shape_cast %swap3A_156 : vector<1x16xi32> to vector<16xi32>
      %swap3A_158 = vector.shape_cast %shift_right_logical3A_152 : vector<16xi32> to vector<1x16xi32>
      tpu.vector_store %arg9[%swap3A_154, %swap3A_155], %swap3A_158 {strides = array<i32>} : memref<2x96xi32, #tpu.memory_space<vmem>>, vector<1x16xi32>,
      %get3A_159 = arith.index_cast %add3A_118 : i32 to index
      %get3A_160 = arith.constant 32 : index
      %get3A_161 = tpu.vector_load %arg7[%get3A_159, %get3A_160] {strides = array<i32>} : memref<152x96xi32, #tpu.memory_space<vmem>>, vector<1x16xi32>,
      %get3A_162 = vector.shape_cast %get3A_161 : vector<1x16xi32> to vector<16xi32>
      %and3A_163 = arith.constant 65535 : i32
      %and3A_164 = vector.broadcast %and3A_163 : i32 to vector<16xi32>
      %and3A_165 = arith.andi %get3A_162, %and3A_164 : vector<16xi32>
      %swap3A_166 = arith.constant 0 : i32
      %swap3A_167 = arith.index_cast %swap3A_166 : i32 to index
      %swap3A_168 = arith.constant 32 : index
      %swap3A_169 = tpu.vector_load %arg8[%swap3A_167, %swap3A_168] {strides = array<i32>} : memref<2x96xi32, #tpu.memory_space<vmem>>, vector<1x16xi32>,
      %swap3A_170 = vector.shape_cast %swap3A_169 : vector<1x16xi32> to vector<16xi32>
      %swap3A_171 = vector.shape_cast %and3A_165 : vector<16xi32> to vector<1x16xi32>
      tpu.vector_store %arg8[%swap3A_167, %swap3A_168], %swap3A_171 {strides = array<i32>} : memref<2x96xi32, #tpu.memory_space<vmem>>, vector<1x16xi32>,
      %shift_right_logical3A_172 = arith.constant 16 : i32
      %shift_right_logical3A_173 = vector.broadcast %shift_right_logical3A_172 : i32 to vector<16xi32>
      %shift_right_logical3A_174 = arith.shrui %get3A_162, %shift_right_logical3A_173 : vector<16xi32>
      %swap3A_175 = arith.constant 0 : i32
      %swap3A_176 = arith.index_cast %swap3A_175 : i32 to index
      %swap3A_177 = arith.constant 32 : index
      %swap3A_178 = tpu.vector_load %arg9[%swap3A_176, %swap3A_177] {strides = array<i32>} : memref<2x96xi32, #tpu.memory_space<vmem>>, vector<1x16xi32>,
      %swap3A_179 = vector.shape_cast %swap3A_178 : vector<1x16xi32> to vector<16xi32>
      %swap3A_180 = vector.shape_cast %shift_right_logical3A_174 : vector<16xi32> to vector<1x16xi32>
      tpu.vector_store %arg9[%swap3A_176, %swap3A_177], %swap3A_180 {strides = array<i32>} : memref<2x96xi32, #tpu.memory_space<vmem>>, vector<1x16xi32>,
      %get3A_181 = arith.index_cast %add3A_118 : i32 to index
      %get3A_182 = arith.constant 48 : index
      %get3A_183 = tpu.vector_load %arg7[%get3A_181, %get3A_182] {strides = array<i32>} : memref<152x96xi32, #tpu.memory_space<vmem>>, vector<1x16xi32>,
      %get3A_184 = vector.shape_cast %get3A_183 : vector<1x16xi32> to vector<16xi32>
      %and3A_185 = arith.constant 65535 : i32
      %and3A_186 = vector.broadcast %and3A_185 : i32 to vector<16xi32>
      %and3A_187 = arith.andi %get3A_184, %and3A_186 : vector<16xi32>
      %swap3A_188 = arith.constant 0 : i32
      %swap3A_189 = arith.index_cast %swap3A_188 : i32 to index
      %swap3A_190 = arith.constant 48 : index
      %swap3A_191 = tpu.vector_load %arg8[%swap3A_189, %swap3A_190] {strides = array<i32>} : memref<2x96xi32, #tpu.memory_space<vmem>>, vector<1x16xi32>,
      %swap3A_192 = vector.shape_cast %swap3A_191 : vector<1x16xi32> to vector<16xi32>
      %swap3A_193 = vector.shape_cast %and3A_187 : vector<16xi32> to vector<1x16xi32>
      tpu.vector_store %arg8[%swap3A_189, %swap3A_190], %swap3A_193 {strides = array<i32>} : memref<2x96xi32, #tpu.memory_space<vmem>>, vector<1x16xi32>,
      %shift_right_logical3A_194 = arith.constant 16 : i32
      %shift_right_logical3A_195 = vector.broadcast %shift_right_logical3A_194 : i32 to vector<16xi32>
      %shift_right_logical3A_196 = arith.shrui %get3A_184, %shift_right_logical3A_195 : vector<16xi32>
      %swap3A_197 = arith.constant 0 : i32
      %swap3A_198 = arith.index_cast %swap3A_197 : i32 to index
      %swap3A_199 = arith.constant 48 : index
      %swap3A_200 = tpu.vector_load %arg9[%swap3A_198, %swap3A_199] {strides = array<i32>} : memref<2x96xi32, #tpu.memory_space<vmem>>, vector<1x16xi32>,
      %swap3A_201 = vector.shape_cast %swap3A_200 : vector<1x16xi32> to vector<16xi32>
      %swap3A_202 = vector.shape_cast %shift_right_logical3A_196 : vector<16xi32> to vector<1x16xi32>
      tpu.vector_store %arg9[%swap3A_198, %swap3A_199], %swap3A_202 {strides = array<i32>} : memref<2x96xi32, #tpu.memory_space<vmem>>, vector<1x16xi32>,
      %get3A_203 = arith.index_cast %add3A_118 : i32 to index
      %get3A_204 = arith.constant 64 : index
      %get3A_205 = tpu.vector_load %arg7[%get3A_203, %get3A_204] {strides = array<i32>} : memref<152x96xi32, #tpu.memory_space<vmem>>, vector<1x16xi32>,
      %get3A_206 = vector.shape_cast %get3A_205 : vector<1x16xi32> to vector<16xi32>
      %and3A_207 = arith.constant 65535 : i32
      %and3A_208 = vector.broadcast %and3A_207 : i32 to vector<16xi32>
      %and3A_209 = arith.andi %get3A_206, %and3A_208 : vector<16xi32>
      %swap3A_210 = arith.constant 0 : i32
      %swap3A_211 = arith.index_cast %swap3A_210 : i32 to index
      %swap3A_212 = arith.constant 64 : index
      %swap3A_213 = tpu.vector_load %arg8[%swap3A_211, %swap3A_212] {strides = array<i32>} : memref<2x96xi32, #tpu.memory_space<vmem>>, vector<1x16xi32>,
      %swap3A_214 = vector.shape_cast %swap3A_213 : vector<1x16xi32> to vector<16xi32>
      %swap3A_215 = vector.shape_cast %and3A_209 : vector<16xi32> to vector<1x16xi32>
      tpu.vector_store %arg8[%swap3A_211, %swap3A_212], %swap3A_215 {strides = array<i32>} : memref<2x96xi32, #tpu.memory_space<vmem>>, vector<1x16xi32>,
      %shift_right_logical3A_216 = arith.constant 16 : i32
      %shift_right_logical3A_217 = vector.broadcast %shift_right_logical3A_216 : i32 to vector<16xi32>
      %shift_right_logical3A_218 = arith.shrui %get3A_206, %shift_right_logical3A_217 : vector<16xi32>
      %swap3A_219 = arith.constant 0 : i32
      %swap3A_220 = arith.index_cast %swap3A_219 : i32 to index
      %swap3A_221 = arith.constant 64 : index
      %swap3A_222 = tpu.vector_load %arg9[%swap3A_220, %swap3A_221] {strides = array<i32>} : memref<2x96xi32, #tpu.memory_space<vmem>>, vector<1x16xi32>,
      %swap3A_223 = vector.shape_cast %swap3A_222 : vector<1x16xi32> to vector<16xi32>
      %swap3A_224 = vector.shape_cast %shift_right_logical3A_218 : vector<16xi32> to vector<1x16xi32>
      tpu.vector_store %arg9[%swap3A_220, %swap3A_221], %swap3A_224 {strides = array<i32>} : memref<2x96xi32, #tpu.memory_space<vmem>>, vector<1x16xi32>,
      %get3A_225 = arith.index_cast %add3A_118 : i32 to index
      %get3A_226 = arith.constant 80 : index
      %get3A_227 = tpu.vector_load %arg7[%get3A_225, %get3A_226] {strides = array<i32>} : memref<152x96xi32, #tpu.memory_space<vmem>>, vector<1x16xi32>,
      %get3A_228 = vector.shape_cast %get3A_227 : vector<1x16xi32> to vector<16xi32>
      %and3A_229 = arith.constant 65535 : i32
      %and3A_230 = vector.broadcast %and3A_229 : i32 to vector<16xi32>
      %and3A_231 = arith.andi %get3A_228, %and3A_230 : vector<16xi32>
      %swap3A_232 = arith.constant 0 : i32
      %swap3A_233 = arith.index_cast %swap3A_232 : i32 to index
      %swap3A_234 = arith.constant 80 : index
      %swap3A_235 = tpu.vector_load %arg8[%swap3A_233, %swap3A_234] {strides = array<i32>} : memref<2x96xi32, #tpu.memory_space<vmem>>, vector<1x16xi32>,
      %swap3A_236 = vector.shape_cast %swap3A_235 : vector<1x16xi32> to vector<16xi32>
      %swap3A_237 = vector.shape_cast %and3A_231 : vector<16xi32> to vector<1x16xi32>
      tpu.vector_store %arg8[%swap3A_233, %swap3A_234], %swap3A_237 {strides = array<i32>} : memref<2x96xi32, #tpu.memory_space<vmem>>, vector<1x16xi32>,
      %shift_right_logical3A_238 = arith.constant 16 : i32
      %shift_right_logical3A_239 = vector.broadcast %shift_right_logical3A_238 : i32 to vector<16xi32>
      %shift_right_logical3A_240 = arith.shrui %get3A_228, %shift_right_logical3A_239 : vector<16xi32>
      %swap3A_241 = arith.constant 0 : i32
      %swap3A_242 = arith.index_cast %swap3A_241 : i32 to index
      %swap3A_243 = arith.constant 80 : index
      %swap3A_244 = tpu.vector_load %arg9[%swap3A_242, %swap3A_243] {strides = array<i32>} : memref<2x96xi32, #tpu.memory_space<vmem>>, vector<1x16xi32>,
      %swap3A_245 = vector.shape_cast %swap3A_244 : vector<1x16xi32> to vector<16xi32>
      %swap3A_246 = vector.shape_cast %shift_right_logical3A_240 : vector<16xi32> to vector<1x16xi32>
      tpu.vector_store %arg9[%swap3A_242, %swap3A_243], %swap3A_246 {strides = array<i32>} : memref<2x96xi32, #tpu.memory_space<vmem>>, vector<1x16xi32>,
      %dma_start3A = arith.constant 0 : i32
      %dma_start3A_247 = arith.constant 0 : i32
      %dma_start3A_248 = arith.constant 0 : i32
      %dma_start3A_249 = arith.constant 0 : i32
      %dma_start3A_250 = tpu.memref_slice %arg10[%dma_start3A_247, %dma_start3A_248, %dma_start3A_249] : memref<2x96x128xf32, #tpu.memory_space<vmem>> -> memref<1x96x128xf32, #tpu.memory_space<vmem>>
      %dma_start3A_251 = tpu.memref_squeeze %dma_start3A_250 : memref<1x96x128xf32, #tpu.memory_space<vmem>> -> memref<96x128xf32, #tpu.memory_space<vmem>>
      %dma_start3A_252 = arith.constant 0 : i32
      %dma_start3A_253 = tpu.memref_slice %arg8[%dma_start3A, %dma_start3A_252] : memref<2x96xi32, #tpu.memory_space<vmem>> -> memref<1x96xi32, #tpu.memory_space<vmem>>
      %dma_start3A_254 = tpu.memref_squeeze %dma_start3A_253 : memref<1x96xi32, #tpu.memory_space<vmem>> -> memref<96xi32, #tpu.memory_space<vmem>>
      %dma_start3A_255 = arith.constant 0 : i32
      %dma_start3A_256 = arith.constant 0 : i32
      %dma_start3A_257 = tpu.memref_slice %arg2[%dma_start3A_255, %dma_start3A_256] : memref<10240x128xf32, #tpu.memory_space<hbm>> -> memref<10240x128xf32, #tpu.memory_space<hbm>>
      tpu.enqueue_indirect_dma source(%dma_start3A_257 : memref<10240x128xf32, #tpu.memory_space<hbm>>) target(%dma_start3A_251 : memref<96x128xf32, #tpu.memory_space<vmem>>) offsets(%dma_start3A_254 : memref<96xi32, #tpu.memory_space<vmem>>) semaphore(%arg12 : memref<!tpu.dma_semaphore, #tpu.memory_space<semaphore_mem>>)
      %add3A_258 = arith.constant 1 : i32
      %add3A_259 = arith.addi %mul3A_116, %add3A_258 : i32
      %get3A_260 = arith.index_cast %add3A_259 : i32 to index
      %get3A_261 = arith.constant 0 : index
      %get3A_262 = tpu.vector_load %arg7[%get3A_260, %get3A_261] {strides = array<i32>} : memref<152x96xi32, #tpu.memory_space<vmem>>, vector<1x16xi32>,
      %get3A_263 = vector.shape_cast %get3A_262 : vector<1x16xi32> to vector<16xi32>
      %and3A_264 = arith.constant 65535 : i32
      %and3A_265 = vector.broadcast %and3A_264 : i32 to vector<16xi32>
      %and3A_266 = arith.andi %get3A_263, %and3A_265 : vector<16xi32>
      %swap3A_267 = arith.constant 1 : i32
      %swap3A_268 = arith.index_cast %swap3A_267 : i32 to index
      %swap3A_269 = arith.constant 0 : index
      %swap3A_270 = tpu.vector_load %arg8[%swap3A_268, %swap3A_269] {strides = array<i32>} : memref<2x96xi32, #tpu.memory_space<vmem>>, vector<1x16xi32>,
      %swap3A_271 = vector.shape_cast %swap3A_270 : vector<1x16xi32> to vector<16xi32>
      %swap3A_272 = vector.shape_cast %and3A_266 : vector<16xi32> to vector<1x16xi32>
      tpu.vector_store %arg8[%swap3A_268, %swap3A_269], %swap3A_272 {strides = array<i32>} : memref<2x96xi32, #tpu.memory_space<vmem>>, vector<1x16xi32>,
      %shift_right_logical3A_273 = arith.constant 16 : i32
      %shift_right_logical3A_274 = vector.broadcast %shift_right_logical3A_273 : i32 to vector<16xi32>
      %shift_right_logical3A_275 = arith.shrui %get3A_263, %shift_right_logical3A_274 : vector<16xi32>
      %swap3A_276 = arith.constant 1 : i32
      %swap3A_277 = arith.index_cast %swap3A_276 : i32 to index
      %swap3A_278 = arith.constant 0 : index
      %swap3A_279 = tpu.vector_load %arg9[%swap3A_277, %swap3A_278] {strides = array<i32>} : memref<2x96xi32, #tpu.memory_space<vmem>>, vector<1x16xi32>,
      %swap3A_280 = vector.shape_cast %swap3A_279 : vector<1x16xi32> to vector<16xi32>
      %swap3A_281 = vector.shape_cast %shift_right_logical3A_275 : vector<16xi32> to vector<1x16xi32>
      tpu.vector_store %arg9[%swap3A_277, %swap3A_278], %swap3A_281 {strides = array<i32>} : memref<2x96xi32, #tpu.memory_space<vmem>>, vector<1x16xi32>,
      %get3A_282 = arith.index_cast %add3A_259 : i32 to index
      %get3A_283 = arith.constant 16 : index
      %get3A_284 = tpu.vector_load %arg7[%get3A_282, %get3A_283] {strides = array<i32>} : memref<152x96xi32, #tpu.memory_space<vmem>>, vector<1x16xi32>,
      %get3A_285 = vector.shape_cast %get3A_284 : vector<1x16xi32> to vector<16xi32>
      %and3A_286 = arith.constant 65535 : i32
      %and3A_287 = vector.broadcast %and3A_286 : i32 to vector<16xi32>
      %and3A_288 = arith.andi %get3A_285, %and3A_287 : vector<16xi32>
      %swap3A_289 = arith.constant 1 : i32
      %swap3A_290 = arith.index_cast %swap3A_289 : i32 to index
      %swap3A_291 = arith.constant 16 : index
      %swap3A_292 = tpu.vector_load %arg8[%swap3A_290, %swap3A_291] {strides = array<i32>} : memref<2x96xi32, #tpu.memory_space<vmem>>, vector<1x16xi32>,
      %swap3A_293 = vector.shape_cast %swap3A_292 : vector<1x16xi32> to vector<16xi32>
      %swap3A_294 = vector.shape_cast %and3A_288 : vector<16xi32> to vector<1x16xi32>
      tpu.vector_store %arg8[%swap3A_290, %swap3A_291], %swap3A_294 {strides = array<i32>} : memref<2x96xi32, #tpu.memory_space<vmem>>, vector<1x16xi32>,
      %shift_right_logical3A_295 = arith.constant 16 : i32
      %shift_right_logical3A_296 = vector.broadcast %shift_right_logical3A_295 : i32 to vector<16xi32>
      %shift_right_logical3A_297 = arith.shrui %get3A_285, %shift_right_logical3A_296 : vector<16xi32>
      %swap3A_298 = arith.constant 1 : i32
      %swap3A_299 = arith.index_cast %swap3A_298 : i32 to index
      %swap3A_300 = arith.constant 16 : index
      %swap3A_301 = tpu.vector_load %arg9[%swap3A_299, %swap3A_300] {strides = array<i32>} : memref<2x96xi32, #tpu.memory_space<vmem>>, vector<1x16xi32>,
      %swap3A_302 = vector.shape_cast %swap3A_301 : vector<1x16xi32> to vector<16xi32>
      %swap3A_303 = vector.shape_cast %shift_right_logical3A_297 : vector<16xi32> to vector<1x16xi32>
      tpu.vector_store %arg9[%swap3A_299, %swap3A_300], %swap3A_303 {strides = array<i32>} : memref<2x96xi32, #tpu.memory_space<vmem>>, vector<1x16xi32>,
      %get3A_304 = arith.index_cast %add3A_259 : i32 to index
      %get3A_305 = arith.constant 32 : index
      %get3A_306 = tpu.vector_load %arg7[%get3A_304, %get3A_305] {strides = array<i32>} : memref<152x96xi32, #tpu.memory_space<vmem>>, vector<1x16xi32>,
      %get3A_307 = vector.shape_cast %get3A_306 : vector<1x16xi32> to vector<16xi32>
      %and3A_308 = arith.constant 65535 : i32
      %and3A_309 = vector.broadcast %and3A_308 : i32 to vector<16xi32>
      %and3A_310 = arith.andi %get3A_307, %and3A_309 : vector<16xi32>
      %swap3A_311 = arith.constant 1 : i32
      %swap3A_312 = arith.index_cast %swap3A_311 : i32 to index
      %swap3A_313 = arith.constant 32 : index
      %swap3A_314 = tpu.vector_load %arg8[%swap3A_312, %swap3A_313] {strides = array<i32>} : memref<2x96xi32, #tpu.memory_space<vmem>>, vector<1x16xi32>,
      %swap3A_315 = vector.shape_cast %swap3A_314 : vector<1x16xi32> to vector<16xi32>
      %swap3A_316 = vector.shape_cast %and3A_310 : vector<16xi32> to vector<1x16xi32>
      tpu.vector_store %arg8[%swap3A_312, %swap3A_313], %swap3A_316 {strides = array<i32>} : memref<2x96xi32, #tpu.memory_space<vmem>>, vector<1x16xi32>,
      %shift_right_logical3A_317 = arith.constant 16 : i32
      %shift_right_logical3A_318 = vector.broadcast %shift_right_logical3A_317 : i32 to vector<16xi32>
      %shift_right_logical3A_319 = arith.shrui %get3A_307, %shift_right_logical3A_318 : vector<16xi32>
      %swap3A_320 = arith.constant 1 : i32
      %swap3A_321 = arith.index_cast %swap3A_320 : i32 to index
      %swap3A_322 = arith.constant 32 : index
      %swap3A_323 = tpu.vector_load %arg9[%swap3A_321, %swap3A_322] {strides = array<i32>} : memref<2x96xi32, #tpu.memory_space<vmem>>, vector<1x16xi32>,
      %swap3A_324 = vector.shape_cast %swap3A_323 : vector<1x16xi32> to vector<16xi32>
      %swap3A_325 = vector.shape_cast %shift_right_logical3A_319 : vector<16xi32> to vector<1x16xi32>
      tpu.vector_store %arg9[%swap3A_321, %swap3A_322], %swap3A_325 {strides = array<i32>} : memref<2x96xi32, #tpu.memory_space<vmem>>, vector<1x16xi32>,
      %get3A_326 = arith.index_cast %add3A_259 : i32 to index
      %get3A_327 = arith.constant 48 : index
      %get3A_328 = tpu.vector_load %arg7[%get3A_326, %get3A_327] {strides = array<i32>} : memref<152x96xi32, #tpu.memory_space<vmem>>, vector<1x16xi32>,
      %get3A_329 = vector.shape_cast %get3A_328 : vector<1x16xi32> to vector<16xi32>
      %and3A_330 = arith.constant 65535 : i32
      %and3A_331 = vector.broadcast %and3A_330 : i32 to vector<16xi32>
      %and3A_332 = arith.andi %get3A_329, %and3A_331 : vector<16xi32>
      %swap3A_333 = arith.constant 1 : i32
      %swap3A_334 = arith.index_cast %swap3A_333 : i32 to index
      %swap3A_335 = arith.constant 48 : index
      %swap3A_336 = tpu.vector_load %arg8[%swap3A_334, %swap3A_335] {strides = array<i32>} : memref<2x96xi32, #tpu.memory_space<vmem>>, vector<1x16xi32>,
      %swap3A_337 = vector.shape_cast %swap3A_336 : vector<1x16xi32> to vector<16xi32>
      %swap3A_338 = vector.shape_cast %and3A_332 : vector<16xi32> to vector<1x16xi32>
      tpu.vector_store %arg8[%swap3A_334, %swap3A_335], %swap3A_338 {strides = array<i32>} : memref<2x96xi32, #tpu.memory_space<vmem>>, vector<1x16xi32>,
      %shift_right_logical3A_339 = arith.constant 16 : i32
      %shift_right_logical3A_340 = vector.broadcast %shift_right_logical3A_339 : i32 to vector<16xi32>
      %shift_right_logical3A_341 = arith.shrui %get3A_329, %shift_right_logical3A_340 : vector<16xi32>
      %swap3A_342 = arith.constant 1 : i32
      %swap3A_343 = arith.index_cast %swap3A_342 : i32 to index
      %swap3A_344 = arith.constant 48 : index
      %swap3A_345 = tpu.vector_load %arg9[%swap3A_343, %swap3A_344] {strides = array<i32>} : memref<2x96xi32, #tpu.memory_space<vmem>>, vector<1x16xi32>,
      %swap3A_346 = vector.shape_cast %swap3A_345 : vector<1x16xi32> to vector<16xi32>
      %swap3A_347 = vector.shape_cast %shift_right_logical3A_341 : vector<16xi32> to vector<1x16xi32>
      tpu.vector_store %arg9[%swap3A_343, %swap3A_344], %swap3A_347 {strides = array<i32>} : memref<2x96xi32, #tpu.memory_space<vmem>>, vector<1x16xi32>,
      %get3A_348 = arith.index_cast %add3A_259 : i32 to index
      %get3A_349 = arith.constant 64 : index
      %get3A_350 = tpu.vector_load %arg7[%get3A_348, %get3A_349] {strides = array<i32>} : memref<152x96xi32, #tpu.memory_space<vmem>>, vector<1x16xi32>,
      %get3A_351 = vector.shape_cast %get3A_350 : vector<1x16xi32> to vector<16xi32>
      %and3A_352 = arith.constant 65535 : i32
      %and3A_353 = vector.broadcast %and3A_352 : i32 to vector<16xi32>
      %and3A_354 = arith.andi %get3A_351, %and3A_353 : vector<16xi32>
      %swap3A_355 = arith.constant 1 : i32
      %swap3A_356 = arith.index_cast %swap3A_355 : i32 to index
      %swap3A_357 = arith.constant 64 : index
      %swap3A_358 = tpu.vector_load %arg8[%swap3A_356, %swap3A_357] {strides = array<i32>} : memref<2x96xi32, #tpu.memory_space<vmem>>, vector<1x16xi32>,
      %swap3A_359 = vector.shape_cast %swap3A_358 : vector<1x16xi32> to vector<16xi32>
      %swap3A_360 = vector.shape_cast %and3A_354 : vector<16xi32> to vector<1x16xi32>
      tpu.vector_store %arg8[%swap3A_356, %swap3A_357], %swap3A_360 {strides = array<i32>} : memref<2x96xi32, #tpu.memory_space<vmem>>, vector<1x16xi32>,
      %shift_right_logical3A_361 = arith.constant 16 : i32
      %shift_right_logical3A_362 = vector.broadcast %shift_right_logical3A_361 : i32 to vector<16xi32>
      %shift_right_logical3A_363 = arith.shrui %get3A_351, %shift_right_logical3A_362 : vector<16xi32>
      %swap3A_364 = arith.constant 1 : i32
      %swap3A_365 = arith.index_cast %swap3A_364 : i32 to index
      %swap3A_366 = arith.constant 64 : index
      %swap3A_367 = tpu.vector_load %arg9[%swap3A_365, %swap3A_366] {strides = array<i32>} : memref<2x96xi32, #tpu.memory_space<vmem>>, vector<1x16xi32>,
      %swap3A_368 = vector.shape_cast %swap3A_367 : vector<1x16xi32> to vector<16xi32>
      %swap3A_369 = vector.shape_cast %shift_right_logical3A_363 : vector<16xi32> to vector<1x16xi32>
      tpu.vector_store %arg9[%swap3A_365, %swap3A_366], %swap3A_369 {strides = array<i32>} : memref<2x96xi32, #tpu.memory_space<vmem>>, vector<1x16xi32>,
      %get3A_370 = arith.index_cast %add3A_259 : i32 to index
      %get3A_371 = arith.constant 80 : index
      %get3A_372 = tpu.vector_load %arg7[%get3A_370, %get3A_371] {strides = array<i32>} : memref<152x96xi32, #tpu.memory_space<vmem>>, vector<1x16xi32>,
      %get3A_373 = vector.shape_cast %get3A_372 : vector<1x16xi32> to vector<16xi32>
      %and3A_374 = arith.constant 65535 : i32
      %and3A_375 = vector.broadcast %and3A_374 : i32 to vector<16xi32>
      %and3A_376 = arith.andi %get3A_373, %and3A_375 : vector<16xi32>
      %swap3A_377 = arith.constant 1 : i32
      %swap3A_378 = arith.index_cast %swap3A_377 : i32 to index
      %swap3A_379 = arith.constant 80 : index
      %swap3A_380 = tpu.vector_load %arg8[%swap3A_378, %swap3A_379] {strides = array<i32>} : memref<2x96xi32, #tpu.memory_space<vmem>>, vector<1x16xi32>,
      %swap3A_381 = vector.shape_cast %swap3A_380 : vector<1x16xi32> to vector<16xi32>
      %swap3A_382 = vector.shape_cast %and3A_376 : vector<16xi32> to vector<1x16xi32>
      tpu.vector_store %arg8[%swap3A_378, %swap3A_379], %swap3A_382 {strides = array<i32>} : memref<2x96xi32, #tpu.memory_space<vmem>>, vector<1x16xi32>,
      %shift_right_logical3A_383 = arith.constant 16 : i32
      %shift_right_logical3A_384 = vector.broadcast %shift_right_logical3A_383 : i32 to vector<16xi32>
      %shift_right_logical3A_385 = arith.shrui %get3A_373, %shift_right_logical3A_384 : vector<16xi32>
      %swap3A_386 = arith.constant 1 : i32
      %swap3A_387 = arith.index_cast %swap3A_386 : i32 to index
      %swap3A_388 = arith.constant 80 : index
      %swap3A_389 = tpu.vector_load %arg9[%swap3A_387, %swap3A_388] {strides = array<i32>} : memref<2x96xi32, #tpu.memory_space<vmem>>, vector<1x16xi32>,
      %swap3A_390 = vector.shape_cast %swap3A_389 : vector<1x16xi32> to vector<16xi32>
      %swap3A_391 = vector.shape_cast %shift_right_logical3A_385 : vector<16xi32> to vector<1x16xi32>
      tpu.vector_store %arg9[%swap3A_387, %swap3A_388], %swap3A_391 {strides = array<i32>} : memref<2x96xi32, #tpu.memory_space<vmem>>, vector<1x16xi32>,
      %dma_start3A_392 = arith.constant 1 : i32
      %dma_start3A_393 = arith.constant 1 : i32
      %dma_start3A_394 = arith.constant 0 : i32
      %dma_start3A_395 = arith.constant 0 : i32
      %dma_start3A_396 = tpu.memref_slice %arg10[%dma_start3A_393, %dma_start3A_394, %dma_start3A_395] : memref<2x96x128xf32, #tpu.memory_space<vmem>> -> memref<1x96x128xf32, #tpu.memory_space<vmem>>
      %dma_start3A_397 = tpu.memref_squeeze %dma_start3A_396 : memref<1x96x128xf32, #tpu.memory_space<vmem>> -> memref<96x128xf32, #tpu.memory_space<vmem>>
      %dma_start3A_398 = arith.constant 0 : i32
      %dma_start3A_399 = tpu.memref_slice %arg8[%dma_start3A_392, %dma_start3A_398] : memref<2x96xi32, #tpu.memory_space<vmem>> -> memref<1x96xi32, #tpu.memory_space<vmem>>
      %dma_start3A_400 = tpu.memref_squeeze %dma_start3A_399 : memref<1x96xi32, #tpu.memory_space<vmem>> -> memref<96xi32, #tpu.memory_space<vmem>>
      %dma_start3A_401 = arith.constant 0 : i32
      %dma_start3A_402 = arith.constant 0 : i32
      %dma_start3A_403 = tpu.memref_slice %arg2[%dma_start3A_401, %dma_start3A_402] : memref<10240x128xf32, #tpu.memory_space<hbm>> -> memref<10240x128xf32, #tpu.memory_space<hbm>>
      tpu.enqueue_indirect_dma source(%dma_start3A_403 : memref<10240x128xf32, #tpu.memory_space<hbm>>) target(%dma_start3A_397 : memref<96x128xf32, #tpu.memory_space<vmem>>) offsets(%dma_start3A_400 : memref<96xi32, #tpu.memory_space<vmem>>) semaphore(%arg13 : memref<!tpu.dma_semaphore, #tpu.memory_space<semaphore_mem>>)
      %dma_wait3A = arith.constant 0 : i32
      %dma_wait3A_404 = arith.constant 0 : i32
      %dma_wait3A_405 = arith.constant 0 : i32
      %dma_wait3A_406 = arith.constant 0 : i32
      %dma_wait3A_407 = tpu.memref_slice %arg10[%dma_wait3A_404, %dma_wait3A_405, %dma_wait3A_406] : memref<2x96x128xf32, #tpu.memory_space<vmem>> -> memref<1x96x128xf32, #tpu.memory_space<vmem>>
      %dma_wait3A_408 = tpu.memref_squeeze %dma_wait3A_407 : memref<1x96x128xf32, #tpu.memory_space<vmem>> -> memref<96x128xf32, #tpu.memory_space<vmem>>
      %dma_wait3A_409 = arith.constant 0 : i32
      %dma_wait3A_410 = tpu.memref_slice %arg8[%dma_wait3A, %dma_wait3A_409] : memref<2x96xi32, #tpu.memory_space<vmem>> -> memref<1x96xi32, #tpu.memory_space<vmem>>
      %dma_wait3A_411 = tpu.memref_squeeze %dma_wait3A_410 : memref<1x96xi32, #tpu.memory_space<vmem>> -> memref<96xi32, #tpu.memory_space<vmem>>
      %dma_wait3A_412 = arith.constant 0 : i32
      %dma_wait3A_413 = arith.constant 0 : i32
      %dma_wait3A_414 = tpu.memref_slice %arg2[%dma_wait3A_412, %dma_wait3A_413] : memref<10240x128xf32, #tpu.memory_space<hbm>> -> memref<10240x128xf32, #tpu.memory_space<hbm>>
      tpu.wait_indirect_dma semaphore(%arg12 : memref<!tpu.dma_semaphore, #tpu.memory_space<semaphore_mem>>) src(%dma_wait3A_414 : memref<10240x128xf32, #tpu.memory_space<hbm>>) dst(%dma_wait3A_408 : memref<96x128xf32, #tpu.memory_space<vmem>>)
      %run_scoped3A_415 = arith.constant 0 : i32
      %run_scoped3A_416 = arith.constant 0 : i32
      "tpu.region"() ({
        %run_scoped3A_431 = tpu.sem_alloc : memref<!tpu.dma_semaphore, #tpu.memory_space<semaphore_mem>>
        %dma_start3A_432 = arith.constant 0 : i32
        %dma_start3A_433 = arith.constant 0 : i32
        %dma_start3A_434 = tpu.memref_slice %arg10[%run_scoped3A_415, %dma_start3A_432, %dma_start3A_433] : memref<2x96x128xf32, #tpu.memory_space<vmem>> -> memref<1x96x128xf32, #tpu.memory_space<vmem>>
        %dma_start3A_435 = tpu.memref_squeeze %dma_start3A_434 : memref<1x96x128xf32, #tpu.memory_space<vmem>> -> memref<96x128xf32, #tpu.memory_space<vmem>>
        %dma_start3A_436 = arith.constant 0 : i32
        %dma_start3A_437 = tpu.memref_slice %arg9[%run_scoped3A_416, %dma_start3A_436] : memref<2x96xi32, #tpu.memory_space<vmem>> -> memref<1x96xi32, #tpu.memory_space<vmem>>
        %dma_start3A_438 = tpu.memref_squeeze %dma_start3A_437 : memref<1x96xi32, #tpu.memory_space<vmem>> -> memref<96xi32, #tpu.memory_space<vmem>>
        %dma_start3A_439 = arith.constant 0 : i32
        %dma_start3A_440 = arith.constant 0 : i32
        %dma_start3A_441 = tpu.memref_slice %arg11[%dma_start3A_439, %dma_start3A_440] : memref<10240x128xf32, #tpu.memory_space<vmem_shared>> -> memref<10240x128xf32, #tpu.memory_space<vmem_shared>>
        tpu.enqueue_indirect_dma source(%dma_start3A_435 : memref<96x128xf32, #tpu.memory_space<vmem>>) target(%dma_start3A_441 : memref<10240x128xf32, #tpu.memory_space<vmem_shared>>) offsets(%dma_start3A_438 : memref<96xi32, #tpu.memory_space<vmem>>) semaphore(%run_scoped3A_431 : memref<!tpu.dma_semaphore, #tpu.memory_space<semaphore_mem>>) {add = true}
        %dma_wait3A_442 = arith.constant 0 : i32
        %dma_wait3A_443 = arith.constant 0 : i32
        %dma_wait3A_444 = tpu.memref_slice %arg10[%run_scoped3A_415, %dma_wait3A_442, %dma_wait3A_443] : memref<2x96x128xf32, #tpu.memory_space<vmem>> -> memref<1x96x128xf32, #tpu.memory_space<vmem>>
        %dma_wait3A_445 = tpu.memref_squeeze %dma_wait3A_444 : memref<1x96x128xf32, #tpu.memory_space<vmem>> -> memref<96x128xf32, #tpu.memory_space<vmem>>
        %dma_wait3A_446 = arith.constant 0 : i32
        %dma_wait3A_447 = tpu.memref_slice %arg9[%run_scoped3A_416, %dma_wait3A_446] : memref<2x96xi32, #tpu.memory_space<vmem>> -> memref<1x96xi32, #tpu.memory_space<vmem>>
        %dma_wait3A_448 = tpu.memref_squeeze %dma_wait3A_447 : memref<1x96xi32, #tpu.memory_space<vmem>> -> memref<96xi32, #tpu.memory_space<vmem>>
        %dma_wait3A_449 = arith.constant 0 : i32
        %dma_wait3A_450 = arith.constant 0 : i32
        %dma_wait3A_451 = tpu.memref_slice %arg11[%dma_wait3A_449, %dma_wait3A_450] : memref<10240x128xf32, #tpu.memory_space<vmem_shared>> -> memref<10240x128xf32, #tpu.memory_space<vmem_shared>>
        tpu.wait_indirect_dma semaphore(%run_scoped3A_431 : memref<!tpu.dma_semaphore, #tpu.memory_space<semaphore_mem>>) src(%dma_wait3A_445 : memref<96x128xf32, #tpu.memory_space<vmem>>) dst(%dma_wait3A_451 : memref<10240x128xf32, #tpu.memory_space<vmem_shared>>)
        tpu.yield
      }) : () -> ()
      %dma_wait3A_417 = arith.constant 1 : i32
      %dma_wait3A_418 = arith.constant 1 : i32
      %dma_wait3A_419 = arith.constant 0 : i32
      %dma_wait3A_420 = arith.constant 0 : i32
      %dma_wait3A_421 = tpu.memref_slice %arg10[%dma_wait3A_418, %dma_wait3A_419, %dma_wait3A_420] : memref<2x96x128xf32, #tpu.memory_space<vmem>> -> memref<1x96x128xf32, #tpu.memory_space<vmem>>
      %dma_wait3A_422 = tpu.memref_squeeze %dma_wait3A_421 : memref<1x96x128xf32, #tpu.memory_space<vmem>> -> memref<96x128xf32, #tpu.memory_space<vmem>>
      %dma_wait3A_423 = arith.constant 0 : i32
      %dma_wait3A_424 = tpu.memref_slice %arg8[%dma_wait3A_417, %dma_wait3A_423] : memref<2x96xi32, #tpu.memory_space<vmem>> -> memref<1x96xi32, #tpu.memory_space<vmem>>
      %dma_wait3A_425 = tpu.memref_squeeze %dma_wait3A_424 : memref<1x96xi32, #tpu.memory_space<vmem>> -> memref<96xi32, #tpu.memory_space<vmem>>
      %dma_wait3A_426 = arith.constant 0 : i32
      %dma_wait3A_427 = arith.constant 0 : i32
      %dma_wait3A_428 = tpu.memref_slice %arg2[%dma_wait3A_426, %dma_wait3A_427] : memref<10240x128xf32, #tpu.memory_space<hbm>> -> memref<10240x128xf32, #tpu.memory_space<hbm>>
      tpu.wait_indirect_dma semaphore(%arg13 : memref<!tpu.dma_semaphore, #tpu.memory_space<semaphore_mem>>) src(%dma_wait3A_428 : memref<10240x128xf32, #tpu.memory_space<hbm>>) dst(%dma_wait3A_422 : memref<96x128xf32, #tpu.memory_space<vmem>>)
      %run_scoped3A_429 = arith.constant 1 : i32
      %run_scoped3A_430 = arith.constant 1 : i32
      "tpu.region"() ({
        %run_scoped3A_431 = tpu.sem_alloc : memref<!tpu.dma_semaphore, #tpu.memory_space<semaphore_mem>>
        %dma_start3A_432 = arith.constant 0 : i32
        %dma_start3A_433 = arith.constant 0 : i32
        %dma_start3A_434 = tpu.memref_slice %arg10[%run_scoped3A_429, %dma_start3A_432, %dma_start3A_433] : memref<2x96x128xf32, #tpu.memory_space<vmem>> -> memref<1x96x128xf32, #tpu.memory_space<vmem>>
        %dma_start3A_435 = tpu.memref_squeeze %dma_start3A_434 : memref<1x96x128xf32, #tpu.memory_space<vmem>> -> memref<96x128xf32, #tpu.memory_space<vmem>>
        %dma_start3A_436 = arith.constant 0 : i32
        %dma_start3A_437 = tpu.memref_slice %arg9[%run_scoped3A_430, %dma_start3A_436] : memref<2x96xi32, #tpu.memory_space<vmem>> -> memref<1x96xi32, #tpu.memory_space<vmem>>
        %dma_start3A_438 = tpu.memref_squeeze %dma_start3A_437 : memref<1x96xi32, #tpu.memory_space<vmem>> -> memref<96xi32, #tpu.memory_space<vmem>>
        %dma_start3A_439 = arith.constant 0 : i32
        %dma_start3A_440 = arith.constant 0 : i32
        %dma_start3A_441 = tpu.memref_slice %arg11[%dma_start3A_439, %dma_start3A_440] : memref<10240x128xf32, #tpu.memory_space<vmem_shared>> -> memref<10240x128xf32, #tpu.memory_space<vmem_shared>>
        tpu.enqueue_indirect_dma source(%dma_start3A_435 : memref<96x128xf32, #tpu.memory_space<vmem>>) target(%dma_start3A_441 : memref<10240x128xf32, #tpu.memory_space<vmem_shared>>) offsets(%dma_start3A_438 : memref<96xi32, #tpu.memory_space<vmem>>) semaphore(%run_scoped3A_431 : memref<!tpu.dma_semaphore, #tpu.memory_space<semaphore_mem>>) {add = true}
        %dma_wait3A_442 = arith.constant 0 : i32
        %dma_wait3A_443 = arith.constant 0 : i32
        %dma_wait3A_444 = tpu.memref_slice %arg10[%run_scoped3A_429, %dma_wait3A_442, %dma_wait3A_443] : memref<2x96x128xf32, #tpu.memory_space<vmem>> -> memref<1x96x128xf32, #tpu.memory_space<vmem>>
        %dma_wait3A_445 = tpu.memref_squeeze %dma_wait3A_444 : memref<1x96x128xf32, #tpu.memory_space<vmem>> -> memref<96x128xf32, #tpu.memory_space<vmem>>
        %dma_wait3A_446 = arith.constant 0 : i32
        %dma_wait3A_447 = tpu.memref_slice %arg9[%run_scoped3A_430, %dma_wait3A_446] : memref<2x96xi32, #tpu.memory_space<vmem>> -> memref<1x96xi32, #tpu.memory_space<vmem>>
        %dma_wait3A_448 = tpu.memref_squeeze %dma_wait3A_447 : memref<1x96xi32, #tpu.memory_space<vmem>> -> memref<96xi32, #tpu.memory_space<vmem>>
        %dma_wait3A_449 = arith.constant 0 : i32
        %dma_wait3A_450 = arith.constant 0 : i32
        %dma_wait3A_451 = tpu.memref_slice %arg11[%dma_wait3A_449, %dma_wait3A_450] : memref<10240x128xf32, #tpu.memory_space<vmem_shared>> -> memref<10240x128xf32, #tpu.memory_space<vmem_shared>>
        tpu.wait_indirect_dma semaphore(%run_scoped3A_431 : memref<!tpu.dma_semaphore, #tpu.memory_space<semaphore_mem>>) src(%dma_wait3A_445 : memref<96x128xf32, #tpu.memory_space<vmem>>) dst(%dma_wait3A_451 : memref<10240x128xf32, #tpu.memory_space<vmem_shared>>)
        tpu.yield
      }) : () -> ()
    }
    %while3A_51 = arith.constant 1 : i32
    scf.for %while3A_114 = %while3A_49 to %while3A_45 step %while3A_51  : i32 {
      %mul3A_115 = arith.constant 2 : i32
      %mul3A_116 = arith.muli %while3A_114, %mul3A_115 : i32
      %add3A_117 = arith.constant 0 : i32
      %add3A_118 = arith.addi %mul3A_116, %add3A_117 : i32
      %get3A = arith.index_cast %add3A_118 : i32 to index
      %get3A_119 = arith.constant 0 : index
      %get3A_120 = tpu.vector_load %arg7[%get3A, %get3A_119] {strides = array<i32>} : memref<152x96xi32, #tpu.memory_space<vmem>>, vector<1x16xi32>,
      %get3A_121 = vector.shape_cast %get3A_120 : vector<1x16xi32> to vector<16xi32>
      %and3A = arith.constant 65535 : i32
      %and3A_122 = vector.broadcast %and3A : i32 to vector<16xi32>
      %and3A_123 = arith.andi %get3A_121, %and3A_122 : vector<16xi32>
      %swap3A = arith.constant 0 : i32
      %swap3A_124 = arith.index_cast %swap3A : i32 to index
      %swap3A_125 = arith.constant 0 : index
      %swap3A_126 = tpu.vector_load %arg8[%swap3A_124, %swap3A_125] {strides = array<i32>} : memref<2x96xi32, #tpu.memory_space<vmem>>, vector<1x16xi32>,
      %swap3A_127 = vector.shape_cast %swap3A_126 : vector<1x16xi32> to vector<16xi32>
      %swap3A_128 = vector.shape_cast %and3A_123 : vector<16xi32> to vector<1x16xi32>
      tpu.vector_store %arg8[%swap3A_124, %swap3A_125], %swap3A_128 {strides = array<i32>} : memref<2x96xi32, #tpu.memory_space<vmem>>, vector<1x16xi32>,
      %shift_right_logical3A = arith.constant 16 : i32
      %shift_right_logical3A_129 = vector.broadcast %shift_right_logical3A : i32 to vector<16xi32>
      %shift_right_logical3A_130 = arith.shrui %get3A_121, %shift_right_logical3A_129 : vector<16xi32>
      %swap3A_131 = arith.constant 0 : i32
      %swap3A_132 = arith.index_cast %swap3A_131 : i32 to index
      %swap3A_133 = arith.constant 0 : index
      %swap3A_134 = tpu.vector_load %arg9[%swap3A_132, %swap3A_133] {strides = array<i32>} : memref<2x96xi32, #tpu.memory_space<vmem>>, vector<1x16xi32>,
      %swap3A_135 = vector.shape_cast %swap3A_134 : vector<1x16xi32> to vector<16xi32>
      %swap3A_136 = vector.shape_cast %shift_right_logical3A_130 : vector<16xi32> to vector<1x16xi32>
      tpu.vector_store %arg9[%swap3A_132, %swap3A_133], %swap3A_136 {strides = array<i32>} : memref<2x96xi32, #tpu.memory_space<vmem>>, vector<1x16xi32>,
      %get3A_137 = arith.index_cast %add3A_118 : i32 to index
      %get3A_138 = arith.constant 16 : index
      %get3A_139 = tpu.vector_load %arg7[%get3A_137, %get3A_138] {strides = array<i32>} : memref<152x96xi32, #tpu.memory_space<vmem>>, vector<1x16xi32>,
      %get3A_140 = vector.shape_cast %get3A_139 : vector<1x16xi32> to vector<16xi32>
      %and3A_141 = arith.constant 65535 : i32
      %and3A_142 = vector.broadcast %and3A_141 : i32 to vector<16xi32>
      %and3A_143 = arith.andi %get3A_140, %and3A_142 : vector<16xi32>
      %swap3A_144 = arith.constant 0 : i32
      %swap3A_145 = arith.index_cast %swap3A_144 : i32 to index
      %swap3A_146 = arith.constant 16 : index
      %swap3A_147 = tpu.vector_load %arg8[%swap3A_145, %swap3A_146] {strides = array<i32>} : memref<2x96xi32, #tpu.memory_space<vmem>>, vector<1x16xi32>,
      %swap3A_148 = vector.shape_cast %swap3A_147 : vector<1x16xi32> to vector<16xi32>
      %swap3A_149 = vector.shape_cast %and3A_143 : vector<16xi32> to vector<1x16xi32>
      tpu.vector_store %arg8[%swap3A_145, %swap3A_146], %swap3A_149 {strides = array<i32>} : memref<2x96xi32, #tpu.memory_space<vmem>>, vector<1x16xi32>,
      %shift_right_logical3A_150 = arith.constant 16 : i32
      %shift_right_logical3A_151 = vector.broadcast %shift_right_logical3A_150 : i32 to vector<16xi32>
      %shift_right_logical3A_152 = arith.shrui %get3A_140, %shift_right_logical3A_151 : vector<16xi32>
      %swap3A_153 = arith.constant 0 : i32
      %swap3A_154 = arith.index_cast %swap3A_153 : i32 to index
      %swap3A_155 = arith.constant 16 : index
      %swap3A_156 = tpu.vector_load %arg9[%swap3A_154, %swap3A_155] {strides = array<i32>} : memref<2x96xi32, #tpu.memory_space<vmem>>, vector<1x16xi32>,
      %swap3A_157 = vector.shape_cast %swap3A_156 : vector<1x16xi32> to vector<16xi32>
      %swap3A_158 = vector.shape_cast %shift_right_logical3A_152 : vector<16xi32> to vector<1x16xi32>
      tpu.vector_store %arg9[%swap3A_154, %swap3A_155], %swap3A_158 {strides = array<i32>} : memref<2x96xi32, #tpu.memory_space<vmem>>, vector<1x16xi32>,
      %get3A_159 = arith.index_cast %add3A_118 : i32 to index
      %get3A_160 = arith.constant 32 : index
      %get3A_161 = tpu.vector_load %arg7[%get3A_159, %get3A_160] {strides = array<i32>} : memref<152x96xi32, #tpu.memory_space<vmem>>, vector<1x16xi32>,
      %get3A_162 = vector.shape_cast %get3A_161 : vector<1x16xi32> to vector<16xi32>
      %and3A_163 = arith.constant 65535 : i32
      %and3A_164 = vector.broadcast %and3A_163 : i32 to vector<16xi32>
      %and3A_165 = arith.andi %get3A_162, %and3A_164 : vector<16xi32>
      %swap3A_166 = arith.constant 0 : i32
      %swap3A_167 = arith.index_cast %swap3A_166 : i32 to index
      %swap3A_168 = arith.constant 32 : index
      %swap3A_169 = tpu.vector_load %arg8[%swap3A_167, %swap3A_168] {strides = array<i32>} : memref<2x96xi32, #tpu.memory_space<vmem>>, vector<1x16xi32>,
      %swap3A_170 = vector.shape_cast %swap3A_169 : vector<1x16xi32> to vector<16xi32>
      %swap3A_171 = vector.shape_cast %and3A_165 : vector<16xi32> to vector<1x16xi32>
      tpu.vector_store %arg8[%swap3A_167, %swap3A_168], %swap3A_171 {strides = array<i32>} : memref<2x96xi32, #tpu.memory_space<vmem>>, vector<1x16xi32>,
      %shift_right_logical3A_172 = arith.constant 16 : i32
      %shift_right_logical3A_173 = vector.broadcast %shift_right_logical3A_172 : i32 to vector<16xi32>
      %shift_right_logical3A_174 = arith.shrui %get3A_162, %shift_right_logical3A_173 : vector<16xi32>
      %swap3A_175 = arith.constant 0 : i32
      %swap3A_176 = arith.index_cast %swap3A_175 : i32 to index
      %swap3A_177 = arith.constant 32 : index
      %swap3A_178 = tpu.vector_load %arg9[%swap3A_176, %swap3A_177] {strides = array<i32>} : memref<2x96xi32, #tpu.memory_space<vmem>>, vector<1x16xi32>,
      %swap3A_179 = vector.shape_cast %swap3A_178 : vector<1x16xi32> to vector<16xi32>
      %swap3A_180 = vector.shape_cast %shift_right_logical3A_174 : vector<16xi32> to vector<1x16xi32>
      tpu.vector_store %arg9[%swap3A_176, %swap3A_177], %swap3A_180 {strides = array<i32>} : memref<2x96xi32, #tpu.memory_space<vmem>>, vector<1x16xi32>,
      %get3A_181 = arith.index_cast %add3A_118 : i32 to index
      %get3A_182 = arith.constant 48 : index
      %get3A_183 = tpu.vector_load %arg7[%get3A_181, %get3A_182] {strides = array<i32>} : memref<152x96xi32, #tpu.memory_space<vmem>>, vector<1x16xi32>,
      %get3A_184 = vector.shape_cast %get3A_183 : vector<1x16xi32> to vector<16xi32>
      %and3A_185 = arith.constant 65535 : i32
      %and3A_186 = vector.broadcast %and3A_185 : i32 to vector<16xi32>
      %and3A_187 = arith.andi %get3A_184, %and3A_186 : vector<16xi32>
      %swap3A_188 = arith.constant 0 : i32
      %swap3A_189 = arith.index_cast %swap3A_188 : i32 to index
      %swap3A_190 = arith.constant 48 : index
      %swap3A_191 = tpu.vector_load %arg8[%swap3A_189, %swap3A_190] {strides = array<i32>} : memref<2x96xi32, #tpu.memory_space<vmem>>, vector<1x16xi32>,
      %swap3A_192 = vector.shape_cast %swap3A_191 : vector<1x16xi32> to vector<16xi32>
      %swap3A_193 = vector.shape_cast %and3A_187 : vector<16xi32> to vector<1x16xi32>
      tpu.vector_store %arg8[%swap3A_189, %swap3A_190], %swap3A_193 {strides = array<i32>} : memref<2x96xi32, #tpu.memory_space<vmem>>, vector<1x16xi32>,
      %shift_right_logical3A_194 = arith.constant 16 : i32
      %shift_right_logical3A_195 = vector.broadcast %shift_right_logical3A_194 : i32 to vector<16xi32>
      %shift_right_logical3A_196 = arith.shrui %get3A_184, %shift_right_logical3A_195 : vector<16xi32>
      %swap3A_197 = arith.constant 0 : i32
      %swap3A_198 = arith.index_cast %swap3A_197 : i32 to index
      %swap3A_199 = arith.constant 48 : index
      %swap3A_200 = tpu.vector_load %arg9[%swap3A_198, %swap3A_199] {strides = array<i32>} : memref<2x96xi32, #tpu.memory_space<vmem>>, vector<1x16xi32>,
      %swap3A_201 = vector.shape_cast %swap3A_200 : vector<1x16xi32> to vector<16xi32>
      %swap3A_202 = vector.shape_cast %shift_right_logical3A_196 : vector<16xi32> to vector<1x16xi32>
      tpu.vector_store %arg9[%swap3A_198, %swap3A_199], %swap3A_202 {strides = array<i32>} : memref<2x96xi32, #tpu.memory_space<vmem>>, vector<1x16xi32>,
      %get3A_203 = arith.index_cast %add3A_118 : i32 to index
      %get3A_204 = arith.constant 64 : index
      %get3A_205 = tpu.vector_load %arg7[%get3A_203, %get3A_204] {strides = array<i32>} : memref<152x96xi32, #tpu.memory_space<vmem>>, vector<1x16xi32>,
      %get3A_206 = vector.shape_cast %get3A_205 : vector<1x16xi32> to vector<16xi32>
      %and3A_207 = arith.constant 65535 : i32
      %and3A_208 = vector.broadcast %and3A_207 : i32 to vector<16xi32>
      %and3A_209 = arith.andi %get3A_206, %and3A_208 : vector<16xi32>
      %swap3A_210 = arith.constant 0 : i32
      %swap3A_211 = arith.index_cast %swap3A_210 : i32 to index
      %swap3A_212 = arith.constant 64 : index
      %swap3A_213 = tpu.vector_load %arg8[%swap3A_211, %swap3A_212] {strides = array<i32>} : memref<2x96xi32, #tpu.memory_space<vmem>>, vector<1x16xi32>,
      %swap3A_214 = vector.shape_cast %swap3A_213 : vector<1x16xi32> to vector<16xi32>
      %swap3A_215 = vector.shape_cast %and3A_209 : vector<16xi32> to vector<1x16xi32>
      tpu.vector_store %arg8[%swap3A_211, %swap3A_212], %swap3A_215 {strides = array<i32>} : memref<2x96xi32, #tpu.memory_space<vmem>>, vector<1x16xi32>,
      %shift_right_logical3A_216 = arith.constant 16 : i32
      %shift_right_logical3A_217 = vector.broadcast %shift_right_logical3A_216 : i32 to vector<16xi32>
      %shift_right_logical3A_218 = arith.shrui %get3A_206, %shift_right_logical3A_217 : vector<16xi32>
      %swap3A_219 = arith.constant 0 : i32
      %swap3A_220 = arith.index_cast %swap3A_219 : i32 to index
      %swap3A_221 = arith.constant 64 : index
      %swap3A_222 = tpu.vector_load %arg9[%swap3A_220, %swap3A_221] {strides = array<i32>} : memref<2x96xi32, #tpu.memory_space<vmem>>, vector<1x16xi32>,
      %swap3A_223 = vector.shape_cast %swap3A_222 : vector<1x16xi32> to vector<16xi32>
      %swap3A_224 = vector.shape_cast %shift_right_logical3A_218 : vector<16xi32> to vector<1x16xi32>
      tpu.vector_store %arg9[%swap3A_220, %swap3A_221], %swap3A_224 {strides = array<i32>} : memref<2x96xi32, #tpu.memory_space<vmem>>, vector<1x16xi32>,
      %get3A_225 = arith.index_cast %add3A_118 : i32 to index
      %get3A_226 = arith.constant 80 : index
      %get3A_227 = tpu.vector_load %arg7[%get3A_225, %get3A_226] {strides = array<i32>} : memref<152x96xi32, #tpu.memory_space<vmem>>, vector<1x16xi32>,
      %get3A_228 = vector.shape_cast %get3A_227 : vector<1x16xi32> to vector<16xi32>
      %and3A_229 = arith.constant 65535 : i32
      %and3A_230 = vector.broadcast %and3A_229 : i32 to vector<16xi32>
      %and3A_231 = arith.andi %get3A_228, %and3A_230 : vector<16xi32>
      %swap3A_232 = arith.constant 0 : i32
      %swap3A_233 = arith.index_cast %swap3A_232 : i32 to index
      %swap3A_234 = arith.constant 80 : index
      %swap3A_235 = tpu.vector_load %arg8[%swap3A_233, %swap3A_234] {strides = array<i32>} : memref<2x96xi32, #tpu.memory_space<vmem>>, vector<1x16xi32>,
      %swap3A_236 = vector.shape_cast %swap3A_235 : vector<1x16xi32> to vector<16xi32>
      %swap3A_237 = vector.shape_cast %and3A_231 : vector<16xi32> to vector<1x16xi32>
      tpu.vector_store %arg8[%swap3A_233, %swap3A_234], %swap3A_237 {strides = array<i32>} : memref<2x96xi32, #tpu.memory_space<vmem>>, vector<1x16xi32>,
      %shift_right_logical3A_238 = arith.constant 16 : i32
      %shift_right_logical3A_239 = vector.broadcast %shift_right_logical3A_238 : i32 to vector<16xi32>
      %shift_right_logical3A_240 = arith.shrui %get3A_228, %shift_right_logical3A_239 : vector<16xi32>
      %swap3A_241 = arith.constant 0 : i32
      %swap3A_242 = arith.index_cast %swap3A_241 : i32 to index
      %swap3A_243 = arith.constant 80 : index
      %swap3A_244 = tpu.vector_load %arg9[%swap3A_242, %swap3A_243] {strides = array<i32>} : memref<2x96xi32, #tpu.memory_space<vmem>>, vector<1x16xi32>,
      %swap3A_245 = vector.shape_cast %swap3A_244 : vector<1x16xi32> to vector<16xi32>
      %swap3A_246 = vector.shape_cast %shift_right_logical3A_240 : vector<16xi32> to vector<1x16xi32>
      tpu.vector_store %arg9[%swap3A_242, %swap3A_243], %swap3A_246 {strides = array<i32>} : memref<2x96xi32, #tpu.memory_space<vmem>>, vector<1x16xi32>,
      %dma_start3A = arith.constant 0 : i32
      %dma_start3A_247 = arith.constant 0 : i32
      %dma_start3A_248 = arith.constant 0 : i32
      %dma_start3A_249 = arith.constant 0 : i32
      %dma_start3A_250 = tpu.memref_slice %arg10[%dma_start3A_247, %dma_start3A_248, %dma_start3A_249] : memref<2x96x128xf32, #tpu.memory_space<vmem>> -> memref<1x96x128xf32, #tpu.memory_space<vmem>>
      %dma_start3A_251 = tpu.memref_squeeze %dma_start3A_250 : memref<1x96x128xf32, #tpu.memory_space<vmem>> -> memref<96x128xf32, #tpu.memory_space<vmem>>
      %dma_start3A_252 = arith.constant 0 : i32
      %dma_start3A_253 = tpu.memref_slice %arg8[%dma_start3A, %dma_start3A_252] : memref<2x96xi32, #tpu.memory_space<vmem>> -> memref<1x96xi32, #tpu.memory_space<vmem>>
      %dma_start3A_254 = tpu.memref_squeeze %dma_start3A_253 : memref<1x96xi32, #tpu.memory_space<vmem>> -> memref<96xi32, #tpu.memory_space<vmem>>
      %dma_start3A_255 = arith.constant 0 : i32
      %dma_start3A_256 = arith.constant 0 : i32
      %dma_start3A_257 = tpu.memref_slice %arg2[%dma_start3A_255, %dma_start3A_256] : memref<10240x128xf32, #tpu.memory_space<hbm>> -> memref<10240x128xf32, #tpu.memory_space<hbm>>
      tpu.enqueue_indirect_dma source(%dma_start3A_257 : memref<10240x128xf32, #tpu.memory_space<hbm>>) target(%dma_start3A_251 : memref<96x128xf32, #tpu.memory_space<vmem>>) offsets(%dma_start3A_254 : memref<96xi32, #tpu.memory_space<vmem>>) semaphore(%arg12 : memref<!tpu.dma_semaphore, #tpu.memory_space<semaphore_mem>>)
      %add3A_258 = arith.constant 1 : i32
      %add3A_259 = arith.addi %mul3A_116, %add3A_258 : i32
      %get3A_260 = arith.index_cast %add3A_259 : i32 to index
      %get3A_261 = arith.constant 0 : index
      %get3A_262 = tpu.vector_load %arg7[%get3A_260, %get3A_261] {strides = array<i32>} : memref<152x96xi32, #tpu.memory_space<vmem>>, vector<1x16xi32>,
      %get3A_263 = vector.shape_cast %get3A_262 : vector<1x16xi32> to vector<16xi32>
      %and3A_264 = arith.constant 65535 : i32
      %and3A_265 = vector.broadcast %and3A_264 : i32 to vector<16xi32>
      %and3A_266 = arith.andi %get3A_263, %and3A_265 : vector<16xi32>
      %swap3A_267 = arith.constant 1 : i32
      %swap3A_268 = arith.index_cast %swap3A_267 : i32 to index
      %swap3A_269 = arith.constant 0 : index
      %swap3A_270 = tpu.vector_load %arg8[%swap3A_268, %swap3A_269] {strides = array<i32>} : memref<2x96xi32, #tpu.memory_space<vmem>>, vector<1x16xi32>,
      %swap3A_271 = vector.shape_cast %swap3A_270 : vector<1x16xi32> to vector<16xi32>
      %swap3A_272 = vector.shape_cast %and3A_266 : vector<16xi32> to vector<1x16xi32>
      tpu.vector_store %arg8[%swap3A_268, %swap3A_269], %swap3A_272 {strides = array<i32>} : memref<2x96xi32, #tpu.memory_space<vmem>>, vector<1x16xi32>,
      %shift_right_logical3A_273 = arith.constant 16 : i32
      %shift_right_logical3A_274 = vector.broadcast %shift_right_logical3A_273 : i32 to vector<16xi32>
      %shift_right_logical3A_275 = arith.shrui %get3A_263, %shift_right_logical3A_274 : vector<16xi32>
      %swap3A_276 = arith.constant 1 : i32
      %swap3A_277 = arith.index_cast %swap3A_276 : i32 to index
      %swap3A_278 = arith.constant 0 : index
      %swap3A_279 = tpu.vector_load %arg9[%swap3A_277, %swap3A_278] {strides = array<i32>} : memref<2x96xi32, #tpu.memory_space<vmem>>, vector<1x16xi32>,
      %swap3A_280 = vector.shape_cast %swap3A_279 : vector<1x16xi32> to vector<16xi32>
      %swap3A_281 = vector.shape_cast %shift_right_logical3A_275 : vector<16xi32> to vector<1x16xi32>
      tpu.vector_store %arg9[%swap3A_277, %swap3A_278], %swap3A_281 {strides = array<i32>} : memref<2x96xi32, #tpu.memory_space<vmem>>, vector<1x16xi32>,
      %get3A_282 = arith.index_cast %add3A_259 : i32 to index
      %get3A_283 = arith.constant 16 : index
      %get3A_284 = tpu.vector_load %arg7[%get3A_282, %get3A_283] {strides = array<i32>} : memref<152x96xi32, #tpu.memory_space<vmem>>, vector<1x16xi32>,
      %get3A_285 = vector.shape_cast %get3A_284 : vector<1x16xi32> to vector<16xi32>
      %and3A_286 = arith.constant 65535 : i32
      %and3A_287 = vector.broadcast %and3A_286 : i32 to vector<16xi32>
      %and3A_288 = arith.andi %get3A_285, %and3A_287 : vector<16xi32>
      %swap3A_289 = arith.constant 1 : i32
      %swap3A_290 = arith.index_cast %swap3A_289 : i32 to index
      %swap3A_291 = arith.constant 16 : index
      %swap3A_292 = tpu.vector_load %arg8[%swap3A_290, %swap3A_291] {strides = array<i32>} : memref<2x96xi32, #tpu.memory_space<vmem>>, vector<1x16xi32>,
      %swap3A_293 = vector.shape_cast %swap3A_292 : vector<1x16xi32> to vector<16xi32>
      %swap3A_294 = vector.shape_cast %and3A_288 : vector<16xi32> to vector<1x16xi32>
      tpu.vector_store %arg8[%swap3A_290, %swap3A_291], %swap3A_294 {strides = array<i32>} : memref<2x96xi32, #tpu.memory_space<vmem>>, vector<1x16xi32>,
      %shift_right_logical3A_295 = arith.constant 16 : i32
      %shift_right_logical3A_296 = vector.broadcast %shift_right_logical3A_295 : i32 to vector<16xi32>
      %shift_right_logical3A_297 = arith.shrui %get3A_285, %shift_right_logical3A_296 : vector<16xi32>
      %swap3A_298 = arith.constant 1 : i32
      %swap3A_299 = arith.index_cast %swap3A_298 : i32 to index
      %swap3A_300 = arith.constant 16 : index
      %swap3A_301 = tpu.vector_load %arg9[%swap3A_299, %swap3A_300] {strides = array<i32>} : memref<2x96xi32, #tpu.memory_space<vmem>>, vector<1x16xi32>,
      %swap3A_302 = vector.shape_cast %swap3A_301 : vector<1x16xi32> to vector<16xi32>
      %swap3A_303 = vector.shape_cast %shift_right_logical3A_297 : vector<16xi32> to vector<1x16xi32>
      tpu.vector_store %arg9[%swap3A_299, %swap3A_300], %swap3A_303 {strides = array<i32>} : memref<2x96xi32, #tpu.memory_space<vmem>>, vector<1x16xi32>,
      %get3A_304 = arith.index_cast %add3A_259 : i32 to index
      %get3A_305 = arith.constant 32 : index
      %get3A_306 = tpu.vector_load %arg7[%get3A_304, %get3A_305] {strides = array<i32>} : memref<152x96xi32, #tpu.memory_space<vmem>>, vector<1x16xi32>,
      %get3A_307 = vector.shape_cast %get3A_306 : vector<1x16xi32> to vector<16xi32>
      %and3A_308 = arith.constant 65535 : i32
      %and3A_309 = vector.broadcast %and3A_308 : i32 to vector<16xi32>
      %and3A_310 = arith.andi %get3A_307, %and3A_309 : vector<16xi32>
      %swap3A_311 = arith.constant 1 : i32
      %swap3A_312 = arith.index_cast %swap3A_311 : i32 to index
      %swap3A_313 = arith.constant 32 : index
      %swap3A_314 = tpu.vector_load %arg8[%swap3A_312, %swap3A_313] {strides = array<i32>} : memref<2x96xi32, #tpu.memory_space<vmem>>, vector<1x16xi32>,
      %swap3A_315 = vector.shape_cast %swap3A_314 : vector<1x16xi32> to vector<16xi32>
      %swap3A_316 = vector.shape_cast %and3A_310 : vector<16xi32> to vector<1x16xi32>
      tpu.vector_store %arg8[%swap3A_312, %swap3A_313], %swap3A_316 {strides = array<i32>} : memref<2x96xi32, #tpu.memory_space<vmem>>, vector<1x16xi32>,
      %shift_right_logical3A_317 = arith.constant 16 : i32
      %shift_right_logical3A_318 = vector.broadcast %shift_right_logical3A_317 : i32 to vector<16xi32>
      %shift_right_logical3A_319 = arith.shrui %get3A_307, %shift_right_logical3A_318 : vector<16xi32>
      %swap3A_320 = arith.constant 1 : i32
      %swap3A_321 = arith.index_cast %swap3A_320 : i32 to index
      %swap3A_322 = arith.constant 32 : index
      %swap3A_323 = tpu.vector_load %arg9[%swap3A_321, %swap3A_322] {strides = array<i32>} : memref<2x96xi32, #tpu.memory_space<vmem>>, vector<1x16xi32>,
      %swap3A_324 = vector.shape_cast %swap3A_323 : vector<1x16xi32> to vector<16xi32>
      %swap3A_325 = vector.shape_cast %shift_right_logical3A_319 : vector<16xi32> to vector<1x16xi32>
      tpu.vector_store %arg9[%swap3A_321, %swap3A_322], %swap3A_325 {strides = array<i32>} : memref<2x96xi32, #tpu.memory_space<vmem>>, vector<1x16xi32>,
      %get3A_326 = arith.index_cast %add3A_259 : i32 to index
      %get3A_327 = arith.constant 48 : index
      %get3A_328 = tpu.vector_load %arg7[%get3A_326, %get3A_327] {strides = array<i32>} : memref<152x96xi32, #tpu.memory_space<vmem>>, vector<1x16xi32>,
      %get3A_329 = vector.shape_cast %get3A_328 : vector<1x16xi32> to vector<16xi32>
      %and3A_330 = arith.constant 65535 : i32
      %and3A_331 = vector.broadcast %and3A_330 : i32 to vector<16xi32>
      %and3A_332 = arith.andi %get3A_329, %and3A_331 : vector<16xi32>
      %swap3A_333 = arith.constant 1 : i32
      %swap3A_334 = arith.index_cast %swap3A_333 : i32 to index
      %swap3A_335 = arith.constant 48 : index
      %swap3A_336 = tpu.vector_load %arg8[%swap3A_334, %swap3A_335] {strides = array<i32>} : memref<2x96xi32, #tpu.memory_space<vmem>>, vector<1x16xi32>,
      %swap3A_337 = vector.shape_cast %swap3A_336 : vector<1x16xi32> to vector<16xi32>
      %swap3A_338 = vector.shape_cast %and3A_332 : vector<16xi32> to vector<1x16xi32>
      tpu.vector_store %arg8[%swap3A_334, %swap3A_335], %swap3A_338 {strides = array<i32>} : memref<2x96xi32, #tpu.memory_space<vmem>>, vector<1x16xi32>,
      %shift_right_logical3A_339 = arith.constant 16 : i32
      %shift_right_logical3A_340 = vector.broadcast %shift_right_logical3A_339 : i32 to vector<16xi32>
      %shift_right_logical3A_341 = arith.shrui %get3A_329, %shift_right_logical3A_340 : vector<16xi32>
      %swap3A_342 = arith.constant 1 : i32
      %swap3A_343 = arith.index_cast %swap3A_342 : i32 to index
      %swap3A_344 = arith.constant 48 : index
      %swap3A_345 = tpu.vector_load %arg9[%swap3A_343, %swap3A_344] {strides = array<i32>} : memref<2x96xi32, #tpu.memory_space<vmem>>, vector<1x16xi32>,
      %swap3A_346 = vector.shape_cast %swap3A_345 : vector<1x16xi32> to vector<16xi32>
      %swap3A_347 = vector.shape_cast %shift_right_logical3A_341 : vector<16xi32> to vector<1x16xi32>
      tpu.vector_store %arg9[%swap3A_343, %swap3A_344], %swap3A_347 {strides = array<i32>} : memref<2x96xi32, #tpu.memory_space<vmem>>, vector<1x16xi32>,
      %get3A_348 = arith.index_cast %add3A_259 : i32 to index
      %get3A_349 = arith.constant 64 : index
      %get3A_350 = tpu.vector_load %arg7[%get3A_348, %get3A_349] {strides = array<i32>} : memref<152x96xi32, #tpu.memory_space<vmem>>, vector<1x16xi32>,
      %get3A_351 = vector.shape_cast %get3A_350 : vector<1x16xi32> to vector<16xi32>
      %and3A_352 = arith.constant 65535 : i32
      %and3A_353 = vector.broadcast %and3A_352 : i32 to vector<16xi32>
      %and3A_354 = arith.andi %get3A_351, %and3A_353 : vector<16xi32>
      %swap3A_355 = arith.constant 1 : i32
      %swap3A_356 = arith.index_cast %swap3A_355 : i32 to index
      %swap3A_357 = arith.constant 64 : index
      %swap3A_358 = tpu.vector_load %arg8[%swap3A_356, %swap3A_357] {strides = array<i32>} : memref<2x96xi32, #tpu.memory_space<vmem>>, vector<1x16xi32>,
      %swap3A_359 = vector.shape_cast %swap3A_358 : vector<1x16xi32> to vector<16xi32>
      %swap3A_360 = vector.shape_cast %and3A_354 : vector<16xi32> to vector<1x16xi32>
      tpu.vector_store %arg8[%swap3A_356, %swap3A_357], %swap3A_360 {strides = array<i32>} : memref<2x96xi32, #tpu.memory_space<vmem>>, vector<1x16xi32>,
      %shift_right_logical3A_361 = arith.constant 16 : i32
      %shift_right_logical3A_362 = vector.broadcast %shift_right_logical3A_361 : i32 to vector<16xi32>
      %shift_right_logical3A_363 = arith.shrui %get3A_351, %shift_right_logical3A_362 : vector<16xi32>
      %swap3A_364 = arith.constant 1 : i32
      %swap3A_365 = arith.index_cast %swap3A_364 : i32 to index
      %swap3A_366 = arith.constant 64 : index
      %swap3A_367 = tpu.vector_load %arg9[%swap3A_365, %swap3A_366] {strides = array<i32>} : memref<2x96xi32, #tpu.memory_space<vmem>>, vector<1x16xi32>,
      %swap3A_368 = vector.shape_cast %swap3A_367 : vector<1x16xi32> to vector<16xi32>
      %swap3A_369 = vector.shape_cast %shift_right_logical3A_363 : vector<16xi32> to vector<1x16xi32>
      tpu.vector_store %arg9[%swap3A_365, %swap3A_366], %swap3A_369 {strides = array<i32>} : memref<2x96xi32, #tpu.memory_space<vmem>>, vector<1x16xi32>,
      %get3A_370 = arith.index_cast %add3A_259 : i32 to index
      %get3A_371 = arith.constant 80 : index
      %get3A_372 = tpu.vector_load %arg7[%get3A_370, %get3A_371] {strides = array<i32>} : memref<152x96xi32, #tpu.memory_space<vmem>>, vector<1x16xi32>,
      %get3A_373 = vector.shape_cast %get3A_372 : vector<1x16xi32> to vector<16xi32>
      %and3A_374 = arith.constant 65535 : i32
      %and3A_375 = vector.broadcast %and3A_374 : i32 to vector<16xi32>
      %and3A_376 = arith.andi %get3A_373, %and3A_375 : vector<16xi32>
      %swap3A_377 = arith.constant 1 : i32
      %swap3A_378 = arith.index_cast %swap3A_377 : i32 to index
      %swap3A_379 = arith.constant 80 : index
      %swap3A_380 = tpu.vector_load %arg8[%swap3A_378, %swap3A_379] {strides = array<i32>} : memref<2x96xi32, #tpu.memory_space<vmem>>, vector<1x16xi32>,
      %swap3A_381 = vector.shape_cast %swap3A_380 : vector<1x16xi32> to vector<16xi32>
      %swap3A_382 = vector.shape_cast %and3A_376 : vector<16xi32> to vector<1x16xi32>
      tpu.vector_store %arg8[%swap3A_378, %swap3A_379], %swap3A_382 {strides = array<i32>} : memref<2x96xi32, #tpu.memory_space<vmem>>, vector<1x16xi32>,
      %shift_right_logical3A_383 = arith.constant 16 : i32
      %shift_right_logical3A_384 = vector.broadcast %shift_right_logical3A_383 : i32 to vector<16xi32>
      %shift_right_logical3A_385 = arith.shrui %get3A_373, %shift_right_logical3A_384 : vector<16xi32>
      %swap3A_386 = arith.constant 1 : i32
      %swap3A_387 = arith.index_cast %swap3A_386 : i32 to index
      %swap3A_388 = arith.constant 80 : index
      %swap3A_389 = tpu.vector_load %arg9[%swap3A_387, %swap3A_388] {strides = array<i32>} : memref<2x96xi32, #tpu.memory_space<vmem>>, vector<1x16xi32>,
      %swap3A_390 = vector.shape_cast %swap3A_389 : vector<1x16xi32> to vector<16xi32>
      %swap3A_391 = vector.shape_cast %shift_right_logical3A_385 : vector<16xi32> to vector<1x16xi32>
      tpu.vector_store %arg9[%swap3A_387, %swap3A_388], %swap3A_391 {strides = array<i32>} : memref<2x96xi32, #tpu.memory_space<vmem>>, vector<1x16xi32>,
      %dma_start3A_392 = arith.constant 1 : i32
      %dma_start3A_393 = arith.constant 1 : i32
      %dma_start3A_394 = arith.constant 0 : i32
      %dma_start3A_395 = arith.constant 0 : i32
      %dma_start3A_396 = tpu.memref_slice %arg10[%dma_start3A_393, %dma_start3A_394, %dma_start3A_395] : memref<2x96x128xf32, #tpu.memory_space<vmem>> -> memref<1x96x128xf32, #tpu.memory_space<vmem>>
      %dma_start3A_397 = tpu.memref_squeeze %dma_start3A_396 : memref<1x96x128xf32, #tpu.memory_space<vmem>> -> memref<96x128xf32, #tpu.memory_space<vmem>>
      %dma_start3A_398 = arith.constant 0 : i32
      %dma_start3A_399 = tpu.memref_slice %arg8[%dma_start3A_392, %dma_start3A_398] : memref<2x96xi32, #tpu.memory_space<vmem>> -> memref<1x96xi32, #tpu.memory_space<vmem>>
      %dma_start3A_400 = tpu.memref_squeeze %dma_start3A_399 : memref<1x96xi32, #tpu.memory_space<vmem>> -> memref<96xi32, #tpu.memory_space<vmem>>
      %dma_start3A_401 = arith.constant 0 : i32
      %dma_start3A_402 = arith.constant 0 : i32
      %dma_start3A_403 = tpu.memref_slice %arg2[%dma_start3A_401, %dma_start3A_402] : memref<10240x128xf32, #tpu.memory_space<hbm>> -> memref<10240x128xf32, #tpu.memory_space<hbm>>
      tpu.enqueue_indirect_dma source(%dma_start3A_403 : memref<10240x128xf32, #tpu.memory_space<hbm>>) target(%dma_start3A_397 : memref<96x128xf32, #tpu.memory_space<vmem>>) offsets(%dma_start3A_400 : memref<96xi32, #tpu.memory_space<vmem>>) semaphore(%arg13 : memref<!tpu.dma_semaphore, #tpu.memory_space<semaphore_mem>>)
      %dma_wait3A = arith.constant 0 : i32
      %dma_wait3A_404 = arith.constant 0 : i32
      %dma_wait3A_405 = arith.constant 0 : i32
      %dma_wait3A_406 = arith.constant 0 : i32
      %dma_wait3A_407 = tpu.memref_slice %arg10[%dma_wait3A_404, %dma_wait3A_405, %dma_wait3A_406] : memref<2x96x128xf32, #tpu.memory_space<vmem>> -> memref<1x96x128xf32, #tpu.memory_space<vmem>>
      %dma_wait3A_408 = tpu.memref_squeeze %dma_wait3A_407 : memref<1x96x128xf32, #tpu.memory_space<vmem>> -> memref<96x128xf32, #tpu.memory_space<vmem>>
      %dma_wait3A_409 = arith.constant 0 : i32
      %dma_wait3A_410 = tpu.memref_slice %arg8[%dma_wait3A, %dma_wait3A_409] : memref<2x96xi32, #tpu.memory_space<vmem>> -> memref<1x96xi32, #tpu.memory_space<vmem>>
      %dma_wait3A_411 = tpu.memref_squeeze %dma_wait3A_410 : memref<1x96xi32, #tpu.memory_space<vmem>> -> memref<96xi32, #tpu.memory_space<vmem>>
      %dma_wait3A_412 = arith.constant 0 : i32
      %dma_wait3A_413 = arith.constant 0 : i32
      %dma_wait3A_414 = tpu.memref_slice %arg2[%dma_wait3A_412, %dma_wait3A_413] : memref<10240x128xf32, #tpu.memory_space<hbm>> -> memref<10240x128xf32, #tpu.memory_space<hbm>>
      tpu.wait_indirect_dma semaphore(%arg12 : memref<!tpu.dma_semaphore, #tpu.memory_space<semaphore_mem>>) src(%dma_wait3A_414 : memref<10240x128xf32, #tpu.memory_space<hbm>>) dst(%dma_wait3A_408 : memref<96x128xf32, #tpu.memory_space<vmem>>)
      %run_scoped3A_415 = arith.constant 0 : i32
      %run_scoped3A_416 = arith.constant 0 : i32
      "tpu.region"() ({
        %run_scoped3A_431 = tpu.sem_alloc : memref<!tpu.dma_semaphore, #tpu.memory_space<semaphore_mem>>
        %dma_start3A_432 = arith.constant 0 : i32
        %dma_start3A_433 = arith.constant 0 : i32
        %dma_start3A_434 = tpu.memref_slice %arg10[%run_scoped3A_415, %dma_start3A_432, %dma_start3A_433] : memref<2x96x128xf32, #tpu.memory_space<vmem>> -> memref<1x96x128xf32, #tpu.memory_space<vmem>>
        %dma_start3A_435 = tpu.memref_squeeze %dma_start3A_434 : memref<1x96x128xf32, #tpu.memory_space<vmem>> -> memref<96x128xf32, #tpu.memory_space<vmem>>
        %dma_start3A_436 = arith.constant 0 : i32
        %dma_start3A_437 = tpu.memref_slice %arg9[%run_scoped3A_416, %dma_start3A_436] : memref<2x96xi32, #tpu.memory_space<vmem>> -> memref<1x96xi32, #tpu.memory_space<vmem>>
        %dma_start3A_438 = tpu.memref_squeeze %dma_start3A_437 : memref<1x96xi32, #tpu.memory_space<vmem>> -> memref<96xi32, #tpu.memory_space<vmem>>
        %dma_start3A_439 = arith.constant 0 : i32
        %dma_start3A_440 = arith.constant 0 : i32
        %dma_start3A_441 = tpu.memref_slice %arg11[%dma_start3A_439, %dma_start3A_440] : memref<10240x128xf32, #tpu.memory_space<vmem_shared>> -> memref<10240x128xf32, #tpu.memory_space<vmem_shared>>
        tpu.enqueue_indirect_dma source(%dma_start3A_435 : memref<96x128xf32, #tpu.memory_space<vmem>>) target(%dma_start3A_441 : memref<10240x128xf32, #tpu.memory_space<vmem_shared>>) offsets(%dma_start3A_438 : memref<96xi32, #tpu.memory_space<vmem>>) semaphore(%run_scoped3A_431 : memref<!tpu.dma_semaphore, #tpu.memory_space<semaphore_mem>>) {add = true}
        %dma_wait3A_442 = arith.constant 0 : i32
        %dma_wait3A_443 = arith.constant 0 : i32
        %dma_wait3A_444 = tpu.memref_slice %arg10[%run_scoped3A_415, %dma_wait3A_442, %dma_wait3A_443] : memref<2x96x128xf32, #tpu.memory_space<vmem>> -> memref<1x96x128xf32, #tpu.memory_space<vmem>>
        %dma_wait3A_445 = tpu.memref_squeeze %dma_wait3A_444 : memref<1x96x128xf32, #tpu.memory_space<vmem>> -> memref<96x128xf32, #tpu.memory_space<vmem>>
        %dma_wait3A_446 = arith.constant 0 : i32
        %dma_wait3A_447 = tpu.memref_slice %arg9[%run_scoped3A_416, %dma_wait3A_446] : memref<2x96xi32, #tpu.memory_space<vmem>> -> memref<1x96xi32, #tpu.memory_space<vmem>>
        %dma_wait3A_448 = tpu.memref_squeeze %dma_wait3A_447 : memref<1x96xi32, #tpu.memory_space<vmem>> -> memref<96xi32, #tpu.memory_space<vmem>>
        %dma_wait3A_449 = arith.constant 0 : i32
        %dma_wait3A_450 = arith.constant 0 : i32
        %dma_wait3A_451 = tpu.memref_slice %arg11[%dma_wait3A_449, %dma_wait3A_450] : memref<10240x128xf32, #tpu.memory_space<vmem_shared>> -> memref<10240x128xf32, #tpu.memory_space<vmem_shared>>
        tpu.wait_indirect_dma semaphore(%run_scoped3A_431 : memref<!tpu.dma_semaphore, #tpu.memory_space<semaphore_mem>>) src(%dma_wait3A_445 : memref<96x128xf32, #tpu.memory_space<vmem>>) dst(%dma_wait3A_451 : memref<10240x128xf32, #tpu.memory_space<vmem_shared>>)
        tpu.yield
      }) : () -> ()
      %dma_wait3A_417 = arith.constant 1 : i32
      %dma_wait3A_418 = arith.constant 1 : i32
      %dma_wait3A_419 = arith.constant 0 : i32
      %dma_wait3A_420 = arith.constant 0 : i32
      %dma_wait3A_421 = tpu.memref_slice %arg10[%dma_wait3A_418, %dma_wait3A_419, %dma_wait3A_420] : memref<2x96x128xf32, #tpu.memory_space<vmem>> -> memref<1x96x128xf32, #tpu.memory_space<vmem>>
      %dma_wait3A_422 = tpu.memref_squeeze %dma_wait3A_421 : memref<1x96x128xf32, #tpu.memory_space<vmem>> -> memref<96x128xf32, #tpu.memory_space<vmem>>
      %dma_wait3A_423 = arith.constant 0 : i32
      %dma_wait3A_424 = tpu.memref_slice %arg8[%dma_wait3A_417, %dma_wait3A_423] : memref<2x96xi32, #tpu.memory_space<vmem>> -> memref<1x96xi32, #tpu.memory_space<vmem>>
      %dma_wait3A_425 = tpu.memref_squeeze %dma_wait3A_424 : memref<1x96xi32, #tpu.memory_space<vmem>> -> memref<96xi32, #tpu.memory_space<vmem>>
      %dma_wait3A_426 = arith.constant 0 : i32
      %dma_wait3A_427 = arith.constant 0 : i32
      %dma_wait3A_428 = tpu.memref_slice %arg2[%dma_wait3A_426, %dma_wait3A_427] : memref<10240x128xf32, #tpu.memory_space<hbm>> -> memref<10240x128xf32, #tpu.memory_space<hbm>>
      tpu.wait_indirect_dma semaphore(%arg13 : memref<!tpu.dma_semaphore, #tpu.memory_space<semaphore_mem>>) src(%dma_wait3A_428 : memref<10240x128xf32, #tpu.memory_space<hbm>>) dst(%dma_wait3A_422 : memref<96x128xf32, #tpu.memory_space<vmem>>)
      %run_scoped3A_429 = arith.constant 1 : i32
      %run_scoped3A_430 = arith.constant 1 : i32
      "tpu.region"() ({
        %run_scoped3A_431 = tpu.sem_alloc : memref<!tpu.dma_semaphore, #tpu.memory_space<semaphore_mem>>
        %dma_start3A_432 = arith.constant 0 : i32
        %dma_start3A_433 = arith.constant 0 : i32
        %dma_start3A_434 = tpu.memref_slice %arg10[%run_scoped3A_429, %dma_start3A_432, %dma_start3A_433] : memref<2x96x128xf32, #tpu.memory_space<vmem>> -> memref<1x96x128xf32, #tpu.memory_space<vmem>>
        %dma_start3A_435 = tpu.memref_squeeze %dma_start3A_434 : memref<1x96x128xf32, #tpu.memory_space<vmem>> -> memref<96x128xf32, #tpu.memory_space<vmem>>
        %dma_start3A_436 = arith.constant 0 : i32
        %dma_start3A_437 = tpu.memref_slice %arg9[%run_scoped3A_430, %dma_start3A_436] : memref<2x96xi32, #tpu.memory_space<vmem>> -> memref<1x96xi32, #tpu.memory_space<vmem>>
        %dma_start3A_438 = tpu.memref_squeeze %dma_start3A_437 : memref<1x96xi32, #tpu.memory_space<vmem>> -> memref<96xi32, #tpu.memory_space<vmem>>
        %dma_start3A_439 = arith.constant 0 : i32
        %dma_start3A_440 = arith.constant 0 : i32
        %dma_start3A_441 = tpu.memref_slice %arg11[%dma_start3A_439, %dma_start3A_440] : memref<10240x128xf32, #tpu.memory_space<vmem_shared>> -> memref<10240x128xf32, #tpu.memory_space<vmem_shared>>
        tpu.enqueue_indirect_dma source(%dma_start3A_435 : memref<96x128xf32, #tpu.memory_space<vmem>>) target(%dma_start3A_441 : memref<10240x128xf32, #tpu.memory_space<vmem_shared>>) offsets(%dma_start3A_438 : memref<96xi32, #tpu.memory_space<vmem>>) semaphore(%run_scoped3A_431 : memref<!tpu.dma_semaphore, #tpu.memory_space<semaphore_mem>>) {add = true}
        %dma_wait3A_442 = arith.constant 0 : i32
        %dma_wait3A_443 = arith.constant 0 : i32
        %dma_wait3A_444 = tpu.memref_slice %arg10[%run_scoped3A_429, %dma_wait3A_442, %dma_wait3A_443] : memref<2x96x128xf32, #tpu.memory_space<vmem>> -> memref<1x96x128xf32, #tpu.memory_space<vmem>>
        %dma_wait3A_445 = tpu.memref_squeeze %dma_wait3A_444 : memref<1x96x128xf32, #tpu.memory_space<vmem>> -> memref<96x128xf32, #tpu.memory_space<vmem>>
        %dma_wait3A_446 = arith.constant 0 : i32
        %dma_wait3A_447 = tpu.memref_slice %arg9[%run_scoped3A_430, %dma_wait3A_446] : memref<2x96xi32, #tpu.memory_space<vmem>> -> memref<1x96xi32, #tpu.memory_space<vmem>>
        %dma_wait3A_448 = tpu.memref_squeeze %dma_wait3A_447 : memref<1x96xi32, #tpu.memory_space<vmem>> -> memref<96xi32, #tpu.memory_space<vmem>>
        %dma_wait3A_449 = arith.constant 0 : i32
        %dma_wait3A_450 = arith.constant 0 : i32
        %dma_wait3A_451 = tpu.memref_slice %arg11[%dma_wait3A_449, %dma_wait3A_450] : memref<10240x128xf32, #tpu.memory_space<vmem_shared>> -> memref<10240x128xf32, #tpu.memory_space<vmem_shared>>
        tpu.wait_indirect_dma semaphore(%run_scoped3A_431 : memref<!tpu.dma_semaphore, #tpu.memory_space<semaphore_mem>>) src(%dma_wait3A_445 : memref<96x128xf32, #tpu.memory_space<vmem>>) dst(%dma_wait3A_451 : memref<10240x128xf32, #tpu.memory_space<vmem_shared>>)
        tpu.yield
      }) : () -> ()
    }
    %barrier3A_52 = arith.constant 0 : index
    tpu.barrier barrier_id(%barrier3A_52)
    %mul3A_53 = arith.constant 10240 : i32
    %mul3A_54 = arith.muli %arg0, %mul3A_53 : i32
    %mul3A_55 = arith.constant 640 : i32
    %mul3A_56 = arith.muli %arg1, %mul3A_55 : i32
    %add3A_57 = arith.addi %mul3A_54, %mul3A_56 : i32
    %mul3A_58 = arith.constant 640 : i32
    %mul3A_59 = arith.muli %arg1, %mul3A_58 : i32
    %add3A_60 = arith.constant 0 : i32
    %add3A_61 = arith.addi %mul3A_59, %add3A_60 : i32
    %run_scoped3A_62 = arith.constant 0 : i32
    "tpu.region"() ({
      %run_scoped3A_114 = tpu.sem_alloc : memref<!tpu.dma_semaphore, #tpu.memory_space<semaphore_mem>>
      %dma_start3A = arith.constant 0 : i32
      %dma_start3A_115 = arith.constant 0 : i32
      %dma_start3A_116 = tpu.memref_slice %arg10[%run_scoped3A_62, %dma_start3A, %dma_start3A_115] : memref<2x96x128xf32, #tpu.memory_space<vmem>> -> memref<1x96x128xf32, #tpu.memory_space<vmem>>
      %dma_start3A_117 = tpu.memref_squeeze %dma_start3A_116 : memref<1x96x128xf32, #tpu.memory_space<vmem>> -> memref<96x128xf32, #tpu.memory_space<vmem>>
      %dma_start3A_118 = arith.constant 0 : i32
      %dma_start3A_119 = tpu.memref_slice %arg11[%add3A_61, %dma_start3A_118] : memref<10240x128xf32, #tpu.memory_space<vmem_shared>> -> memref<96x128xf32, #tpu.memory_space<vmem_shared>>
      %dma_start3A_120 = arith.constant 0 : i32
      %dma_start3A_121 = arith.constant 0 : i32
      %dma_start3A_122 = tpu.memref_slice %arg10[%run_scoped3A_62, %dma_start3A_120, %dma_start3A_121] : memref<2x96x128xf32, #tpu.memory_space<vmem>> -> memref<1x96x128xf32, #tpu.memory_space<vmem>>
      %dma_start3A_123 = tpu.memref_squeeze %dma_start3A_122 : memref<1x96x128xf32, #tpu.memory_space<vmem>> -> memref<96x128xf32, #tpu.memory_space<vmem>>
      %dma_start3A_124 = arith.constant 0 : i32
      %dma_start3A_125 = tpu.memref_slice %arg11[%add3A_61, %dma_start3A_124] : memref<10240x128xf32, #tpu.memory_space<vmem_shared>> -> memref<96x128xf32, #tpu.memory_space<vmem_shared>>
      tpu.enqueue_dma source(%dma_start3A_125 : memref<96x128xf32, #tpu.memory_space<vmem_shared>>) target(%dma_start3A_123 : memref<96x128xf32, #tpu.memory_space<vmem>>) target_semaphore(%run_scoped3A_114 : memref<!tpu.dma_semaphore, #tpu.memory_space<semaphore_mem>>)
      %dma_wait3A = arith.constant 0 : i32
      %dma_wait3A_126 = arith.constant 0 : i32
      %dma_wait3A_127 = tpu.memref_slice %arg10[%run_scoped3A_62, %dma_wait3A, %dma_wait3A_126] : memref<2x96x128xf32, #tpu.memory_space<vmem>> -> memref<1x96x128xf32, #tpu.memory_space<vmem>>
      %dma_wait3A_128 = tpu.memref_squeeze %dma_wait3A_127 : memref<1x96x128xf32, #tpu.memory_space<vmem>> -> memref<96x128xf32, #tpu.memory_space<vmem>>
      %dma_wait3A_129 = arith.constant 0 : i32
      %dma_wait3A_130 = tpu.memref_slice %arg11[%add3A_61, %dma_wait3A_129] : memref<10240x128xf32, #tpu.memory_space<vmem_shared>> -> memref<96x128xf32, #tpu.memory_space<vmem_shared>>
      %dma_wait3A_131 = arith.constant 0 : i32
      %dma_wait3A_132 = arith.constant 0 : i32
      %dma_wait3A_133 = tpu.memref_slice %arg10[%run_scoped3A_62, %dma_wait3A_131, %dma_wait3A_132] : memref<2x96x128xf32, #tpu.memory_space<vmem>> -> memref<1x96x128xf32, #tpu.memory_space<vmem>>
      %dma_wait3A_134 = tpu.memref_squeeze %dma_wait3A_133 : memref<1x96x128xf32, #tpu.memory_space<vmem>> -> memref<96x128xf32, #tpu.memory_space<vmem>>
      %dma_wait3A_135 = arith.constant 0 : i32
      %dma_wait3A_136 = tpu.memref_slice %arg11[%add3A_61, %dma_wait3A_135] : memref<10240x128xf32, #tpu.memory_space<vmem_shared>> -> memref<96x128xf32, #tpu.memory_space<vmem_shared>>
      tpu.wait_dma2 semaphore(%run_scoped3A_114 : memref<!tpu.dma_semaphore, #tpu.memory_space<semaphore_mem>>) src(%dma_wait3A_136 : memref<96x128xf32, #tpu.memory_space<vmem_shared>>) dst(%dma_wait3A_134 : memref<96x128xf32, #tpu.memory_space<vmem>>)
      tpu.yield
    }) : () -> ()
    %add3A_63 = arith.constant 0 : i32
    %add3A_64 = arith.addi %add3A_57, %add3A_63 : i32
    %run_scoped3A_65 = arith.constant 0 : i32
    "tpu.region"() ({
      %run_scoped3A_114 = tpu.sem_alloc : memref<!tpu.dma_semaphore, #tpu.memory_space<semaphore_mem>>
      %dma_start3A = arith.constant 0 : i32
      %dma_start3A_115 = arith.constant 0 : i32
      %dma_start3A_116 = tpu.memref_slice %arg10[%run_scoped3A_65, %dma_start3A, %dma_start3A_115] : memref<2x96x128xf32, #tpu.memory_space<vmem>> -> memref<1x96x128xf32, #tpu.memory_space<vmem>>
      %dma_start3A_117 = tpu.memref_squeeze %dma_start3A_116 : memref<1x96x128xf32, #tpu.memory_space<vmem>> -> memref<96x128xf32, #tpu.memory_space<vmem>>
      %dma_start3A_118 = arith.constant 0 : i32
      %dma_start3A_119 = tpu.memref_slice %arg6[%add3A_64, %dma_start3A_118] : memref<20480x128xf32, #tpu.memory_space<hbm>> -> memref<96x128xf32, #tpu.memory_space<hbm>>
      %dma_start3A_120 = arith.constant 0 : i32
      %dma_start3A_121 = tpu.memref_slice %arg6[%add3A_64, %dma_start3A_120] : memref<20480x128xf32, #tpu.memory_space<hbm>> -> memref<96x128xf32, #tpu.memory_space<hbm>>
      %dma_start3A_122 = arith.constant 0 : i32
      %dma_start3A_123 = arith.constant 0 : i32
      %dma_start3A_124 = tpu.memref_slice %arg10[%run_scoped3A_65, %dma_start3A_122, %dma_start3A_123] : memref<2x96x128xf32, #tpu.memory_space<vmem>> -> memref<1x96x128xf32, #tpu.memory_space<vmem>>
      %dma_start3A_125 = tpu.memref_squeeze %dma_start3A_124 : memref<1x96x128xf32, #tpu.memory_space<vmem>> -> memref<96x128xf32, #tpu.memory_space<vmem>>
      tpu.enqueue_dma source(%dma_start3A_125 : memref<96x128xf32, #tpu.memory_space<vmem>>) target(%dma_start3A_121 : memref<96x128xf32, #tpu.memory_space<hbm>>) target_semaphore(%run_scoped3A_114 : memref<!tpu.dma_semaphore, #tpu.memory_space<semaphore_mem>>)
      %dma_wait3A = arith.constant 0 : i32
      %dma_wait3A_126 = arith.constant 0 : i32
      %dma_wait3A_127 = tpu.memref_slice %arg10[%run_scoped3A_65, %dma_wait3A, %dma_wait3A_126] : memref<2x96x128xf32, #tpu.memory_space<vmem>> -> memref<1x96x128xf32, #tpu.memory_space<vmem>>
      %dma_wait3A_128 = tpu.memref_squeeze %dma_wait3A_127 : memref<1x96x128xf32, #tpu.memory_space<vmem>> -> memref<96x128xf32, #tpu.memory_space<vmem>>
      %dma_wait3A_129 = arith.constant 0 : i32
      %dma_wait3A_130 = tpu.memref_slice %arg6[%add3A_64, %dma_wait3A_129] : memref<20480x128xf32, #tpu.memory_space<hbm>> -> memref<96x128xf32, #tpu.memory_space<hbm>>
      %dma_wait3A_131 = arith.constant 0 : i32
      %dma_wait3A_132 = tpu.memref_slice %arg6[%add3A_64, %dma_wait3A_131] : memref<20480x128xf32, #tpu.memory_space<hbm>> -> memref<96x128xf32, #tpu.memory_space<hbm>>
      %dma_wait3A_133 = arith.constant 0 : i32
      %dma_wait3A_134 = arith.constant 0 : i32
      %dma_wait3A_135 = tpu.memref_slice %arg10[%run_scoped3A_65, %dma_wait3A_133, %dma_wait3A_134] : memref<2x96x128xf32, #tpu.memory_space<vmem>> -> memref<1x96x128xf32, #tpu.memory_space<vmem>>
      %dma_wait3A_136 = tpu.memref_squeeze %dma_wait3A_135 : memref<1x96x128xf32, #tpu.memory_space<vmem>> -> memref<96x128xf32, #tpu.memory_space<vmem>>
      tpu.wait_dma2 semaphore(%run_scoped3A_114 : memref<!tpu.dma_semaphore, #tpu.memory_space<semaphore_mem>>) src(%dma_wait3A_136 : memref<96x128xf32, #tpu.memory_space<vmem>>) dst(%dma_wait3A_132 : memref<96x128xf32, #tpu.memory_space<hbm>>)
      tpu.yield
    }) : () -> ()
    %mul3A_66 = arith.constant 640 : i32
    %mul3A_67 = arith.muli %arg1, %mul3A_66 : i32
    %add3A_68 = arith.constant 96 : i32
    %add3A_69 = arith.addi %mul3A_67, %add3A_68 : i32
    %run_scoped3A_70 = arith.constant 0 : i32
    "tpu.region"() ({
      %run_scoped3A_114 = tpu.sem_alloc : memref<!tpu.dma_semaphore, #tpu.memory_space<semaphore_mem>>
      %dma_start3A = arith.constant 0 : i32
      %dma_start3A_115 = arith.constant 0 : i32
      %dma_start3A_116 = tpu.memref_slice %arg10[%run_scoped3A_70, %dma_start3A, %dma_start3A_115] : memref<2x96x128xf32, #tpu.memory_space<vmem>> -> memref<1x96x128xf32, #tpu.memory_space<vmem>>
      %dma_start3A_117 = tpu.memref_squeeze %dma_start3A_116 : memref<1x96x128xf32, #tpu.memory_space<vmem>> -> memref<96x128xf32, #tpu.memory_space<vmem>>
      %dma_start3A_118 = arith.constant 0 : i32
      %dma_start3A_119 = tpu.memref_slice %arg11[%add3A_69, %dma_start3A_118] : memref<10240x128xf32, #tpu.memory_space<vmem_shared>> -> memref<96x128xf32, #tpu.memory_space<vmem_shared>>
      %dma_start3A_120 = arith.constant 0 : i32
      %dma_start3A_121 = arith.constant 0 : i32
      %dma_start3A_122 = tpu.memref_slice %arg10[%run_scoped3A_70, %dma_start3A_120, %dma_start3A_121] : memref<2x96x128xf32, #tpu.memory_space<vmem>> -> memref<1x96x128xf32, #tpu.memory_space<vmem>>
      %dma_start3A_123 = tpu.memref_squeeze %dma_start3A_122 : memref<1x96x128xf32, #tpu.memory_space<vmem>> -> memref<96x128xf32, #tpu.memory_space<vmem>>
      %dma_start3A_124 = arith.constant 0 : i32
      %dma_start3A_125 = tpu.memref_slice %arg11[%add3A_69, %dma_start3A_124] : memref<10240x128xf32, #tpu.memory_space<vmem_shared>> -> memref<96x128xf32, #tpu.memory_space<vmem_shared>>
      tpu.enqueue_dma source(%dma_start3A_125 : memref<96x128xf32, #tpu.memory_space<vmem_shared>>) target(%dma_start3A_123 : memref<96x128xf32, #tpu.memory_space<vmem>>) target_semaphore(%run_scoped3A_114 : memref<!tpu.dma_semaphore, #tpu.memory_space<semaphore_mem>>)
      %dma_wait3A = arith.constant 0 : i32
      %dma_wait3A_126 = arith.constant 0 : i32
      %dma_wait3A_127 = tpu.memref_slice %arg10[%run_scoped3A_70, %dma_wait3A, %dma_wait3A_126] : memref<2x96x128xf32, #tpu.memory_space<vmem>> -> memref<1x96x128xf32, #tpu.memory_space<vmem>>
      %dma_wait3A_128 = tpu.memref_squeeze %dma_wait3A_127 : memref<1x96x128xf32, #tpu.memory_space<vmem>> -> memref<96x128xf32, #tpu.memory_space<vmem>>
      %dma_wait3A_129 = arith.constant 0 : i32
      %dma_wait3A_130 = tpu.memref_slice %arg11[%add3A_69, %dma_wait3A_129] : memref<10240x128xf32, #tpu.memory_space<vmem_shared>> -> memref<96x128xf32, #tpu.memory_space<vmem_shared>>
      %dma_wait3A_131 = arith.constant 0 : i32
      %dma_wait3A_132 = arith.constant 0 : i32
      %dma_wait3A_133 = tpu.memref_slice %arg10[%run_scoped3A_70, %dma_wait3A_131, %dma_wait3A_132] : memref<2x96x128xf32, #tpu.memory_space<vmem>> -> memref<1x96x128xf32, #tpu.memory_space<vmem>>
      %dma_wait3A_134 = tpu.memref_squeeze %dma_wait3A_133 : memref<1x96x128xf32, #tpu.memory_space<vmem>> -> memref<96x128xf32, #tpu.memory_space<vmem>>
      %dma_wait3A_135 = arith.constant 0 : i32
      %dma_wait3A_136 = tpu.memref_slice %arg11[%add3A_69, %dma_wait3A_135] : memref<10240x128xf32, #tpu.memory_space<vmem_shared>> -> memref<96x128xf32, #tpu.memory_space<vmem_shared>>
      tpu.wait_dma2 semaphore(%run_scoped3A_114 : memref<!tpu.dma_semaphore, #tpu.memory_space<semaphore_mem>>) src(%dma_wait3A_136 : memref<96x128xf32, #tpu.memory_space<vmem_shared>>) dst(%dma_wait3A_134 : memref<96x128xf32, #tpu.memory_space<vmem>>)
      tpu.yield
    }) : () -> ()
    %add3A_71 = arith.constant 96 : i32
    %add3A_72 = arith.addi %add3A_57, %add3A_71 : i32
    %run_scoped3A_73 = arith.constant 0 : i32
    "tpu.region"() ({
      %run_scoped3A_114 = tpu.sem_alloc : memref<!tpu.dma_semaphore, #tpu.memory_space<semaphore_mem>>
      %dma_start3A = arith.constant 0 : i32
      %dma_start3A_115 = arith.constant 0 : i32
      %dma_start3A_116 = tpu.memref_slice %arg10[%run_scoped3A_73, %dma_start3A, %dma_start3A_115] : memref<2x96x128xf32, #tpu.memory_space<vmem>> -> memref<1x96x128xf32, #tpu.memory_space<vmem>>
      %dma_start3A_117 = tpu.memref_squeeze %dma_start3A_116 : memref<1x96x128xf32, #tpu.memory_space<vmem>> -> memref<96x128xf32, #tpu.memory_space<vmem>>
      %dma_start3A_118 = arith.constant 0 : i32
      %dma_start3A_119 = tpu.memref_slice %arg6[%add3A_72, %dma_start3A_118] : memref<20480x128xf32, #tpu.memory_space<hbm>> -> memref<96x128xf32, #tpu.memory_space<hbm>>
      %dma_start3A_120 = arith.constant 0 : i32
      %dma_start3A_121 = tpu.memref_slice %arg6[%add3A_72, %dma_start3A_120] : memref<20480x128xf32, #tpu.memory_space<hbm>> -> memref<96x128xf32, #tpu.memory_space<hbm>>
      %dma_start3A_122 = arith.constant 0 : i32
      %dma_start3A_123 = arith.constant 0 : i32
      %dma_start3A_124 = tpu.memref_slice %arg10[%run_scoped3A_73, %dma_start3A_122, %dma_start3A_123] : memref<2x96x128xf32, #tpu.memory_space<vmem>> -> memref<1x96x128xf32, #tpu.memory_space<vmem>>
      %dma_start3A_125 = tpu.memref_squeeze %dma_start3A_124 : memref<1x96x128xf32, #tpu.memory_space<vmem>> -> memref<96x128xf32, #tpu.memory_space<vmem>>
      tpu.enqueue_dma source(%dma_start3A_125 : memref<96x128xf32, #tpu.memory_space<vmem>>) target(%dma_start3A_121 : memref<96x128xf32, #tpu.memory_space<hbm>>) target_semaphore(%run_scoped3A_114 : memref<!tpu.dma_semaphore, #tpu.memory_space<semaphore_mem>>)
      %dma_wait3A = arith.constant 0 : i32
      %dma_wait3A_126 = arith.constant 0 : i32
      %dma_wait3A_127 = tpu.memref_slice %arg10[%run_scoped3A_73, %dma_wait3A, %dma_wait3A_126] : memref<2x96x128xf32, #tpu.memory_space<vmem>> -> memref<1x96x128xf32, #tpu.memory_space<vmem>>
      %dma_wait3A_128 = tpu.memref_squeeze %dma_wait3A_127 : memref<1x96x128xf32, #tpu.memory_space<vmem>> -> memref<96x128xf32, #tpu.memory_space<vmem>>
      %dma_wait3A_129 = arith.constant 0 : i32
      %dma_wait3A_130 = tpu.memref_slice %arg6[%add3A_72, %dma_wait3A_129] : memref<20480x128xf32, #tpu.memory_space<hbm>> -> memref<96x128xf32, #tpu.memory_space<hbm>>
      %dma_wait3A_131 = arith.constant 0 : i32
      %dma_wait3A_132 = tpu.memref_slice %arg6[%add3A_72, %dma_wait3A_131] : memref<20480x128xf32, #tpu.memory_space<hbm>> -> memref<96x128xf32, #tpu.memory_space<hbm>>
      %dma_wait3A_133 = arith.constant 0 : i32
      %dma_wait3A_134 = arith.constant 0 : i32
      %dma_wait3A_135 = tpu.memref_slice %arg10[%run_scoped3A_73, %dma_wait3A_133, %dma_wait3A_134] : memref<2x96x128xf32, #tpu.memory_space<vmem>> -> memref<1x96x128xf32, #tpu.memory_space<vmem>>
      %dma_wait3A_136 = tpu.memref_squeeze %dma_wait3A_135 : memref<1x96x128xf32, #tpu.memory_space<vmem>> -> memref<96x128xf32, #tpu.memory_space<vmem>>
      tpu.wait_dma2 semaphore(%run_scoped3A_114 : memref<!tpu.dma_semaphore, #tpu.memory_space<semaphore_mem>>) src(%dma_wait3A_136 : memref<96x128xf32, #tpu.memory_space<vmem>>) dst(%dma_wait3A_132 : memref<96x128xf32, #tpu.memory_space<hbm>>)
      tpu.yield
    }) : () -> ()
    %mul3A_74 = arith.constant 640 : i32
    %mul3A_75 = arith.muli %arg1, %mul3A_74 : i32
    %add3A_76 = arith.constant 192 : i32
    %add3A_77 = arith.addi %mul3A_75, %add3A_76 : i32
    %run_scoped3A_78 = arith.constant 0 : i32
    "tpu.region"() ({
      %run_scoped3A_114 = tpu.sem_alloc : memref<!tpu.dma_semaphore, #tpu.memory_space<semaphore_mem>>
      %dma_start3A = arith.constant 0 : i32
      %dma_start3A_115 = arith.constant 0 : i32
      %dma_start3A_116 = tpu.memref_slice %arg10[%run_scoped3A_78, %dma_start3A, %dma_start3A_115] : memref<2x96x128xf32, #tpu.memory_space<vmem>> -> memref<1x96x128xf32, #tpu.memory_space<vmem>>
      %dma_start3A_117 = tpu.memref_squeeze %dma_start3A_116 : memref<1x96x128xf32, #tpu.memory_space<vmem>> -> memref<96x128xf32, #tpu.memory_space<vmem>>
      %dma_start3A_118 = arith.constant 0 : i32
      %dma_start3A_119 = tpu.memref_slice %arg11[%add3A_77, %dma_start3A_118] : memref<10240x128xf32, #tpu.memory_space<vmem_shared>> -> memref<96x128xf32, #tpu.memory_space<vmem_shared>>
      %dma_start3A_120 = arith.constant 0 : i32
      %dma_start3A_121 = arith.constant 0 : i32
      %dma_start3A_122 = tpu.memref_slice %arg10[%run_scoped3A_78, %dma_start3A_120, %dma_start3A_121] : memref<2x96x128xf32, #tpu.memory_space<vmem>> -> memref<1x96x128xf32, #tpu.memory_space<vmem>>
      %dma_start3A_123 = tpu.memref_squeeze %dma_start3A_122 : memref<1x96x128xf32, #tpu.memory_space<vmem>> -> memref<96x128xf32, #tpu.memory_space<vmem>>
      %dma_start3A_124 = arith.constant 0 : i32
      %dma_start3A_125 = tpu.memref_slice %arg11[%add3A_77, %dma_start3A_124] : memref<10240x128xf32, #tpu.memory_space<vmem_shared>> -> memref<96x128xf32, #tpu.memory_space<vmem_shared>>
      tpu.enqueue_dma source(%dma_start3A_125 : memref<96x128xf32, #tpu.memory_space<vmem_shared>>) target(%dma_start3A_123 : memref<96x128xf32, #tpu.memory_space<vmem>>) target_semaphore(%run_scoped3A_114 : memref<!tpu.dma_semaphore, #tpu.memory_space<semaphore_mem>>)
      %dma_wait3A = arith.constant 0 : i32
      %dma_wait3A_126 = arith.constant 0 : i32
      %dma_wait3A_127 = tpu.memref_slice %arg10[%run_scoped3A_78, %dma_wait3A, %dma_wait3A_126] : memref<2x96x128xf32, #tpu.memory_space<vmem>> -> memref<1x96x128xf32, #tpu.memory_space<vmem>>
      %dma_wait3A_128 = tpu.memref_squeeze %dma_wait3A_127 : memref<1x96x128xf32, #tpu.memory_space<vmem>> -> memref<96x128xf32, #tpu.memory_space<vmem>>
      %dma_wait3A_129 = arith.constant 0 : i32
      %dma_wait3A_130 = tpu.memref_slice %arg11[%add3A_77, %dma_wait3A_129] : memref<10240x128xf32, #tpu.memory_space<vmem_shared>> -> memref<96x128xf32, #tpu.memory_space<vmem_shared>>
      %dma_wait3A_131 = arith.constant 0 : i32
      %dma_wait3A_132 = arith.constant 0 : i32
      %dma_wait3A_133 = tpu.memref_slice %arg10[%run_scoped3A_78, %dma_wait3A_131, %dma_wait3A_132] : memref<2x96x128xf32, #tpu.memory_space<vmem>> -> memref<1x96x128xf32, #tpu.memory_space<vmem>>
      %dma_wait3A_134 = tpu.memref_squeeze %dma_wait3A_133 : memref<1x96x128xf32, #tpu.memory_space<vmem>> -> memref<96x128xf32, #tpu.memory_space<vmem>>
      %dma_wait3A_135 = arith.constant 0 : i32
      %dma_wait3A_136 = tpu.memref_slice %arg11[%add3A_77, %dma_wait3A_135] : memref<10240x128xf32, #tpu.memory_space<vmem_shared>> -> memref<96x128xf32, #tpu.memory_space<vmem_shared>>
      tpu.wait_dma2 semaphore(%run_scoped3A_114 : memref<!tpu.dma_semaphore, #tpu.memory_space<semaphore_mem>>) src(%dma_wait3A_136 : memref<96x128xf32, #tpu.memory_space<vmem_shared>>) dst(%dma_wait3A_134 : memref<96x128xf32, #tpu.memory_space<vmem>>)
      tpu.yield
    }) : () -> ()
    %add3A_79 = arith.constant 192 : i32
    %add3A_80 = arith.addi %add3A_57, %add3A_79 : i32
    %run_scoped3A_81 = arith.constant 0 : i32
    "tpu.region"() ({
      %run_scoped3A_114 = tpu.sem_alloc : memref<!tpu.dma_semaphore, #tpu.memory_space<semaphore_mem>>
      %dma_start3A = arith.constant 0 : i32
      %dma_start3A_115 = arith.constant 0 : i32
      %dma_start3A_116 = tpu.memref_slice %arg10[%run_scoped3A_81, %dma_start3A, %dma_start3A_115] : memref<2x96x128xf32, #tpu.memory_space<vmem>> -> memref<1x96x128xf32, #tpu.memory_space<vmem>>
      %dma_start3A_117 = tpu.memref_squeeze %dma_start3A_116 : memref<1x96x128xf32, #tpu.memory_space<vmem>> -> memref<96x128xf32, #tpu.memory_space<vmem>>
      %dma_start3A_118 = arith.constant 0 : i32
      %dma_start3A_119 = tpu.memref_slice %arg6[%add3A_80, %dma_start3A_118] : memref<20480x128xf32, #tpu.memory_space<hbm>> -> memref<96x128xf32, #tpu.memory_space<hbm>>
      %dma_start3A_120 = arith.constant 0 : i32
      %dma_start3A_121 = tpu.memref_slice %arg6[%add3A_80, %dma_start3A_120] : memref<20480x128xf32, #tpu.memory_space<hbm>> -> memref<96x128xf32, #tpu.memory_space<hbm>>
      %dma_start3A_122 = arith.constant 0 : i32
      %dma_start3A_123 = arith.constant 0 : i32
      %dma_start3A_124 = tpu.memref_slice %arg10[%run_scoped3A_81, %dma_start3A_122, %dma_start3A_123] : memref<2x96x128xf32, #tpu.memory_space<vmem>> -> memref<1x96x128xf32, #tpu.memory_space<vmem>>
      %dma_start3A_125 = tpu.memref_squeeze %dma_start3A_124 : memref<1x96x128xf32, #tpu.memory_space<vmem>> -> memref<96x128xf32, #tpu.memory_space<vmem>>
      tpu.enqueue_dma source(%dma_start3A_125 : memref<96x128xf32, #tpu.memory_space<vmem>>) target(%dma_start3A_121 : memref<96x128xf32, #tpu.memory_space<hbm>>) target_semaphore(%run_scoped3A_114 : memref<!tpu.dma_semaphore, #tpu.memory_space<semaphore_mem>>)
      %dma_wait3A = arith.constant 0 : i32
      %dma_wait3A_126 = arith.constant 0 : i32
      %dma_wait3A_127 = tpu.memref_slice %arg10[%run_scoped3A_81, %dma_wait3A, %dma_wait3A_126] : memref<2x96x128xf32, #tpu.memory_space<vmem>> -> memref<1x96x128xf32, #tpu.memory_space<vmem>>
      %dma_wait3A_128 = tpu.memref_squeeze %dma_wait3A_127 : memref<1x96x128xf32, #tpu.memory_space<vmem>> -> memref<96x128xf32, #tpu.memory_space<vmem>>
      %dma_wait3A_129 = arith.constant 0 : i32
      %dma_wait3A_130 = tpu.memref_slice %arg6[%add3A_80, %dma_wait3A_129] : memref<20480x128xf32, #tpu.memory_space<hbm>> -> memref<96x128xf32, #tpu.memory_space<hbm>>
      %dma_wait3A_131 = arith.constant 0 : i32
      %dma_wait3A_132 = tpu.memref_slice %arg6[%add3A_80, %dma_wait3A_131] : memref<20480x128xf32, #tpu.memory_space<hbm>> -> memref<96x128xf32, #tpu.memory_space<hbm>>
      %dma_wait3A_133 = arith.constant 0 : i32
      %dma_wait3A_134 = arith.constant 0 : i32
      %dma_wait3A_135 = tpu.memref_slice %arg10[%run_scoped3A_81, %dma_wait3A_133, %dma_wait3A_134] : memref<2x96x128xf32, #tpu.memory_space<vmem>> -> memref<1x96x128xf32, #tpu.memory_space<vmem>>
      %dma_wait3A_136 = tpu.memref_squeeze %dma_wait3A_135 : memref<1x96x128xf32, #tpu.memory_space<vmem>> -> memref<96x128xf32, #tpu.memory_space<vmem>>
      tpu.wait_dma2 semaphore(%run_scoped3A_114 : memref<!tpu.dma_semaphore, #tpu.memory_space<semaphore_mem>>) src(%dma_wait3A_136 : memref<96x128xf32, #tpu.memory_space<vmem>>) dst(%dma_wait3A_132 : memref<96x128xf32, #tpu.memory_space<hbm>>)
      tpu.yield
    }) : () -> ()
    %mul3A_82 = arith.constant 640 : i32
    %mul3A_83 = arith.muli %arg1, %mul3A_82 : i32
    %add3A_84 = arith.constant 288 : i32
    %add3A_85 = arith.addi %mul3A_83, %add3A_84 : i32
    %run_scoped3A_86 = arith.constant 0 : i32
    "tpu.region"() ({
      %run_scoped3A_114 = tpu.sem_alloc : memref<!tpu.dma_semaphore, #tpu.memory_space<semaphore_mem>>
      %dma_start3A = arith.constant 0 : i32
      %dma_start3A_115 = arith.constant 0 : i32
      %dma_start3A_116 = tpu.memref_slice %arg10[%run_scoped3A_86, %dma_start3A, %dma_start3A_115] : memref<2x96x128xf32, #tpu.memory_space<vmem>> -> memref<1x96x128xf32, #tpu.memory_space<vmem>>
      %dma_start3A_117 = tpu.memref_squeeze %dma_start3A_116 : memref<1x96x128xf32, #tpu.memory_space<vmem>> -> memref<96x128xf32, #tpu.memory_space<vmem>>
      %dma_start3A_118 = arith.constant 0 : i32
      %dma_start3A_119 = tpu.memref_slice %arg11[%add3A_85, %dma_start3A_118] : memref<10240x128xf32, #tpu.memory_space<vmem_shared>> -> memref<96x128xf32, #tpu.memory_space<vmem_shared>>
      %dma_start3A_120 = arith.constant 0 : i32
      %dma_start3A_121 = arith.constant 0 : i32
      %dma_start3A_122 = tpu.memref_slice %arg10[%run_scoped3A_86, %dma_start3A_120, %dma_start3A_121] : memref<2x96x128xf32, #tpu.memory_space<vmem>> -> memref<1x96x128xf32, #tpu.memory_space<vmem>>
      %dma_start3A_123 = tpu.memref_squeeze %dma_start3A_122 : memref<1x96x128xf32, #tpu.memory_space<vmem>> -> memref<96x128xf32, #tpu.memory_space<vmem>>
      %dma_start3A_124 = arith.constant 0 : i32
      %dma_start3A_125 = tpu.memref_slice %arg11[%add3A_85, %dma_start3A_124] : memref<10240x128xf32, #tpu.memory_space<vmem_shared>> -> memref<96x128xf32, #tpu.memory_space<vmem_shared>>
      tpu.enqueue_dma source(%dma_start3A_125 : memref<96x128xf32, #tpu.memory_space<vmem_shared>>) target(%dma_start3A_123 : memref<96x128xf32, #tpu.memory_space<vmem>>) target_semaphore(%run_scoped3A_114 : memref<!tpu.dma_semaphore, #tpu.memory_space<semaphore_mem>>)
      %dma_wait3A = arith.constant 0 : i32
      %dma_wait3A_126 = arith.constant 0 : i32
      %dma_wait3A_127 = tpu.memref_slice %arg10[%run_scoped3A_86, %dma_wait3A, %dma_wait3A_126] : memref<2x96x128xf32, #tpu.memory_space<vmem>> -> memref<1x96x128xf32, #tpu.memory_space<vmem>>
      %dma_wait3A_128 = tpu.memref_squeeze %dma_wait3A_127 : memref<1x96x128xf32, #tpu.memory_space<vmem>> -> memref<96x128xf32, #tpu.memory_space<vmem>>
      %dma_wait3A_129 = arith.constant 0 : i32
      %dma_wait3A_130 = tpu.memref_slice %arg11[%add3A_85, %dma_wait3A_129] : memref<10240x128xf32, #tpu.memory_space<vmem_shared>> -> memref<96x128xf32, #tpu.memory_space<vmem_shared>>
      %dma_wait3A_131 = arith.constant 0 : i32
      %dma_wait3A_132 = arith.constant 0 : i32
      %dma_wait3A_133 = tpu.memref_slice %arg10[%run_scoped3A_86, %dma_wait3A_131, %dma_wait3A_132] : memref<2x96x128xf32, #tpu.memory_space<vmem>> -> memref<1x96x128xf32, #tpu.memory_space<vmem>>
      %dma_wait3A_134 = tpu.memref_squeeze %dma_wait3A_133 : memref<1x96x128xf32, #tpu.memory_space<vmem>> -> memref<96x128xf32, #tpu.memory_space<vmem>>
      %dma_wait3A_135 = arith.constant 0 : i32
      %dma_wait3A_136 = tpu.memref_slice %arg11[%add3A_85, %dma_wait3A_135] : memref<10240x128xf32, #tpu.memory_space<vmem_shared>> -> memref<96x128xf32, #tpu.memory_space<vmem_shared>>
      tpu.wait_dma2 semaphore(%run_scoped3A_114 : memref<!tpu.dma_semaphore, #tpu.memory_space<semaphore_mem>>) src(%dma_wait3A_136 : memref<96x128xf32, #tpu.memory_space<vmem_shared>>) dst(%dma_wait3A_134 : memref<96x128xf32, #tpu.memory_space<vmem>>)
      tpu.yield
    }) : () -> ()
    %add3A_87 = arith.constant 288 : i32
    %add3A_88 = arith.addi %add3A_57, %add3A_87 : i32
    %run_scoped3A_89 = arith.constant 0 : i32
    "tpu.region"() ({
      %run_scoped3A_114 = tpu.sem_alloc : memref<!tpu.dma_semaphore, #tpu.memory_space<semaphore_mem>>
      %dma_start3A = arith.constant 0 : i32
      %dma_start3A_115 = arith.constant 0 : i32
      %dma_start3A_116 = tpu.memref_slice %arg10[%run_scoped3A_89, %dma_start3A, %dma_start3A_115] : memref<2x96x128xf32, #tpu.memory_space<vmem>> -> memref<1x96x128xf32, #tpu.memory_space<vmem>>
      %dma_start3A_117 = tpu.memref_squeeze %dma_start3A_116 : memref<1x96x128xf32, #tpu.memory_space<vmem>> -> memref<96x128xf32, #tpu.memory_space<vmem>>
      %dma_start3A_118 = arith.constant 0 : i32
      %dma_start3A_119 = tpu.memref_slice %arg6[%add3A_88, %dma_start3A_118] : memref<20480x128xf32, #tpu.memory_space<hbm>> -> memref<96x128xf32, #tpu.memory_space<hbm>>
      %dma_start3A_120 = arith.constant 0 : i32
      %dma_start3A_121 = tpu.memref_slice %arg6[%add3A_88, %dma_start3A_120] : memref<20480x128xf32, #tpu.memory_space<hbm>> -> memref<96x128xf32, #tpu.memory_space<hbm>>
      %dma_start3A_122 = arith.constant 0 : i32
      %dma_start3A_123 = arith.constant 0 : i32
      %dma_start3A_124 = tpu.memref_slice %arg10[%run_scoped3A_89, %dma_start3A_122, %dma_start3A_123] : memref<2x96x128xf32, #tpu.memory_space<vmem>> -> memref<1x96x128xf32, #tpu.memory_space<vmem>>
      %dma_start3A_125 = tpu.memref_squeeze %dma_start3A_124 : memref<1x96x128xf32, #tpu.memory_space<vmem>> -> memref<96x128xf32, #tpu.memory_space<vmem>>
      tpu.enqueue_dma source(%dma_start3A_125 : memref<96x128xf32, #tpu.memory_space<vmem>>) target(%dma_start3A_121 : memref<96x128xf32, #tpu.memory_space<hbm>>) target_semaphore(%run_scoped3A_114 : memref<!tpu.dma_semaphore, #tpu.memory_space<semaphore_mem>>)
      %dma_wait3A = arith.constant 0 : i32
      %dma_wait3A_126 = arith.constant 0 : i32
      %dma_wait3A_127 = tpu.memref_slice %arg10[%run_scoped3A_89, %dma_wait3A, %dma_wait3A_126] : memref<2x96x128xf32, #tpu.memory_space<vmem>> -> memref<1x96x128xf32, #tpu.memory_space<vmem>>
      %dma_wait3A_128 = tpu.memref_squeeze %dma_wait3A_127 : memref<1x96x128xf32, #tpu.memory_space<vmem>> -> memref<96x128xf32, #tpu.memory_space<vmem>>
      %dma_wait3A_129 = arith.constant 0 : i32
      %dma_wait3A_130 = tpu.memref_slice %arg6[%add3A_88, %dma_wait3A_129] : memref<20480x128xf32, #tpu.memory_space<hbm>> -> memref<96x128xf32, #tpu.memory_space<hbm>>
      %dma_wait3A_131 = arith.constant 0 : i32
      %dma_wait3A_132 = tpu.memref_slice %arg6[%add3A_88, %dma_wait3A_131] : memref<20480x128xf32, #tpu.memory_space<hbm>> -> memref<96x128xf32, #tpu.memory_space<hbm>>
      %dma_wait3A_133 = arith.constant 0 : i32
      %dma_wait3A_134 = arith.constant 0 : i32
      %dma_wait3A_135 = tpu.memref_slice %arg10[%run_scoped3A_89, %dma_wait3A_133, %dma_wait3A_134] : memref<2x96x128xf32, #tpu.memory_space<vmem>> -> memref<1x96x128xf32, #tpu.memory_space<vmem>>
      %dma_wait3A_136 = tpu.memref_squeeze %dma_wait3A_135 : memref<1x96x128xf32, #tpu.memory_space<vmem>> -> memref<96x128xf32, #tpu.memory_space<vmem>>
      tpu.wait_dma2 semaphore(%run_scoped3A_114 : memref<!tpu.dma_semaphore, #tpu.memory_space<semaphore_mem>>) src(%dma_wait3A_136 : memref<96x128xf32, #tpu.memory_space<vmem>>) dst(%dma_wait3A_132 : memref<96x128xf32, #tpu.memory_space<hbm>>)
      tpu.yield
    }) : () -> ()
    %mul3A_90 = arith.constant 640 : i32
    %mul3A_91 = arith.muli %arg1, %mul3A_90 : i32
    %add3A_92 = arith.constant 384 : i32
    %add3A_93 = arith.addi %mul3A_91, %add3A_92 : i32
    %run_scoped3A_94 = arith.constant 0 : i32
    "tpu.region"() ({
      %run_scoped3A_114 = tpu.sem_alloc : memref<!tpu.dma_semaphore, #tpu.memory_space<semaphore_mem>>
      %dma_start3A = arith.constant 0 : i32
      %dma_start3A_115 = arith.constant 0 : i32
      %dma_start3A_116 = tpu.memref_slice %arg10[%run_scoped3A_94, %dma_start3A, %dma_start3A_115] : memref<2x96x128xf32, #tpu.memory_space<vmem>> -> memref<1x96x128xf32, #tpu.memory_space<vmem>>
      %dma_start3A_117 = tpu.memref_squeeze %dma_start3A_116 : memref<1x96x128xf32, #tpu.memory_space<vmem>> -> memref<96x128xf32, #tpu.memory_space<vmem>>
      %dma_start3A_118 = arith.constant 0 : i32
      %dma_start3A_119 = tpu.memref_slice %arg11[%add3A_93, %dma_start3A_118] : memref<10240x128xf32, #tpu.memory_space<vmem_shared>> -> memref<96x128xf32, #tpu.memory_space<vmem_shared>>
      %dma_start3A_120 = arith.constant 0 : i32
      %dma_start3A_121 = arith.constant 0 : i32
      %dma_start3A_122 = tpu.memref_slice %arg10[%run_scoped3A_94, %dma_start3A_120, %dma_start3A_121] : memref<2x96x128xf32, #tpu.memory_space<vmem>> -> memref<1x96x128xf32, #tpu.memory_space<vmem>>
      %dma_start3A_123 = tpu.memref_squeeze %dma_start3A_122 : memref<1x96x128xf32, #tpu.memory_space<vmem>> -> memref<96x128xf32, #tpu.memory_space<vmem>>
      %dma_start3A_124 = arith.constant 0 : i32
      %dma_start3A_125 = tpu.memref_slice %arg11[%add3A_93, %dma_start3A_124] : memref<10240x128xf32, #tpu.memory_space<vmem_shared>> -> memref<96x128xf32, #tpu.memory_space<vmem_shared>>
      tpu.enqueue_dma source(%dma_start3A_125 : memref<96x128xf32, #tpu.memory_space<vmem_shared>>) target(%dma_start3A_123 : memref<96x128xf32, #tpu.memory_space<vmem>>) target_semaphore(%run_scoped3A_114 : memref<!tpu.dma_semaphore, #tpu.memory_space<semaphore_mem>>)
      %dma_wait3A = arith.constant 0 : i32
      %dma_wait3A_126 = arith.constant 0 : i32
      %dma_wait3A_127 = tpu.memref_slice %arg10[%run_scoped3A_94, %dma_wait3A, %dma_wait3A_126] : memref<2x96x128xf32, #tpu.memory_space<vmem>> -> memref<1x96x128xf32, #tpu.memory_space<vmem>>
      %dma_wait3A_128 = tpu.memref_squeeze %dma_wait3A_127 : memref<1x96x128xf32, #tpu.memory_space<vmem>> -> memref<96x128xf32, #tpu.memory_space<vmem>>
      %dma_wait3A_129 = arith.constant 0 : i32
      %dma_wait3A_130 = tpu.memref_slice %arg11[%add3A_93, %dma_wait3A_129] : memref<10240x128xf32, #tpu.memory_space<vmem_shared>> -> memref<96x128xf32, #tpu.memory_space<vmem_shared>>
      %dma_wait3A_131 = arith.constant 0 : i32
      %dma_wait3A_132 = arith.constant 0 : i32
      %dma_wait3A_133 = tpu.memref_slice %arg10[%run_scoped3A_94, %dma_wait3A_131, %dma_wait3A_132] : memref<2x96x128xf32, #tpu.memory_space<vmem>> -> memref<1x96x128xf32, #tpu.memory_space<vmem>>
      %dma_wait3A_134 = tpu.memref_squeeze %dma_wait3A_133 : memref<1x96x128xf32, #tpu.memory_space<vmem>> -> memref<96x128xf32, #tpu.memory_space<vmem>>
      %dma_wait3A_135 = arith.constant 0 : i32
      %dma_wait3A_136 = tpu.memref_slice %arg11[%add3A_93, %dma_wait3A_135] : memref<10240x128xf32, #tpu.memory_space<vmem_shared>> -> memref<96x128xf32, #tpu.memory_space<vmem_shared>>
      tpu.wait_dma2 semaphore(%run_scoped3A_114 : memref<!tpu.dma_semaphore, #tpu.memory_space<semaphore_mem>>) src(%dma_wait3A_136 : memref<96x128xf32, #tpu.memory_space<vmem_shared>>) dst(%dma_wait3A_134 : memref<96x128xf32, #tpu.memory_space<vmem>>)
      tpu.yield
    }) : () -> ()
    %add3A_95 = arith.constant 384 : i32
    %add3A_96 = arith.addi %add3A_57, %add3A_95 : i32
    %run_scoped3A_97 = arith.constant 0 : i32
    "tpu.region"() ({
      %run_scoped3A_114 = tpu.sem_alloc : memref<!tpu.dma_semaphore, #tpu.memory_space<semaphore_mem>>
      %dma_start3A = arith.constant 0 : i32
      %dma_start3A_115 = arith.constant 0 : i32
      %dma_start3A_116 = tpu.memref_slice %arg10[%run_scoped3A_97, %dma_start3A, %dma_start3A_115] : memref<2x96x128xf32, #tpu.memory_space<vmem>> -> memref<1x96x128xf32, #tpu.memory_space<vmem>>
      %dma_start3A_117 = tpu.memref_squeeze %dma_start3A_116 : memref<1x96x128xf32, #tpu.memory_space<vmem>> -> memref<96x128xf32, #tpu.memory_space<vmem>>
      %dma_start3A_118 = arith.constant 0 : i32
      %dma_start3A_119 = tpu.memref_slice %arg6[%add3A_96, %dma_start3A_118] : memref<20480x128xf32, #tpu.memory_space<hbm>> -> memref<96x128xf32, #tpu.memory_space<hbm>>
      %dma_start3A_120 = arith.constant 0 : i32
      %dma_start3A_121 = tpu.memref_slice %arg6[%add3A_96, %dma_start3A_120] : memref<20480x128xf32, #tpu.memory_space<hbm>> -> memref<96x128xf32, #tpu.memory_space<hbm>>
      %dma_start3A_122 = arith.constant 0 : i32
      %dma_start3A_123 = arith.constant 0 : i32
      %dma_start3A_124 = tpu.memref_slice %arg10[%run_scoped3A_97, %dma_start3A_122, %dma_start3A_123] : memref<2x96x128xf32, #tpu.memory_space<vmem>> -> memref<1x96x128xf32, #tpu.memory_space<vmem>>
      %dma_start3A_125 = tpu.memref_squeeze %dma_start3A_124 : memref<1x96x128xf32, #tpu.memory_space<vmem>> -> memref<96x128xf32, #tpu.memory_space<vmem>>
      tpu.enqueue_dma source(%dma_start3A_125 : memref<96x128xf32, #tpu.memory_space<vmem>>) target(%dma_start3A_121 : memref<96x128xf32, #tpu.memory_space<hbm>>) target_semaphore(%run_scoped3A_114 : memref<!tpu.dma_semaphore, #tpu.memory_space<semaphore_mem>>)
      %dma_wait3A = arith.constant 0 : i32
      %dma_wait3A_126 = arith.constant 0 : i32
      %dma_wait3A_127 = tpu.memref_slice %arg10[%run_scoped3A_97, %dma_wait3A, %dma_wait3A_126] : memref<2x96x128xf32, #tpu.memory_space<vmem>> -> memref<1x96x128xf32, #tpu.memory_space<vmem>>
      %dma_wait3A_128 = tpu.memref_squeeze %dma_wait3A_127 : memref<1x96x128xf32, #tpu.memory_space<vmem>> -> memref<96x128xf32, #tpu.memory_space<vmem>>
      %dma_wait3A_129 = arith.constant 0 : i32
      %dma_wait3A_130 = tpu.memref_slice %arg6[%add3A_96, %dma_wait3A_129] : memref<20480x128xf32, #tpu.memory_space<hbm>> -> memref<96x128xf32, #tpu.memory_space<hbm>>
      %dma_wait3A_131 = arith.constant 0 : i32
      %dma_wait3A_132 = tpu.memref_slice %arg6[%add3A_96, %dma_wait3A_131] : memref<20480x128xf32, #tpu.memory_space<hbm>> -> memref<96x128xf32, #tpu.memory_space<hbm>>
      %dma_wait3A_133 = arith.constant 0 : i32
      %dma_wait3A_134 = arith.constant 0 : i32
      %dma_wait3A_135 = tpu.memref_slice %arg10[%run_scoped3A_97, %dma_wait3A_133, %dma_wait3A_134] : memref<2x96x128xf32, #tpu.memory_space<vmem>> -> memref<1x96x128xf32, #tpu.memory_space<vmem>>
      %dma_wait3A_136 = tpu.memref_squeeze %dma_wait3A_135 : memref<1x96x128xf32, #tpu.memory_space<vmem>> -> memref<96x128xf32, #tpu.memory_space<vmem>>
      tpu.wait_dma2 semaphore(%run_scoped3A_114 : memref<!tpu.dma_semaphore, #tpu.memory_space<semaphore_mem>>) src(%dma_wait3A_136 : memref<96x128xf32, #tpu.memory_space<vmem>>) dst(%dma_wait3A_132 : memref<96x128xf32, #tpu.memory_space<hbm>>)
      tpu.yield
    }) : () -> ()
    %mul3A_98 = arith.constant 640 : i32
    %mul3A_99 = arith.muli %arg1, %mul3A_98 : i32
    %add3A_100 = arith.constant 480 : i32
    %add3A_101 = arith.addi %mul3A_99, %add3A_100 : i32
    %run_scoped3A_102 = arith.constant 0 : i32
    "tpu.region"() ({
      %run_scoped3A_114 = tpu.sem_alloc : memref<!tpu.dma_semaphore, #tpu.memory_space<semaphore_mem>>
      %dma_start3A = arith.constant 0 : i32
      %dma_start3A_115 = arith.constant 0 : i32
      %dma_start3A_116 = tpu.memref_slice %arg10[%run_scoped3A_102, %dma_start3A, %dma_start3A_115] : memref<2x96x128xf32, #tpu.memory_space<vmem>> -> memref<1x96x128xf32, #tpu.memory_space<vmem>>
      %dma_start3A_117 = tpu.memref_squeeze %dma_start3A_116 : memref<1x96x128xf32, #tpu.memory_space<vmem>> -> memref<96x128xf32, #tpu.memory_space<vmem>>
      %dma_start3A_118 = arith.constant 0 : i32
      %dma_start3A_119 = tpu.memref_slice %arg11[%add3A_101, %dma_start3A_118] : memref<10240x128xf32, #tpu.memory_space<vmem_shared>> -> memref<96x128xf32, #tpu.memory_space<vmem_shared>>
      %dma_start3A_120 = arith.constant 0 : i32
      %dma_start3A_121 = arith.constant 0 : i32
      %dma_start3A_122 = tpu.memref_slice %arg10[%run_scoped3A_102, %dma_start3A_120, %dma_start3A_121] : memref<2x96x128xf32, #tpu.memory_space<vmem>> -> memref<1x96x128xf32, #tpu.memory_space<vmem>>
      %dma_start3A_123 = tpu.memref_squeeze %dma_start3A_122 : memref<1x96x128xf32, #tpu.memory_space<vmem>> -> memref<96x128xf32, #tpu.memory_space<vmem>>
      %dma_start3A_124 = arith.constant 0 : i32
      %dma_start3A_125 = tpu.memref_slice %arg11[%add3A_101, %dma_start3A_124] : memref<10240x128xf32, #tpu.memory_space<vmem_shared>> -> memref<96x128xf32, #tpu.memory_space<vmem_shared>>
      tpu.enqueue_dma source(%dma_start3A_125 : memref<96x128xf32, #tpu.memory_space<vmem_shared>>) target(%dma_start3A_123 : memref<96x128xf32, #tpu.memory_space<vmem>>) target_semaphore(%run_scoped3A_114 : memref<!tpu.dma_semaphore, #tpu.memory_space<semaphore_mem>>)
      %dma_wait3A = arith.constant 0 : i32
      %dma_wait3A_126 = arith.constant 0 : i32
      %dma_wait3A_127 = tpu.memref_slice %arg10[%run_scoped3A_102, %dma_wait3A, %dma_wait3A_126] : memref<2x96x128xf32, #tpu.memory_space<vmem>> -> memref<1x96x128xf32, #tpu.memory_space<vmem>>
      %dma_wait3A_128 = tpu.memref_squeeze %dma_wait3A_127 : memref<1x96x128xf32, #tpu.memory_space<vmem>> -> memref<96x128xf32, #tpu.memory_space<vmem>>
      %dma_wait3A_129 = arith.constant 0 : i32
      %dma_wait3A_130 = tpu.memref_slice %arg11[%add3A_101, %dma_wait3A_129] : memref<10240x128xf32, #tpu.memory_space<vmem_shared>> -> memref<96x128xf32, #tpu.memory_space<vmem_shared>>
      %dma_wait3A_131 = arith.constant 0 : i32
      %dma_wait3A_132 = arith.constant 0 : i32
      %dma_wait3A_133 = tpu.memref_slice %arg10[%run_scoped3A_102, %dma_wait3A_131, %dma_wait3A_132] : memref<2x96x128xf32, #tpu.memory_space<vmem>> -> memref<1x96x128xf32, #tpu.memory_space<vmem>>
      %dma_wait3A_134 = tpu.memref_squeeze %dma_wait3A_133 : memref<1x96x128xf32, #tpu.memory_space<vmem>> -> memref<96x128xf32, #tpu.memory_space<vmem>>
      %dma_wait3A_135 = arith.constant 0 : i32
      %dma_wait3A_136 = tpu.memref_slice %arg11[%add3A_101, %dma_wait3A_135] : memref<10240x128xf32, #tpu.memory_space<vmem_shared>> -> memref<96x128xf32, #tpu.memory_space<vmem_shared>>
      tpu.wait_dma2 semaphore(%run_scoped3A_114 : memref<!tpu.dma_semaphore, #tpu.memory_space<semaphore_mem>>) src(%dma_wait3A_136 : memref<96x128xf32, #tpu.memory_space<vmem_shared>>) dst(%dma_wait3A_134 : memref<96x128xf32, #tpu.memory_space<vmem>>)
      tpu.yield
    }) : () -> ()
    %add3A_103 = arith.constant 480 : i32
    %add3A_104 = arith.addi %add3A_57, %add3A_103 : i32
    %run_scoped3A_105 = arith.constant 0 : i32
    "tpu.region"() ({
      %run_scoped3A_114 = tpu.sem_alloc : memref<!tpu.dma_semaphore, #tpu.memory_space<semaphore_mem>>
      %dma_start3A = arith.constant 0 : i32
      %dma_start3A_115 = arith.constant 0 : i32
      %dma_start3A_116 = tpu.memref_slice %arg10[%run_scoped3A_105, %dma_start3A, %dma_start3A_115] : memref<2x96x128xf32, #tpu.memory_space<vmem>> -> memref<1x96x128xf32, #tpu.memory_space<vmem>>
      %dma_start3A_117 = tpu.memref_squeeze %dma_start3A_116 : memref<1x96x128xf32, #tpu.memory_space<vmem>> -> memref<96x128xf32, #tpu.memory_space<vmem>>
      %dma_start3A_118 = arith.constant 0 : i32
      %dma_start3A_119 = tpu.memref_slice %arg6[%add3A_104, %dma_start3A_118] : memref<20480x128xf32, #tpu.memory_space<hbm>> -> memref<96x128xf32, #tpu.memory_space<hbm>>
      %dma_start3A_120 = arith.constant 0 : i32
      %dma_start3A_121 = tpu.memref_slice %arg6[%add3A_104, %dma_start3A_120] : memref<20480x128xf32, #tpu.memory_space<hbm>> -> memref<96x128xf32, #tpu.memory_space<hbm>>
      %dma_start3A_122 = arith.constant 0 : i32
      %dma_start3A_123 = arith.constant 0 : i32
      %dma_start3A_124 = tpu.memref_slice %arg10[%run_scoped3A_105, %dma_start3A_122, %dma_start3A_123] : memref<2x96x128xf32, #tpu.memory_space<vmem>> -> memref<1x96x128xf32, #tpu.memory_space<vmem>>
      %dma_start3A_125 = tpu.memref_squeeze %dma_start3A_124 : memref<1x96x128xf32, #tpu.memory_space<vmem>> -> memref<96x128xf32, #tpu.memory_space<vmem>>
      tpu.enqueue_dma source(%dma_start3A_125 : memref<96x128xf32, #tpu.memory_space<vmem>>) target(%dma_start3A_121 : memref<96x128xf32, #tpu.memory_space<hbm>>) target_semaphore(%run_scoped3A_114 : memref<!tpu.dma_semaphore, #tpu.memory_space<semaphore_mem>>)
      %dma_wait3A = arith.constant 0 : i32
      %dma_wait3A_126 = arith.constant 0 : i32
      %dma_wait3A_127 = tpu.memref_slice %arg10[%run_scoped3A_105, %dma_wait3A, %dma_wait3A_126] : memref<2x96x128xf32, #tpu.memory_space<vmem>> -> memref<1x96x128xf32, #tpu.memory_space<vmem>>
      %dma_wait3A_128 = tpu.memref_squeeze %dma_wait3A_127 : memref<1x96x128xf32, #tpu.memory_space<vmem>> -> memref<96x128xf32, #tpu.memory_space<vmem>>
      %dma_wait3A_129 = arith.constant 0 : i32
      %dma_wait3A_130 = tpu.memref_slice %arg6[%add3A_104, %dma_wait3A_129] : memref<20480x128xf32, #tpu.memory_space<hbm>> -> memref<96x128xf32, #tpu.memory_space<hbm>>
      %dma_wait3A_131 = arith.constant 0 : i32
      %dma_wait3A_132 = tpu.memref_slice %arg6[%add3A_104, %dma_wait3A_131] : memref<20480x128xf32, #tpu.memory_space<hbm>> -> memref<96x128xf32, #tpu.memory_space<hbm>>
      %dma_wait3A_133 = arith.constant 0 : i32
      %dma_wait3A_134 = arith.constant 0 : i32
      %dma_wait3A_135 = tpu.memref_slice %arg10[%run_scoped3A_105, %dma_wait3A_133, %dma_wait3A_134] : memref<2x96x128xf32, #tpu.memory_space<vmem>> -> memref<1x96x128xf32, #tpu.memory_space<vmem>>
      %dma_wait3A_136 = tpu.memref_squeeze %dma_wait3A_135 : memref<1x96x128xf32, #tpu.memory_space<vmem>> -> memref<96x128xf32, #tpu.memory_space<vmem>>
      tpu.wait_dma2 semaphore(%run_scoped3A_114 : memref<!tpu.dma_semaphore, #tpu.memory_space<semaphore_mem>>) src(%dma_wait3A_136 : memref<96x128xf32, #tpu.memory_space<vmem>>) dst(%dma_wait3A_132 : memref<96x128xf32, #tpu.memory_space<hbm>>)
      tpu.yield
    }) : () -> ()
    %mul3A_106 = arith.constant 640 : i32
    %mul3A_107 = arith.muli %arg1, %mul3A_106 : i32
    %add3A_108 = arith.constant 576 : i32
    %add3A_109 = arith.addi %mul3A_107, %add3A_108 : i32
    %run_scoped3A_110 = arith.constant 0 : i32
    "tpu.region"() ({
      %run_scoped3A_114 = tpu.sem_alloc : memref<!tpu.dma_semaphore, #tpu.memory_space<semaphore_mem>>
      %dma_start3A = arith.constant 0 : i32
      %dma_start3A_115 = arith.constant 0 : i32
      %dma_start3A_116 = tpu.memref_slice %arg10[%run_scoped3A_110, %dma_start3A, %dma_start3A_115] : memref<2x96x128xf32, #tpu.memory_space<vmem>> -> memref<1x96x128xf32, #tpu.memory_space<vmem>>
      %dma_start3A_117 = tpu.memref_squeeze %dma_start3A_116 : memref<1x96x128xf32, #tpu.memory_space<vmem>> -> memref<96x128xf32, #tpu.memory_space<vmem>>
      %dma_start3A_118 = arith.constant 0 : i32
      %dma_start3A_119 = arith.constant 0 : i32
      %dma_start3A_120 = tpu.memref_slice %dma_start3A_117[%dma_start3A_118, %dma_start3A_119] : memref<96x128xf32, #tpu.memory_space<vmem>> -> memref<64x128xf32, #tpu.memory_space<vmem>>
      %dma_start3A_121 = arith.constant 0 : i32
      %dma_start3A_122 = tpu.memref_slice %arg11[%add3A_109, %dma_start3A_121] : memref<10240x128xf32, #tpu.memory_space<vmem_shared>> -> memref<64x128xf32, #tpu.memory_space<vmem_shared>>
      %dma_start3A_123 = arith.constant 0 : i32
      %dma_start3A_124 = arith.constant 0 : i32
      %dma_start3A_125 = tpu.memref_slice %arg10[%run_scoped3A_110, %dma_start3A_123, %dma_start3A_124] : memref<2x96x128xf32, #tpu.memory_space<vmem>> -> memref<1x96x128xf32, #tpu.memory_space<vmem>>
      %dma_start3A_126 = tpu.memref_squeeze %dma_start3A_125 : memref<1x96x128xf32, #tpu.memory_space<vmem>> -> memref<96x128xf32, #tpu.memory_space<vmem>>
      %dma_start3A_127 = arith.constant 0 : i32
      %dma_start3A_128 = arith.constant 0 : i32
      %dma_start3A_129 = tpu.memref_slice %dma_start3A_126[%dma_start3A_127, %dma_start3A_128] : memref<96x128xf32, #tpu.memory_space<vmem>> -> memref<64x128xf32, #tpu.memory_space<vmem>>
      %dma_start3A_130 = arith.constant 0 : i32
      %dma_start3A_131 = tpu.memref_slice %arg11[%add3A_109, %dma_start3A_130] : memref<10240x128xf32, #tpu.memory_space<vmem_shared>> -> memref<64x128xf32, #tpu.memory_space<vmem_shared>>
      tpu.enqueue_dma source(%dma_start3A_131 : memref<64x128xf32, #tpu.memory_space<vmem_shared>>) target(%dma_start3A_129 : memref<64x128xf32, #tpu.memory_space<vmem>>) target_semaphore(%run_scoped3A_114 : memref<!tpu.dma_semaphore, #tpu.memory_space<semaphore_mem>>)
      %dma_wait3A = arith.constant 0 : i32
      %dma_wait3A_132 = arith.constant 0 : i32
      %dma_wait3A_133 = tpu.memref_slice %arg10[%run_scoped3A_110, %dma_wait3A, %dma_wait3A_132] : memref<2x96x128xf32, #tpu.memory_space<vmem>> -> memref<1x96x128xf32, #tpu.memory_space<vmem>>
      %dma_wait3A_134 = tpu.memref_squeeze %dma_wait3A_133 : memref<1x96x128xf32, #tpu.memory_space<vmem>> -> memref<96x128xf32, #tpu.memory_space<vmem>>
      %dma_wait3A_135 = arith.constant 0 : i32
      %dma_wait3A_136 = arith.constant 0 : i32
      %dma_wait3A_137 = tpu.memref_slice %dma_wait3A_134[%dma_wait3A_135, %dma_wait3A_136] : memref<96x128xf32, #tpu.memory_space<vmem>> -> memref<64x128xf32, #tpu.memory_space<vmem>>
      %dma_wait3A_138 = arith.constant 0 : i32
      %dma_wait3A_139 = tpu.memref_slice %arg11[%add3A_109, %dma_wait3A_138] : memref<10240x128xf32, #tpu.memory_space<vmem_shared>> -> memref<64x128xf32, #tpu.memory_space<vmem_shared>>
      %dma_wait3A_140 = arith.constant 0 : i32
      %dma_wait3A_141 = arith.constant 0 : i32
      %dma_wait3A_142 = tpu.memref_slice %arg10[%run_scoped3A_110, %dma_wait3A_140, %dma_wait3A_141] : memref<2x96x128xf32, #tpu.memory_space<vmem>> -> memref<1x96x128xf32, #tpu.memory_space<vmem>>
      %dma_wait3A_143 = tpu.memref_squeeze %dma_wait3A_142 : memref<1x96x128xf32, #tpu.memory_space<vmem>> -> memref<96x128xf32, #tpu.memory_space<vmem>>
      %dma_wait3A_144 = arith.constant 0 : i32
      %dma_wait3A_145 = arith.constant 0 : i32
      %dma_wait3A_146 = tpu.memref_slice %dma_wait3A_143[%dma_wait3A_144, %dma_wait3A_145] : memref<96x128xf32, #tpu.memory_space<vmem>> -> memref<64x128xf32, #tpu.memory_space<vmem>>
      %dma_wait3A_147 = arith.constant 0 : i32
      %dma_wait3A_148 = tpu.memref_slice %arg11[%add3A_109, %dma_wait3A_147] : memref<10240x128xf32, #tpu.memory_space<vmem_shared>> -> memref<64x128xf32, #tpu.memory_space<vmem_shared>>
      tpu.wait_dma2 semaphore(%run_scoped3A_114 : memref<!tpu.dma_semaphore, #tpu.memory_space<semaphore_mem>>) src(%dma_wait3A_148 : memref<64x128xf32, #tpu.memory_space<vmem_shared>>) dst(%dma_wait3A_146 : memref<64x128xf32, #tpu.memory_space<vmem>>)
      tpu.yield
    }) : () -> ()
    %add3A_111 = arith.constant 576 : i32
    %add3A_112 = arith.addi %add3A_57, %add3A_111 : i32
    %run_scoped3A_113 = arith.constant 0 : i32
    "tpu.region"() ({
      %run_scoped3A_114 = tpu.sem_alloc : memref<!tpu.dma_semaphore, #tpu.memory_space<semaphore_mem>>
      %dma_start3A = arith.constant 0 : i32
      %dma_start3A_115 = arith.constant 0 : i32
      %dma_start3A_116 = tpu.memref_slice %arg10[%run_scoped3A_113, %dma_start3A, %dma_start3A_115] : memref<2x96x128xf32, #tpu.memory_space<vmem>> -> memref<1x96x128xf32, #tpu.memory_space<vmem>>
      %dma_start3A_117 = tpu.memref_squeeze %dma_start3A_116 : memref<1x96x128xf32, #tpu.memory_space<vmem>> -> memref<96x128xf32, #tpu.memory_space<vmem>>
      %dma_start3A_118 = arith.constant 0 : i32
      %dma_start3A_119 = arith.constant 0 : i32
      %dma_start3A_120 = tpu.memref_slice %dma_start3A_117[%dma_start3A_118, %dma_start3A_119] : memref<96x128xf32, #tpu.memory_space<vmem>> -> memref<64x128xf32, #tpu.memory_space<vmem>>
      %dma_start3A_121 = arith.constant 0 : i32
      %dma_start3A_122 = tpu.memref_slice %arg6[%add3A_112, %dma_start3A_121] : memref<20480x128xf32, #tpu.memory_space<hbm>> -> memref<64x128xf32, #tpu.memory_space<hbm>>
      %dma_start3A_123 = arith.constant 0 : i32
      %dma_start3A_124 = tpu.memref_slice %arg6[%add3A_112, %dma_start3A_123] : memref<20480x128xf32, #tpu.memory_space<hbm>> -> memref<64x128xf32, #tpu.memory_space<hbm>>
      %dma_start3A_125 = arith.constant 0 : i32
      %dma_start3A_126 = arith.constant 0 : i32
      %dma_start3A_127 = tpu.memref_slice %arg10[%run_scoped3A_113, %dma_start3A_125, %dma_start3A_126] : memref<2x96x128xf32, #tpu.memory_space<vmem>> -> memref<1x96x128xf32, #tpu.memory_space<vmem>>
      %dma_start3A_128 = tpu.memref_squeeze %dma_start3A_127 : memref<1x96x128xf32, #tpu.memory_space<vmem>> -> memref<96x128xf32, #tpu.memory_space<vmem>>
      %dma_start3A_129 = arith.constant 0 : i32
      %dma_start3A_130 = arith.constant 0 : i32
      %dma_start3A_131 = tpu.memref_slice %dma_start3A_128[%dma_start3A_129, %dma_start3A_130] : memref<96x128xf32, #tpu.memory_space<vmem>> -> memref<64x128xf32, #tpu.memory_space<vmem>>
      tpu.enqueue_dma source(%dma_start3A_131 : memref<64x128xf32, #tpu.memory_space<vmem>>) target(%dma_start3A_124 : memref<64x128xf32, #tpu.memory_space<hbm>>) target_semaphore(%run_scoped3A_114 : memref<!tpu.dma_semaphore, #tpu.memory_space<semaphore_mem>>)
      %dma_wait3A = arith.constant 0 : i32
      %dma_wait3A_132 = arith.constant 0 : i32
      %dma_wait3A_133 = tpu.memref_slice %arg10[%run_scoped3A_113, %dma_wait3A, %dma_wait3A_132] : memref<2x96x128xf32, #tpu.memory_space<vmem>> -> memref<1x96x128xf32, #tpu.memory_space<vmem>>
      %dma_wait3A_134 = tpu.memref_squeeze %dma_wait3A_133 : memref<1x96x128xf32, #tpu.memory_space<vmem>> -> memref<96x128xf32, #tpu.memory_space<vmem>>
      %dma_wait3A_135 = arith.constant 0 : i32
      %dma_wait3A_136 = arith.constant 0 : i32
      %dma_wait3A_137 = tpu.memref_slice %dma_wait3A_134[%dma_wait3A_135, %dma_wait3A_136] : memref<96x128xf32, #tpu.memory_space<vmem>> -> memref<64x128xf32, #tpu.memory_space<vmem>>
      %dma_wait3A_138 = arith.constant 0 : i32
      %dma_wait3A_139 = tpu.memref_slice %arg6[%add3A_112, %dma_wait3A_138] : memref<20480x128xf32, #tpu.memory_space<hbm>> -> memref<64x128xf32, #tpu.memory_space<hbm>>
      %dma_wait3A_140 = arith.constant 0 : i32
      %dma_wait3A_141 = tpu.memref_slice %arg6[%add3A_112, %dma_wait3A_140] : memref<20480x128xf32, #tpu.memory_space<hbm>> -> memref<64x128xf32, #tpu.memory_space<hbm>>
      %dma_wait3A_142 = arith.constant 0 : i32
      %dma_wait3A_143 = arith.constant 0 : i32
      %dma_wait3A_144 = tpu.memref_slice %arg10[%run_scoped3A_113, %dma_wait3A_142, %dma_wait3A_143] : memref<2x96x128xf32, #tpu.memory_space<vmem>> -> memref<1x96x128xf32, #tpu.memory_space<vmem>>
      %dma_wait3A_145 = tpu.memref_squeeze %dma_wait3A_144 : memref<1x96x128xf32, #tpu.memory_space<vmem>> -> memref<96x128xf32, #tpu.memory_space<vmem>>
      %dma_wait3A_146 = arith.constant 0 : i32
      %dma_wait3A_147 = arith.constant 0 : i32
      %dma_wait3A_148 = tpu.memref_slice %dma_wait3A_145[%dma_wait3A_146, %dma_wait3A_147] : memref<96x128xf32, #tpu.memory_space<vmem>> -> memref<64x128xf32, #tpu.memory_space<vmem>>
      tpu.wait_dma2 semaphore(%run_scoped3A_114 : memref<!tpu.dma_semaphore, #tpu.memory_space<semaphore_mem>>) src(%dma_wait3A_148 : memref<64x128xf32, #tpu.memory_space<vmem>>) dst(%dma_wait3A_141 : memref<64x128xf32, #tpu.memory_space<hbm>>)
      tpu.yield
    }) : () -> ()
    return
  }
}

module attributes {stable_mosaic.version = 14 : i64} {
  func.func @body(%arg0: i32, %arg1: memref<1280x128xf32, #tpu.memory_space<vmem>>, %arg2: memref<1280x128xf32, #tpu.memory_space<vmem>>, %arg3: memref<1280x128xf32, #tpu.memory_space<vmem>>, %arg4: memref<1280x128xf32, #tpu.memory_space<vmem>>, %arg5: memref<1280x128xf32, #tpu.memory_space<vmem>>) attributes {dimension_semantics = [#tpu.dimension_semantics<arbitrary>], iteration_bounds = array<i64: 8>, scalar_prefetch = 0 : i64, scratch_operands = 0 : i64, tpu.core_type = #tpu.core_type<tc>, window_params = [{transform_indices = @transform_0, window_bounds = array<i64: 1280, 128>}, {transform_indices = @transform_1, window_bounds = array<i64: 1280, 128>}, {transform_indices = @transform_2, window_bounds = array<i64: 1280, 128>}, {transform_indices = @transform_3, window_bounds = array<i64: 1280, 128>}, {transform_indices = @transform_4, window_bounds = array<i64: 1280, 128>}]} {
    %get3A = arith.constant 0 : index
    %get3A_0 = arith.constant 0 : index
    %get3A_1 = vector.load %arg1[%get3A, %get3A_0] : memref<1280x128xf32, #tpu.memory_space<vmem>>, vector<1280x128xf32>
    %get3A_2 = arith.constant 0 : index
    %get3A_3 = arith.constant 0 : index
    %get3A_4 = vector.load %arg2[%get3A_2, %get3A_3] : memref<1280x128xf32, #tpu.memory_space<vmem>>, vector<1280x128xf32>
    %add3A = arith.addf %get3A_1, %get3A_4 : vector<1280x128xf32>
    %rsqrt3A = math.rsqrt %add3A : vector<1280x128xf32>
    %swap3A = arith.constant 0 : index
    %swap3A_5 = arith.constant 0 : index
    %swap3A_6 = vector.load %arg4[%swap3A, %swap3A_5] : memref<1280x128xf32, #tpu.memory_space<vmem>>, vector<1280x128xf32>
    tpu.vector_store %arg4[%swap3A, %swap3A_5], %rsqrt3A {strides = array<i32>} : memref<1280x128xf32, #tpu.memory_space<vmem>>, vector<1280x128xf32>,
    %get3A_7 = arith.constant 0 : index
    %get3A_8 = arith.constant 0 : index
    %get3A_9 = vector.load %arg3[%get3A_7, %get3A_8] : memref<1280x128xf32, #tpu.memory_space<vmem>>, vector<1280x128xf32>
    %mul3A = arith.mulf %get3A_9, %rsqrt3A : vector<1280x128xf32>
    %swap3A_10 = arith.constant 0 : index
    %swap3A_11 = arith.constant 0 : index
    %swap3A_12 = vector.load %arg5[%swap3A_10, %swap3A_11] : memref<1280x128xf32, #tpu.memory_space<vmem>>, vector<1280x128xf32>
    tpu.vector_store %arg5[%swap3A_10, %swap3A_11], %mul3A {strides = array<i32>} : memref<1280x128xf32, #tpu.memory_space<vmem>>, vector<1280x128xf32>,
    return
  }
  func.func @transform_0(%arg0: i32) -> (i32, i32) {
    %c0_i32 = arith.constant 0 : i32
    %c0_i32_0 = arith.constant 0 : i32
    return %arg0, %c0_i32 : i32, i32
  }
  func.func @transform_1(%arg0: i32) -> (i32, i32) {
    %c0_i32 = arith.constant 0 : i32
    %c0_i32_0 = arith.constant 0 : i32
    return %arg0, %c0_i32 : i32, i32
  }
  func.func @transform_2(%arg0: i32) -> (i32, i32) {
    %c0_i32 = arith.constant 0 : i32
    %c0_i32_0 = arith.constant 0 : i32
    return %arg0, %c0_i32 : i32, i32
  }
  func.func @transform_3(%arg0: i32) -> (i32, i32) {
    %c0_i32 = arith.constant 0 : i32
    %c0_i32_0 = arith.constant 0 : i32
    return %arg0, %c0_i32 : i32, i32
  }
  func.func @transform_4(%arg0: i32) -> (i32, i32) {
    %c0_i32 = arith.constant 0 : i32
    %c0_i32_0 = arith.constant 0 : i32
    return %arg0, %c0_i32 : i32, i32
  }
}

module attributes {stable_mosaic.version = 14 : i64} {
  func.func @body(%arg0: i32, %arg1: memref<1280x128xf32, #tpu.memory_space<vmem>>, %arg2: memref<1280x128xf32, #tpu.memory_space<vmem>>, %arg3: memref<1280x128xf32, #tpu.memory_space<vmem>>, %arg4: memref<128x128xf32, #tpu.memory_space<vmem>>, %arg5: memref<1x128xf32, #tpu.memory_space<vmem>>, %arg6: memref<1280x128xf32, #tpu.memory_space<vmem>>) attributes {dimension_semantics = [#tpu.dimension_semantics<arbitrary>], iteration_bounds = array<i64: 8>, scalar_prefetch = 0 : i64, scratch_operands = 0 : i64, tpu.core_type = #tpu.core_type<tc>, window_params = [{transform_indices = @transform_0, window_bounds = array<i64: 1280, 128>}, {transform_indices = @transform_1, window_bounds = array<i64: 1280, 128>}, {transform_indices = @transform_2, window_bounds = array<i64: 1280, 128>}, {pipeline_mode = #tpu.pipeline_mode<synchronous>, transform_indices = @transform_3, window_bounds = array<i64: 128, 128>}, {pipeline_mode = #tpu.pipeline_mode<synchronous>, transform_indices = @transform_4, window_bounds = array<i64: 1, 128>}, {transform_indices = @transform_5, window_bounds = array<i64: 1280, 128>}]} {
    %get3A = arith.constant 0 : index
    %get3A_0 = arith.constant 0 : index
    %get3A_1 = vector.load %arg3[%get3A, %get3A_0] : memref<1280x128xf32, #tpu.memory_space<vmem>>, vector<1280x128xf32>
    %get3A_2 = arith.constant 0 : index
    %get3A_3 = arith.constant 0 : index
    %get3A_4 = vector.load %arg1[%get3A_2, %get3A_3] : memref<1280x128xf32, #tpu.memory_space<vmem>>, vector<1280x128xf32>
    %get3A_5 = arith.constant 0 : index
    %get3A_6 = arith.constant 0 : index
    %get3A_7 = vector.load %arg2[%get3A_5, %get3A_6] : memref<1280x128xf32, #tpu.memory_space<vmem>>, vector<1280x128xf32>
    %add3A = arith.addf %get3A_4, %get3A_7 : vector<1280x128xf32>
    %mul3A = arith.mulf %get3A_1, %add3A : vector<1280x128xf32>
    %get3A_8 = arith.constant 0 : index
    %get3A_9 = arith.constant 0 : index
    %get3A_10 = vector.load %arg4[%get3A_8, %get3A_9] : memref<128x128xf32, #tpu.memory_space<vmem>>, vector<128x128xf32>
    %dot_general3A = arith.constant dense<0.000000e+00> : vector<1280x128xf32>
    %dot_general3A_11 = tpu.matmul %mul3A, %get3A_10, %dot_general3A {dimension_numbers = #tpu.dot_dimension_numbers<[1], [0], [0], [1], [0, 0, 1, 1], [], []>, precision = #tpu.contract_precision<fp32>, transpose_lhs_hint = false} : vector<1280x128xf32>, vector<128x128xf32>, vector<1280x128xf32> -> vector<1280x128xf32>
    %get3A_12 = arith.constant 0 : index
    %get3A_13 = arith.constant 0 : index
    %get3A_14 = vector.load %arg5[%get3A_12, %get3A_13] : memref<1x128xf32, #tpu.memory_space<vmem>>, vector<1x128xf32>
    %add3A_15 = vector.broadcast %get3A_14 : vector<1x128xf32> to vector<1280x128xf32>
    %add3A_16 = arith.addf %dot_general3A_11, %add3A_15 : vector<1280x128xf32>
    %get3A_17 = arith.constant 0 : index
    %get3A_18 = arith.constant 0 : index
    %get3A_19 = vector.load %arg3[%get3A_17, %get3A_18] : memref<1280x128xf32, #tpu.memory_space<vmem>>, vector<1280x128xf32>
    %max3A = arith.constant 0.000000e+00 : f32
    %max3A_20 = vector.broadcast %max3A : f32 to vector<1280x128xf32>
    %max3A_21 = arith.maximumf %add3A_16, %max3A_20 : vector<1280x128xf32>
    %mul3A_22 = arith.mulf %get3A_19, %max3A_21 : vector<1280x128xf32>
    %swap3A = arith.constant 0 : index
    %swap3A_23 = arith.constant 0 : index
    %swap3A_24 = vector.load %arg6[%swap3A, %swap3A_23] : memref<1280x128xf32, #tpu.memory_space<vmem>>, vector<1280x128xf32>
    tpu.vector_store %arg6[%swap3A, %swap3A_23], %mul3A_22 {strides = array<i32>} : memref<1280x128xf32, #tpu.memory_space<vmem>>, vector<1280x128xf32>,
    return
  }
  func.func @transform_0(%arg0: i32) -> (i32, i32) {
    %c0_i32 = arith.constant 0 : i32
    %c0_i32_0 = arith.constant 0 : i32
    return %arg0, %c0_i32 : i32, i32
  }
  func.func @transform_1(%arg0: i32) -> (i32, i32) {
    %c0_i32 = arith.constant 0 : i32
    %c0_i32_0 = arith.constant 0 : i32
    return %arg0, %c0_i32 : i32, i32
  }
  func.func @transform_2(%arg0: i32) -> (i32, i32) {
    %c0_i32 = arith.constant 0 : i32
    %c0_i32_0 = arith.constant 0 : i32
    return %arg0, %c0_i32 : i32, i32
  }
  func.func @transform_3(%arg0: i32) -> (i32, i32) {
    %c0_i32 = arith.constant 0 : i32
    %c0_i32_0 = arith.constant 0 : i32
    %c0_i32_1 = arith.constant 0 : i32
    return %c0_i32, %c0_i32_0 : i32, i32
  }
  func.func @transform_4(%arg0: i32) -> (i32, i32) {
    %c0_i32 = arith.constant 0 : i32
    %c0_i32_0 = arith.constant 0 : i32
    %c0_i32_1 = arith.constant 0 : i32
    return %c0_i32, %c0_i32_0 : i32, i32
  }
  func.func @transform_5(%arg0: i32) -> (i32, i32) {
    %c0_i32 = arith.constant 0 : i32
    %c0_i32_0 = arith.constant 0 : i32
    return %arg0, %c0_i32 : i32, i32
  }
}

module attributes {stable_mosaic.version = 14 : i64} {
  func.func @body(%arg0: i32, %arg1: memref<1280x128xf32, #tpu.memory_space<vmem>>, %arg2: memref<1280x128xf32, #tpu.memory_space<vmem>>, %arg3: memref<1280x128xf32, #tpu.memory_space<vmem>>, %arg4: memref<128x64xf32, #tpu.memory_space<vmem>>, %arg5: memref<1x64xf32, #tpu.memory_space<vmem>>, %arg6: memref<128x64xf32, #tpu.memory_space<vmem>>, %arg7: memref<1x64xf32, #tpu.memory_space<vmem>>, %arg8: memref<1280x64xf32, #tpu.memory_space<vmem>>, %arg9: memref<1280x64xf32, #tpu.memory_space<vmem>>) attributes {dimension_semantics = [#tpu.dimension_semantics<arbitrary>], iteration_bounds = array<i64: 8>, scalar_prefetch = 0 : i64, scratch_operands = 0 : i64, tpu.core_type = #tpu.core_type<tc>, window_params = [{transform_indices = @transform_0, window_bounds = array<i64: 1280, 128>}, {transform_indices = @transform_1, window_bounds = array<i64: 1280, 128>}, {transform_indices = @transform_2, window_bounds = array<i64: 1280, 128>}, {pipeline_mode = #tpu.pipeline_mode<synchronous>, transform_indices = @transform_3, window_bounds = array<i64: 128, 64>}, {pipeline_mode = #tpu.pipeline_mode<synchronous>, transform_indices = @transform_4, window_bounds = array<i64: 1, 64>}, {pipeline_mode = #tpu.pipeline_mode<synchronous>, transform_indices = @transform_5, window_bounds = array<i64: 128, 64>}, {pipeline_mode = #tpu.pipeline_mode<synchronous>, transform_indices = @transform_6, window_bounds = array<i64: 1, 64>}, {transform_indices = @transform_7, window_bounds = array<i64: 1280, 64>}, {transform_indices = @transform_8, window_bounds = array<i64: 1280, 64>}]} {
    %get3A = arith.constant 0 : index
    %get3A_0 = arith.constant 0 : index
    %get3A_1 = vector.load %arg3[%get3A, %get3A_0] : memref<1280x128xf32, #tpu.memory_space<vmem>>, vector<1280x128xf32>
    %get3A_2 = arith.constant 0 : index
    %get3A_3 = arith.constant 0 : index
    %get3A_4 = vector.load %arg1[%get3A_2, %get3A_3] : memref<1280x128xf32, #tpu.memory_space<vmem>>, vector<1280x128xf32>
    %get3A_5 = arith.constant 0 : index
    %get3A_6 = arith.constant 0 : index
    %get3A_7 = vector.load %arg2[%get3A_5, %get3A_6] : memref<1280x128xf32, #tpu.memory_space<vmem>>, vector<1280x128xf32>
    %add3A = arith.addf %get3A_4, %get3A_7 : vector<1280x128xf32>
    %mul3A = arith.mulf %get3A_1, %add3A : vector<1280x128xf32>
    %get3A_8 = arith.constant 0 : index
    %get3A_9 = arith.constant 0 : index
    %get3A_10 = vector.load %arg4[%get3A_8, %get3A_9] : memref<128x64xf32, #tpu.memory_space<vmem>>, vector<128x64xf32>
    %dot_general3A = arith.constant dense<0.000000e+00> : vector<1280x64xf32>
    %dot_general3A_11 = tpu.matmul %mul3A, %get3A_10, %dot_general3A {dimension_numbers = #tpu.dot_dimension_numbers<[1], [0], [0], [1], [0, 0, 1, 1], [], []>, precision = #tpu.contract_precision<fp32>, transpose_lhs_hint = false} : vector<1280x128xf32>, vector<128x64xf32>, vector<1280x64xf32> -> vector<1280x64xf32>
    %get3A_12 = arith.constant 0 : index
    %get3A_13 = arith.constant 0 : index
    %get3A_14 = vector.load %arg5[%get3A_12, %get3A_13] : memref<1x64xf32, #tpu.memory_space<vmem>>, vector<1x64xf32>
    %add3A_15 = vector.broadcast %get3A_14 : vector<1x64xf32> to vector<1280x64xf32>
    %add3A_16 = arith.addf %dot_general3A_11, %add3A_15 : vector<1280x64xf32>
    %swap3A = arith.constant 0 : index
    %swap3A_17 = arith.constant 0 : index
    %swap3A_18 = vector.load %arg8[%swap3A, %swap3A_17] : memref<1280x64xf32, #tpu.memory_space<vmem>>, vector<1280x64xf32>
    tpu.vector_store %arg8[%swap3A, %swap3A_17], %add3A_16 {strides = array<i32>} : memref<1280x64xf32, #tpu.memory_space<vmem>>, vector<1280x64xf32>,
    %get3A_19 = arith.constant 0 : index
    %get3A_20 = arith.constant 0 : index
    %get3A_21 = vector.load %arg6[%get3A_19, %get3A_20] : memref<128x64xf32, #tpu.memory_space<vmem>>, vector<128x64xf32>
    %dot_general3A_22 = arith.constant dense<0.000000e+00> : vector<1280x64xf32>
    %dot_general3A_23 = tpu.matmul %mul3A, %get3A_21, %dot_general3A_22 {dimension_numbers = #tpu.dot_dimension_numbers<[1], [0], [0], [1], [0, 0, 1, 1], [], []>, precision = #tpu.contract_precision<fp32>, transpose_lhs_hint = false} : vector<1280x128xf32>, vector<128x64xf32>, vector<1280x64xf32> -> vector<1280x64xf32>
    %get3A_24 = arith.constant 0 : index
    %get3A_25 = arith.constant 0 : index
    %get3A_26 = vector.load %arg7[%get3A_24, %get3A_25] : memref<1x64xf32, #tpu.memory_space<vmem>>, vector<1x64xf32>
    %add3A_27 = vector.broadcast %get3A_26 : vector<1x64xf32> to vector<1280x64xf32>
    %add3A_28 = arith.addf %dot_general3A_23, %add3A_27 : vector<1280x64xf32>
    %swap3A_29 = arith.constant 0 : index
    %swap3A_30 = arith.constant 0 : index
    %swap3A_31 = vector.load %arg9[%swap3A_29, %swap3A_30] : memref<1280x64xf32, #tpu.memory_space<vmem>>, vector<1280x64xf32>
    tpu.vector_store %arg9[%swap3A_29, %swap3A_30], %add3A_28 {strides = array<i32>} : memref<1280x64xf32, #tpu.memory_space<vmem>>, vector<1280x64xf32>,
    return
  }
  func.func @transform_0(%arg0: i32) -> (i32, i32) {
    %c0_i32 = arith.constant 0 : i32
    %c0_i32_0 = arith.constant 0 : i32
    return %arg0, %c0_i32 : i32, i32
  }
  func.func @transform_1(%arg0: i32) -> (i32, i32) {
    %c0_i32 = arith.constant 0 : i32
    %c0_i32_0 = arith.constant 0 : i32
    return %arg0, %c0_i32 : i32, i32
  }
  func.func @transform_2(%arg0: i32) -> (i32, i32) {
    %c0_i32 = arith.constant 0 : i32
    %c0_i32_0 = arith.constant 0 : i32
    return %arg0, %c0_i32 : i32, i32
  }
  func.func @transform_3(%arg0: i32) -> (i32, i32) {
    %c0_i32 = arith.constant 0 : i32
    %c0_i32_0 = arith.constant 0 : i32
    %c0_i32_1 = arith.constant 0 : i32
    return %c0_i32, %c0_i32_0 : i32, i32
  }
  func.func @transform_4(%arg0: i32) -> (i32, i32) {
    %c0_i32 = arith.constant 0 : i32
    %c0_i32_0 = arith.constant 0 : i32
    %c0_i32_1 = arith.constant 0 : i32
    return %c0_i32, %c0_i32_0 : i32, i32
  }
  func.func @transform_5(%arg0: i32) -> (i32, i32) {
    %c0_i32 = arith.constant 0 : i32
    %c0_i32_0 = arith.constant 0 : i32
    %c0_i32_1 = arith.constant 0 : i32
    return %c0_i32, %c0_i32_0 : i32, i32
  }
  func.func @transform_6(%arg0: i32) -> (i32, i32) {
    %c0_i32 = arith.constant 0 : i32
    %c0_i32_0 = arith.constant 0 : i32
    %c0_i32_1 = arith.constant 0 : i32
    return %c0_i32, %c0_i32_0 : i32, i32
  }
  func.func @transform_7(%arg0: i32) -> (i32, i32) {
    %c0_i32 = arith.constant 0 : i32
    %c0_i32_0 = arith.constant 0 : i32
    return %arg0, %c0_i32 : i32, i32
  }
  func.func @transform_8(%arg0: i32) -> (i32, i32) {
    %c0_i32 = arith.constant 0 : i32
    %c0_i32_0 = arith.constant 0 : i32
    return %arg0, %c0_i32 : i32, i32
  }
}

</mosaic_0001>

<sc_bundles>
// kernel: kernel.11.cloned.1.call-start
scs
__scs_entry_jumppad:
0x0: {  	(pc) =	sbr.rel $0x88, $3  }
0x1: {  	(tag) =	ssettag $0x0;
	lr =	simm.s32 $0x1  }
0x2: {  	[smem:$0x3F99] =	sst lr;
	_ =	strace $0xD0000000  }
0x3: {  	_ = 	snop  }
0x4: {  	_ = 	snop  }
0x5: {  	_ = 	snop  }
0x6: {  	_ = 	snop  }
0x7: {  	_ = 	snop  }
__scs_overlays_trampoline_lowered:
0x8: {  	[smem:$0x3FA8] =	sst s0  }
0x9: {  	[smem:$0x3FA9] =	sst s1  }
0xa: {  	[smem:$0x3FAA] =	sst s2  }
0xb: {  	[smem:$0x3FAB] =	sst s3  }
0xc: {  	[smem:$0x3FAC] =	sst s4  }
0xd: {  	[smem:$0x3FAD] =	sst s5  }
0xe: {  	[smem:$0x3FAE] =	sst s6  }
0xf: {  	[smem:$0x3FAF] =	sst s7  }
0x10: {  	[smem:$0x3FB0] =	sst s8  }
0x11: {  	[smem:$0x3FB1] =	sst s9;
	s0 =	simm.s32 @!p0 $0x0  }
0x12: {  	s1 =	sld [smem:$0x3F97];
	s0 =	simm.s32 @p0 $0x1  }
0x13: {  	[smem:$0x3FB2] =	sst s0;
	s0 =	simm.s32 @!p1 $0x0  }
0x14: {  	s2 =	sld [smem:$0x3F96];
	s0 =	simm.s32 @p1 $0x1  }
0x15: {  	[smem:$0x3FB3] =	sst s0;
	s0 =	simm.s32 @!p2 $0x0  }
0x16: {  	s3 =	sld [smem:$0x3FDB];
	s0 =	simm.s32 @p2 $0x1  }
0x17: {  	s4 =	simm.s32 $0x1BF5;
	[smem:$0x3FB5] =	sst s0  }
0x18: {  	s0 =	sld [smem:$0x3F98];
	_ =	swait.ge [sflag:s4], $0x0  }
0x19: {  	s7 =	sld [smem:$0x3F99]  }
0x1a: {  	s8 =	sadd.s32 $0xFFFFE003, lr  }
0x1b: {  	s9 =	sadd.s32 $0xFFFFFEF7, lr;
	s5 =	simm.s32 $0xFFFFFFFF;
	p2 =	slt.u32 s8, $0xFFFFF086  }
0x1c: {  	p1 =	slt.u32 s9, $0xF7A;
	s5 =	simm.s32 @!p2 $0x0  }
0x1d: {  	s5 =	simm.s32 @p1 $0x1;
	p0 =	seq.s32 s7, s2  }
0x1e: {  	s7 =	smul.u32 @!p0 $0xF7A, s2;
	p2 =	seq.s32 @!p0 s5, $0x0  }
0x1f: {  	s9 =	smul.u32 $0xF7A, s1;
	s8 =	simm.s32 @!p0 $0x1BF5;
	p2 =	por !p2, p0  }
0x20: {  	[sflag:s8] =	ssyncset.s32 @!p0 $0xFFFFF086;
	s6 =	sadd.s32 @!p0 s3, s7;
	s7 =	simm.s32 @!p0 $0x108  }
0x21: {  	s3 =	sadd.s32 s3, s9;
	s6 =	sadd.s32 @!p0 $0x88, s6;
	s7 =	simm.s32 @p2 $0x1082  }
0x22: {  	[simem:s7], [sflag:s8] =	dma.local @!p0 [hbm:s6], $0xF7A  }
0x23: {  	s9 =	sor.u32 $0xD0000000, s2;
	s6 =	simm.s32 $0x108;
	_ =	swait.ge @!p0 [sflag:s8], $0x0  }
0x24: {  	s3 =	sadd.s32 $0x88, s3;
	s6 =	simm.s32 @!p1 $0x1082;
	[sflag:s4] =	ssyncset.s32 $0xFFFFF086  }
0x25: {  	[simem:s6], [sflag:s4] =	dma.local [hbm:s3], $0xF7A  }
0x26: {  	[smem:$0x3F99] =	sst s1;
	(tag) =	ssettag s2;
	_ =	strace s9  }
0x27: {  	s1 =	sld [smem:$0x3FA9]  }
0x28: {  	s2 =	sld [smem:$0x3FAA]  }
0x29: {  	s4 =	sld [smem:$0x3FAC]  }
0x2a: {  	p0 =	seq.s32 s5, $0x0;
	s5 =	sld [smem:$0x3FAD]  }
0x2b: {  	s6 =	sld [smem:$0x3FAE]  }
0x2c: {  	s7 =	sld [smem:$0x3FAF]  }
0x2d: {  	s3 =	simm.s32 $0x108;
	s8 =	sld [smem:$0x3FB0]  }
0x2e: {  	s3 =	simm.s32 @!p0 $0x1082;
	s9 =	sld [smem:$0x3FB1]  }
0x2f: {  	lr =	sadd.s32 s0, s3;
	s0 =	sld [smem:$0x3FA8]  }
0x30: {  	s3 =	sld [smem:$0x3FAB]  }
0x31: {  	[smem:$0x3FB4] =	sst s10  }
0x32: {  	s10 =	sld [smem:$0x3FB2];
	_ =	sdelay $0x3  }
0x33: {  	p0 =	seq.s32 s10, $0x1;
	s10 =	sld [smem:$0x3FB4];
	_ =	sdelay $0x3  }
0x34: {  	[smem:$0x3FB4] =	sst s10  }
0x35: {  	s10 =	sld [smem:$0x3FB3];
	_ =	sdelay $0x3  }
0x36: {  	p1 =	seq.s32 s10, $0x1;
	s10 =	sld [smem:$0x3FB4];
	_ =	sdelay $0x3  }
0x37: {  	[smem:$0x3FB4] =	sst s10  }
0x38: {  	s10 =	sld [smem:$0x3FB5]  }
0x39: {  	_ = 	snop;
	(pc) =	sbr.ind lr, $3  }
0x3a: {  	_ = 	snop  }
0x3b: {  	_ = 	snop  }
0x3c: {  	p2 =	seq.s32 s10, $0x1;
	s10 =	sld [smem:$0x3FB4]  }
0x3d: {  	_ =	shalt  }
0x3e: {  	_ =	shalt  }
0x3f: {  	_ =	shalt  }
0x40: {  	_ =	shalt  }
0x41: {  	_ =	shalt  }
0x42: {  	_ =	shalt  }
0x43: {  	_ =	shalt  }
0x44: {  	_ =	shalt  }
0x45: {  	_ =	shalt  }
0x46: {  	_ =	shalt  }
0x47: {  	_ =	shalt  }
0x48: {  	_ =	shalt  }
0x49: {  	_ =	shalt  }
0x4a: {  	_ =	shalt  }
0x4b: {  	_ =	shalt  }
0x4c: {  	_ =	shalt  }
0x4d: {  	_ =	shalt  }
0x4e: {  	_ =	shalt  }
0x4f: {  	_ =	shalt  }
0x50: {  	_ =	shalt  }
0x51: {  	_ =	shalt  }
0x52: {  	_ =	shalt  }
0x53: {  	_ =	shalt  }
0x54: {  	_ =	shalt  }
0x55: {  	_ =	shalt  }
0x56: {  	_ =	shalt  }
0x57: {  	_ =	shalt  }
0x58: {  	_ =	shalt  }
0x59: {  	_ =	shalt  }
0x5a: {  	_ =	shalt  }
0x5b: {  	_ =	shalt  }
0x5c: {  	_ =	shalt  }
0x5d: {  	_ =	shalt  }
0x5e: {  	_ =	shalt  }
0x5f: {  	_ =	shalt  }
0x60: {  	_ =	shalt  }
0x61: {  	_ =	shalt  }
0x62: {  	_ =	shalt  }
0x63: {  	_ =	shalt  }
0x64: {  	_ =	shalt  }
0x65: {  	_ =	shalt  }
0x66: {  	_ =	shalt  }
0x67: {  	_ =	shalt  }
0x68: {  	_ =	shalt  }
0x69: {  	_ =	shalt  }
0x6a: {  	_ =	shalt  }
0x6b: {  	_ =	shalt  }
0x6c: {  	_ =	shalt  }
0x6d: {  	_ =	shalt  }
0x6e: {  	_ =	shalt  }
0x6f: {  	_ =	shalt  }
0x70: {  	_ =	shalt  }
0x71: {  	_ =	shalt  }
0x72: {  	_ =	shalt  }
0x73: {  	_ =	shalt  }
0x74: {  	_ =	shalt  }
0x75: {  	_ =	shalt  }
0x76: {  	_ =	shalt  }
0x77: {  	_ =	shalt  }
0x78: {  	_ =	shalt  }
0x79: {  	_ =	shalt  }
0x7a: {  	_ =	shalt  }
0x7b: {  	_ =	shalt  }
0x7c: {  	_ =	shalt  }
0x7d: {  	_ =	shalt  }
0x7e: {  	_ =	shalt  }
0x7f: {  	_ =	shalt  }
0x80: {  	_ =	shalt  }
0x81: {  	_ =	shalt  }
0x82: {  	_ =	shalt  }
0x83: {  	_ =	shalt  }
0x84: {  	_ =	shalt  }
0x85: {  	_ =	shalt  }
0x86: {  	_ =	shalt  }
0x87: {  	_ =	shalt  }
.Lfunc_end0:
.L_simem_size_0:
called_computation.1_lowered:
.L_overlay_start_0:
0x88: {  	s2 =	sld [smem:$0x3FD9]  }
0x89: {  	s3 =	sld [smem:$0x3FFE];
	_ =	sdelay $0x1  }
0x8a: {  	s1 =	srdreg.scid  }
0x8b: {  	s0 =	sand.u32 $0x1, s1  }
0x8c: {  	s14 =	sshll.u32 s0, $0xA;
	s2 =	sadd.s32 s3, s2  }
0x8d: {  	s2 =	sadd.s32 s2, s14  }
0x8e: {  	[smem:$0x3FC0] =	sst s2  }
0x8f: {  	_ = 	snop  }
0x90: {  	s2 =	sld [smem:$0x3FD0];
	_ =	sdelay $0x2  }
0x91: {  	s15 =	simm.s32 $0xA;
	s4 =	simm.s32 $0x10  }
0x92: {  	[smem:s4], [sflag:s15] =	dma.local [hbm:s2], $0x1  }
0x93: {  	_ =	swait.eq [sflag:s15], $0x1  }
0x94: {  	[sflag:s15] =	ssyncset.done $0x0  }
0x95: {  	[sflag:s15] =	ssyncadd.s32 $0xFFFFFFFF  }
0x96: {  	s16 =	sld [smem:$0x10];
	(tm) =	ssettm $0x1  }
0x97: {  	s17 =	sld [smem:$0x3FFB];
	_ =	sdelay $0x3  }
0x98: {  	_ =	strace s17  }
0x99: {  	s3 =	sld [smem:$0x3FFC];
	_ =	sdelay $0x3  }
0x9a: {  	_ =	strace s3  }
0x9b: {  	s3 =	sld [smem:$0x3FFD];
	_ =	sdelay $0x3  }
0x9c: {  	_ =	strace s3  }
0x9d: {  	_ =	strace $0x8FFFFFFF  }
0x9e: {  	s18 =	sld [smem:$0x3FDB];
	_ =	sdelay $0x1  }
0x9f: {  	s19 =	simm.s32 $_scs_section_size  }
0xa0: {  	s5 =	simm.s32 $_size__tile_overlayer_lowered;
	s6 =	simm.s32 $_tile_overlayer_lowered  }
0xa1: {  	s22 =	simm.s32 $0x1BFF;
	s21 =	sshll.u32 s6, $0x1;
	s3 =	sadd.s32 s19, s18  }
0xa2: {  	s7 =	simm.s32 $0x0;
	s20 =	sshll.u32 s5, $0x1;
	s5 =	sadd.s32 s21, s3  }
0xa3: {  	[timem:s7], [sflag:s22] =	dma.local [hbm:s5], s20  }
0xa4: {  	_ =	swait.ge [sflag:s22], s20  }
0xa5: {  	s4 =	ssub.s32 $0x0, s20;
	[sflag:s22] =	ssyncset.done $0x0  }
0xa6: {  	[sflag:s22] =	ssyncadd.s32 s4;
	_ =	sdelay $0x1  }
0xa7: {  	s23 =	simm.s32 $0x1B8B  }
0xa8: {  	_ =	swait.ge [sflag:s23], $0x1  }
0xa9: {  	[sflag:s23] =	ssyncset.done $0x0  }
0xaa: {  	s25 =	simm.s32 $0x1B8E;
	s24 =	sld [smem:$0x3FFE];
	[sflag:s23] =	ssyncadd.s32 $0xFFFFFFFF  }
0xab: {  	s26 =	simm.s32 $execute0_lowered;
	[smem:$0x3FD2] =	sst s25  }
0xac: {  	s5 =	sshll.u32 s26, $0x1;
	_ =	strace $0x80000049;
	[dreg:$0x1] =	wrdreg $0xFFFFFFFF  }
0xad: {  	s28 =	simm.s32 $_size_execute0_lowered;
	s3 =	sadd.s32 s3, s5;
	[dreg:$0x0] =	wrdreg $0x0  }
0xae: {  	s5 =	sshll.u32 s28, $0x1;
	[dreg:$0x2] =	wrdreg s3  }
0xaf: {  	[dreg:$0x3] =	wrdreg s5  }
0xb0: {  	[dreg:$0x4] =	wrdreg $0xC0  }
0xb1: {  	_ =	task [dreg:s7], $0x5FFFF  }
0xb2: {  	[dreg:$0x1] =	wrdreg $0xFFFFFFFF  }
0xb3: {  	[dreg:$0x0] =	wrdreg $0x60  }
0xb4: {  	[dreg:$0x2] =	wrdreg s24  }
0xb5: {  	[dreg:$0x3] =	wrdreg s16  }
0xb6: {  	[dreg:$0x4] =	wrdreg $0xAE000  }
0xb7: {  	[dreg:$0x5] =	wrdreg $0x9  }
0xb8: {  	_ =	task.clear_ibuf [dreg:s7], $0x6FFFF;
	_ =	strace $0x90000049  }
0xb9: {  	s29 =	simm.s32 $0x9;
	_ =	strace $0x8000004B  }
0xba: {  	_ =	swait.ge [sflag:s29], $0x1  }
0xbb: {  	[sflag:s29] =	ssyncadd.s32 $0xFFFFFFFF  }
0xbc: {  	_ =	strace $0x9000004B  }
0xbd: {  	_ =	sfence  }
0xbe: {  	s30 =	sld [smem:$0x0];
	_ =	sdelay $0x2  }
0xbf: {  	s31 =	sshll.u32 s1, $0xD;
	s1 =	sshrl.u32 s1, $0x2  }
0xc0: {  	s3 =	sand.u32 $0x4000, s31;
	s1 =	sadd.s32 s1, s30  }
0xc1: {  	s0 =	sor.u32 s3, s0;
	s1 =	sshll.u32 s1, $0x11  }
0xc2: {  	s0 =	sor.u32 s1, s0  }
0xc3: {  	s0 =	sadd.s32 $0x8F2B, s0  }
0xc4: {  	[sflag:s0] =	ssyncadd.remote.s32 $0x1  }
0xc5: {  	_ =	sfence.sel $0xFFFF  }
0xc6: {  	[dreg:$0x0] =	wrdreg $0xFFFFFFFF;
	(pc) =	sbr.abs _section_cstart, $3  }
0xc7: {  	[dreg:$0x1] =	wrdreg $0xFFFFFFFF  }
0xc8: {  	_ =	task.clear_ibuf [dreg:s7], $0x2FFFF;
	_ =	strace $0x9FFFFFFF  }
0xc9: {  	(tm) =	ssettm $0x7FFFFFFF  }
tec
execute0_lowered:
.L_overlay_start_1:
0x0: {  	(tag) =	ssettag $0x1  }
0x1: {  	s0 =	rddreg [dreg:$0x0]  }
0x2: {  	s1 =	rddreg [dreg:$0x1]  }
0x3: {  	s2 =	rddreg [dreg:$0x2]  }
0x4: {  	s10 =	stileid.u32;
	s4 =	srdreg.scid  }
0x5: {  	s3 =	simm.s32 $0x0;
	s28 =	simm.s32 $0x4C80;
	s29 =	simm.s32 $0x7E00  }
0x6: {  	s30 =	simm.s32 $0x1;
	s31 =	simm.s32 $0x4D00;
	s6 =	smul.u32 $0x280, s10  }
0x7: {  	s5 =	sand.u32 $0x1, s4;
	[smem:$0x7FF] =	sst s3;
	s24 =	smul.u32 $0x50000, s10  }
0x8: {  	s4 =	sadd.s32 $0x2AC00, s0;
	s8 =	sshll.u32 s10, $0xA;
	s10 =	smul.u32 $0x980, s10  }
0x9: {  	s9 =	sadd.s32 $0x2C00, s0;
	s7 =	smul.u32 $0x2800, s5;
	_ =	strace $0x8000004A  }
0xa: {  	s23 =	sadd.s32 s8, s0;
	[dreg:$0x4] =	wrdreg s9;
	s25 =	ssub.s32 $0x2, s5  }
0xb: {  	p0 =	sne.s32 s5, $0x0;
	s5 =	simm.s32 $0x0;
	s26 =	sshrl.u32 s25, $0x1  }
0xc: {  	s8 =	sshrl.u32 s24, $0x2;
	s1 =	sadd.s32 s1, s10;
	s24 =	simm.s32 $0x3  }
0xd: {  	s6 =	sadd.s32 s6, s7;
	s7 =	sadd.s32 $0xA2C00, s23;
	[dreg:$0x6] =	wrdreg s1  }
0xe: {  	s23 =	simm.s32 $0x4E00;
	s1 =	simm.s32 $0x4D80;
	s6 =	sshll.u32 s6, $0x4  }
0xf: {  	[dreg:$0x5] =	wrdreg s7;
	s7 =	sadd.s32 s8, s2;
	s0 =	sadd.s32 s6, s0  }
0x10: {  	s6 =	ssub.s32 s25, s26;
	s9 =	sadd.s32 $0x3000, s7;
	s10 =	sadd.s32 $0x6000, s7  }
0x11: {  	s11 =	sadd.s32 $0x9000, s7;
	s12 =	sadd.s32 $0xC000, s7;
	s13 =	sadd.s32 $0xF000, s7  }
0x12: {  	s14 =	sadd.s32 $0x12000, s7;
	s25 =	simm.s32 $0x60;
	s26 =	simm.s32 $0x4C00  }
0x13: {  	s15 =	sadd.s32 $0xA6C00, s0;
	s16 =	sadd.s32 $0xA7200, s0;
	s17 =	sadd.s32 $0xA7800, s0  }
0x14: {  	s18 =	sadd.s32 $0xA7E00, s0;
	s19 =	sadd.s32 $0xA8400, s0;
	s20 =	sadd.s32 $0xA8A00, s0  }
0x15: {  	s21 =	sadd.s32 $0xA9000, s0;
	s22 =	smax.u32 s6, $0x1;
	s0 =	simm.s32 $0x2  }
.LBB2_1:
0x16: {  	s6 =	simm.s32 @p0 $0x0;
	s8 =	rddreg [dreg:$0x5]  }
0x17: {  	[tilespmem:s6], [sflag:$0x3] =	stream.linear.gather @p0 [hbm4b:s8+s6], $0x2000, $0x38;
	[tilespmem:$0x1EE00] =	vst v63  }
0x18: {  	s6 =	simm.s32 @p0 $0x3  }
0x19: {  	_ =	swait.ge @p0 [sflag:s6], $0x2000  }
0x1a: {  	[sflag:s6] =	ssyncset.done @p0 $0x0  }
0x1b: {  	s8 =	rddreg [dreg:$0x6];
	[sflag:s6] =	ssyncadd.s32 @p0 $0xFFFFE000;
	s6 =	simm.s32 @!p0 $0x0  }
0x1c: {  	[tilespmem:s6], [sflag:$0x3] =	stream.linear.gather @!p0 [hbm4b:s8+s6], $0x4C00, $0x38;
	[tilespmem:$0x1EE00] =	vst v63  }
0x1d: {  	s6 =	simm.s32 @!p0 $0x3  }
0x1e: {  	_ =	swait.ge @!p0 [sflag:s6], $0x4C00  }
0x1f: {  	[sflag:s6] =	ssyncset.done @!p0 $0x0  }
0x20: {  	s8 =	rddreg [dreg:$0x4];
	[sflag:s6] =	ssyncadd.s32 @!p0 $0xFFFFB400  }
0x21: {  	[tilespmem:s23], [sflag:$0x3] =	stream.linear.gather [hbm4b:s8+s3], $0x3000, $0x38;
	[tilespmem:$0x1EE00] =	vst v63  }
0x22: {  	_ =	swait.ge [sflag:s24], $0x3000  }
0x23: {  	[sflag:s24] =	ssyncset.done $0x0  }
0x24: {  	[sflag:s24] =	ssyncadd.s32 $0xFFFFD000  }
0x25: {  	[spmem:s7] =	stream.linear.scatter [tilespmem:s23], [sflag:$0x3], $0x3000, $0x38;
	[tilespmem:$0x1EE00] =	vst v63  }
0x26: {  	_ =	swait.ge [sflag:s24], $0x3000  }
0x27: {  	[sflag:s24] =	ssyncset.done $0x0  }
0x28: {  	[sflag:s24] =	ssyncadd.s32 $0xFFFFD000  }
0x29: {  	[spmem:s9] =	stream.linear.scatter [tilespmem:s23], [sflag:$0x3], $0x3000, $0x38;
	[tilespmem:$0x1EE00] =	vst v63  }
0x2a: {  	_ =	swait.ge [sflag:s24], $0x3000  }
0x2b: {  	[sflag:s24] =	ssyncset.done $0x0  }
0x2c: {  	[sflag:s24] =	ssyncadd.s32 $0xFFFFD000  }
0x2d: {  	[spmem:s10] =	stream.linear.scatter [tilespmem:s23], [sflag:$0x3], $0x3000, $0x38;
	[tilespmem:$0x1EE00] =	vst v63  }
0x2e: {  	_ =	swait.ge [sflag:s24], $0x3000  }
0x2f: {  	[sflag:s24] =	ssyncset.done $0x0  }
0x30: {  	[sflag:s24] =	ssyncadd.s32 $0xFFFFD000  }
0x31: {  	[spmem:s11] =	stream.linear.scatter [tilespmem:s23], [sflag:$0x3], $0x3000, $0x38;
	[tilespmem:$0x1EE00] =	vst v63  }
0x32: {  	_ =	swait.ge [sflag:s24], $0x3000  }
0x33: {  	[sflag:s24] =	ssyncset.done $0x0  }
0x34: {  	[sflag:s24] =	ssyncadd.s32 $0xFFFFD000  }
0x35: {  	[spmem:s12] =	stream.linear.scatter [tilespmem:s23], [sflag:$0x3], $0x3000, $0x38;
	[tilespmem:$0x1EE00] =	vst v63  }
0x36: {  	_ =	swait.ge [sflag:s24], $0x3000  }
0x37: {  	[sflag:s24] =	ssyncset.done $0x0  }
0x38: {  	[sflag:s24] =	ssyncadd.s32 $0xFFFFD000  }
0x39: {  	[spmem:s13] =	stream.linear.scatter [tilespmem:s23], [sflag:$0x3], $0x3000, $0x38;
	[tilespmem:$0x1EE00] =	vst v63  }
0x3a: {  	_ =	swait.ge [sflag:s24], $0x3000  }
0x3b: {  	[sflag:s24] =	ssyncset.done $0x0  }
0x3c: {  	[sflag:s24] =	ssyncadd.s32 $0xFFFFD000  }
0x3d: {  	[spmem:s14] =	stream.linear.scatter [tilespmem:s23], [sflag:$0x3], $0x2000, $0x38;
	[tilespmem:$0x1EE00] =	vst v63  }
0x3e: {  	_ =	swait.ge [sflag:s24], $0x2000  }
0x3f: {  	[sflag:s24] =	ssyncset.done $0x0  }
0x40: {  	[sflag:s24] =	ssyncadd.s32 $0xFFFFE000  }
0x41: {  	s6 =	simm.s32 $0x80;
	[bflag:$0x0] =	sbarrier.arrive $0xFFFF  }
0x42: {  	v0 =	vld [tilespmem:s6+$0xFFFFFF80];
	_ =	sdelay $0x4  }
0x43: {  	v1 =	vand.u32 $0xFFFF, v0  }
0x44: {  	v0 =	vshrl.u32 v0, $0x10;
	[tilespmem:$0x4C00] =	vst v1  }
0x45: {  	[tilespmem:$0x4D00] =	vst v0  }
0x46: {  	v0 =	vld [tilespmem:s6+$0xFFFFFF90];
	_ =	sdelay $0x4  }
0x47: {  	v53 =	vand.u32 $0xFFFF, v0  }
0x48: {  	v0 =	vshrl.u32 v0, $0x10;
	[tilespmem:$0x4C10] =	vst v53  }
0x49: {  	[tilespmem:$0x4D10] =	vst v0  }
0x4a: {  	v0 =	vld [tilespmem:s6+$0xFFFFFFA0];
	_ =	sdelay $0x4  }
0x4b: {  	v54 =	vand.u32 $0xFFFF, v0  }
0x4c: {  	v0 =	vshrl.u32 v0, $0x10;
	[tilespmem:$0x4C20] =	vst v54  }
0x4d: {  	[tilespmem:$0x4D20] =	vst v0  }
0x4e: {  	v0 =	vld [tilespmem:s6+$0xFFFFFFB0];
	_ =	sdelay $0x4  }
0x4f: {  	v55 =	vand.u32 $0xFFFF, v0  }
0x50: {  	v0 =	vshrl.u32 v0, $0x10;
	[tilespmem:$0x4C30] =	vst v55  }
0x51: {  	[tilespmem:$0x4D30] =	vst v0  }
0x52: {  	v0 =	vld [tilespmem:s6+$0xFFFFFFC0];
	_ =	sdelay $0x4  }
0x53: {  	v56 =	vand.u32 $0xFFFF, v0  }
0x54: {  	v0 =	vshrl.u32 v0, $0x10;
	[tilespmem:$0x4C40] =	vst v56  }
0x55: {  	[tilespmem:$0x4D40] =	vst v0  }
0x56: {  	v0 =	vld [tilespmem:s6+$0xFFFFFFD0];
	_ =	sdelay $0x4  }
0x57: {  	v57 =	vand.u32 $0xFFFF, v0  }
0x58: {  	v0 =	vshrl.u32 v0, $0x10;
	[tilespmem:$0x4C50] =	vst v57  }
0x59: {  	[tilespmem:$0x4D50] =	vst v0  }
0x5a: {  	[tilespmem:s23], [sflag:$0x1] =	stream.indirect.gather [hbm4b:s4+s25], $0x80, s26, s25, $0xb8;
	[tilespmem:$0x1EE00] =	vst v63  }
0x5b: {  	v0 =	vld [tilespmem:s6+$0x0];
	_ =	sdelay $0x4  }
0x5c: {  	v58 =	vand.u32 $0xFFFF, v0  }
0x5d: {  	v0 =	vshrl.u32 v0, $0x10;
	[tilespmem:$0x4C80] =	vst v58  }
0x5e: {  	[tilespmem:$0x4D80] =	vst v0  }
0x5f: {  	v0 =	vld [tilespmem:s6+$0x10];
	_ =	sdelay $0x4  }
0x60: {  	v59 =	vand.u32 $0xFFFF, v0  }
0x61: {  	v0 =	vshrl.u32 v0, $0x10;
	[tilespmem:$0x4C90] =	vst v59  }
0x62: {  	[tilespmem:$0x4D90] =	vst v0  }
0x63: {  	v0 =	vld [tilespmem:s6+$0x20];
	_ =	sdelay $0x4  }
0x64: {  	v60 =	vand.u32 $0xFFFF, v0  }
0x65: {  	v0 =	vshrl.u32 v0, $0x10;
	[tilespmem:$0x4CA0] =	vst v60  }
0x66: {  	[tilespmem:$0x4DA0] =	vst v0  }
0x67: {  	v0 =	vld [tilespmem:s6+$0x30];
	_ =	sdelay $0x4  }
0x68: {  	v61 =	vand.u32 $0xFFFF, v0  }
0x69: {  	v0 =	vshrl.u32 v0, $0x10;
	[tilespmem:$0x4CB0] =	vst v61  }
0x6a: {  	[tilespmem:$0x4DB0] =	vst v0  }
0x6b: {  	v0 =	vld [tilespmem:s6+$0x40];
	_ =	sdelay $0x4  }
0x6c: {  	v62 =	vand.u32 $0xFFFF, v0  }
0x6d: {  	v0 =	vshrl.u32 v0, $0x10;
	[tilespmem:$0x4CC0] =	vst v62  }
0x6e: {  	[tilespmem:$0x4DC0] =	vst v0  }
0x6f: {  	v0 =	vld [tilespmem:s6+$0x50];
	_ =	sdelay $0x1  }
0x70: {  	s8 =	simm.s32 @!p0 $0x4C  }
0x71: {  	s8 =	simm.s32 @p0 $0x20  }
0x72: {  	p1 =	sne.s32 s8, $0x1  }
.Ltmp0:
0x73: {  	v63 =	vand.u32 $0xFFFF, v0;
	(pc) =	sbr.rel @!p1 .LBB2_3-.Ltmp0, $4  }
0x74: {  	v0 =	vshrl.u32 v0, $0x10;
	[tilespmem:$0x4CD0] =	vst v63  }
0x75: {  	[tilespmem:$0x4DD0] =	vst v0  }
0x76: {  	[tilespmem:s29], [sflag:$0x2] =	stream.indirect.gather [hbm4b:s4+s25], $0x80, s28, s25, $0xb8;
	[tilespmem:$0x1EE00] =	vst v63  }
0x77: {  	s8 =	sadd.s32 $0xFFFFFFFF, s8;
	_ =	swait.ge [sflag:s30], $0x3000  }
.LBB2_2:
0x78: {  	p1 =	sne.s32 s8, $0x1;
	[sflag:s30] =	ssyncset.done $0x0;
	s6 =	sadd.s32 $0x100, s6  }
0x79: {  	s8 =	sadd.s32 $0xFFFFFFFF, s8;
	[sflag:s30] =	ssyncadd.s32 $0xFFFFD000  }
0x7a: {  	[spmem:s2] =	stream.indirect.scatter.add.f32 [tilespmem:s23], [sflag:$0x3], $0x80, s31, s25, $0xb8;
	[tilespmem:$0x1EE00] =	vst v63  }
0x7b: {  	_ =	swait.ge [sflag:s24], $0x3000  }
0x7c: {  	[sflag:s24] =	ssyncset.done $0x0  }
0x7d: {  	[sflag:s24] =	ssyncadd.s32 $0xFFFFD000  }
0x7e: {  	_ =	swait.ge [sflag:s0], $0x3000  }
0x7f: {  	[sflag:s0] =	ssyncset.done $0x0  }
0x80: {  	[sflag:s0] =	ssyncadd.s32 $0xFFFFD000  }
0x81: {  	[spmem:s2] =	stream.indirect.scatter.add.f32 [tilespmem:s29], [sflag:$0x3], $0x80, s1, s25, $0xb8;
	[tilespmem:$0x1EE00] =	vst v63  }
0x82: {  	_ =	swait.ge [sflag:s24], $0x3000  }
0x83: {  	[sflag:s24] =	ssyncset.done $0x0  }
0x84: {  	[sflag:s24] =	ssyncadd.s32 $0xFFFFD000  }
0x85: {  	v0 =	vld [tilespmem:s6+$0xFFFFFF80];
	_ =	sdelay $0x4  }
0x86: {  	v1 =	vand.u32 $0xFFFF, v0;
	v0 =	vshrl.u32 v0, $0x10  }
0x87: {  	[tilespmem:$0x4C00] =	vst v1  }
0x88: {  	[tilespmem:$0x4D00] =	vst v0  }
0x89: {  	v0 =	vld [tilespmem:s6+$0xFFFFFF90];
	_ =	sdelay $0x4  }
0x8a: {  	v1 =	vand.u32 $0xFFFF, v0;
	v0 =	vshrl.u32 v0, $0x10  }
0x8b: {  	[tilespmem:$0x4C10] =	vst v1  }
0x8c: {  	[tilespmem:$0x4D10] =	vst v0  }
0x8d: {  	v0 =	vld [tilespmem:s6+$0xFFFFFFA0];
	_ =	sdelay $0x4  }
0x8e: {  	v1 =	vand.u32 $0xFFFF, v0;
	v0 =	vshrl.u32 v0, $0x10  }
0x8f: {  	[tilespmem:$0x4C20] =	vst v1  }
0x90: {  	[tilespmem:$0x4D20] =	vst v0  }
0x91: {  	v0 =	vld [tilespmem:s6+$0xFFFFFFB0];
	_ =	sdelay $0x4  }
0x92: {  	v1 =	vand.u32 $0xFFFF, v0;
	v0 =	vshrl.u32 v0, $0x10  }
0x93: {  	[tilespmem:$0x4C30] =	vst v1  }
0x94: {  	[tilespmem:$0x4D30] =	vst v0  }
0x95: {  	v0 =	vld [tilespmem:s6+$0xFFFFFFC0];
	_ =	sdelay $0x4  }
0x96: {  	v1 =	vand.u32 $0xFFFF, v0;
	v0 =	vshrl.u32 v0, $0x10  }
0x97: {  	[tilespmem:$0x4C40] =	vst v1  }
0x98: {  	[tilespmem:$0x4D40] =	vst v0  }
0x99: {  	v0 =	vld [tilespmem:s6+$0xFFFFFFD0];
	_ =	sdelay $0x4  }
0x9a: {  	v1 =	vand.u32 $0xFFFF, v0;
	v0 =	vshrl.u32 v0, $0x10  }
0x9b: {  	[tilespmem:$0x4C50] =	vst v1  }
0x9c: {  	[tilespmem:$0x4D50] =	vst v0  }
0x9d: {  	[tilespmem:s23], [sflag:$0x1] =	stream.indirect.gather [hbm4b:s4+s25], $0x80, s26, s25, $0xb8;
	[tilespmem:$0x1EE00] =	vst v63  }
0x9e: {  	v0 =	vld [tilespmem:s6+$0x0];
	_ =	sdelay $0x4  }
0x9f: {  	v1 =	vand.u32 $0xFFFF, v0;
	v0 =	vshrl.u32 v0, $0x10  }
0xa0: {  	[tilespmem:$0x4C80] =	vst v1  }
0xa1: {  	[tilespmem:$0x4D80] =	vst v0  }
0xa2: {  	v0 =	vld [tilespmem:s6+$0x10];
	_ =	sdelay $0x4  }
0xa3: {  	v1 =	vand.u32 $0xFFFF, v0;
	v0 =	vshrl.u32 v0, $0x10  }
0xa4: {  	[tilespmem:$0x4C90] =	vst v1  }
0xa5: {  	[tilespmem:$0x4D90] =	vst v0  }
0xa6: {  	v0 =	vld [tilespmem:s6+$0x20];
	_ =	sdelay $0x4  }
0xa7: {  	v1 =	vand.u32 $0xFFFF, v0;
	v0 =	vshrl.u32 v0, $0x10  }
0xa8: {  	[tilespmem:$0x4CA0] =	vst v1  }
0xa9: {  	[tilespmem:$0x4DA0] =	vst v0  }
0xaa: {  	v0 =	vld [tilespmem:s6+$0x30];
	_ =	sdelay $0x4  }
0xab: {  	v1 =	vand.u32 $0xFFFF, v0;
	v0 =	vshrl.u32 v0, $0x10  }
0xac: {  	[tilespmem:$0x4CB0] =	vst v1  }
0xad: {  	[tilespmem:$0x4DB0] =	vst v0  }
0xae: {  	v0 =	vld [tilespmem:s6+$0x40];
	_ =	sdelay $0x4  }
0xaf: {  	v1 =	vand.u32 $0xFFFF, v0;
	v0 =	vshrl.u32 v0, $0x10  }
0xb0: {  	[tilespmem:$0x4CC0] =	vst v1  }
0xb1: {  	[tilespmem:$0x4DC0] =	vst v0  }
0xb2: {  	v0 =	vld [tilespmem:s6+$0x50];
	_ =	sdelay $0x4  }
.Ltmp1:
0xb3: {  	v1 =	vand.u32 $0xFFFF, v0;
	v0 =	vshrl.u32 v0, $0x10;
	(pc) =	sbr.rel @p1 .LBB2_2-.Ltmp1, $4  }
0xb4: {  	[tilespmem:$0x4CD0] =	vst v1  }
0xb5: {  	[tilespmem:$0x4DD0] =	vst v0  }
0xb6: {  	[tilespmem:s29], [sflag:$0x2] =	stream.indirect.gather [hbm4b:s4+s25], $0x80, s28, s25, $0xb8;
	[tilespmem:$0x1EE00] =	vst v63  }
0xb7: {  	_ =	swait.ge [sflag:s30], $0x3000  }
.LBB2_3:
0xb8: {  	[sflag:s30] =	ssyncset.done $0x0  }
0xb9: {  	[sflag:s30] =	ssyncadd.s32 $0xFFFFD000  }
0xba: {  	[spmem:s2] =	stream.indirect.scatter.add.f32 [tilespmem:s23], [sflag:$0x3], $0x80, s31, s25, $0xb8;
	[tilespmem:$0x1EE00] =	vst v63  }
0xbb: {  	_ =	swait.ge [sflag:s24], $0x3000  }
0xbc: {  	[sflag:s24] =	ssyncset.done $0x0  }
0xbd: {  	[sflag:s24] =	ssyncadd.s32 $0xFFFFD000  }
0xbe: {  	_ =	swait.ge [sflag:s0], $0x3000  }
0xbf: {  	[sflag:s0] =	ssyncset.done $0x0  }
0xc0: {  	[sflag:s0] =	ssyncadd.s32 $0xFFFFD000  }
0xc1: {  	[spmem:s2] =	stream.indirect.scatter.add.f32 [tilespmem:s29], [sflag:$0x3], $0x80, s1, s25, $0xb8;
	[tilespmem:$0x1EE00] =	vst v63  }
0xc2: {  	_ =	swait.ge [sflag:s24], $0x3000  }
0xc3: {  	[sflag:s24] =	ssyncset.done $0x0  }
0xc4: {  	[sflag:s24] =	ssyncadd.s32 $0xFFFFD000  }
0xc5: {  	[bflag:$0x0] =	sbarrier.arrive $0xFFFF  }
0xc6: {  	[tilespmem:s23], [sflag:$0x3] =	stream.linear.gather [spmem:s7], $0x3000, $0x38;
	[tilespmem:$0x1EE00] =	vst v63  }
0xc7: {  	_ =	swait.ge [sflag:s24], $0x3000  }
0xc8: {  	[sflag:s24] =	ssyncset.done $0x0  }
0xc9: {  	[sflag:s24] =	ssyncadd.s32 $0xFFFFD000  }
0xca: {  	[hbm4b:s15+s3] =	stream.linear.scatter [tilespmem:s23], [sflag:$0x3], $0x3000, $0x38;
	[tilespmem:$0x1EE00] =	vst v63  }
0xcb: {  	_ =	swait.ge [sflag:s24], $0x3000  }
0xcc: {  	[sflag:s24] =	ssyncset.done $0x0  }
0xcd: {  	[sflag:s24] =	ssyncadd.s32 $0xFFFFD000  }
0xce: {  	[tilespmem:s23], [sflag:$0x3] =	stream.linear.gather [spmem:s9], $0x3000, $0x38;
	[tilespmem:$0x1EE00] =	vst v63  }
0xcf: {  	_ =	swait.ge [sflag:s24], $0x3000  }
0xd0: {  	[sflag:s24] =	ssyncset.done $0x0  }
0xd1: {  	[sflag:s24] =	ssyncadd.s32 $0xFFFFD000  }
0xd2: {  	[hbm4b:s16+s3] =	stream.linear.scatter [tilespmem:s23], [sflag:$0x3], $0x3000, $0x38;
	[tilespmem:$0x1EE00] =	vst v63  }
0xd3: {  	_ =	swait.ge [sflag:s24], $0x3000  }
0xd4: {  	[sflag:s24] =	ssyncset.done $0x0  }
0xd5: {  	[sflag:s24] =	ssyncadd.s32 $0xFFFFD000  }
0xd6: {  	[tilespmem:s23], [sflag:$0x3] =	stream.linear.gather [spmem:s10], $0x3000, $0x38;
	[tilespmem:$0x1EE00] =	vst v63  }
0xd7: {  	_ =	swait.ge [sflag:s24], $0x3000  }
0xd8: {  	[sflag:s24] =	ssyncset.done $0x0  }
0xd9: {  	[sflag:s24] =	ssyncadd.s32 $0xFFFFD000  }
0xda: {  	[hbm4b:s17+s3] =	stream.linear.scatter [tilespmem:s23], [sflag:$0x3], $0x3000, $0x38;
	[tilespmem:$0x1EE00] =	vst v63  }
0xdb: {  	_ =	swait.ge [sflag:s24], $0x3000  }
0xdc: {  	[sflag:s24] =	ssyncset.done $0x0  }
0xdd: {  	[sflag:s24] =	ssyncadd.s32 $0xFFFFD000  }
0xde: {  	[tilespmem:s23], [sflag:$0x3] =	stream.linear.gather [spmem:s11], $0x3000, $0x38;
	[tilespmem:$0x1EE00] =	vst v63  }
0xdf: {  	_ =	swait.ge [sflag:s24], $0x3000  }
0xe0: {  	[sflag:s24] =	ssyncset.done $0x0  }
0xe1: {  	[sflag:s24] =	ssyncadd.s32 $0xFFFFD000  }
0xe2: {  	[hbm4b:s18+s3] =	stream.linear.scatter [tilespmem:s23], [sflag:$0x3], $0x3000, $0x38;
	[tilespmem:$0x1EE00] =	vst v63  }
0xe3: {  	_ =	swait.ge [sflag:s24], $0x3000  }
0xe4: {  	[sflag:s24] =	ssyncset.done $0x0  }
0xe5: {  	[sflag:s24] =	ssyncadd.s32 $0xFFFFD000  }
0xe6: {  	[tilespmem:s23], [sflag:$0x3] =	stream.linear.gather [spmem:s12], $0x3000, $0x38;
	[tilespmem:$0x1EE00] =	vst v63  }
0xe7: {  	_ =	swait.ge [sflag:s24], $0x3000  }
0xe8: {  	[sflag:s24] =	ssyncset.done $0x0  }
0xe9: {  	[sflag:s24] =	ssyncadd.s32 $0xFFFFD000  }
0xea: {  	[hbm4b:s19+s3] =	stream.linear.scatter [tilespmem:s23], [sflag:$0x3], $0x3000, $0x38;
	[tilespmem:$0x1EE00] =	vst v63  }
0xeb: {  	_ =	swait.ge [sflag:s24], $0x3000  }
0xec: {  	[sflag:s24] =	ssyncset.done $0x0  }
0xed: {  	[sflag:s24] =	ssyncadd.s32 $0xFFFFD000  }
0xee: {  	[tilespmem:s23], [sflag:$0x3] =	stream.linear.gather [spmem:s13], $0x3000, $0x38;
	[tilespmem:$0x1EE00] =	vst v63  }
0xef: {  	_ =	swait.ge [sflag:s24], $0x3000  }
0xf0: {  	[sflag:s24] =	ssyncset.done $0x0  }
0xf1: {  	[sflag:s24] =	ssyncadd.s32 $0xFFFFD000  }
0xf2: {  	[hbm4b:s20+s3] =	stream.linear.scatter [tilespmem:s23], [sflag:$0x3], $0x3000, $0x38;
	[tilespmem:$0x1EE00] =	vst v63  }
0xf3: {  	_ =	swait.ge [sflag:s24], $0x3000  }
0xf4: {  	[sflag:s24] =	ssyncset.done $0x0  }
0xf5: {  	[sflag:s24] =	ssyncadd.s32 $0xFFFFD000  }
0xf6: {  	[tilespmem:s23], [sflag:$0x3] =	stream.linear.gather [spmem:s14], $0x2000, $0x38;
	[tilespmem:$0x1EE00] =	vst v63  }
0xf7: {  	s5 =	sadd.s32 $0x1, s5;
	_ =	swait.ge [sflag:s24], $0x2000  }
0xf8: {  	p1 =	sne.s32 s5, s22;
	[sflag:s24] =	ssyncset.done $0x0  }
.Ltmp2:
0xf9: {  	[sflag:s24] =	ssyncadd.s32 $0xFFFFE000;
	(pc) =	sbr.rel @p1 .LBB2_1-.Ltmp2, $4  }
0xfa: {  	[hbm4b:s21+s3] =	stream.linear.scatter [tilespmem:s23], [sflag:$0x3], $0x2000, $0x38;
	[tilespmem:$0x1EE00] =	vst v63  }
0xfb: {  	_ =	swait.ge [sflag:s24], $0x2000  }
0xfc: {  	[sflag:s24] =	ssyncset.done $0x0  }
0xfd: {  	[sflag:s24] =	ssyncadd.s32 $0xFFFFE000  }
0xfe: {  	_ =	sfence.sel $0x180000  }
0xff: {  	[bflag:$0x0] =	sbarrier.arrive $0xFFFF  }
0x100: {  	_ =	strace $0x9000004A  }
0x101: {  	s0 =	stileid.u32;
	[bflag:$0x2] =	sbarrier.arrive $0xFFFF  }
0x102: {  	p0 =	sne.s32 s0, $0x0;
	s0 =	rddreg [dreg:$0x3]  }
0x103: {  	s0 =	sadd.s32 @!p0 $0x100000, s0  }
0x104: {  	[sflag:s0] =	ssyncadd.tile.s32 @!p0 $0x1;
	_ =	shalt  }
.Lfunc_end2:
_tile_overlayer_lowered:
.L_overlay_start_2:
0x105: {  	(tag) =	ssettag $0x2  }
0x106: {  	s0 =	rddreg [dreg:$0x0];
	s2 =	stileid.u32  }
0x107: {  	s1 =	rddreg [dreg:$0x1];
	p0 =	sne.s32 s2, $0x0  }
0x108: {  	s3 =	rddreg [dreg:$0x2];
	[bflag:$0x3] =	sbarrier.arrive $0xFFFF;
	s2 =	simm.s32 @!p0 $0x1C03  }
0x109: {  	[timem:s3], [sflag:s2] =	dma.local @!p0 [hbm:s0], s1  }
0x10a: {  	s0 =	simm.s32 @!p0 $0x3  }
0x10b: {  	_ =	swait.ge @!p0 [sflag:s0], s1  }
0x10c: {  	s1 =	ssub.s32 @!p0 $0x0, s1;
	[sflag:s0] =	ssyncset.done @!p0 $0x0  }
0x10d: {  	[sflag:s0] =	ssyncadd.s32 @!p0 s1  }
0x10e: {  	[bflag:$0x3] =	sbarrier.arrive $0xFFFF  }
0x10f: {  	_ =	shalt  }

// kernel: kernel.14.cloned.1.call-start
scs
__scs_entry_jumppad:
0x0: {  	(pc) =	sbr.rel $0x88, $3  }
0x1: {  	(tag) =	ssettag $0x0;
	lr =	simm.s32 $0x1  }
0x2: {  	[smem:$0x3F99] =	sst lr;
	_ =	strace $0xD0000000  }
0x3: {  	_ = 	snop  }
0x4: {  	_ = 	snop  }
0x5: {  	_ = 	snop  }
0x6: {  	_ = 	snop  }
0x7: {  	_ = 	snop  }
__scs_overlays_trampoline_lowered:
0x8: {  	[smem:$0x3FA8] =	sst s0  }
0x9: {  	[smem:$0x3FA9] =	sst s1  }
0xa: {  	[smem:$0x3FAA] =	sst s2  }
0xb: {  	[smem:$0x3FAB] =	sst s3  }
0xc: {  	[smem:$0x3FAC] =	sst s4  }
0xd: {  	[smem:$0x3FAD] =	sst s5  }
0xe: {  	[smem:$0x3FAE] =	sst s6  }
0xf: {  	[smem:$0x3FAF] =	sst s7  }
0x10: {  	[smem:$0x3FB0] =	sst s8  }
0x11: {  	[smem:$0x3FB1] =	sst s9;
	s0 =	simm.s32 @!p0 $0x0  }
0x12: {  	s1 =	sld [smem:$0x3F97];
	s0 =	simm.s32 @p0 $0x1  }
0x13: {  	[smem:$0x3FB2] =	sst s0;
	s0 =	simm.s32 @!p1 $0x0  }
0x14: {  	s2 =	sld [smem:$0x3F96];
	s0 =	simm.s32 @p1 $0x1  }
0x15: {  	[smem:$0x3FB3] =	sst s0;
	s0 =	simm.s32 @!p2 $0x0  }
0x16: {  	s3 =	sld [smem:$0x3FDB];
	s0 =	simm.s32 @p2 $0x1  }
0x17: {  	s4 =	simm.s32 $0x1BF5;
	[smem:$0x3FB5] =	sst s0  }
0x18: {  	s0 =	sld [smem:$0x3F98];
	_ =	swait.ge [sflag:s4], $0x0  }
0x19: {  	s7 =	sld [smem:$0x3F99]  }
0x1a: {  	s8 =	sadd.s32 $0xFFFFE003, lr  }
0x1b: {  	s9 =	sadd.s32 $0xFFFFFEF7, lr;
	s5 =	simm.s32 $0xFFFFFFFF;
	p2 =	slt.u32 s8, $0xFFFFF086  }
0x1c: {  	p1 =	slt.u32 s9, $0xF7A;
	s5 =	simm.s32 @!p2 $0x0  }
0x1d: {  	s5 =	simm.s32 @p1 $0x1;
	p0 =	seq.s32 s7, s2  }
0x1e: {  	s7 =	smul.u32 @!p0 $0xF7A, s2;
	p2 =	seq.s32 @!p0 s5, $0x0  }
0x1f: {  	s9 =	smul.u32 $0xF7A, s1;
	s8 =	simm.s32 @!p0 $0x1BF5;
	p2 =	por !p2, p0  }
0x20: {  	[sflag:s8] =	ssyncset.s32 @!p0 $0xFFFFF086;
	s6 =	sadd.s32 @!p0 s3, s7;
	s7 =	simm.s32 @!p0 $0x108  }
0x21: {  	s3 =	sadd.s32 s3, s9;
	s6 =	sadd.s32 @!p0 $0x88, s6;
	s7 =	simm.s32 @p2 $0x1082  }
0x22: {  	[simem:s7], [sflag:s8] =	dma.local @!p0 [hbm:s6], $0xF7A  }
0x23: {  	s9 =	sor.u32 $0xD0000000, s2;
	s6 =	simm.s32 $0x108;
	_ =	swait.ge @!p0 [sflag:s8], $0x0  }
0x24: {  	s3 =	sadd.s32 $0x88, s3;
	s6 =	simm.s32 @!p1 $0x1082;
	[sflag:s4] =	ssyncset.s32 $0xFFFFF086  }
0x25: {  	[simem:s6], [sflag:s4] =	dma.local [hbm:s3], $0xF7A  }
0x26: {  	[smem:$0x3F99] =	sst s1;
	(tag) =	ssettag s2;
	_ =	strace s9  }
0x27: {  	s1 =	sld [smem:$0x3FA9]  }
0x28: {  	s2 =	sld [smem:$0x3FAA]  }
0x29: {  	s4 =	sld [smem:$0x3FAC]  }
0x2a: {  	p0 =	seq.s32 s5, $0x0;
	s5 =	sld [smem:$0x3FAD]  }
0x2b: {  	s6 =	sld [smem:$0x3FAE]  }
0x2c: {  	s7 =	sld [smem:$0x3FAF]  }
0x2d: {  	s3 =	simm.s32 $0x108;
	s8 =	sld [smem:$0x3FB0]  }
0x2e: {  	s3 =	simm.s32 @!p0 $0x1082;
	s9 =	sld [smem:$0x3FB1]  }
0x2f: {  	lr =	sadd.s32 s0, s3;
	s0 =	sld [smem:$0x3FA8]  }
0x30: {  	s3 =	sld [smem:$0x3FAB]  }
0x31: {  	[smem:$0x3FB4] =	sst s10  }
0x32: {  	s10 =	sld [smem:$0x3FB2];
	_ =	sdelay $0x3  }
0x33: {  	p0 =	seq.s32 s10, $0x1;
	s10 =	sld [smem:$0x3FB4];
	_ =	sdelay $0x3  }
0x34: {  	[smem:$0x3FB4] =	sst s10  }
0x35: {  	s10 =	sld [smem:$0x3FB3];
	_ =	sdelay $0x3  }
0x36: {  	p1 =	seq.s32 s10, $0x1;
	s10 =	sld [smem:$0x3FB4];
	_ =	sdelay $0x3  }
0x37: {  	[smem:$0x3FB4] =	sst s10  }
0x38: {  	s10 =	sld [smem:$0x3FB5]  }
0x39: {  	_ = 	snop;
	(pc) =	sbr.ind lr, $3  }
0x3a: {  	_ = 	snop  }
0x3b: {  	_ = 	snop  }
0x3c: {  	p2 =	seq.s32 s10, $0x1;
	s10 =	sld [smem:$0x3FB4]  }
0x3d: {  	_ =	shalt  }
0x3e: {  	_ =	shalt  }
0x3f: {  	_ =	shalt  }
0x40: {  	_ =	shalt  }
0x41: {  	_ =	shalt  }
0x42: {  	_ =	shalt  }
0x43: {  	_ =	shalt  }
0x44: {  	_ =	shalt  }
0x45: {  	_ =	shalt  }
0x46: {  	_ =	shalt  }
0x47: {  	_ =	shalt  }
0x48: {  	_ =	shalt  }
0x49: {  	_ =	shalt  }
0x4a: {  	_ =	shalt  }
0x4b: {  	_ =	shalt  }
0x4c: {  	_ =	shalt  }
0x4d: {  	_ =	shalt  }
0x4e: {  	_ =	shalt  }
0x4f: {  	_ =	shalt  }
0x50: {  	_ =	shalt  }
0x51: {  	_ =	shalt  }
0x52: {  	_ =	shalt  }
0x53: {  	_ =	shalt  }
0x54: {  	_ =	shalt  }
0x55: {  	_ =	shalt  }
0x56: {  	_ =	shalt  }
0x57: {  	_ =	shalt  }
0x58: {  	_ =	shalt  }
0x59: {  	_ =	shalt  }
0x5a: {  	_ =	shalt  }
0x5b: {  	_ =	shalt  }
0x5c: {  	_ =	shalt  }
0x5d: {  	_ =	shalt  }
0x5e: {  	_ =	shalt  }
0x5f: {  	_ =	shalt  }
0x60: {  	_ =	shalt  }
0x61: {  	_ =	shalt  }
0x62: {  	_ =	shalt  }
0x63: {  	_ =	shalt  }
0x64: {  	_ =	shalt  }
0x65: {  	_ =	shalt  }
0x66: {  	_ =	shalt  }
0x67: {  	_ =	shalt  }
0x68: {  	_ =	shalt  }
0x69: {  	_ =	shalt  }
0x6a: {  	_ =	shalt  }
0x6b: {  	_ =	shalt  }
0x6c: {  	_ =	shalt  }
0x6d: {  	_ =	shalt  }
0x6e: {  	_ =	shalt  }
0x6f: {  	_ =	shalt  }
0x70: {  	_ =	shalt  }
0x71: {  	_ =	shalt  }
0x72: {  	_ =	shalt  }
0x73: {  	_ =	shalt  }
0x74: {  	_ =	shalt  }
0x75: {  	_ =	shalt  }
0x76: {  	_ =	shalt  }
0x77: {  	_ =	shalt  }
0x78: {  	_ =	shalt  }
0x79: {  	_ =	shalt  }
0x7a: {  	_ =	shalt  }
0x7b: {  	_ =	shalt  }
0x7c: {  	_ =	shalt  }
0x7d: {  	_ =	shalt  }
0x7e: {  	_ =	shalt  }
0x7f: {  	_ =	shalt  }
0x80: {  	_ =	shalt  }
0x81: {  	_ =	shalt  }
0x82: {  	_ =	shalt  }
0x83: {  	_ =	shalt  }
0x84: {  	_ =	shalt  }
0x85: {  	_ =	shalt  }
0x86: {  	_ =	shalt  }
0x87: {  	_ =	shalt  }
.Lfunc_end0:
.L_simem_size_0:
called_computation.2_lowered:
.L_overlay_start_0:
0x88: {  	s2 =	sld [smem:$0x3FD9]  }
0x89: {  	s3 =	sld [smem:$0x3FFE];
	_ =	sdelay $0x1  }
0x8a: {  	s1 =	srdreg.scid  }
0x8b: {  	s0 =	sand.u32 $0x1, s1  }
0x8c: {  	s14 =	sshll.u32 s0, $0xA;
	s2 =	sadd.s32 s3, s2  }
0x8d: {  	s2 =	sadd.s32 s2, s14  }
0x8e: {  	[smem:$0x3FC0] =	sst s2  }
0x8f: {  	_ = 	snop  }
0x90: {  	s2 =	sld [smem:$0x3FD0];
	_ =	sdelay $0x2  }
0x91: {  	s15 =	simm.s32 $0xA;
	s4 =	simm.s32 $0x10  }
0x92: {  	[smem:s4], [sflag:s15] =	dma.local [hbm:s2], $0x1  }
0x93: {  	_ =	swait.eq [sflag:s15], $0x1  }
0x94: {  	[sflag:s15] =	ssyncset.done $0x0  }
0x95: {  	[sflag:s15] =	ssyncadd.s32 $0xFFFFFFFF  }
0x96: {  	s16 =	sld [smem:$0x10];
	(tm) =	ssettm $0x1  }
0x97: {  	s17 =	sld [smem:$0x3FFB];
	_ =	sdelay $0x3  }
0x98: {  	_ =	strace s17  }
0x99: {  	s3 =	sld [smem:$0x3FFC];
	_ =	sdelay $0x3  }
0x9a: {  	_ =	strace s3  }
0x9b: {  	s3 =	sld [smem:$0x3FFD];
	_ =	sdelay $0x3  }
0x9c: {  	_ =	strace s3  }
0x9d: {  	_ =	strace $0x8FFFFFFF  }
0x9e: {  	s18 =	sld [smem:$0x3FDB];
	_ =	sdelay $0x1  }
0x9f: {  	s19 =	simm.s32 $_scs_section_size  }
0xa0: {  	s5 =	simm.s32 $_size__tile_overlayer_lowered;
	s6 =	simm.s32 $_tile_overlayer_lowered  }
0xa1: {  	s22 =	simm.s32 $0x1BFF;
	s21 =	sshll.u32 s6, $0x1;
	s3 =	sadd.s32 s19, s18  }
0xa2: {  	s7 =	simm.s32 $0x0;
	s20 =	sshll.u32 s5, $0x1;
	s5 =	sadd.s32 s21, s3  }
0xa3: {  	[timem:s7], [sflag:s22] =	dma.local [hbm:s5], s20  }
0xa4: {  	_ =	swait.ge [sflag:s22], s20  }
0xa5: {  	s4 =	ssub.s32 $0x0, s20;
	[sflag:s22] =	ssyncset.done $0x0  }
0xa6: {  	[sflag:s22] =	ssyncadd.s32 s4;
	_ =	sdelay $0x1  }
0xa7: {  	s23 =	simm.s32 $0x1B8B  }
0xa8: {  	_ =	swait.ge [sflag:s23], $0x1  }
0xa9: {  	[sflag:s23] =	ssyncset.done $0x0  }
0xaa: {  	s25 =	simm.s32 $0x1B8E;
	s24 =	sld [smem:$0x3FFE];
	[sflag:s23] =	ssyncadd.s32 $0xFFFFFFFF  }
0xab: {  	s26 =	simm.s32 $execute0_lowered;
	[smem:$0x3FD2] =	sst s25  }
0xac: {  	s5 =	sshll.u32 s26, $0x1;
	_ =	strace $0x8000004C;
	[dreg:$0x1] =	wrdreg $0xFFFFFFFF  }
0xad: {  	s28 =	simm.s32 $_size_execute0_lowered;
	s3 =	sadd.s32 s3, s5;
	[dreg:$0x0] =	wrdreg $0x0  }
0xae: {  	s5 =	sshll.u32 s28, $0x1;
	[dreg:$0x2] =	wrdreg s3  }
0xaf: {  	[dreg:$0x3] =	wrdreg s5  }
0xb0: {  	[dreg:$0x4] =	wrdreg $0xC0  }
0xb1: {  	_ =	task [dreg:s7], $0x5FFFF  }
0xb2: {  	[dreg:$0x1] =	wrdreg $0xFFFFFFFF  }
0xb3: {  	[dreg:$0x0] =	wrdreg $0x60  }
0xb4: {  	[dreg:$0x2] =	wrdreg s24  }
0xb5: {  	[dreg:$0x3] =	wrdreg s16  }
0xb6: {  	[dreg:$0x4] =	wrdreg $0xAE000  }
0xb7: {  	[dreg:$0x5] =	wrdreg $0x9  }
0xb8: {  	_ =	task.clear_ibuf [dreg:s7], $0x6FFFF;
	_ =	strace $0x9000004C  }
0xb9: {  	s29 =	simm.s32 $0x9;
	_ =	strace $0x8000004E  }
0xba: {  	_ =	swait.ge [sflag:s29], $0x1  }
0xbb: {  	[sflag:s29] =	ssyncadd.s32 $0xFFFFFFFF  }
0xbc: {  	_ =	strace $0x9000004E  }
0xbd: {  	_ =	sfence  }
0xbe: {  	s30 =	sld [smem:$0x0];
	_ =	sdelay $0x2  }
0xbf: {  	s31 =	sshll.u32 s1, $0xD;
	s1 =	sshrl.u32 s1, $0x2  }
0xc0: {  	s3 =	sand.u32 $0x4000, s31;
	s1 =	sadd.s32 s1, s30  }
0xc1: {  	s0 =	sor.u32 s3, s0;
	s1 =	sshll.u32 s1, $0x11  }
0xc2: {  	s0 =	sor.u32 s1, s0  }
0xc3: {  	s0 =	sadd.s32 $0x8F2B, s0  }
0xc4: {  	[sflag:s0] =	ssyncadd.remote.s32 $0x1  }
0xc5: {  	_ =	sfence.sel $0xFFFF  }
0xc6: {  	[dreg:$0x0] =	wrdreg $0xFFFFFFFF;
	(pc) =	sbr.abs _section_cstart, $3  }
0xc7: {  	[dreg:$0x1] =	wrdreg $0xFFFFFFFF  }
0xc8: {  	_ =	task.clear_ibuf [dreg:s7], $0x2FFFF;
	_ =	strace $0x9FFFFFFF  }
0xc9: {  	(tm) =	ssettm $0x7FFFFFFF  }
tec
execute0_lowered:
.L_overlay_start_1:
0x0: {  	(tag) =	ssettag $0x1  }
0x1: {  	s0 =	rddreg [dreg:$0x0]  }
0x2: {  	s1 =	rddreg [dreg:$0x1]  }
0x3: {  	s2 =	rddreg [dreg:$0x2]  }
0x4: {  	s10 =	stileid.u32;
	s4 =	srdreg.scid  }
0x5: {  	s3 =	simm.s32 $0x0;
	s28 =	simm.s32 $0x4C80;
	s29 =	simm.s32 $0x7E00  }
0x6: {  	s30 =	simm.s32 $0x1;
	s31 =	simm.s32 $0x4D00;
	s6 =	smul.u32 $0x280, s10  }
0x7: {  	s5 =	sand.u32 $0x1, s4;
	[smem:$0x7FF] =	sst s3;
	s24 =	smul.u32 $0x50000, s10  }
0x8: {  	s4 =	sadd.s32 $0x2AC00, s0;
	s8 =	sshll.u32 s10, $0xA;
	s10 =	smul.u32 $0x980, s10  }
0x9: {  	s9 =	sadd.s32 $0x2C00, s0;
	s7 =	smul.u32 $0x2800, s5;
	_ =	strace $0x8000004D  }
0xa: {  	s23 =	sadd.s32 s8, s0;
	[dreg:$0x4] =	wrdreg s9;
	s25 =	ssub.s32 $0x2, s5  }
0xb: {  	p0 =	sne.s32 s5, $0x0;
	s5 =	simm.s32 $0x0;
	s26 =	sshrl.u32 s25, $0x1  }
0xc: {  	s8 =	sshrl.u32 s24, $0x2;
	s1 =	sadd.s32 s1, s10;
	s24 =	simm.s32 $0x3  }
0xd: {  	s6 =	sadd.s32 s6, s7;
	s7 =	sadd.s32 $0xA2C00, s23;
	[dreg:$0x6] =	wrdreg s1  }
0xe: {  	s23 =	simm.s32 $0x4E00;
	s1 =	simm.s32 $0x4D80;
	s6 =	sshll.u32 s6, $0x4  }
0xf: {  	[dreg:$0x5] =	wrdreg s7;
	s7 =	sadd.s32 s8, s2;
	s0 =	sadd.s32 s6, s0  }
0x10: {  	s6 =	ssub.s32 s25, s26;
	s9 =	sadd.s32 $0x3000, s7;
	s10 =	sadd.s32 $0x6000, s7  }
0x11: {  	s11 =	sadd.s32 $0x9000, s7;
	s12 =	sadd.s32 $0xC000, s7;
	s13 =	sadd.s32 $0xF000, s7  }
0x12: {  	s14 =	sadd.s32 $0x12000, s7;
	s25 =	simm.s32 $0x60;
	s26 =	simm.s32 $0x4C00  }
0x13: {  	s15 =	sadd.s32 $0xA6C00, s0;
	s16 =	sadd.s32 $0xA7200, s0;
	s17 =	sadd.s32 $0xA7800, s0  }
0x14: {  	s18 =	sadd.s32 $0xA7E00, s0;
	s19 =	sadd.s32 $0xA8400, s0;
	s20 =	sadd.s32 $0xA8A00, s0  }
0x15: {  	s21 =	sadd.s32 $0xA9000, s0;
	s22 =	smax.u32 s6, $0x1;
	s0 =	simm.s32 $0x2  }
.LBB2_1:
0x16: {  	s6 =	simm.s32 @p0 $0x0;
	s8 =	rddreg [dreg:$0x5]  }
0x17: {  	[tilespmem:s6], [sflag:$0x3] =	stream.linear.gather @p0 [hbm4b:s8+s6], $0x2000, $0x38;
	[tilespmem:$0x1EE00] =	vst v63  }
0x18: {  	s6 =	simm.s32 @p0 $0x3  }
0x19: {  	_ =	swait.ge @p0 [sflag:s6], $0x2000  }
0x1a: {  	[sflag:s6] =	ssyncset.done @p0 $0x0  }
0x1b: {  	s8 =	rddreg [dreg:$0x6];
	[sflag:s6] =	ssyncadd.s32 @p0 $0xFFFFE000;
	s6 =	simm.s32 @!p0 $0x0  }
0x1c: {  	[tilespmem:s6], [sflag:$0x3] =	stream.linear.gather @!p0 [hbm4b:s8+s6], $0x4C00, $0x38;
	[tilespmem:$0x1EE00] =	vst v63  }
0x1d: {  	s6 =	simm.s32 @!p0 $0x3  }
0x1e: {  	_ =	swait.ge @!p0 [sflag:s6], $0x4C00  }
0x1f: {  	[sflag:s6] =	ssyncset.done @!p0 $0x0  }
0x20: {  	s8 =	rddreg [dreg:$0x4];
	[sflag:s6] =	ssyncadd.s32 @!p0 $0xFFFFB400  }
0x21: {  	[tilespmem:s23], [sflag:$0x3] =	stream.linear.gather [hbm4b:s8+s3], $0x3000, $0x38;
	[tilespmem:$0x1EE00] =	vst v63  }
0x22: {  	_ =	swait.ge [sflag:s24], $0x3000  }
0x23: {  	[sflag:s24] =	ssyncset.done $0x0  }
0x24: {  	[sflag:s24] =	ssyncadd.s32 $0xFFFFD000  }
0x25: {  	[spmem:s7] =	stream.linear.scatter [tilespmem:s23], [sflag:$0x3], $0x3000, $0x38;
	[tilespmem:$0x1EE00] =	vst v63  }
0x26: {  	_ =	swait.ge [sflag:s24], $0x3000  }
0x27: {  	[sflag:s24] =	ssyncset.done $0x0  }
0x28: {  	[sflag:s24] =	ssyncadd.s32 $0xFFFFD000  }
0x29: {  	[spmem:s9] =	stream.linear.scatter [tilespmem:s23], [sflag:$0x3], $0x3000, $0x38;
	[tilespmem:$0x1EE00] =	vst v63  }
0x2a: {  	_ =	swait.ge [sflag:s24], $0x3000  }
0x2b: {  	[sflag:s24] =	ssyncset.done $0x0  }
0x2c: {  	[sflag:s24] =	ssyncadd.s32 $0xFFFFD000  }
0x2d: {  	[spmem:s10] =	stream.linear.scatter [tilespmem:s23], [sflag:$0x3], $0x3000, $0x38;
	[tilespmem:$0x1EE00] =	vst v63  }
0x2e: {  	_ =	swait.ge [sflag:s24], $0x3000  }
0x2f: {  	[sflag:s24] =	ssyncset.done $0x0  }
0x30: {  	[sflag:s24] =	ssyncadd.s32 $0xFFFFD000  }
0x31: {  	[spmem:s11] =	stream.linear.scatter [tilespmem:s23], [sflag:$0x3], $0x3000, $0x38;
	[tilespmem:$0x1EE00] =	vst v63  }
0x32: {  	_ =	swait.ge [sflag:s24], $0x3000  }
0x33: {  	[sflag:s24] =	ssyncset.done $0x0  }
0x34: {  	[sflag:s24] =	ssyncadd.s32 $0xFFFFD000  }
0x35: {  	[spmem:s12] =	stream.linear.scatter [tilespmem:s23], [sflag:$0x3], $0x3000, $0x38;
	[tilespmem:$0x1EE00] =	vst v63  }
0x36: {  	_ =	swait.ge [sflag:s24], $0x3000  }
0x37: {  	[sflag:s24] =	ssyncset.done $0x0  }
0x38: {  	[sflag:s24] =	ssyncadd.s32 $0xFFFFD000  }
0x39: {  	[spmem:s13] =	stream.linear.scatter [tilespmem:s23], [sflag:$0x3], $0x3000, $0x38;
	[tilespmem:$0x1EE00] =	vst v63  }
0x3a: {  	_ =	swait.ge [sflag:s24], $0x3000  }
0x3b: {  	[sflag:s24] =	ssyncset.done $0x0  }
0x3c: {  	[sflag:s24] =	ssyncadd.s32 $0xFFFFD000  }
0x3d: {  	[spmem:s14] =	stream.linear.scatter [tilespmem:s23], [sflag:$0x3], $0x2000, $0x38;
	[tilespmem:$0x1EE00] =	vst v63  }
0x3e: {  	_ =	swait.ge [sflag:s24], $0x2000  }
0x3f: {  	[sflag:s24] =	ssyncset.done $0x0  }
0x40: {  	[sflag:s24] =	ssyncadd.s32 $0xFFFFE000  }
0x41: {  	s6 =	simm.s32 $0x80;
	[bflag:$0x0] =	sbarrier.arrive $0xFFFF  }
0x42: {  	v0 =	vld [tilespmem:s6+$0xFFFFFF80];
	_ =	sdelay $0x4  }
0x43: {  	v1 =	vand.u32 $0xFFFF, v0  }
0x44: {  	v0 =	vshrl.u32 v0, $0x10;
	[tilespmem:$0x4C00] =	vst v1  }
0x45: {  	[tilespmem:$0x4D00] =	vst v0  }
0x46: {  	v0 =	vld [tilespmem:s6+$0xFFFFFF90];
	_ =	sdelay $0x4  }
0x47: {  	v53 =	vand.u32 $0xFFFF, v0  }
0x48: {  	v0 =	vshrl.u32 v0, $0x10;
	[tilespmem:$0x4C10] =	vst v53  }
0x49: {  	[tilespmem:$0x4D10] =	vst v0  }
0x4a: {  	v0 =	vld [tilespmem:s6+$0xFFFFFFA0];
	_ =	sdelay $0x4  }
0x4b: {  	v54 =	vand.u32 $0xFFFF, v0  }
0x4c: {  	v0 =	vshrl.u32 v0, $0x10;
	[tilespmem:$0x4C20] =	vst v54  }
0x4d: {  	[tilespmem:$0x4D20] =	vst v0  }
0x4e: {  	v0 =	vld [tilespmem:s6+$0xFFFFFFB0];
	_ =	sdelay $0x4  }
0x4f: {  	v55 =	vand.u32 $0xFFFF, v0  }
0x50: {  	v0 =	vshrl.u32 v0, $0x10;
	[tilespmem:$0x4C30] =	vst v55  }
0x51: {  	[tilespmem:$0x4D30] =	vst v0  }
0x52: {  	v0 =	vld [tilespmem:s6+$0xFFFFFFC0];
	_ =	sdelay $0x4  }
0x53: {  	v56 =	vand.u32 $0xFFFF, v0  }
0x54: {  	v0 =	vshrl.u32 v0, $0x10;
	[tilespmem:$0x4C40] =	vst v56  }
0x55: {  	[tilespmem:$0x4D40] =	vst v0  }
0x56: {  	v0 =	vld [tilespmem:s6+$0xFFFFFFD0];
	_ =	sdelay $0x4  }
0x57: {  	v57 =	vand.u32 $0xFFFF, v0  }
0x58: {  	v0 =	vshrl.u32 v0, $0x10;
	[tilespmem:$0x4C50] =	vst v57  }
0x59: {  	[tilespmem:$0x4D50] =	vst v0  }
0x5a: {  	[tilespmem:s23], [sflag:$0x1] =	stream.indirect.gather [hbm4b:s4+s25], $0x80, s26, s25, $0xb8;
	[tilespmem:$0x1EE00] =	vst v63  }
0x5b: {  	v0 =	vld [tilespmem:s6+$0x0];
	_ =	sdelay $0x4  }
0x5c: {  	v58 =	vand.u32 $0xFFFF, v0  }
0x5d: {  	v0 =	vshrl.u32 v0, $0x10;
	[tilespmem:$0x4C80] =	vst v58  }
0x5e: {  	[tilespmem:$0x4D80] =	vst v0  }
0x5f: {  	v0 =	vld [tilespmem:s6+$0x10];
	_ =	sdelay $0x4  }
0x60: {  	v59 =	vand.u32 $0xFFFF, v0  }
0x61: {  	v0 =	vshrl.u32 v0, $0x10;
	[tilespmem:$0x4C90] =	vst v59  }
0x62: {  	[tilespmem:$0x4D90] =	vst v0  }
0x63: {  	v0 =	vld [tilespmem:s6+$0x20];
	_ =	sdelay $0x4  }
0x64: {  	v60 =	vand.u32 $0xFFFF, v0  }
0x65: {  	v0 =	vshrl.u32 v0, $0x10;
	[tilespmem:$0x4CA0] =	vst v60  }
0x66: {  	[tilespmem:$0x4DA0] =	vst v0  }
0x67: {  	v0 =	vld [tilespmem:s6+$0x30];
	_ =	sdelay $0x4  }
0x68: {  	v61 =	vand.u32 $0xFFFF, v0  }
0x69: {  	v0 =	vshrl.u32 v0, $0x10;
	[tilespmem:$0x4CB0] =	vst v61  }
0x6a: {  	[tilespmem:$0x4DB0] =	vst v0  }
0x6b: {  	v0 =	vld [tilespmem:s6+$0x40];
	_ =	sdelay $0x4  }
0x6c: {  	v62 =	vand.u32 $0xFFFF, v0  }
0x6d: {  	v0 =	vshrl.u32 v0, $0x10;
	[tilespmem:$0x4CC0] =	vst v62  }
0x6e: {  	[tilespmem:$0x4DC0] =	vst v0  }
0x6f: {  	v0 =	vld [tilespmem:s6+$0x50];
	_ =	sdelay $0x1  }
0x70: {  	s8 =	simm.s32 @!p0 $0x4C  }
0x71: {  	s8 =	simm.s32 @p0 $0x20  }
0x72: {  	p1 =	sne.s32 s8, $0x1  }
.Ltmp0:
0x73: {  	v63 =	vand.u32 $0xFFFF, v0;
	(pc) =	sbr.rel @!p1 .LBB2_3-.Ltmp0, $4  }
0x74: {  	v0 =	vshrl.u32 v0, $0x10;
	[tilespmem:$0x4CD0] =	vst v63  }
0x75: {  	[tilespmem:$0x4DD0] =	vst v0  }
0x76: {  	[tilespmem:s29], [sflag:$0x2] =	stream.indirect.gather [hbm4b:s4+s25], $0x80, s28, s25, $0xb8;
	[tilespmem:$0x1EE00] =	vst v63  }
0x77: {  	s8 =	sadd.s32 $0xFFFFFFFF, s8;
	_ =	swait.ge [sflag:s30], $0x3000  }
.LBB2_2:
0x78: {  	p1 =	sne.s32 s8, $0x1;
	[sflag:s30] =	ssyncset.done $0x0;
	s6 =	sadd.s32 $0x100, s6  }
0x79: {  	s8 =	sadd.s32 $0xFFFFFFFF, s8;
	[sflag:s30] =	ssyncadd.s32 $0xFFFFD000  }
0x7a: {  	[spmem:s2] =	stream.indirect.scatter.add.f32 [tilespmem:s23], [sflag:$0x3], $0x80, s31, s25, $0xb8;
	[tilespmem:$0x1EE00] =	vst v63  }
0x7b: {  	_ =	swait.ge [sflag:s24], $0x3000  }
0x7c: {  	[sflag:s24] =	ssyncset.done $0x0  }
0x7d: {  	[sflag:s24] =	ssyncadd.s32 $0xFFFFD000  }
0x7e: {  	_ =	swait.ge [sflag:s0], $0x3000  }
0x7f: {  	[sflag:s0] =	ssyncset.done $0x0  }
0x80: {  	[sflag:s0] =	ssyncadd.s32 $0xFFFFD000  }
0x81: {  	[spmem:s2] =	stream.indirect.scatter.add.f32 [tilespmem:s29], [sflag:$0x3], $0x80, s1, s25, $0xb8;
	[tilespmem:$0x1EE00] =	vst v63  }
0x82: {  	_ =	swait.ge [sflag:s24], $0x3000  }
0x83: {  	[sflag:s24] =	ssyncset.done $0x0  }
0x84: {  	[sflag:s24] =	ssyncadd.s32 $0xFFFFD000  }
0x85: {  	v0 =	vld [tilespmem:s6+$0xFFFFFF80];
	_ =	sdelay $0x4  }
0x86: {  	v1 =	vand.u32 $0xFFFF, v0;
	v0 =	vshrl.u32 v0, $0x10  }
0x87: {  	[tilespmem:$0x4C00] =	vst v1  }
0x88: {  	[tilespmem:$0x4D00] =	vst v0  }
0x89: {  	v0 =	vld [tilespmem:s6+$0xFFFFFF90];
	_ =	sdelay $0x4  }
0x8a: {  	v1 =	vand.u32 $0xFFFF, v0;
	v0 =	vshrl.u32 v0, $0x10  }
0x8b: {  	[tilespmem:$0x4C10] =	vst v1  }
0x8c: {  	[tilespmem:$0x4D10] =	vst v0  }
0x8d: {  	v0 =	vld [tilespmem:s6+$0xFFFFFFA0];
	_ =	sdelay $0x4  }
0x8e: {  	v1 =	vand.u32 $0xFFFF, v0;
	v0 =	vshrl.u32 v0, $0x10  }
0x8f: {  	[tilespmem:$0x4C20] =	vst v1  }
0x90: {  	[tilespmem:$0x4D20] =	vst v0  }
0x91: {  	v0 =	vld [tilespmem:s6+$0xFFFFFFB0];
	_ =	sdelay $0x4  }
0x92: {  	v1 =	vand.u32 $0xFFFF, v0;
	v0 =	vshrl.u32 v0, $0x10  }
0x93: {  	[tilespmem:$0x4C30] =	vst v1  }
0x94: {  	[tilespmem:$0x4D30] =	vst v0  }
0x95: {  	v0 =	vld [tilespmem:s6+$0xFFFFFFC0];
	_ =	sdelay $0x4  }
0x96: {  	v1 =	vand.u32 $0xFFFF, v0;
	v0 =	vshrl.u32 v0, $0x10  }
0x97: {  	[tilespmem:$0x4C40] =	vst v1  }
0x98: {  	[tilespmem:$0x4D40] =	vst v0  }
0x99: {  	v0 =	vld [tilespmem:s6+$0xFFFFFFD0];
	_ =	sdelay $0x4  }
0x9a: {  	v1 =	vand.u32 $0xFFFF, v0;
	v0 =	vshrl.u32 v0, $0x10  }
0x9b: {  	[tilespmem:$0x4C50] =	vst v1  }
0x9c: {  	[tilespmem:$0x4D50] =	vst v0  }
0x9d: {  	[tilespmem:s23], [sflag:$0x1] =	stream.indirect.gather [hbm4b:s4+s25], $0x80, s26, s25, $0xb8;
	[tilespmem:$0x1EE00] =	vst v63  }
0x9e: {  	v0 =	vld [tilespmem:s6+$0x0];
	_ =	sdelay $0x4  }
0x9f: {  	v1 =	vand.u32 $0xFFFF, v0;
	v0 =	vshrl.u32 v0, $0x10  }
0xa0: {  	[tilespmem:$0x4C80] =	vst v1  }
0xa1: {  	[tilespmem:$0x4D80] =	vst v0  }
0xa2: {  	v0 =	vld [tilespmem:s6+$0x10];
	_ =	sdelay $0x4  }
0xa3: {  	v1 =	vand.u32 $0xFFFF, v0;
	v0 =	vshrl.u32 v0, $0x10  }
0xa4: {  	[tilespmem:$0x4C90] =	vst v1  }
0xa5: {  	[tilespmem:$0x4D90] =	vst v0  }
0xa6: {  	v0 =	vld [tilespmem:s6+$0x20];
	_ =	sdelay $0x4  }
0xa7: {  	v1 =	vand.u32 $0xFFFF, v0;
	v0 =	vshrl.u32 v0, $0x10  }
0xa8: {  	[tilespmem:$0x4CA0] =	vst v1  }
0xa9: {  	[tilespmem:$0x4DA0] =	vst v0  }
0xaa: {  	v0 =	vld [tilespmem:s6+$0x30];
	_ =	sdelay $0x4  }
0xab: {  	v1 =	vand.u32 $0xFFFF, v0;
	v0 =	vshrl.u32 v0, $0x10  }
0xac: {  	[tilespmem:$0x4CB0] =	vst v1  }
0xad: {  	[tilespmem:$0x4DB0] =	vst v0  }
0xae: {  	v0 =	vld [tilespmem:s6+$0x40];
	_ =	sdelay $0x4  }
0xaf: {  	v1 =	vand.u32 $0xFFFF, v0;
	v0 =	vshrl.u32 v0, $0x10  }
0xb0: {  	[tilespmem:$0x4CC0] =	vst v1  }
0xb1: {  	[tilespmem:$0x4DC0] =	vst v0  }
0xb2: {  	v0 =	vld [tilespmem:s6+$0x50];
	_ =	sdelay $0x4  }
.Ltmp1:
0xb3: {  	v1 =	vand.u32 $0xFFFF, v0;
	v0 =	vshrl.u32 v0, $0x10;
	(pc) =	sbr.rel @p1 .LBB2_2-.Ltmp1, $4  }
0xb4: {  	[tilespmem:$0x4CD0] =	vst v1  }
0xb5: {  	[tilespmem:$0x4DD0] =	vst v0  }
0xb6: {  	[tilespmem:s29], [sflag:$0x2] =	stream.indirect.gather [hbm4b:s4+s25], $0x80, s28, s25, $0xb8;
	[tilespmem:$0x1EE00] =	vst v63  }
0xb7: {  	_ =	swait.ge [sflag:s30], $0x3000  }
.LBB2_3:
0xb8: {  	[sflag:s30] =	ssyncset.done $0x0  }
0xb9: {  	[sflag:s30] =	ssyncadd.s32 $0xFFFFD000  }
0xba: {  	[spmem:s2] =	stream.indirect.scatter.add.f32 [tilespmem:s23], [sflag:$0x3], $0x80, s31, s25, $0xb8;
	[tilespmem:$0x1EE00] =	vst v63  }
0xbb: {  	_ =	swait.ge [sflag:s24], $0x3000  }
0xbc: {  	[sflag:s24] =	ssyncset.done $0x0  }
0xbd: {  	[sflag:s24] =	ssyncadd.s32 $0xFFFFD000  }
0xbe: {  	_ =	swait.ge [sflag:s0], $0x3000  }
0xbf: {  	[sflag:s0] =	ssyncset.done $0x0  }
0xc0: {  	[sflag:s0] =	ssyncadd.s32 $0xFFFFD000  }
0xc1: {  	[spmem:s2] =	stream.indirect.scatter.add.f32 [tilespmem:s29], [sflag:$0x3], $0x80, s1, s25, $0xb8;
	[tilespmem:$0x1EE00] =	vst v63  }
0xc2: {  	_ =	swait.ge [sflag:s24], $0x3000  }
0xc3: {  	[sflag:s24] =	ssyncset.done $0x0  }
0xc4: {  	[sflag:s24] =	ssyncadd.s32 $0xFFFFD000  }
0xc5: {  	[bflag:$0x0] =	sbarrier.arrive $0xFFFF  }
0xc6: {  	[tilespmem:s23], [sflag:$0x3] =	stream.linear.gather [spmem:s7], $0x3000, $0x38;
	[tilespmem:$0x1EE00] =	vst v63  }
0xc7: {  	_ =	swait.ge [sflag:s24], $0x3000  }
0xc8: {  	[sflag:s24] =	ssyncset.done $0x0  }
0xc9: {  	[sflag:s24] =	ssyncadd.s32 $0xFFFFD000  }
0xca: {  	[hbm4b:s15+s3] =	stream.linear.scatter [tilespmem:s23], [sflag:$0x3], $0x3000, $0x38;
	[tilespmem:$0x1EE00] =	vst v63  }
0xcb: {  	_ =	swait.ge [sflag:s24], $0x3000  }
0xcc: {  	[sflag:s24] =	ssyncset.done $0x0  }
0xcd: {  	[sflag:s24] =	ssyncadd.s32 $0xFFFFD000  }
0xce: {  	[tilespmem:s23], [sflag:$0x3] =	stream.linear.gather [spmem:s9], $0x3000, $0x38;
	[tilespmem:$0x1EE00] =	vst v63  }
0xcf: {  	_ =	swait.ge [sflag:s24], $0x3000  }
0xd0: {  	[sflag:s24] =	ssyncset.done $0x0  }
0xd1: {  	[sflag:s24] =	ssyncadd.s32 $0xFFFFD000  }
0xd2: {  	[hbm4b:s16+s3] =	stream.linear.scatter [tilespmem:s23], [sflag:$0x3], $0x3000, $0x38;
	[tilespmem:$0x1EE00] =	vst v63  }
0xd3: {  	_ =	swait.ge [sflag:s24], $0x3000  }
0xd4: {  	[sflag:s24] =	ssyncset.done $0x0  }
0xd5: {  	[sflag:s24] =	ssyncadd.s32 $0xFFFFD000  }
0xd6: {  	[tilespmem:s23], [sflag:$0x3] =	stream.linear.gather [spmem:s10], $0x3000, $0x38;
	[tilespmem:$0x1EE00] =	vst v63  }
0xd7: {  	_ =	swait.ge [sflag:s24], $0x3000  }
0xd8: {  	[sflag:s24] =	ssyncset.done $0x0  }
0xd9: {  	[sflag:s24] =	ssyncadd.s32 $0xFFFFD000  }
0xda: {  	[hbm4b:s17+s3] =	stream.linear.scatter [tilespmem:s23], [sflag:$0x3], $0x3000, $0x38;
	[tilespmem:$0x1EE00] =	vst v63  }
0xdb: {  	_ =	swait.ge [sflag:s24], $0x3000  }
0xdc: {  	[sflag:s24] =	ssyncset.done $0x0  }
0xdd: {  	[sflag:s24] =	ssyncadd.s32 $0xFFFFD000  }
0xde: {  	[tilespmem:s23], [sflag:$0x3] =	stream.linear.gather [spmem:s11], $0x3000, $0x38;
	[tilespmem:$0x1EE00] =	vst v63  }
0xdf: {  	_ =	swait.ge [sflag:s24], $0x3000  }
0xe0: {  	[sflag:s24] =	ssyncset.done $0x0  }
0xe1: {  	[sflag:s24] =	ssyncadd.s32 $0xFFFFD000  }
0xe2: {  	[hbm4b:s18+s3] =	stream.linear.scatter [tilespmem:s23], [sflag:$0x3], $0x3000, $0x38;
	[tilespmem:$0x1EE00] =	vst v63  }
0xe3: {  	_ =	swait.ge [sflag:s24], $0x3000  }
0xe4: {  	[sflag:s24] =	ssyncset.done $0x0  }
0xe5: {  	[sflag:s24] =	ssyncadd.s32 $0xFFFFD000  }
0xe6: {  	[tilespmem:s23], [sflag:$0x3] =	stream.linear.gather [spmem:s12], $0x3000, $0x38;
	[tilespmem:$0x1EE00] =	vst v63  }
0xe7: {  	_ =	swait.ge [sflag:s24], $0x3000  }
0xe8: {  	[sflag:s24] =	ssyncset.done $0x0  }
0xe9: {  	[sflag:s24] =	ssyncadd.s32 $0xFFFFD000  }
0xea: {  	[hbm4b:s19+s3] =	stream.linear.scatter [tilespmem:s23], [sflag:$0x3], $0x3000, $0x38;
	[tilespmem:$0x1EE00] =	vst v63  }
0xeb: {  	_ =	swait.ge [sflag:s24], $0x3000  }
0xec: {  	[sflag:s24] =	ssyncset.done $0x0  }
0xed: {  	[sflag:s24] =	ssyncadd.s32 $0xFFFFD000  }
0xee: {  	[tilespmem:s23], [sflag:$0x3] =	stream.linear.gather [spmem:s13], $0x3000, $0x38;
	[tilespmem:$0x1EE00] =	vst v63  }
0xef: {  	_ =	swait.ge [sflag:s24], $0x3000  }
0xf0: {  	[sflag:s24] =	ssyncset.done $0x0  }
0xf1: {  	[sflag:s24] =	ssyncadd.s32 $0xFFFFD000  }
0xf2: {  	[hbm4b:s20+s3] =	stream.linear.scatter [tilespmem:s23], [sflag:$0x3], $0x3000, $0x38;
	[tilespmem:$0x1EE00] =	vst v63  }
0xf3: {  	_ =	swait.ge [sflag:s24], $0x3000  }
0xf4: {  	[sflag:s24] =	ssyncset.done $0x0  }
0xf5: {  	[sflag:s24] =	ssyncadd.s32 $0xFFFFD000  }
0xf6: {  	[tilespmem:s23], [sflag:$0x3] =	stream.linear.gather [spmem:s14], $0x2000, $0x38;
	[tilespmem:$0x1EE00] =	vst v63  }
0xf7: {  	s5 =	sadd.s32 $0x1, s5;
	_ =	swait.ge [sflag:s24], $0x2000  }
0xf8: {  	p1 =	sne.s32 s5, s22;
	[sflag:s24] =	ssyncset.done $0x0  }
.Ltmp2:
0xf9: {  	[sflag:s24] =	ssyncadd.s32 $0xFFFFE000;
	(pc) =	sbr.rel @p1 .LBB2_1-.Ltmp2, $4  }
0xfa: {  	[hbm4b:s21+s3] =	stream.linear.scatter [tilespmem:s23], [sflag:$0x3], $0x2000, $0x38;
	[tilespmem:$0x1EE00] =	vst v63  }
0xfb: {  	_ =	swait.ge [sflag:s24], $0x2000  }
0xfc: {  	[sflag:s24] =	ssyncset.done $0x0  }
0xfd: {  	[sflag:s24] =	ssyncadd.s32 $0xFFFFE000  }
0xfe: {  	_ =	sfence.sel $0x180000  }
0xff: {  	[bflag:$0x0] =	sbarrier.arrive $0xFFFF  }
0x100: {  	_ =	strace $0x9000004D  }
0x101: {  	s0 =	stileid.u32;
	[bflag:$0x2] =	sbarrier.arrive $0xFFFF  }
0x102: {  	p0 =	sne.s32 s0, $0x0;
	s0 =	rddreg [dreg:$0x3]  }
0x103: {  	s0 =	sadd.s32 @!p0 $0x100000, s0  }
0x104: {  	[sflag:s0] =	ssyncadd.tile.s32 @!p0 $0x1;
	_ =	shalt  }
.Lfunc_end2:
_tile_overlayer_lowered:
.L_overlay_start_2:
0x105: {  	(tag) =	ssettag $0x2  }
0x106: {  	s0 =	rddreg [dreg:$0x0];
	s2 =	stileid.u32  }
0x107: {  	s1 =	rddreg [dreg:$0x1];
	p0 =	sne.s32 s2, $0x0  }
0x108: {  	s3 =	rddreg [dreg:$0x2];
	[bflag:$0x3] =	sbarrier.arrive $0xFFFF;
	s2 =	simm.s32 @!p0 $0x1C03  }
0x109: {  	[timem:s3], [sflag:s2] =	dma.local @!p0 [hbm:s0], s1  }
0x10a: {  	s0 =	simm.s32 @!p0 $0x3  }
0x10b: {  	_ =	swait.ge @!p0 [sflag:s0], s1  }
0x10c: {  	s1 =	ssub.s32 @!p0 $0x0, s1;
	[sflag:s0] =	ssyncset.done @!p0 $0x0  }
0x10d: {  	[sflag:s0] =	ssyncadd.s32 @!p0 s1  }
0x10e: {  	[bflag:$0x3] =	sbarrier.arrive $0xFFFF  }
0x10f: {  	_ =	shalt  }

// kernel: kernel.8.cloned.1.call-start
scs
__scs_entry_jumppad:
0x0: {  	(pc) =	sbr.rel $0x88, $3  }
0x1: {  	(tag) =	ssettag $0x0;
	lr =	simm.s32 $0x1  }
0x2: {  	[smem:$0x3F99] =	sst lr;
	_ =	strace $0xD0000000  }
0x3: {  	_ = 	snop  }
0x4: {  	_ = 	snop  }
0x5: {  	_ = 	snop  }
0x6: {  	_ = 	snop  }
0x7: {  	_ = 	snop  }
__scs_overlays_trampoline_lowered:
0x8: {  	[smem:$0x3FA8] =	sst s0  }
0x9: {  	[smem:$0x3FA9] =	sst s1  }
0xa: {  	[smem:$0x3FAA] =	sst s2  }
0xb: {  	[smem:$0x3FAB] =	sst s3  }
0xc: {  	[smem:$0x3FAC] =	sst s4  }
0xd: {  	[smem:$0x3FAD] =	sst s5  }
0xe: {  	[smem:$0x3FAE] =	sst s6  }
0xf: {  	[smem:$0x3FAF] =	sst s7  }
0x10: {  	[smem:$0x3FB0] =	sst s8  }
0x11: {  	[smem:$0x3FB1] =	sst s9;
	s0 =	simm.s32 @!p0 $0x0  }
0x12: {  	s1 =	sld [smem:$0x3F97];
	s0 =	simm.s32 @p0 $0x1  }
0x13: {  	[smem:$0x3FB2] =	sst s0;
	s0 =	simm.s32 @!p1 $0x0  }
0x14: {  	s2 =	sld [smem:$0x3F96];
	s0 =	simm.s32 @p1 $0x1  }
0x15: {  	[smem:$0x3FB3] =	sst s0;
	s0 =	simm.s32 @!p2 $0x0  }
0x16: {  	s3 =	sld [smem:$0x3FDB];
	s0 =	simm.s32 @p2 $0x1  }
0x17: {  	s4 =	simm.s32 $0x1BF5;
	[smem:$0x3FB5] =	sst s0  }
0x18: {  	s0 =	sld [smem:$0x3F98];
	_ =	swait.ge [sflag:s4], $0x0  }
0x19: {  	s7 =	sld [smem:$0x3F99]  }
0x1a: {  	s8 =	sadd.s32 $0xFFFFE003, lr  }
0x1b: {  	s9 =	sadd.s32 $0xFFFFFEF7, lr;
	s5 =	simm.s32 $0xFFFFFFFF;
	p2 =	slt.u32 s8, $0xFFFFF086  }
0x1c: {  	p1 =	slt.u32 s9, $0xF7A;
	s5 =	simm.s32 @!p2 $0x0  }
0x1d: {  	s5 =	simm.s32 @p1 $0x1;
	p0 =	seq.s32 s7, s2  }
0x1e: {  	s7 =	smul.u32 @!p0 $0xF7A, s2;
	p2 =	seq.s32 @!p0 s5, $0x0  }
0x1f: {  	s9 =	smul.u32 $0xF7A, s1;
	s8 =	simm.s32 @!p0 $0x1BF5;
	p2 =	por !p2, p0  }
0x20: {  	[sflag:s8] =	ssyncset.s32 @!p0 $0xFFFFF086;
	s6 =	sadd.s32 @!p0 s3, s7;
	s7 =	simm.s32 @!p0 $0x108  }
0x21: {  	s3 =	sadd.s32 s3, s9;
	s6 =	sadd.s32 @!p0 $0x88, s6;
	s7 =	simm.s32 @p2 $0x1082  }
0x22: {  	[simem:s7], [sflag:s8] =	dma.local @!p0 [hbm:s6], $0xF7A  }
0x23: {  	s9 =	sor.u32 $0xD0000000, s2;
	s6 =	simm.s32 $0x108;
	_ =	swait.ge @!p0 [sflag:s8], $0x0  }
0x24: {  	s3 =	sadd.s32 $0x88, s3;
	s6 =	simm.s32 @!p1 $0x1082;
	[sflag:s4] =	ssyncset.s32 $0xFFFFF086  }
0x25: {  	[simem:s6], [sflag:s4] =	dma.local [hbm:s3], $0xF7A  }
0x26: {  	[smem:$0x3F99] =	sst s1;
	(tag) =	ssettag s2;
	_ =	strace s9  }
0x27: {  	s1 =	sld [smem:$0x3FA9]  }
0x28: {  	s2 =	sld [smem:$0x3FAA]  }
0x29: {  	s4 =	sld [smem:$0x3FAC]  }
0x2a: {  	p0 =	seq.s32 s5, $0x0;
	s5 =	sld [smem:$0x3FAD]  }
0x2b: {  	s6 =	sld [smem:$0x3FAE]  }
0x2c: {  	s7 =	sld [smem:$0x3FAF]  }
0x2d: {  	s3 =	simm.s32 $0x108;
	s8 =	sld [smem:$0x3FB0]  }
0x2e: {  	s3 =	simm.s32 @!p0 $0x1082;
	s9 =	sld [smem:$0x3FB1]  }
0x2f: {  	lr =	sadd.s32 s0, s3;
	s0 =	sld [smem:$0x3FA8]  }
0x30: {  	s3 =	sld [smem:$0x3FAB]  }
0x31: {  	[smem:$0x3FB4] =	sst s10  }
0x32: {  	s10 =	sld [smem:$0x3FB2];
	_ =	sdelay $0x3  }
0x33: {  	p0 =	seq.s32 s10, $0x1;
	s10 =	sld [smem:$0x3FB4];
	_ =	sdelay $0x3  }
0x34: {  	[smem:$0x3FB4] =	sst s10  }
0x35: {  	s10 =	sld [smem:$0x3FB3];
	_ =	sdelay $0x3  }
0x36: {  	p1 =	seq.s32 s10, $0x1;
	s10 =	sld [smem:$0x3FB4];
	_ =	sdelay $0x3  }
0x37: {  	[smem:$0x3FB4] =	sst s10  }
0x38: {  	s10 =	sld [smem:$0x3FB5]  }
0x39: {  	_ = 	snop;
	(pc) =	sbr.ind lr, $3  }
0x3a: {  	_ = 	snop  }
0x3b: {  	_ = 	snop  }
0x3c: {  	p2 =	seq.s32 s10, $0x1;
	s10 =	sld [smem:$0x3FB4]  }
0x3d: {  	_ =	shalt  }
0x3e: {  	_ =	shalt  }
0x3f: {  	_ =	shalt  }
0x40: {  	_ =	shalt  }
0x41: {  	_ =	shalt  }
0x42: {  	_ =	shalt  }
0x43: {  	_ =	shalt  }
0x44: {  	_ =	shalt  }
0x45: {  	_ =	shalt  }
0x46: {  	_ =	shalt  }
0x47: {  	_ =	shalt  }
0x48: {  	_ =	shalt  }
0x49: {  	_ =	shalt  }
0x4a: {  	_ =	shalt  }
0x4b: {  	_ =	shalt  }
0x4c: {  	_ =	shalt  }
0x4d: {  	_ =	shalt  }
0x4e: {  	_ =	shalt  }
0x4f: {  	_ =	shalt  }
0x50: {  	_ =	shalt  }
0x51: {  	_ =	shalt  }
0x52: {  	_ =	shalt  }
0x53: {  	_ =	shalt  }
0x54: {  	_ =	shalt  }
0x55: {  	_ =	shalt  }
0x56: {  	_ =	shalt  }
0x57: {  	_ =	shalt  }
0x58: {  	_ =	shalt  }
0x59: {  	_ =	shalt  }
0x5a: {  	_ =	shalt  }
0x5b: {  	_ =	shalt  }
0x5c: {  	_ =	shalt  }
0x5d: {  	_ =	shalt  }
0x5e: {  	_ =	shalt  }
0x5f: {  	_ =	shalt  }
0x60: {  	_ =	shalt  }
0x61: {  	_ =	shalt  }
0x62: {  	_ =	shalt  }
0x63: {  	_ =	shalt  }
0x64: {  	_ =	shalt  }
0x65: {  	_ =	shalt  }
0x66: {  	_ =	shalt  }
0x67: {  	_ =	shalt  }
0x68: {  	_ =	shalt  }
0x69: {  	_ =	shalt  }
0x6a: {  	_ =	shalt  }
0x6b: {  	_ =	shalt  }
0x6c: {  	_ =	shalt  }
0x6d: {  	_ =	shalt  }
0x6e: {  	_ =	shalt  }
0x6f: {  	_ =	shalt  }
0x70: {  	_ =	shalt  }
0x71: {  	_ =	shalt  }
0x72: {  	_ =	shalt  }
0x73: {  	_ =	shalt  }
0x74: {  	_ =	shalt  }
0x75: {  	_ =	shalt  }
0x76: {  	_ =	shalt  }
0x77: {  	_ =	shalt  }
0x78: {  	_ =	shalt  }
0x79: {  	_ =	shalt  }
0x7a: {  	_ =	shalt  }
0x7b: {  	_ =	shalt  }
0x7c: {  	_ =	shalt  }
0x7d: {  	_ =	shalt  }
0x7e: {  	_ =	shalt  }
0x7f: {  	_ =	shalt  }
0x80: {  	_ =	shalt  }
0x81: {  	_ =	shalt  }
0x82: {  	_ =	shalt  }
0x83: {  	_ =	shalt  }
0x84: {  	_ =	shalt  }
0x85: {  	_ =	shalt  }
0x86: {  	_ =	shalt  }
0x87: {  	_ =	shalt  }
.Lfunc_end0:
.L_simem_size_0:
called_computation_lowered:
.L_overlay_start_0:
0x88: {  	s2 =	sld [smem:$0x3FD9]  }
0x89: {  	s3 =	sld [smem:$0x3FFE];
	_ =	sdelay $0x1  }
0x8a: {  	s1 =	srdreg.scid  }
0x8b: {  	s0 =	sand.u32 $0x1, s1  }
0x8c: {  	s14 =	sshll.u32 s0, $0xA;
	s2 =	sadd.s32 s3, s2  }
0x8d: {  	s2 =	sadd.s32 s2, s14  }
0x8e: {  	[smem:$0x3FC0] =	sst s2  }
0x8f: {  	_ = 	snop  }
0x90: {  	s2 =	sld [smem:$0x3FD0];
	_ =	sdelay $0x2  }
0x91: {  	s15 =	simm.s32 $0xA;
	s4 =	simm.s32 $0x10  }
0x92: {  	[smem:s4], [sflag:s15] =	dma.local [hbm:s2], $0x1  }
0x93: {  	_ =	swait.eq [sflag:s15], $0x1  }
0x94: {  	[sflag:s15] =	ssyncset.done $0x0  }
0x95: {  	[sflag:s15] =	ssyncadd.s32 $0xFFFFFFFF  }
0x96: {  	s16 =	sld [smem:$0x11];
	(tm) =	ssettm $0x1  }
0x97: {  	s17 =	sld [smem:$0x3FFB];
	_ =	sdelay $0x3  }
0x98: {  	_ =	strace s17  }
0x99: {  	s3 =	sld [smem:$0x3FFC];
	_ =	sdelay $0x3  }
0x9a: {  	_ =	strace s3  }
0x9b: {  	s3 =	sld [smem:$0x3FFD];
	_ =	sdelay $0x3  }
0x9c: {  	_ =	strace s3  }
0x9d: {  	_ =	strace $0x8FFFFFFF  }
0x9e: {  	s18 =	sld [smem:$0x3FDB];
	_ =	sdelay $0x1  }
0x9f: {  	s19 =	simm.s32 $_scs_section_size  }
0xa0: {  	s5 =	simm.s32 $_size__tile_overlayer_lowered;
	s6 =	simm.s32 $_tile_overlayer_lowered  }
0xa1: {  	s22 =	simm.s32 $0x1BFF;
	s21 =	sshll.u32 s6, $0x1;
	s3 =	sadd.s32 s19, s18  }
0xa2: {  	s7 =	simm.s32 $0x0;
	s20 =	sshll.u32 s5, $0x1;
	s5 =	sadd.s32 s21, s3  }
0xa3: {  	[timem:s7], [sflag:s22] =	dma.local [hbm:s5], s20  }
0xa4: {  	_ =	swait.ge [sflag:s22], s20  }
0xa5: {  	s4 =	ssub.s32 $0x0, s20;
	[sflag:s22] =	ssyncset.done $0x0  }
0xa6: {  	[sflag:s22] =	ssyncadd.s32 s4;
	_ =	sdelay $0x1  }
0xa7: {  	s23 =	simm.s32 $0x1B8B  }
0xa8: {  	_ =	swait.ge [sflag:s23], $0x1  }
0xa9: {  	[sflag:s23] =	ssyncset.done $0x0  }
0xaa: {  	s25 =	simm.s32 $0x1B8E;
	s24 =	sld [smem:$0x3FFE];
	[sflag:s23] =	ssyncadd.s32 $0xFFFFFFFF  }
0xab: {  	s26 =	simm.s32 $execute0_lowered;
	[smem:$0x3FD2] =	sst s25  }
0xac: {  	s5 =	sshll.u32 s26, $0x1;
	_ =	strace $0x80000046;
	[dreg:$0x1] =	wrdreg $0xFFFFFFFF  }
0xad: {  	s28 =	simm.s32 $_size_execute0_lowered;
	s3 =	sadd.s32 s3, s5;
	[dreg:$0x0] =	wrdreg $0x0  }
0xae: {  	s5 =	sshll.u32 s28, $0x1;
	[dreg:$0x2] =	wrdreg s3  }
0xaf: {  	[dreg:$0x3] =	wrdreg s5  }
0xb0: {  	[dreg:$0x4] =	wrdreg $0xC0  }
0xb1: {  	_ =	task [dreg:s7], $0x5FFFF  }
0xb2: {  	[dreg:$0x1] =	wrdreg $0xFFFFFFFF  }
0xb3: {  	[dreg:$0x0] =	wrdreg $0x60  }
0xb4: {  	[dreg:$0x2] =	wrdreg s16  }
0xb5: {  	[dreg:$0x3] =	wrdreg s24  }
0xb6: {  	[dreg:$0x4] =	wrdreg $0x6C000  }
0xb7: {  	[dreg:$0x5] =	wrdreg $0x9  }
0xb8: {  	_ =	task.clear_ibuf [dreg:s7], $0x6FFFF;
	_ =	strace $0x90000046  }
0xb9: {  	s29 =	simm.s32 $0x9;
	_ =	strace $0x80000048  }
0xba: {  	_ =	swait.ge [sflag:s29], $0x1  }
0xbb: {  	[sflag:s29] =	ssyncadd.s32 $0xFFFFFFFF  }
0xbc: {  	_ =	strace $0x90000048  }
0xbd: {  	_ =	sfence  }
0xbe: {  	s30 =	sld [smem:$0x0];
	_ =	sdelay $0x2  }
0xbf: {  	s31 =	sshll.u32 s1, $0xD;
	s1 =	sshrl.u32 s1, $0x2  }
0xc0: {  	s3 =	sand.u32 $0x4000, s31;
	s1 =	sadd.s32 s1, s30  }
0xc1: {  	s0 =	sor.u32 s3, s0;
	s1 =	sshll.u32 s1, $0x11  }
0xc2: {  	s0 =	sor.u32 s1, s0  }
0xc3: {  	s0 =	sadd.s32 $0x8F2B, s0  }
0xc4: {  	[sflag:s0] =	ssyncadd.remote.s32 $0x1  }
0xc5: {  	_ =	sfence.sel $0xFFFF  }
0xc6: {  	[dreg:$0x0] =	wrdreg $0xFFFFFFFF;
	(pc) =	sbr.abs _section_cstart, $3  }
0xc7: {  	[dreg:$0x1] =	wrdreg $0xFFFFFFFF  }
0xc8: {  	_ =	task.clear_ibuf [dreg:s7], $0x2FFFF;
	_ =	strace $0x9FFFFFFF  }
0xc9: {  	(tm) =	ssettm $0x7FFFFFFF  }
tec
execute0_lowered:
.L_overlay_start_1:
0x0: {  	(tag) =	ssettag $0x1  }
0x1: {  	s6 =	rddreg [dreg:$0x0]  }
0x2: {  	s5 =	rddreg [dreg:$0x1]  }
0x3: {  	s2 =	rddreg [dreg:$0x2]  }
0x4: {  	s0 =	rddreg [dreg:$0x3]  }
0x5: {  	s4 =	srdreg.scid;
	s1 =	stileid.u32;
	s3 =	simm.s32 $0x0  }
0x6: {  	s17 =	simm.s32 $0x1;
	s18 =	simm.s32 $0x2C00;
	s19 =	simm.s32 $0x80  }
0x7: {  	s20 =	simm.s32 $0x0;
	s7 =	sand.u32 $0x1, s4;
	s8 =	smul.u32 $0x280, s1  }
0x8: {  	[smem:$0x7FF] =	sst s3;
	s30 =	sshll.u32 s1, $0x1;
	s10 =	smul.u32 $0x50000, s1  }
0x9: {  	s9 =	smul.u32 $0x2800, s7;
	s11 =	ssub.s32 $0x2, s7;
	s7 =	sor.u32 s7, s30  }
0xa: {  	s4 =	sadd.s32 $0x2C00, s5;
	_ =	strace $0x80000047;
	s7 =	smul.u32 $0x580, s7  }
0xb: {  	s31 =	sshrl.u32 s11, $0x1;
	s10 =	sshrl.u32 s10, $0x2;
	s8 =	sadd.s32 s8, s9  }
0xc: {  	s16 =	ssub.s32 s11, s31;
	s8 =	sshll.u32 s8, $0x4;
	s6 =	sadd.s32 s6, s7  }
0xd: {  	s16 =	smax.u32 s16, $0x1;
	s15 =	sadd.s32 s8, s5;
	s5 =	sadd.s32 s10, s2  }
0xe: {  	s7 =	sadd.s32 $0x4000, s5;
	s8 =	sadd.s32 $0x8000, s5;
	s9 =	sadd.s32 $0xC000, s5  }
0xf: {  	s10 =	sadd.s32 $0x10000, s5;
	s11 =	sadd.s32 $0x2AC00, s15;
	s12 =	sadd.s32 $0x2B400, s15  }
0x10: {  	v0 =	vimm.f32 $1.000000000e+00;
	s13 =	sadd.s32 $0x2BC00, s15;
	s14 =	sadd.s32 $0x2C400, s15;
	s15 =	sadd.s32 $0x2CC00, s15  }
.LBB2_1:
0x11: {  	[tilespmem:s3], [sflag:$0x1] =	stream.linear.gather [hbm4b:s6+s3], $0x2880, $0x38;
	[tilespmem:$0x1AC00] =	vst v63  }
0x12: {  	_ =	swait.ge [sflag:s17], $0x2880  }
0x13: {  	[sflag:s17] =	ssyncset.done $0x0  }
0x14: {  	[sflag:s17] =	ssyncadd.s32 $0xFFFFD780  }
0x15: {  	[tilespmem:s18], [sflag:$0x1] =	stream.linear.gather [hbm4b:s4+s3], $0x4000, $0x38;
	[tilespmem:$0x1AC00] =	vst v63  }
0x16: {  	_ =	swait.ge [sflag:s17], $0x4000  }
0x17: {  	[sflag:s17] =	ssyncset.done $0x0  }
0x18: {  	[sflag:s17] =	ssyncadd.s32 $0xFFFFC000  }
0x19: {  	[spmem:s5] =	stream.linear.scatter [tilespmem:s18], [sflag:$0x1], $0x4000, $0x38;
	[tilespmem:$0x1AC00] =	vst v63  }
0x1a: {  	_ =	swait.ge [sflag:s17], $0x4000  }
0x1b: {  	[sflag:s17] =	ssyncset.done $0x0  }
0x1c: {  	[sflag:s17] =	ssyncadd.s32 $0xFFFFC000  }
0x1d: {  	[spmem:s7] =	stream.linear.scatter [tilespmem:s18], [sflag:$0x1], $0x4000, $0x38;
	[tilespmem:$0x1AC00] =	vst v63  }
0x1e: {  	_ =	swait.ge [sflag:s17], $0x4000  }
0x1f: {  	[sflag:s17] =	ssyncset.done $0x0  }
0x20: {  	[sflag:s17] =	ssyncadd.s32 $0xFFFFC000  }
0x21: {  	[spmem:s8] =	stream.linear.scatter [tilespmem:s18], [sflag:$0x1], $0x4000, $0x38;
	[tilespmem:$0x1AC00] =	vst v63  }
0x22: {  	_ =	swait.ge [sflag:s17], $0x4000  }
0x23: {  	[sflag:s17] =	ssyncset.done $0x0  }
0x24: {  	[sflag:s17] =	ssyncadd.s32 $0xFFFFC000  }
0x25: {  	[spmem:s9] =	stream.linear.scatter [tilespmem:s18], [sflag:$0x1], $0x4000, $0x38;
	[tilespmem:$0x1AC00] =	vst v63  }
0x26: {  	_ =	swait.ge [sflag:s17], $0x4000  }
0x27: {  	[sflag:s17] =	ssyncset.done $0x0  }
0x28: {  	[sflag:s17] =	ssyncadd.s32 $0xFFFFC000  }
0x29: {  	[spmem:s10] =	stream.linear.scatter [tilespmem:s18], [sflag:$0x1], $0x4000, $0x38;
	[tilespmem:$0x1AC00] =	vst v63  }
0x2a: {  	_ =	swait.ge [sflag:s17], $0x4000  }
0x2b: {  	[sflag:s17] =	ssyncset.done $0x0  }
0x2c: {  	s21 =	simm.s32 $0x0;
	s22 =	simm.s32 $0x200;
	[sflag:s17] =	ssyncadd.s32 $0xFFFFC000  }
.LBB2_2:
0x2d: {  	p0 =	sne.s32 s22, $0xFE00;
	[tilespmem:s21+$0x2C70] =	vst v0  }
0x2e: {  	[tilespmem:s21+$0x2C00] =	vst v0  }
0x2f: {  	[tilespmem:s21+$0x2C10] =	vst v0  }
.Ltmp0:
0x30: {  	[tilespmem:s21+$0x2C20] =	vst v0;
	(pc) =	sbr.rel @p0 .LBB2_2-.Ltmp0, $4  }
0x31: {  	[tilespmem:s21+$0x2C30] =	vst v0  }
0x32: {  	[tilespmem:s21+$0x2C40] =	vst v0  }
0x33: {  	[tilespmem:s21+$0x2C50] =	vst v0  }
0x34: {  	[tilespmem:s21+$0x2C60] =	vst v0;
	s21 =	sshra.s32 s22, $0x2;
	s22 =	sadd.s32 $0x200, s22  }
0x35: {  	[tilespmem:s21+$0x2C70] =	vst v0  }
0x36: {  	[tilespmem:s21+$0x2C00] =	vst v0  }
0x37: {  	[tilespmem:s21+$0x2C10] =	vst v0  }
0x38: {  	[tilespmem:s21+$0x2C20] =	vst v0  }
0x39: {  	[tilespmem:s21+$0x2C30] =	vst v0  }
0x3a: {  	[tilespmem:s21+$0x2C40] =	vst v0  }
0x3b: {  	[tilespmem:s21+$0x2C50] =	vst v0  }
0x3c: {  	[tilespmem:s21+$0x2C60] =	vst v0  }
0x3d: {  	s31 =	simm.s32 $0x0;
	[bflag:$0x0] =	sbarrier.arrive $0xFFFF  }
0x3e: {  	[spmem:s2] =	stream.indirect.scatter.add.f32 [tilespmem:s18], [sflag:$0x1], $0x80, s31, s19, $0xb8;
	[tilespmem:$0x1AC00] =	vst v63  }
0x3f: {  	_ =	swait.ge [sflag:s17], $0x4000  }
0x40: {  	s21 =	simm.s32 $0x200;
	[sflag:s17] =	ssyncset.done $0x0  }
.LBB2_4:
0x41: {  	s22 =	sshra.s32 s21, $0x2;
	[sflag:s17] =	ssyncadd.s32 $0xFFFFC000;
	p0 =	sne.s32 s21, $0xA000  }
0x42: {  	[spmem:s2] =	stream.indirect.scatter.add.f32 [tilespmem:s18], [sflag:$0x1], $0x80, s22, s19, $0xb8;
	[tilespmem:$0x1AC00] =	vst v63  }
.Ltmp1:
0x43: {  	_ = 	snop;
	(pc) =	sbr.rel @p0 .LBB2_4-.Ltmp1, $4  }
0x44: {  	_ = 	snop  }
0x45: {  	s21 =	sadd.s32 $0x200, s21  }
0x46: {  	_ =	swait.ge [sflag:s17], $0x4000  }
0x47: {  	[sflag:s17] =	ssyncset.done $0x0  }
0x48: {  	[sflag:s17] =	ssyncadd.s32 $0xFFFFC000  }
0x49: {  	[bflag:$0x0] =	sbarrier.arrive $0xFFFF  }
0x4a: {  	[tilespmem:s18], [sflag:$0x1] =	stream.linear.gather [spmem:s5], $0x4000, $0x38;
	[tilespmem:$0x1AC00] =	vst v63  }
0x4b: {  	_ =	swait.ge [sflag:s17], $0x4000  }
0x4c: {  	[sflag:s17] =	ssyncset.done $0x0  }
0x4d: {  	[sflag:s17] =	ssyncadd.s32 $0xFFFFC000  }
0x4e: {  	[hbm4b:s11+s3] =	stream.linear.scatter [tilespmem:s18], [sflag:$0x1], $0x4000, $0x38;
	[tilespmem:$0x1AC00] =	vst v63  }
0x4f: {  	_ =	swait.ge [sflag:s17], $0x4000  }
0x50: {  	[sflag:s17] =	ssyncset.done $0x0  }
0x51: {  	[sflag:s17] =	ssyncadd.s32 $0xFFFFC000  }
0x52: {  	[tilespmem:s18], [sflag:$0x1] =	stream.linear.gather [spmem:s7], $0x4000, $0x38;
	[tilespmem:$0x1AC00] =	vst v63  }
0x53: {  	_ =	swait.ge [sflag:s17], $0x4000  }
0x54: {  	[sflag:s17] =	ssyncset.done $0x0  }
0x55: {  	[sflag:s17] =	ssyncadd.s32 $0xFFFFC000  }
0x56: {  	[hbm4b:s12+s3] =	stream.linear.scatter [tilespmem:s18], [sflag:$0x1], $0x4000, $0x38;
	[tilespmem:$0x1AC00] =	vst v63  }
0x57: {  	_ =	swait.ge [sflag:s17], $0x4000  }
0x58: {  	[sflag:s17] =	ssyncset.done $0x0  }
0x59: {  	[sflag:s17] =	ssyncadd.s32 $0xFFFFC000  }
0x5a: {  	[tilespmem:s18], [sflag:$0x1] =	stream.linear.gather [spmem:s8], $0x4000, $0x38;
	[tilespmem:$0x1AC00] =	vst v63  }
0x5b: {  	_ =	swait.ge [sflag:s17], $0x4000  }
0x5c: {  	[sflag:s17] =	ssyncset.done $0x0  }
0x5d: {  	[sflag:s17] =	ssyncadd.s32 $0xFFFFC000  }
0x5e: {  	[hbm4b:s13+s3] =	stream.linear.scatter [tilespmem:s18], [sflag:$0x1], $0x4000, $0x38;
	[tilespmem:$0x1AC00] =	vst v63  }
0x5f: {  	_ =	swait.ge [sflag:s17], $0x4000  }
0x60: {  	[sflag:s17] =	ssyncset.done $0x0  }
0x61: {  	[sflag:s17] =	ssyncadd.s32 $0xFFFFC000  }
0x62: {  	[tilespmem:s18], [sflag:$0x1] =	stream.linear.gather [spmem:s9], $0x4000, $0x38;
	[tilespmem:$0x1AC00] =	vst v63  }
0x63: {  	_ =	swait.ge [sflag:s17], $0x4000  }
0x64: {  	[sflag:s17] =	ssyncset.done $0x0  }
0x65: {  	[sflag:s17] =	ssyncadd.s32 $0xFFFFC000  }
0x66: {  	[hbm4b:s14+s3] =	stream.linear.scatter [tilespmem:s18], [sflag:$0x1], $0x4000, $0x38;
	[tilespmem:$0x1AC00] =	vst v63  }
0x67: {  	_ =	swait.ge [sflag:s17], $0x4000  }
0x68: {  	[sflag:s17] =	ssyncset.done $0x0  }
0x69: {  	[sflag:s17] =	ssyncadd.s32 $0xFFFFC000  }
0x6a: {  	[tilespmem:s18], [sflag:$0x1] =	stream.linear.gather [spmem:s10], $0x4000, $0x38;
	[tilespmem:$0x1AC00] =	vst v63  }
0x6b: {  	s20 =	sadd.s32 $0x1, s20;
	_ =	swait.ge [sflag:s17], $0x4000  }
0x6c: {  	p0 =	sne.s32 s20, s16;
	[sflag:s17] =	ssyncset.done $0x0  }
.Ltmp2:
0x6d: {  	[sflag:s17] =	ssyncadd.s32 $0xFFFFC000;
	(pc) =	sbr.rel @p0 .LBB2_1-.Ltmp2, $4  }
0x6e: {  	[hbm4b:s15+s3] =	stream.linear.scatter [tilespmem:s18], [sflag:$0x1], $0x4000, $0x38;
	[tilespmem:$0x1AC00] =	vst v63  }
0x6f: {  	_ =	swait.ge [sflag:s17], $0x4000  }
0x70: {  	[sflag:s17] =	ssyncset.done $0x0  }
0x71: {  	[sflag:s17] =	ssyncadd.s32 $0xFFFFC000  }
0x72: {  	_ =	sfence.sel $0x180000  }
0x73: {  	[bflag:$0x0] =	sbarrier.arrive $0xFFFF  }
0x74: {  	p0 =	sne.s32 s1, $0x0;
	_ =	strace $0x90000047  }
0x75: {  	s0 =	sadd.s32 @!p0 $0x100000, s0;
	[bflag:$0x2] =	sbarrier.arrive $0xFFFF  }
0x76: {  	[sflag:s0] =	ssyncadd.tile.s32 @!p0 $0x1;
	_ =	shalt  }
.Lfunc_end2:
_tile_overlayer_lowered:
.L_overlay_start_2:
0x77: {  	(tag) =	ssettag $0x2  }
0x78: {  	s0 =	rddreg [dreg:$0x0];
	s2 =	stileid.u32  }
0x79: {  	s1 =	rddreg [dreg:$0x1];
	p0 =	sne.s32 s2, $0x0  }
0x7a: {  	s3 =	rddreg [dreg:$0x2];
	[bflag:$0x3] =	sbarrier.arrive $0xFFFF;
	s2 =	simm.s32 @!p0 $0x1C01  }
0x7b: {  	[timem:s3], [sflag:s2] =	dma.local @!p0 [hbm:s0], s1  }
0x7c: {  	s0 =	simm.s32 @!p0 $0x1  }
0x7d: {  	_ =	swait.ge @!p0 [sflag:s0], s1  }
0x7e: {  	s1 =	ssub.s32 @!p0 $0x0, s1;
	[sflag:s0] =	ssyncset.done @!p0 $0x0  }
0x7f: {  	[sflag:s0] =	ssyncadd.s32 @!p0 s1  }
0x80: {  	[bflag:$0x3] =	sbarrier.arrive $0xFFFF  }
0x81: {  	_ =	shalt  }

</sc_bundles>
